<compile_context>
chip_gen: v7x
topology: tpu7x:2x2x1
jax: 0.10.2.dev20260603
libtpu: 0.0.44.dev20260713+nightly
codegen_flags: <defaults>
</compile_context>

<pallas_src>
import functools
import jax
import jax.numpy as jnp
from jax.experimental import pallas as pl
from jax.experimental.pallas import tpu as pltpu
from jax.experimental.pallas import tpu_sc as plsc

N = 50000
BS = 4
NB = N // BS
E = 200000
D = 128
DE = 16
L = 2
K = 3
EK = E * K

TE = 2000
TN = 2000


def _silu(x):
    return x * jax.nn.sigmoid(x)


_NC = 2
_NW = 32
BP = 614400
BPW = BP // _NW


def _sc_gather(table, idx, width, ch):
    nchunk = BPW // ch
    mesh = plsc.VectorSubcoreMesh(core_axis_name="c", subcore_axis_name="s")

    @functools.partial(
        pl.kernel, mesh=mesh,
        out_type=jax.ShapeDtypeStruct((BP, width), jnp.float32),
        scratch_types=[
            pltpu.VMEM((ch,), jnp.int32),
            pltpu.VMEM((ch, width), jnp.float32),
            pltpu.SemaphoreType.DMA,
        ],
    )
    def gk(t_h, i_h, out_h, idx_v, rows_v, sem):
        wid = jax.lax.axis_index("s") * _NC + jax.lax.axis_index("c")
        base = wid * BPW

        def body(c, carry):
            off = pl.multiple_of(base + c * ch, ch)
            pltpu.sync_copy(i_h.at[pl.ds(off, ch)], idx_v)
            pltpu.async_copy(t_h.at[idx_v], rows_v, sem).wait()
            pltpu.sync_copy(rows_v, out_h.at[pl.ds(off, ch)])
            return carry

        jax.lax.fori_loop(0, nchunk, body, 0)

    return gk(table, idx)


def _pad_idx(i):
    return jnp.concatenate([i, jnp.zeros((BP - EK,), jnp.int32)])


TEB = 1000
NEB = E // TEB


def _edge_body(hra0, hra1, hra2, hcb0, hcb1, hcb2, ea, xd0, xd1, xd2,
               oh0, oh1, oh2, C, W2, Wx1, P, m4_out, dx4_out):
    b1 = P[0:1, :]
    b2 = P[1:2, :]
    bx = P[2:3, :]
    wr = P[3:4, :]
    wx2 = P[4:5, :]
    eaC = jnp.dot(ea[...], C[...], preferred_element_type=jnp.float32)
    lane8 = (jax.lax.broadcasted_iota(jnp.int32, (1, 16), 1) == 8).astype(jnp.float32)
    hras = (hra0, hra1, hra2)
    hcbs = (hcb0, hcb1, hcb2)
    xds = (xd0, xd1, xd2)
    ohs = (oh0, oh1, oh2)
    ms = []
    dxs = []
    for k in range(K):
        xdv = xds[k][...]
        radial = jnp.sum(xdv * xdv, axis=1, keepdims=True)
        z = hras[k][...] + hcbs[k][...] + eaC + radial * wr
        m1 = _silu(z + b1)
        m = _silu(jnp.dot(m1, W2[...], preferred_element_type=jnp.float32) + b2)
        tp = _silu(jnp.dot(m, Wx1[...], preferred_element_type=jnp.float32) + bx)
        t = jnp.sum(tp * wx2, axis=1, keepdims=True)
        ms.append(m)
        dxs.append(xdv * t + lane8)
    for j in range(BS):
        mj = ms[0] * ohs[0][:, j:j + 1]
        dj = dxs[0] * ohs[0][:, j:j + 1]
        for k in range(1, K):
            mj = mj + ms[k] * ohs[k][:, j:j + 1]
            dj = dj + dxs[k] * ohs[k][:, j:j + 1]
        m4_out[:, j * D:(j + 1) * D] = mj
        dx4_out[:, j * 16:(j + 1) * 16] = dj


def _edge_mlp(hra, hcb, edge_attr, xd, oh, C, W2, Wx1, P):
    grid = (NEB,)
    ew = lambda i: (i, 0)
    w0 = lambda i: (0, 0)
    ks = lambda k: (lambda i: (k * NEB + i, 0))
    in_specs = (
        [pl.BlockSpec((TEB, D), ks(k)) for k in range(K)]
        + [pl.BlockSpec((TEB, D), ks(k)) for k in range(K)]
        + [pl.BlockSpec((TEB, DE), ew)]
        + [pl.BlockSpec((TEB, 16), ks(k)) for k in range(K)]
        + [pl.BlockSpec((TEB, 8), ks(k)) for k in range(K)]
        + [
            pl.BlockSpec((DE, D), w0),
            pl.BlockSpec((D, D), w0),
            pl.BlockSpec((D, D), w0),
            pl.BlockSpec((8, D), w0),
        ]
    )
    return pl.pallas_call(
        _edge_body,
        grid=grid,
        in_specs=in_specs,
        out_specs=[
            pl.BlockSpec((TEB, BS * D), ew),
            pl.BlockSpec((TEB, BS * 16), ew),
        ],
        out_shape=[
            jax.ShapeDtypeStruct((E, BS * D), jnp.float32),
            jax.ShapeDtypeStruct((E, BS * 16), jnp.float32),
        ],
    )(hra, hra, hra, hcb, hcb, hcb, edge_attr, xd, xd, xd, oh, oh, oh,
      C, W2, Wx1, P)


def _node_body(h, agg, xp, xaggp, cntp, Wa, Wb, W2, P, h_out, x_out):
    b1 = P[0:1, :]
    b2 = P[1:2, :]
    hv = h[...]
    z = jnp.dot(hv, Wa[...], preferred_element_type=jnp.float32)
    z = z + jnp.dot(agg[...], Wb[...], preferred_element_type=jnp.float32)
    u = _silu(z + b1)
    h_out[...] = hv + jnp.dot(u, W2[...], preferred_element_type=jnp.float32) + b2
    not8 = (jax.lax.broadcasted_iota(jnp.int32, (1, 16), 1) != 8).astype(jnp.float32)
    x_out[...] = xp[...] + (xaggp[...] / cntp[...]) * not8


def _node_mlp(h, agg, xp, xaggp, cntp, Wa, Wb, W2, P):
    grid = (N // TN,)
    nw = lambda i: (i, 0)
    w0 = lambda i: (0, 0)
    return pl.pallas_call(
        _node_body,
        grid=grid,
        in_specs=[
            pl.BlockSpec((TN, D), nw),
            pl.BlockSpec((TN, D), nw),
            pl.BlockSpec((TN, 16), nw),
            pl.BlockSpec((TN, 16), nw),
            pl.BlockSpec((TN, 16), nw),
            pl.BlockSpec((D, D), w0),
            pl.BlockSpec((D, D), w0),
            pl.BlockSpec((D, D), w0),
            pl.BlockSpec((8, D), w0),
        ],
        out_specs=[
            pl.BlockSpec((TN, D), nw),
            pl.BlockSpec((TN, 16), nw),
        ],
        out_shape=[
            jax.ShapeDtypeStruct((N, D), jnp.float32),
            jax.ShapeDtypeStruct((N, 16), jnp.float32),
        ],
    )(h, agg, xp, xaggp, cntp, Wa, Wb, W2, P)


def _proj_body(h, W, P, out):
    out[...] = jnp.dot(h[...], W[...], preferred_element_type=jnp.float32) + P[0:1, :]


def _proj(h, W, P):
    R, Win = h.shape
    grid = (R // TN,)
    nw = lambda i: (i, 0)
    w0 = lambda i: (0, 0)
    return pl.pallas_call(
        _proj_body,
        grid=grid,
        in_specs=[
            pl.BlockSpec((TN, Win), nw),
            pl.BlockSpec((Win, D), w0),
            pl.BlockSpec((8, D), w0),
        ],
        out_specs=pl.BlockSpec((TN, D), nw),
        out_shape=jax.ShapeDtypeStruct((R, D), jnp.float32),
    )(h, W, P)


def _pad8(b):
    return jnp.concatenate([b.reshape(1, -1), jnp.zeros((7, b.shape[-1]), jnp.float32)], axis=0)


def kernel(H, Z, block_id, batch_id, edges, edge_attr, W_in, b_in, W_e1, b_e1, W_e2, b_e2,
           W_x1, b_x1, W_x2, W_h1, b_h1, W_h2, b_h2, W_out, b_out):
    offs = jnp.arange(BS, dtype=edges.dtype)
    src_atoms = edges[0][:, None] * BS + offs[None, :]
    dst_atoms = edges[1][:, None] * BS + offs[None, :]
    ps = Z[src_atoms]
    pd = Z[dst_atoms]
    d2 = jnp.sum((ps[:, :, None, :] - pd[:, None, :, :]) ** 2, axis=-1).reshape(E, BS * BS)
    _, idx = jax.lax.top_k(-d2, K)
    a = (idx // BS).T.reshape(-1)
    b = (idx % BS).T.reshape(-1)
    ebk = jnp.tile(edges, (1, K))
    row = ebk[0] * BS + a
    col = ebk[1] * BS + b
    oh = jax.nn.one_hot(a, 4, dtype=jnp.float32)
    oh = jnp.concatenate([oh, jnp.zeros((K * E, 4), jnp.float32)], axis=1)

    rowp = _pad_idx(row)
    colp = _pad_idx(col)

    h = _proj(H, W_in, _pad8(b_in))
    x16 = jnp.concatenate([Z, jnp.zeros((N, 13), jnp.float32)], axis=1)

    zero8 = jnp.zeros((8, D), jnp.float32)

    for l in range(L):
        A = W_e1[l, :D]
        B = W_e1[l, D:2 * D]
        wr = W_e1[l, 2 * D:2 * D + 1]
        C = W_e1[l, 2 * D + 1:]
        P_e = jnp.concatenate([
            b_e1[l].reshape(1, D), b_e2[l].reshape(1, D), b_x1[l].reshape(1, D),
            wr.reshape(1, D), W_x2[l].reshape(1, D), jnp.zeros((3, D), jnp.float32)
        ], axis=0)
        hA = _proj(h, A, zero8)
        hB = _proj(h, B, zero8)
        hra = _sc_gather(hA, rowp, D, 320)
        hcb = _sc_gather(hB, colp, D, 320)
        xd = x16[row] - x16[col]
        m4, dx4 = _edge_mlp(hra, hcb, edge_attr, xd, oh, C, W_e2[l], W_x1[l], P_e)
        agg = jax.ops.segment_sum(m4, edges[0], num_segments=NB).reshape(N, D)
        xagg = jax.ops.segment_sum(dx4, edges[0], num_segments=NB).reshape(N, 16)
        cnt16 = jnp.broadcast_to(jnp.maximum(xagg[:, 8:9], 1.0), (N, 16))
        P_h = jnp.concatenate([
            b_h1[l].reshape(1, D), b_h2[l].reshape(1, D), jnp.zeros((6, D), jnp.float32)
        ], axis=0)
        h, x16 = _node_mlp(h, agg, x16, xagg, cnt16, W_h1[l, :D], W_h1[l, D:], W_h2[l], P_h)

    h = _proj(h, W_out, _pad8(b_out))
    return (h, x16[:, :3])

# --- scband reference (transcript-rebuilt; emitter-appended) ---
"""Pipeline reference for scband-egnnencoder-77008763617320 (READ-ONLY COPY).

The authoritative reference and input builder live on the scoring server;
editing this copy changes nothing except your own understanding.
"""

import jax, jax.numpy as jnp
import numpy as np

N = 50000   # atoms
BS = 4      # atoms per block (fixed block size)
NB = N // BS
E = 200000  # block-level edges
D = 128     # hidden_size
DE = 16     # edge_size
L = 2       # n_layers
K = 3       # sparse_k


def _silu(x):
    return x * jax.nn.sigmoid(x)


def _lin(k, fi, fo, scale=1.0):
    return (jax.random.normal(k, (fi, fo), jnp.float32) * (scale / np.sqrt(fi))).astype(jnp.float32)


def setup_inputs(seed: int = 0):
    key = jax.random.key(seed)
    ks = jax.random.split(key, 16)
    H = jax.random.normal(ks[0], (N, D), jnp.float32)
    Z = jax.random.normal(ks[1], (N, 3), jnp.float32) * 3.0
    block_id = (jnp.arange(N) // BS).astype(jnp.int32)
    batch_id = jnp.zeros((N,), jnp.int32)
    edges = jax.random.randint(ks[2], (2, E), 0, NB, dtype=jnp.int32)
    edge_attr = jax.random.normal(ks[3], (E, DE), jnp.float32)
    ein = 2 * D + 1 + DE
    W_in = _lin(ks[4], D, D); b_in = jnp.zeros((D,), jnp.float32)
    W_out = _lin(ks[5], D, D); b_out = jnp.zeros((D,), jnp.float32)
    W_e1 = jnp.stack([_lin(jax.random.fold_in(ks[6], l), ein, D) for l in range(L)])
    b_e1 = jnp.zeros((L, D), jnp.float32)
    W_e2 = jnp.stack([_lin(jax.random.fold_in(ks[7], l), D, D) for l in range(L)])
    b_e2 = jnp.zeros((L, D), jnp.float32)
    W_x1 = jnp.stack([_lin(jax.random.fold_in(ks[8], l), D, D) for l in range(L)])
    b_x1 = jnp.zeros((L, D), jnp.float32)
    W_x2 = jnp.stack([_lin(jax.random.fold_in(ks[9], l), D, 1, scale=0.1) for l in range(L)])
    W_h1 = jnp.stack([_lin(jax.random.fold_in(ks[10], l), 2 * D, D) for l in range(L)])
    b_h1 = jnp.zeros((L, D), jnp.float32)
    W_h2 = jnp.stack([_lin(jax.random.fold_in(ks[11], l), D, D) for l in range(L)])
    b_h2 = jnp.zeros((L, D), jnp.float32)
    return {"H": H, "Z": Z, "block_id": block_id, "batch_id": batch_id, "edges": edges,
            "edge_attr": edge_attr, "W_in": W_in, "b_in": b_in, "W_e1": W_e1, "b_e1": b_e1,
            "W_e2": W_e2, "b_e2": b_e2, "W_x1": W_x1, "b_x1": b_x1, "W_x2": W_x2,
            "W_h1": W_h1, "b_h1": b_h1, "W_h2": W_h2, "b_h2": b_h2, "W_out": W_out, "b_out": b_out}


def reference(H, Z, block_id, batch_id, edges, edge_attr, W_in, b_in, W_e1, b_e1, W_e2, b_e2,
              W_x1, b_x1, W_x2, W_h1, b_h1, W_h2, b_h2, W_out, b_out):
    # _unit_edges_from_block_edges: expand each block edge to the sparse_k nearest atom pairs
    offs = jnp.arange(BS, dtype=edges.dtype)
    src_atoms = edges[0][:, None] * BS + offs[None, :]   # [E, BS]
    dst_atoms = edges[1][:, None] * BS + offs[None, :]   # [E, BS]
    ps = Z[src_atoms]                                    # [E, BS, 3]
    pd = Z[dst_atoms]                                    # [E, BS, 3]
    d2 = jnp.sum((ps[:, :, None, :] - pd[:, None, :, :]) ** 2, axis=-1).reshape(E, BS * BS)
    _, idx = jax.lax.top_k(-d2, K)                       # k smallest distances
    a = idx // BS
    b = idx % BS
    atom_row = (edges[0][:, None] * BS + a).reshape(-1)  # [E*K]
    atom_col = (edges[1][:, None] * BS + b).reshape(-1)  # [E*K]
    edge_id = jnp.repeat(jnp.arange(E, dtype=edges.dtype), K)
    ea = edge_attr[edge_id]                              # [E*K, DE]
    row, col = atom_row, atom_col

    # EGNN (Satorras et al.): embedding_in -> L equivariant layers -> embedding_out
    h = H @ W_in + b_in
    x = Z
    ones = jnp.ones((row.shape[0], 1), jnp.float32)
    cnt = jnp.maximum(jax.ops.segment_sum(ones, row, num_segments=N), 1.0)
    for l in range(L):
        diff = x[row] - x[col]
        radial = jnp.sum(diff ** 2, axis=-1, keepdims=True)
        m = _silu(jnp.concatenate([h[row], h[col], radial, ea], axis=-1) @ W_e1[l] + b_e1[l])
        m = _silu(m @ W_e2[l] + b_e2[l])
        t = _silu(m @ W_x1[l] + b_x1[l]) @ W_x2[l]       # [E*K, 1]
        x = x + jax.ops.segment_sum(diff * t, row, num_segments=N) / cnt
        agg = jax.ops.segment_sum(m, row, num_segments=N)
        h = h + (_silu(jnp.concatenate([h, agg], axis=-1) @ W_h1[l] + b_h1[l]) @ W_h2[l] + b_h2[l])
    h = h @ W_out + b_out
    return (h, x)

if __name__ == "__main__":
    import jax
    _d = setup_inputs()
    print(jax.jit(kernel)(*tuple(_d.values())))

</pallas_src>

<mosaic_0001>
#map = affine_map<(d0, d1) -> (0, 0)>
#map1 = affine_map<(d0, d1) -> (0)>
module attributes {stable_mosaic.version = 14 : i64} {
  func.func @gk(%arg0: i32, %arg1: i32, %arg2: memref<50000x128xf32, #tpu.memory_space<hbm>>, %arg3: memref<614400xi32, #tpu.memory_space<hbm>>, %arg4: memref<614400x128xf32, #tpu.memory_space<hbm>>, %arg5: memref<320xi32, #tpu.memory_space<vmem>>, %arg6: memref<320x128xf32, #tpu.memory_space<vmem>>, %arg7: memref<!tpu.dma_semaphore, #tpu.memory_space<semaphore_mem>>) attributes {dimension_semantics = [#tpu.dimension_semantics<core_parallel>, #tpu.dimension_semantics<subcore_parallel>], iteration_bounds = array<i64: 2, 16>, scalar_prefetch = 0 : i64, scratch_operands = 3 : i64, tpu.core_type = #tpu.core_type<sc_vector_subcore>, window_params = [{transform_indices = #map}, {transform_indices = #map1}, {transform_indices = #map}]} {
    %mul3A = arith.constant 2 : i32
    %mul3A_0 = arith.muli %arg1, %mul3A : i32
    %add3A = arith.addi %mul3A_0, %arg0 : i32
    %mul3A_1 = arith.constant 19200 : i32
    %mul3A_2 = arith.muli %add3A, %mul3A_1 : i32
    %scan3A = arith.constant 0 : i32
    %scan3A_3 = arith.constant 0 : i32
    %scan3A_4 = arith.constant 60 : i32
    %scan3A_5 = arith.addi %scan3A_3, %scan3A_4 : i32
    %scan3A_6 = arith.constant 1 : i32
    scf.for %scan3A_8 = %scan3A_3 to %scan3A_5 step %scan3A_6  : i32 {
      %mul3A_9 = arith.constant 320 : i32
      %mul3A_10 = arith.muli %scan3A_8, %mul3A_9 : i32
      %add3A_11 = arith.addi %mul3A_2, %mul3A_10 : i32
      %multiple_of3A = tpu.assume_multiple %add3A_11, 320 : i32
      "tpu.region"() ({
        %run_scoped3A = tpu.sem_alloc : memref<!tpu.dma_semaphore, #tpu.memory_space<semaphore_mem>>
        %dma_start3A_16 = tpu.memref_slice %arg3[%multiple_of3A] : memref<614400xi32, #tpu.memory_space<hbm>> -> memref<320xi32, #tpu.memory_space<hbm>>
        %dma_start3A_17 = tpu.memref_slice %arg3[%multiple_of3A] : memref<614400xi32, #tpu.memory_space<hbm>> -> memref<320xi32, #tpu.memory_space<hbm>>
        tpu.enqueue_dma source(%dma_start3A_17 : memref<320xi32, #tpu.memory_space<hbm>>) target(%arg5 : memref<320xi32, #tpu.memory_space<vmem>>) target_semaphore(%run_scoped3A : memref<!tpu.dma_semaphore, #tpu.memory_space<semaphore_mem>>)
        %dma_wait3A_18 = tpu.memref_slice %arg3[%multiple_of3A] : memref<614400xi32, #tpu.memory_space<hbm>> -> memref<320xi32, #tpu.memory_space<hbm>>
        %dma_wait3A_19 = tpu.memref_slice %arg3[%multiple_of3A] : memref<614400xi32, #tpu.memory_space<hbm>> -> memref<320xi32, #tpu.memory_space<hbm>>
        tpu.wait_dma2 semaphore(%run_scoped3A : memref<!tpu.dma_semaphore, #tpu.memory_space<semaphore_mem>>) src(%dma_wait3A_19 : memref<320xi32, #tpu.memory_space<hbm>>) dst(%arg5 : memref<320xi32, #tpu.memory_space<vmem>>)
        tpu.yield
      }) : () -> ()
      %dma_start3A = arith.constant 0 : i32
      %dma_start3A_12 = arith.constant 0 : i32
      %dma_start3A_13 = tpu.memref_slice %arg2[%dma_start3A, %dma_start3A_12] : memref<50000x128xf32, #tpu.memory_space<hbm>> -> memref<50000x128xf32, #tpu.memory_space<hbm>>
      tpu.enqueue_indirect_dma source(%dma_start3A_13 : memref<50000x128xf32, #tpu.memory_space<hbm>>) target(%arg6 : memref<320x128xf32, #tpu.memory_space<vmem>>) offsets(%arg5 : memref<320xi32, #tpu.memory_space<vmem>>) semaphore(%arg7 : memref<!tpu.dma_semaphore, #tpu.memory_space<semaphore_mem>>)
      %dma_wait3A = arith.constant 0 : i32
      %dma_wait3A_14 = arith.constant 0 : i32
      %dma_wait3A_15 = tpu.memref_slice %arg2[%dma_wait3A, %dma_wait3A_14] : memref<50000x128xf32, #tpu.memory_space<hbm>> -> memref<50000x128xf32, #tpu.memory_space<hbm>>
      tpu.wait_indirect_dma semaphore(%arg7 : memref<!tpu.dma_semaphore, #tpu.memory_space<semaphore_mem>>) src(%dma_wait3A_15 : memref<50000x128xf32, #tpu.memory_space<hbm>>) dst(%arg6 : memref<320x128xf32, #tpu.memory_space<vmem>>)
      "tpu.region"() ({
        %run_scoped3A = tpu.sem_alloc : memref<!tpu.dma_semaphore, #tpu.memory_space<semaphore_mem>>
        %dma_start3A_16 = arith.constant 0 : i32
        %dma_start3A_17 = tpu.memref_slice %arg4[%multiple_of3A, %dma_start3A_16] : memref<614400x128xf32, #tpu.memory_space<hbm>> -> memref<320x128xf32, #tpu.memory_space<hbm>>
        %dma_start3A_18 = arith.constant 0 : i32
        %dma_start3A_19 = tpu.memref_slice %arg4[%multiple_of3A, %dma_start3A_18] : memref<614400x128xf32, #tpu.memory_space<hbm>> -> memref<320x128xf32, #tpu.memory_space<hbm>>
        tpu.enqueue_dma source(%arg6 : memref<320x128xf32, #tpu.memory_space<vmem>>) target(%dma_start3A_19 : memref<320x128xf32, #tpu.memory_space<hbm>>) target_semaphore(%run_scoped3A : memref<!tpu.dma_semaphore, #tpu.memory_space<semaphore_mem>>)
        %dma_wait3A_20 = arith.constant 0 : i32
        %dma_wait3A_21 = tpu.memref_slice %arg4[%multiple_of3A, %dma_wait3A_20] : memref<614400x128xf32, #tpu.memory_space<hbm>> -> memref<320x128xf32, #tpu.memory_space<hbm>>
        %dma_wait3A_22 = arith.constant 0 : i32
        %dma_wait3A_23 = tpu.memref_slice %arg4[%multiple_of3A, %dma_wait3A_22] : memref<614400x128xf32, #tpu.memory_space<hbm>> -> memref<320x128xf32, #tpu.memory_space<hbm>>
        tpu.wait_dma2 semaphore(%run_scoped3A : memref<!tpu.dma_semaphore, #tpu.memory_space<semaphore_mem>>) src(%arg6 : memref<320x128xf32, #tpu.memory_space<vmem>>) dst(%dma_wait3A_23 : memref<320x128xf32, #tpu.memory_space<hbm>>)
        tpu.yield
      }) : () -> ()
    }
    %scan3A_7 = arith.constant 60 : i32
    return
  }
}

#map = affine_map<(d0, d1) -> (0, 0)>
#map1 = affine_map<(d0, d1) -> (0)>
module attributes {stable_mosaic.version = 14 : i64} {
  func.func @gk(%arg0: i32, %arg1: i32, %arg2: memref<50000x128xf32, #tpu.memory_space<hbm>>, %arg3: memref<614400xi32, #tpu.memory_space<hbm>>, %arg4: memref<614400x128xf32, #tpu.memory_space<hbm>>, %arg5: memref<320xi32, #tpu.memory_space<vmem>>, %arg6: memref<320x128xf32, #tpu.memory_space<vmem>>, %arg7: memref<!tpu.dma_semaphore, #tpu.memory_space<semaphore_mem>>) attributes {dimension_semantics = [#tpu.dimension_semantics<core_parallel>, #tpu.dimension_semantics<subcore_parallel>], iteration_bounds = array<i64: 2, 16>, scalar_prefetch = 0 : i64, scratch_operands = 3 : i64, tpu.core_type = #tpu.core_type<sc_vector_subcore>, window_params = [{transform_indices = #map}, {transform_indices = #map1}, {transform_indices = #map}]} {
    %mul3A = arith.constant 2 : i32
    %mul3A_0 = arith.muli %arg1, %mul3A : i32
    %add3A = arith.addi %mul3A_0, %arg0 : i32
    %mul3A_1 = arith.constant 19200 : i32
    %mul3A_2 = arith.muli %add3A, %mul3A_1 : i32
    %scan3A = arith.constant 0 : i32
    %scan3A_3 = arith.constant 0 : i32
    %scan3A_4 = arith.constant 60 : i32
    %scan3A_5 = arith.addi %scan3A_3, %scan3A_4 : i32
    %scan3A_6 = arith.constant 1 : i32
    scf.for %scan3A_8 = %scan3A_3 to %scan3A_5 step %scan3A_6  : i32 {
      %mul3A_9 = arith.constant 320 : i32
      %mul3A_10 = arith.muli %scan3A_8, %mul3A_9 : i32
      %add3A_11 = arith.addi %mul3A_2, %mul3A_10 : i32
      %multiple_of3A = tpu.assume_multiple %add3A_11, 320 : i32
      "tpu.region"() ({
        %run_scoped3A = tpu.sem_alloc : memref<!tpu.dma_semaphore, #tpu.memory_space<semaphore_mem>>
        %dma_start3A_16 = tpu.memref_slice %arg3[%multiple_of3A] : memref<614400xi32, #tpu.memory_space<hbm>> -> memref<320xi32, #tpu.memory_space<hbm>>
        %dma_start3A_17 = tpu.memref_slice %arg3[%multiple_of3A] : memref<614400xi32, #tpu.memory_space<hbm>> -> memref<320xi32, #tpu.memory_space<hbm>>
        tpu.enqueue_dma source(%dma_start3A_17 : memref<320xi32, #tpu.memory_space<hbm>>) target(%arg5 : memref<320xi32, #tpu.memory_space<vmem>>) target_semaphore(%run_scoped3A : memref<!tpu.dma_semaphore, #tpu.memory_space<semaphore_mem>>)
        %dma_wait3A_18 = tpu.memref_slice %arg3[%multiple_of3A] : memref<614400xi32, #tpu.memory_space<hbm>> -> memref<320xi32, #tpu.memory_space<hbm>>
        %dma_wait3A_19 = tpu.memref_slice %arg3[%multiple_of3A] : memref<614400xi32, #tpu.memory_space<hbm>> -> memref<320xi32, #tpu.memory_space<hbm>>
        tpu.wait_dma2 semaphore(%run_scoped3A : memref<!tpu.dma_semaphore, #tpu.memory_space<semaphore_mem>>) src(%dma_wait3A_19 : memref<320xi32, #tpu.memory_space<hbm>>) dst(%arg5 : memref<320xi32, #tpu.memory_space<vmem>>)
        tpu.yield
      }) : () -> ()
      %dma_start3A = arith.constant 0 : i32
      %dma_start3A_12 = arith.constant 0 : i32
      %dma_start3A_13 = tpu.memref_slice %arg2[%dma_start3A, %dma_start3A_12] : memref<50000x128xf32, #tpu.memory_space<hbm>> -> memref<50000x128xf32, #tpu.memory_space<hbm>>
      tpu.enqueue_indirect_dma source(%dma_start3A_13 : memref<50000x128xf32, #tpu.memory_space<hbm>>) target(%arg6 : memref<320x128xf32, #tpu.memory_space<vmem>>) offsets(%arg5 : memref<320xi32, #tpu.memory_space<vmem>>) semaphore(%arg7 : memref<!tpu.dma_semaphore, #tpu.memory_space<semaphore_mem>>)
      %dma_wait3A = arith.constant 0 : i32
      %dma_wait3A_14 = arith.constant 0 : i32
      %dma_wait3A_15 = tpu.memref_slice %arg2[%dma_wait3A, %dma_wait3A_14] : memref<50000x128xf32, #tpu.memory_space<hbm>> -> memref<50000x128xf32, #tpu.memory_space<hbm>>
      tpu.wait_indirect_dma semaphore(%arg7 : memref<!tpu.dma_semaphore, #tpu.memory_space<semaphore_mem>>) src(%dma_wait3A_15 : memref<50000x128xf32, #tpu.memory_space<hbm>>) dst(%arg6 : memref<320x128xf32, #tpu.memory_space<vmem>>)
      "tpu.region"() ({
        %run_scoped3A = tpu.sem_alloc : memref<!tpu.dma_semaphore, #tpu.memory_space<semaphore_mem>>
        %dma_start3A_16 = arith.constant 0 : i32
        %dma_start3A_17 = tpu.memref_slice %arg4[%multiple_of3A, %dma_start3A_16] : memref<614400x128xf32, #tpu.memory_space<hbm>> -> memref<320x128xf32, #tpu.memory_space<hbm>>
        %dma_start3A_18 = arith.constant 0 : i32
        %dma_start3A_19 = tpu.memref_slice %arg4[%multiple_of3A, %dma_start3A_18] : memref<614400x128xf32, #tpu.memory_space<hbm>> -> memref<320x128xf32, #tpu.memory_space<hbm>>
        tpu.enqueue_dma source(%arg6 : memref<320x128xf32, #tpu.memory_space<vmem>>) target(%dma_start3A_19 : memref<320x128xf32, #tpu.memory_space<hbm>>) target_semaphore(%run_scoped3A : memref<!tpu.dma_semaphore, #tpu.memory_space<semaphore_mem>>)
        %dma_wait3A_20 = arith.constant 0 : i32
        %dma_wait3A_21 = tpu.memref_slice %arg4[%multiple_of3A, %dma_wait3A_20] : memref<614400x128xf32, #tpu.memory_space<hbm>> -> memref<320x128xf32, #tpu.memory_space<hbm>>
        %dma_wait3A_22 = arith.constant 0 : i32
        %dma_wait3A_23 = tpu.memref_slice %arg4[%multiple_of3A, %dma_wait3A_22] : memref<614400x128xf32, #tpu.memory_space<hbm>> -> memref<320x128xf32, #tpu.memory_space<hbm>>
        tpu.wait_dma2 semaphore(%run_scoped3A : memref<!tpu.dma_semaphore, #tpu.memory_space<semaphore_mem>>) src(%arg6 : memref<320x128xf32, #tpu.memory_space<vmem>>) dst(%dma_wait3A_23 : memref<320x128xf32, #tpu.memory_space<hbm>>)
        tpu.yield
      }) : () -> ()
    }
    %scan3A_7 = arith.constant 60 : i32
    return
  }
}

#map = affine_map<(d0, d1) -> (0, 0)>
#map1 = affine_map<(d0, d1) -> (0)>
module attributes {stable_mosaic.version = 14 : i64} {
  func.func @gk(%arg0: i32, %arg1: i32, %arg2: memref<50000x128xf32, #tpu.memory_space<hbm>>, %arg3: memref<614400xi32, #tpu.memory_space<hbm>>, %arg4: memref<614400x128xf32, #tpu.memory_space<hbm>>, %arg5: memref<320xi32, #tpu.memory_space<vmem>>, %arg6: memref<320x128xf32, #tpu.memory_space<vmem>>, %arg7: memref<!tpu.dma_semaphore, #tpu.memory_space<semaphore_mem>>) attributes {dimension_semantics = [#tpu.dimension_semantics<core_parallel>, #tpu.dimension_semantics<subcore_parallel>], iteration_bounds = array<i64: 2, 16>, scalar_prefetch = 0 : i64, scratch_operands = 3 : i64, tpu.core_type = #tpu.core_type<sc_vector_subcore>, window_params = [{transform_indices = #map}, {transform_indices = #map1}, {transform_indices = #map}]} {
    %mul3A = arith.constant 2 : i32
    %mul3A_0 = arith.muli %arg1, %mul3A : i32
    %add3A = arith.addi %mul3A_0, %arg0 : i32
    %mul3A_1 = arith.constant 19200 : i32
    %mul3A_2 = arith.muli %add3A, %mul3A_1 : i32
    %scan3A = arith.constant 0 : i32
    %scan3A_3 = arith.constant 0 : i32
    %scan3A_4 = arith.constant 60 : i32
    %scan3A_5 = arith.addi %scan3A_3, %scan3A_4 : i32
    %scan3A_6 = arith.constant 1 : i32
    scf.for %scan3A_8 = %scan3A_3 to %scan3A_5 step %scan3A_6  : i32 {
      %mul3A_9 = arith.constant 320 : i32
      %mul3A_10 = arith.muli %scan3A_8, %mul3A_9 : i32
      %add3A_11 = arith.addi %mul3A_2, %mul3A_10 : i32
      %multiple_of3A = tpu.assume_multiple %add3A_11, 320 : i32
      "tpu.region"() ({
        %run_scoped3A = tpu.sem_alloc : memref<!tpu.dma_semaphore, #tpu.memory_space<semaphore_mem>>
        %dma_start3A_16 = tpu.memref_slice %arg3[%multiple_of3A] : memref<614400xi32, #tpu.memory_space<hbm>> -> memref<320xi32, #tpu.memory_space<hbm>>
        %dma_start3A_17 = tpu.memref_slice %arg3[%multiple_of3A] : memref<614400xi32, #tpu.memory_space<hbm>> -> memref<320xi32, #tpu.memory_space<hbm>>
        tpu.enqueue_dma source(%dma_start3A_17 : memref<320xi32, #tpu.memory_space<hbm>>) target(%arg5 : memref<320xi32, #tpu.memory_space<vmem>>) target_semaphore(%run_scoped3A : memref<!tpu.dma_semaphore, #tpu.memory_space<semaphore_mem>>)
        %dma_wait3A_18 = tpu.memref_slice %arg3[%multiple_of3A] : memref<614400xi32, #tpu.memory_space<hbm>> -> memref<320xi32, #tpu.memory_space<hbm>>
        %dma_wait3A_19 = tpu.memref_slice %arg3[%multiple_of3A] : memref<614400xi32, #tpu.memory_space<hbm>> -> memref<320xi32, #tpu.memory_space<hbm>>
        tpu.wait_dma2 semaphore(%run_scoped3A : memref<!tpu.dma_semaphore, #tpu.memory_space<semaphore_mem>>) src(%dma_wait3A_19 : memref<320xi32, #tpu.memory_space<hbm>>) dst(%arg5 : memref<320xi32, #tpu.memory_space<vmem>>)
        tpu.yield
      }) : () -> ()
      %dma_start3A = arith.constant 0 : i32
      %dma_start3A_12 = arith.constant 0 : i32
      %dma_start3A_13 = tpu.memref_slice %arg2[%dma_start3A, %dma_start3A_12] : memref<50000x128xf32, #tpu.memory_space<hbm>> -> memref<50000x128xf32, #tpu.memory_space<hbm>>
      tpu.enqueue_indirect_dma source(%dma_start3A_13 : memref<50000x128xf32, #tpu.memory_space<hbm>>) target(%arg6 : memref<320x128xf32, #tpu.memory_space<vmem>>) offsets(%arg5 : memref<320xi32, #tpu.memory_space<vmem>>) semaphore(%arg7 : memref<!tpu.dma_semaphore, #tpu.memory_space<semaphore_mem>>)
      %dma_wait3A = arith.constant 0 : i32
      %dma_wait3A_14 = arith.constant 0 : i32
      %dma_wait3A_15 = tpu.memref_slice %arg2[%dma_wait3A, %dma_wait3A_14] : memref<50000x128xf32, #tpu.memory_space<hbm>> -> memref<50000x128xf32, #tpu.memory_space<hbm>>
      tpu.wait_indirect_dma semaphore(%arg7 : memref<!tpu.dma_semaphore, #tpu.memory_space<semaphore_mem>>) src(%dma_wait3A_15 : memref<50000x128xf32, #tpu.memory_space<hbm>>) dst(%arg6 : memref<320x128xf32, #tpu.memory_space<vmem>>)
      "tpu.region"() ({
        %run_scoped3A = tpu.sem_alloc : memref<!tpu.dma_semaphore, #tpu.memory_space<semaphore_mem>>
        %dma_start3A_16 = arith.constant 0 : i32
        %dma_start3A_17 = tpu.memref_slice %arg4[%multiple_of3A, %dma_start3A_16] : memref<614400x128xf32, #tpu.memory_space<hbm>> -> memref<320x128xf32, #tpu.memory_space<hbm>>
        %dma_start3A_18 = arith.constant 0 : i32
        %dma_start3A_19 = tpu.memref_slice %arg4[%multiple_of3A, %dma_start3A_18] : memref<614400x128xf32, #tpu.memory_space<hbm>> -> memref<320x128xf32, #tpu.memory_space<hbm>>
        tpu.enqueue_dma source(%arg6 : memref<320x128xf32, #tpu.memory_space<vmem>>) target(%dma_start3A_19 : memref<320x128xf32, #tpu.memory_space<hbm>>) target_semaphore(%run_scoped3A : memref<!tpu.dma_semaphore, #tpu.memory_space<semaphore_mem>>)
        %dma_wait3A_20 = arith.constant 0 : i32
        %dma_wait3A_21 = tpu.memref_slice %arg4[%multiple_of3A, %dma_wait3A_20] : memref<614400x128xf32, #tpu.memory_space<hbm>> -> memref<320x128xf32, #tpu.memory_space<hbm>>
        %dma_wait3A_22 = arith.constant 0 : i32
        %dma_wait3A_23 = tpu.memref_slice %arg4[%multiple_of3A, %dma_wait3A_22] : memref<614400x128xf32, #tpu.memory_space<hbm>> -> memref<320x128xf32, #tpu.memory_space<hbm>>
        tpu.wait_dma2 semaphore(%run_scoped3A : memref<!tpu.dma_semaphore, #tpu.memory_space<semaphore_mem>>) src(%arg6 : memref<320x128xf32, #tpu.memory_space<vmem>>) dst(%dma_wait3A_23 : memref<320x128xf32, #tpu.memory_space<hbm>>)
        tpu.yield
      }) : () -> ()
    }
    %scan3A_7 = arith.constant 60 : i32
    return
  }
}

#map = affine_map<(d0, d1) -> (0, 0)>
#map1 = affine_map<(d0, d1) -> (0)>
module attributes {stable_mosaic.version = 14 : i64} {
  func.func @gk(%arg0: i32, %arg1: i32, %arg2: memref<50000x128xf32, #tpu.memory_space<hbm>>, %arg3: memref<614400xi32, #tpu.memory_space<hbm>>, %arg4: memref<614400x128xf32, #tpu.memory_space<hbm>>, %arg5: memref<320xi32, #tpu.memory_space<vmem>>, %arg6: memref<320x128xf32, #tpu.memory_space<vmem>>, %arg7: memref<!tpu.dma_semaphore, #tpu.memory_space<semaphore_mem>>) attributes {dimension_semantics = [#tpu.dimension_semantics<core_parallel>, #tpu.dimension_semantics<subcore_parallel>], iteration_bounds = array<i64: 2, 16>, scalar_prefetch = 0 : i64, scratch_operands = 3 : i64, tpu.core_type = #tpu.core_type<sc_vector_subcore>, window_params = [{transform_indices = #map}, {transform_indices = #map1}, {transform_indices = #map}]} {
    %mul3A = arith.constant 2 : i32
    %mul3A_0 = arith.muli %arg1, %mul3A : i32
    %add3A = arith.addi %mul3A_0, %arg0 : i32
    %mul3A_1 = arith.constant 19200 : i32
    %mul3A_2 = arith.muli %add3A, %mul3A_1 : i32
    %scan3A = arith.constant 0 : i32
    %scan3A_3 = arith.constant 0 : i32
    %scan3A_4 = arith.constant 60 : i32
    %scan3A_5 = arith.addi %scan3A_3, %scan3A_4 : i32
    %scan3A_6 = arith.constant 1 : i32
    scf.for %scan3A_8 = %scan3A_3 to %scan3A_5 step %scan3A_6  : i32 {
      %mul3A_9 = arith.constant 320 : i32
      %mul3A_10 = arith.muli %scan3A_8, %mul3A_9 : i32
      %add3A_11 = arith.addi %mul3A_2, %mul3A_10 : i32
      %multiple_of3A = tpu.assume_multiple %add3A_11, 320 : i32
      "tpu.region"() ({
        %run_scoped3A = tpu.sem_alloc : memref<!tpu.dma_semaphore, #tpu.memory_space<semaphore_mem>>
        %dma_start3A_16 = tpu.memref_slice %arg3[%multiple_of3A] : memref<614400xi32, #tpu.memory_space<hbm>> -> memref<320xi32, #tpu.memory_space<hbm>>
        %dma_start3A_17 = tpu.memref_slice %arg3[%multiple_of3A] : memref<614400xi32, #tpu.memory_space<hbm>> -> memref<320xi32, #tpu.memory_space<hbm>>
        tpu.enqueue_dma source(%dma_start3A_17 : memref<320xi32, #tpu.memory_space<hbm>>) target(%arg5 : memref<320xi32, #tpu.memory_space<vmem>>) target_semaphore(%run_scoped3A : memref<!tpu.dma_semaphore, #tpu.memory_space<semaphore_mem>>)
        %dma_wait3A_18 = tpu.memref_slice %arg3[%multiple_of3A] : memref<614400xi32, #tpu.memory_space<hbm>> -> memref<320xi32, #tpu.memory_space<hbm>>
        %dma_wait3A_19 = tpu.memref_slice %arg3[%multiple_of3A] : memref<614400xi32, #tpu.memory_space<hbm>> -> memref<320xi32, #tpu.memory_space<hbm>>
        tpu.wait_dma2 semaphore(%run_scoped3A : memref<!tpu.dma_semaphore, #tpu.memory_space<semaphore_mem>>) src(%dma_wait3A_19 : memref<320xi32, #tpu.memory_space<hbm>>) dst(%arg5 : memref<320xi32, #tpu.memory_space<vmem>>)
        tpu.yield
      }) : () -> ()
      %dma_start3A = arith.constant 0 : i32
      %dma_start3A_12 = arith.constant 0 : i32
      %dma_start3A_13 = tpu.memref_slice %arg2[%dma_start3A, %dma_start3A_12] : memref<50000x128xf32, #tpu.memory_space<hbm>> -> memref<50000x128xf32, #tpu.memory_space<hbm>>
      tpu.enqueue_indirect_dma source(%dma_start3A_13 : memref<50000x128xf32, #tpu.memory_space<hbm>>) target(%arg6 : memref<320x128xf32, #tpu.memory_space<vmem>>) offsets(%arg5 : memref<320xi32, #tpu.memory_space<vmem>>) semaphore(%arg7 : memref<!tpu.dma_semaphore, #tpu.memory_space<semaphore_mem>>)
      %dma_wait3A = arith.constant 0 : i32
      %dma_wait3A_14 = arith.constant 0 : i32
      %dma_wait3A_15 = tpu.memref_slice %arg2[%dma_wait3A, %dma_wait3A_14] : memref<50000x128xf32, #tpu.memory_space<hbm>> -> memref<50000x128xf32, #tpu.memory_space<hbm>>
      tpu.wait_indirect_dma semaphore(%arg7 : memref<!tpu.dma_semaphore, #tpu.memory_space<semaphore_mem>>) src(%dma_wait3A_15 : memref<50000x128xf32, #tpu.memory_space<hbm>>) dst(%arg6 : memref<320x128xf32, #tpu.memory_space<vmem>>)
      "tpu.region"() ({
        %run_scoped3A = tpu.sem_alloc : memref<!tpu.dma_semaphore, #tpu.memory_space<semaphore_mem>>
        %dma_start3A_16 = arith.constant 0 : i32
        %dma_start3A_17 = tpu.memref_slice %arg4[%multiple_of3A, %dma_start3A_16] : memref<614400x128xf32, #tpu.memory_space<hbm>> -> memref<320x128xf32, #tpu.memory_space<hbm>>
        %dma_start3A_18 = arith.constant 0 : i32
        %dma_start3A_19 = tpu.memref_slice %arg4[%multiple_of3A, %dma_start3A_18] : memref<614400x128xf32, #tpu.memory_space<hbm>> -> memref<320x128xf32, #tpu.memory_space<hbm>>
        tpu.enqueue_dma source(%arg6 : memref<320x128xf32, #tpu.memory_space<vmem>>) target(%dma_start3A_19 : memref<320x128xf32, #tpu.memory_space<hbm>>) target_semaphore(%run_scoped3A : memref<!tpu.dma_semaphore, #tpu.memory_space<semaphore_mem>>)
        %dma_wait3A_20 = arith.constant 0 : i32
        %dma_wait3A_21 = tpu.memref_slice %arg4[%multiple_of3A, %dma_wait3A_20] : memref<614400x128xf32, #tpu.memory_space<hbm>> -> memref<320x128xf32, #tpu.memory_space<hbm>>
        %dma_wait3A_22 = arith.constant 0 : i32
        %dma_wait3A_23 = tpu.memref_slice %arg4[%multiple_of3A, %dma_wait3A_22] : memref<614400x128xf32, #tpu.memory_space<hbm>> -> memref<320x128xf32, #tpu.memory_space<hbm>>
        tpu.wait_dma2 semaphore(%run_scoped3A : memref<!tpu.dma_semaphore, #tpu.memory_space<semaphore_mem>>) src(%arg6 : memref<320x128xf32, #tpu.memory_space<vmem>>) dst(%dma_wait3A_23 : memref<320x128xf32, #tpu.memory_space<hbm>>)
        tpu.yield
      }) : () -> ()
    }
    %scan3A_7 = arith.constant 60 : i32
    return
  }
}

module attributes {stable_mosaic.version = 14 : i64} {
  func.func @_proj_body(%arg0: i32, %arg1: memref<2000x128xf32, #tpu.memory_space<vmem>>, %arg2: memref<128x128xf32, #tpu.memory_space<vmem>>, %arg3: memref<8x128xf32, #tpu.memory_space<vmem>>, %arg4: memref<2000x128xf32, #tpu.memory_space<vmem>>) attributes {dimension_semantics = [#tpu.dimension_semantics<arbitrary>], iteration_bounds = array<i64: 25>, scalar_prefetch = 0 : i64, scratch_operands = 0 : i64, tpu.core_type = #tpu.core_type<tc>, window_params = [{transform_indices = @transform_0, window_bounds = array<i64: 2000, 128>}, {pipeline_mode = #tpu.pipeline_mode<synchronous>, transform_indices = @transform_1, window_bounds = array<i64: 128, 128>}, {pipeline_mode = #tpu.pipeline_mode<synchronous>, transform_indices = @transform_2, window_bounds = array<i64: 8, 128>}, {transform_indices = @transform_3, window_bounds = array<i64: 2000, 128>}]} {
    %get3A = arith.constant 0 : index
    %get3A_0 = arith.constant 0 : index
    %get3A_1 = vector.load %arg1[%get3A, %get3A_0] : memref<2000x128xf32, #tpu.memory_space<vmem>>, vector<2000x128xf32>
    %get3A_2 = arith.constant 0 : index
    %get3A_3 = arith.constant 0 : index
    %get3A_4 = vector.load %arg2[%get3A_2, %get3A_3] : memref<128x128xf32, #tpu.memory_space<vmem>>, vector<128x128xf32>
    %dot_general3A = arith.constant dense<0.000000e+00> : vector<2000x128xf32>
    %dot_general3A_5 = tpu.matmul %get3A_1, %get3A_4, %dot_general3A {dimension_numbers = #tpu.dot_dimension_numbers<[1], [0], [0], [1], [0, 0, 1, 1], [], []>, transpose_lhs_hint = false} : vector<2000x128xf32>, vector<128x128xf32>, vector<2000x128xf32> -> vector<2000x128xf32>
    %get3A_6 = arith.constant 0 : index
    %get3A_7 = arith.constant 0 : index
    %get3A_8 = vector.load %arg3[%get3A_6, %get3A_7] : memref<8x128xf32, #tpu.memory_space<vmem>>, vector<1x128xf32>
    %add3A = vector.broadcast %get3A_8 : vector<1x128xf32> to vector<2000x128xf32>
    %add3A_9 = arith.addf %dot_general3A_5, %add3A : vector<2000x128xf32>
    %swap3A = arith.constant 0 : index
    %swap3A_10 = arith.constant 0 : index
    %swap3A_11 = vector.load %arg4[%swap3A, %swap3A_10] : memref<2000x128xf32, #tpu.memory_space<vmem>>, vector<2000x128xf32>
    tpu.vector_store %arg4[%swap3A, %swap3A_10], %add3A_9 {strides = array<i32>} : memref<2000x128xf32, #tpu.memory_space<vmem>>, vector<2000x128xf32>,
    return
  }
  func.func @transform_0(%arg0: i32) -> (i32, i32) {
    %c0_i32 = arith.constant 0 : i32
    %c0_i32_0 = arith.constant 0 : i32
    return %arg0, %c0_i32 : i32, i32
  }
  func.func @transform_1(%arg0: i32) -> (i32, i32) {
    %c0_i32 = arith.constant 0 : i32
    %c0_i32_0 = arith.constant 0 : i32
    %c0_i32_1 = arith.constant 0 : i32
    return %c0_i32, %c0_i32_0 : i32, i32
  }
  func.func @transform_2(%arg0: i32) -> (i32, i32) {
    %c0_i32 = arith.constant 0 : i32
    %c0_i32_0 = arith.constant 0 : i32
    %c0_i32_1 = arith.constant 0 : i32
    return %c0_i32, %c0_i32_0 : i32, i32
  }
  func.func @transform_3(%arg0: i32) -> (i32, i32) {
    %c0_i32 = arith.constant 0 : i32
    %c0_i32_0 = arith.constant 0 : i32
    return %arg0, %c0_i32 : i32, i32
  }
}

module attributes {stable_mosaic.version = 14 : i64} {
  func.func @_edge_body(%arg0: i32, %arg1: memref<1000x128xf32, #tpu.memory_space<vmem>>, %arg2: memref<1000x128xf32, #tpu.memory_space<vmem>>, %arg3: memref<1000x128xf32, #tpu.memory_space<vmem>>, %arg4: memref<1000x128xf32, #tpu.memory_space<vmem>>, %arg5: memref<1000x128xf32, #tpu.memory_space<vmem>>, %arg6: memref<1000x128xf32, #tpu.memory_space<vmem>>, %arg7: memref<1000x16xf32, #tpu.memory_space<vmem>>, %arg8: memref<1000x16xf32, #tpu.memory_space<vmem>>, %arg9: memref<1000x16xf32, #tpu.memory_space<vmem>>, %arg10: memref<1000x16xf32, #tpu.memory_space<vmem>>, %arg11: memref<1000x8xf32, #tpu.memory_space<vmem>>, %arg12: memref<1000x8xf32, #tpu.memory_space<vmem>>, %arg13: memref<1000x8xf32, #tpu.memory_space<vmem>>, %arg14: memref<16x128xf32, #tpu.memory_space<vmem>>, %arg15: memref<128x128xf32, #tpu.memory_space<vmem>>, %arg16: memref<128x128xf32, #tpu.memory_space<vmem>>, %arg17: memref<8x128xf32, #tpu.memory_space<vmem>>, %arg18: memref<1000x512xf32, #tpu.memory_space<vmem>>, %arg19: memref<1000x64xf32, #tpu.memory_space<vmem>>) attributes {dimension_semantics = [#tpu.dimension_semantics<arbitrary>], iteration_bounds = array<i64: 200>, scalar_prefetch = 0 : i64, scratch_operands = 0 : i64, tpu.core_type = #tpu.core_type<tc>, window_params = [{transform_indices = @transform_0, window_bounds = array<i64: 1000, 128>}, {transform_indices = @transform_1, window_bounds = array<i64: 1000, 128>}, {transform_indices = @transform_2, window_bounds = array<i64: 1000, 128>}, {transform_indices = @transform_3, window_bounds = array<i64: 1000, 128>}, {transform_indices = @transform_4, window_bounds = array<i64: 1000, 128>}, {transform_indices = @transform_5, window_bounds = array<i64: 1000, 128>}, {transform_indices = @transform_6, window_bounds = array<i64: 1000, 16>}, {transform_indices = @transform_7, window_bounds = array<i64: 1000, 16>}, {transform_indices = @transform_8, window_bounds = array<i64: 1000, 16>}, {transform_indices = @transform_9, window_bounds = array<i64: 1000, 16>}, {transform_indices = @transform_10, window_bounds = array<i64: 1000, 8>}, {transform_indices = @transform_11, window_bounds = array<i64: 1000, 8>}, {transform_indices = @transform_12, window_bounds = array<i64: 1000, 8>}, {pipeline_mode = #tpu.pipeline_mode<synchronous>, transform_indices = @transform_13, window_bounds = array<i64: 16, 128>}, {pipeline_mode = #tpu.pipeline_mode<synchronous>, transform_indices = @transform_14, window_bounds = array<i64: 128, 128>}, {pipeline_mode = #tpu.pipeline_mode<synchronous>, transform_indices = @transform_15, window_bounds = array<i64: 128, 128>}, {pipeline_mode = #tpu.pipeline_mode<synchronous>, transform_indices = @transform_16, window_bounds = array<i64: 8, 128>}, {transform_indices = @transform_17, window_bounds = array<i64: 1000, 512>}, {transform_indices = @transform_18, window_bounds = array<i64: 1000, 64>}]} {
    %get3A = arith.constant 0 : index
    %get3A_0 = arith.constant 0 : index
    %get3A_1 = vector.load %arg17[%get3A, %get3A_0] : memref<8x128xf32, #tpu.memory_space<vmem>>, vector<1x128xf32>
    %get3A_2 = arith.constant 1 : index
    %get3A_3 = arith.constant 0 : index
    %get3A_4 = vector.load %arg17[%get3A_2, %get3A_3] : memref<8x128xf32, #tpu.memory_space<vmem>>, vector<1x128xf32>
    %get3A_5 = arith.constant 2 : index
    %get3A_6 = arith.constant 0 : index
    %get3A_7 = vector.load %arg17[%get3A_5, %get3A_6] : memref<8x128xf32, #tpu.memory_space<vmem>>, vector<1x128xf32>
    %get3A_8 = arith.constant 3 : index
    %get3A_9 = arith.constant 0 : index
    %get3A_10 = vector.load %arg17[%get3A_8, %get3A_9] : memref<8x128xf32, #tpu.memory_space<vmem>>, vector<1x128xf32>
    %get3A_11 = arith.constant 4 : index
    %get3A_12 = arith.constant 0 : index
    %get3A_13 = vector.load %arg17[%get3A_11, %get3A_12] : memref<8x128xf32, #tpu.memory_space<vmem>>, vector<1x128xf32>
    %get3A_14 = arith.constant 0 : index
    %get3A_15 = arith.constant 0 : index
    %get3A_16 = vector.load %arg7[%get3A_14, %get3A_15] : memref<1000x16xf32, #tpu.memory_space<vmem>>, vector<1000x16xf32>
    %get3A_17 = arith.constant 0 : index
    %get3A_18 = arith.constant 0 : index
    %get3A_19 = vector.load %arg14[%get3A_17, %get3A_18] : memref<16x128xf32, #tpu.memory_space<vmem>>, vector<16x128xf32>
    %dot_general3A = arith.constant dense<0.000000e+00> : vector<1000x128xf32>
    %dot_general3A_20 = tpu.matmul %get3A_16, %get3A_19, %dot_general3A {dimension_numbers = #tpu.dot_dimension_numbers<[1], [0], [0], [1], [0, 0, 1, 1], [], []>, transpose_lhs_hint = false} : vector<1000x16xf32>, vector<16x128xf32>, vector<1000x128xf32> -> vector<1000x128xf32>
    %iota3A = tpu.iota {dimensions = array<i32: 1>} : vector<1x16xi32>
    %eq3A = arith.constant 8 : i32
    %eq3A_21 = vector.broadcast %eq3A : i32 to vector<1x16xi32>
    %eq3A_22 = arith.cmpi eq, %iota3A, %eq3A_21 : vector<1x16xi32>
    %convert_element_type3A = arith.extui %eq3A_22 : vector<1x16xi1> to vector<1x16xi32>
    %convert_element_type3A_23 = arith.sitofp %convert_element_type3A : vector<1x16xi32> to vector<1x16xf32>
    %get3A_24 = arith.constant 0 : index
    %get3A_25 = arith.constant 0 : index
    %get3A_26 = vector.load %arg8[%get3A_24, %get3A_25] : memref<1000x16xf32, #tpu.memory_space<vmem>>, vector<1000x16xf32>
    %mul3A = arith.mulf %get3A_26, %get3A_26 : vector<1000x16xf32>
    %reduce_sum3A = arith.constant dense<0.000000e+00> : vector<1000xf32>
    %reduce_sum3A_27 = vector.multi_reduction <add>, %mul3A, %reduce_sum3A [1] : vector<1000x16xf32> to vector<1000xf32>
    %broadcast_in_dim3A = vector.shape_cast %reduce_sum3A_27 : vector<1000xf32> to vector<1000x1xf32>
    %get3A_28 = arith.constant 0 : index
    %get3A_29 = arith.constant 0 : index
    %get3A_30 = vector.load %arg1[%get3A_28, %get3A_29] : memref<1000x128xf32, #tpu.memory_space<vmem>>, vector<1000x128xf32>
    %get3A_31 = arith.constant 0 : index
    %get3A_32 = arith.constant 0 : index
    %get3A_33 = vector.load %arg4[%get3A_31, %get3A_32] : memref<1000x128xf32, #tpu.memory_space<vmem>>, vector<1000x128xf32>
    %add3A = arith.addf %get3A_30, %get3A_33 : vector<1000x128xf32>
    %add3A_34 = arith.addf %add3A, %dot_general3A_20 : vector<1000x128xf32>
    %mul3A_35 = vector.broadcast %broadcast_in_dim3A : vector<1000x1xf32> to vector<1000x128xf32>
    %mul3A_36 = vector.broadcast %get3A_10 : vector<1x128xf32> to vector<1000x128xf32>
    %mul3A_37 = arith.mulf %mul3A_35, %mul3A_36 : vector<1000x128xf32>
    %add3A_38 = arith.addf %add3A_34, %mul3A_37 : vector<1000x128xf32>
    %add3A_39 = vector.broadcast %get3A_1 : vector<1x128xf32> to vector<1000x128xf32>
    %add3A_40 = arith.addf %add3A_38, %add3A_39 : vector<1000x128xf32>
    %logistic3A = arith.negf %add3A_40 : vector<1000x128xf32>
    %logistic3A_41 = math.exp %logistic3A : vector<1000x128xf32>
    %logistic3A_42 = arith.constant 1.000000e+00 : f32
    %logistic3A_43 = vector.broadcast %logistic3A_42 : f32 to vector<1000x128xf32>
    %logistic3A_44 = arith.addf %logistic3A_43, %logistic3A_41 : vector<1000x128xf32>
    %logistic3A_45 = arith.divf %logistic3A_43, %logistic3A_44 : vector<1000x128xf32>
    %mul3A_46 = arith.mulf %add3A_40, %logistic3A_45 : vector<1000x128xf32>
    %get3A_47 = arith.constant 0 : index
    %get3A_48 = arith.constant 0 : index
    %get3A_49 = vector.load %arg15[%get3A_47, %get3A_48] : memref<128x128xf32, #tpu.memory_space<vmem>>, vector<128x128xf32>
    %dot_general3A_50 = arith.constant dense<0.000000e+00> : vector<1000x128xf32>
    %dot_general3A_51 = tpu.matmul %mul3A_46, %get3A_49, %dot_general3A_50 {dimension_numbers = #tpu.dot_dimension_numbers<[1], [0], [0], [1], [0, 0, 1, 1], [], []>, transpose_lhs_hint = false} : vector<1000x128xf32>, vector<128x128xf32>, vector<1000x128xf32> -> vector<1000x128xf32>
    %add3A_52 = vector.broadcast %get3A_4 : vector<1x128xf32> to vector<1000x128xf32>
    %add3A_53 = arith.addf %dot_general3A_51, %add3A_52 : vector<1000x128xf32>
    %logistic3A_54 = arith.negf %add3A_53 : vector<1000x128xf32>
    %logistic3A_55 = math.exp %logistic3A_54 : vector<1000x128xf32>
    %logistic3A_56 = arith.constant 1.000000e+00 : f32
    %logistic3A_57 = vector.broadcast %logistic3A_56 : f32 to vector<1000x128xf32>
    %logistic3A_58 = arith.addf %logistic3A_57, %logistic3A_55 : vector<1000x128xf32>
    %logistic3A_59 = arith.divf %logistic3A_57, %logistic3A_58 : vector<1000x128xf32>
    %mul3A_60 = arith.mulf %add3A_53, %logistic3A_59 : vector<1000x128xf32>
    %get3A_61 = arith.constant 0 : index
    %get3A_62 = arith.constant 0 : index
    %get3A_63 = vector.load %arg16[%get3A_61, %get3A_62] : memref<128x128xf32, #tpu.memory_space<vmem>>, vector<128x128xf32>
    %dot_general3A_64 = arith.constant dense<0.000000e+00> : vector<1000x128xf32>
    %dot_general3A_65 = tpu.matmul %mul3A_60, %get3A_63, %dot_general3A_64 {dimension_numbers = #tpu.dot_dimension_numbers<[1], [0], [0], [1], [0, 0, 1, 1], [], []>, transpose_lhs_hint = false} : vector<1000x128xf32>, vector<128x128xf32>, vector<1000x128xf32> -> vector<1000x128xf32>
    %add3A_66 = vector.broadcast %get3A_7 : vector<1x128xf32> to vector<1000x128xf32>
    %add3A_67 = arith.addf %dot_general3A_65, %add3A_66 : vector<1000x128xf32>
    %logistic3A_68 = arith.negf %add3A_67 : vector<1000x128xf32>
    %logistic3A_69 = math.exp %logistic3A_68 : vector<1000x128xf32>
    %logistic3A_70 = arith.constant 1.000000e+00 : f32
    %logistic3A_71 = vector.broadcast %logistic3A_70 : f32 to vector<1000x128xf32>
    %logistic3A_72 = arith.addf %logistic3A_71, %logistic3A_69 : vector<1000x128xf32>
    %logistic3A_73 = arith.divf %logistic3A_71, %logistic3A_72 : vector<1000x128xf32>
    %mul3A_74 = arith.mulf %add3A_67, %logistic3A_73 : vector<1000x128xf32>
    %mul3A_75 = vector.broadcast %get3A_13 : vector<1x128xf32> to vector<1000x128xf32>
    %mul3A_76 = arith.mulf %mul3A_74, %mul3A_75 : vector<1000x128xf32>
    %reduce_sum3A_77 = arith.constant dense<0.000000e+00> : vector<1000xf32>
    %reduce_sum3A_78 = vector.multi_reduction <add>, %mul3A_76, %reduce_sum3A_77 [1] : vector<1000x128xf32> to vector<1000xf32>
    %broadcast_in_dim3A_79 = vector.shape_cast %reduce_sum3A_78 : vector<1000xf32> to vector<1000x1xf32>
    %mul3A_80 = vector.broadcast %broadcast_in_dim3A_79 : vector<1000x1xf32> to vector<1000x16xf32>
    %mul3A_81 = arith.mulf %get3A_26, %mul3A_80 : vector<1000x16xf32>
    %add3A_82 = vector.broadcast %convert_element_type3A_23 : vector<1x16xf32> to vector<1000x16xf32>
    %add3A_83 = arith.addf %mul3A_81, %add3A_82 : vector<1000x16xf32>
    %get3A_84 = arith.constant 0 : index
    %get3A_85 = arith.constant 0 : index
    %get3A_86 = vector.load %arg9[%get3A_84, %get3A_85] : memref<1000x16xf32, #tpu.memory_space<vmem>>, vector<1000x16xf32>
    %mul3A_87 = arith.mulf %get3A_86, %get3A_86 : vector<1000x16xf32>
    %reduce_sum3A_88 = arith.constant dense<0.000000e+00> : vector<1000xf32>
    %reduce_sum3A_89 = vector.multi_reduction <add>, %mul3A_87, %reduce_sum3A_88 [1] : vector<1000x16xf32> to vector<1000xf32>
    %broadcast_in_dim3A_90 = vector.shape_cast %reduce_sum3A_89 : vector<1000xf32> to vector<1000x1xf32>
    %get3A_91 = arith.constant 0 : index
    %get3A_92 = arith.constant 0 : index
    %get3A_93 = vector.load %arg2[%get3A_91, %get3A_92] : memref<1000x128xf32, #tpu.memory_space<vmem>>, vector<1000x128xf32>
    %get3A_94 = arith.constant 0 : index
    %get3A_95 = arith.constant 0 : index
    %get3A_96 = vector.load %arg5[%get3A_94, %get3A_95] : memref<1000x128xf32, #tpu.memory_space<vmem>>, vector<1000x128xf32>
    %add3A_97 = arith.addf %get3A_93, %get3A_96 : vector<1000x128xf32>
    %add3A_98 = arith.addf %add3A_97, %dot_general3A_20 : vector<1000x128xf32>
    %mul3A_99 = vector.broadcast %broadcast_in_dim3A_90 : vector<1000x1xf32> to vector<1000x128xf32>
    %mul3A_100 = vector.broadcast %get3A_10 : vector<1x128xf32> to vector<1000x128xf32>
    %mul3A_101 = arith.mulf %mul3A_99, %mul3A_100 : vector<1000x128xf32>
    %add3A_102 = arith.addf %add3A_98, %mul3A_101 : vector<1000x128xf32>
    %add3A_103 = vector.broadcast %get3A_1 : vector<1x128xf32> to vector<1000x128xf32>
    %add3A_104 = arith.addf %add3A_102, %add3A_103 : vector<1000x128xf32>
    %logistic3A_105 = arith.negf %add3A_104 : vector<1000x128xf32>
    %logistic3A_106 = math.exp %logistic3A_105 : vector<1000x128xf32>
    %logistic3A_107 = arith.constant 1.000000e+00 : f32
    %logistic3A_108 = vector.broadcast %logistic3A_107 : f32 to vector<1000x128xf32>
    %logistic3A_109 = arith.addf %logistic3A_108, %logistic3A_106 : vector<1000x128xf32>
    %logistic3A_110 = arith.divf %logistic3A_108, %logistic3A_109 : vector<1000x128xf32>
    %mul3A_111 = arith.mulf %add3A_104, %logistic3A_110 : vector<1000x128xf32>
    %get3A_112 = arith.constant 0 : index
    %get3A_113 = arith.constant 0 : index
    %get3A_114 = vector.load %arg15[%get3A_112, %get3A_113] : memref<128x128xf32, #tpu.memory_space<vmem>>, vector<128x128xf32>
    %dot_general3A_115 = arith.constant dense<0.000000e+00> : vector<1000x128xf32>
    %dot_general3A_116 = tpu.matmul %mul3A_111, %get3A_114, %dot_general3A_115 {dimension_numbers = #tpu.dot_dimension_numbers<[1], [0], [0], [1], [0, 0, 1, 1], [], []>, transpose_lhs_hint = false} : vector<1000x128xf32>, vector<128x128xf32>, vector<1000x128xf32> -> vector<1000x128xf32>
    %add3A_117 = vector.broadcast %get3A_4 : vector<1x128xf32> to vector<1000x128xf32>
    %add3A_118 = arith.addf %dot_general3A_116, %add3A_117 : vector<1000x128xf32>
    %logistic3A_119 = arith.negf %add3A_118 : vector<1000x128xf32>
    %logistic3A_120 = math.exp %logistic3A_119 : vector<1000x128xf32>
    %logistic3A_121 = arith.constant 1.000000e+00 : f32
    %logistic3A_122 = vector.broadcast %logistic3A_121 : f32 to vector<1000x128xf32>
    %logistic3A_123 = arith.addf %logistic3A_122, %logistic3A_120 : vector<1000x128xf32>
    %logistic3A_124 = arith.divf %logistic3A_122, %logistic3A_123 : vector<1000x128xf32>
    %mul3A_125 = arith.mulf %add3A_118, %logistic3A_124 : vector<1000x128xf32>
    %get3A_126 = arith.constant 0 : index
    %get3A_127 = arith.constant 0 : index
    %get3A_128 = vector.load %arg16[%get3A_126, %get3A_127] : memref<128x128xf32, #tpu.memory_space<vmem>>, vector<128x128xf32>
    %dot_general3A_129 = arith.constant dense<0.000000e+00> : vector<1000x128xf32>
    %dot_general3A_130 = tpu.matmul %mul3A_125, %get3A_128, %dot_general3A_129 {dimension_numbers = #tpu.dot_dimension_numbers<[1], [0], [0], [1], [0, 0, 1, 1], [], []>, transpose_lhs_hint = false} : vector<1000x128xf32>, vector<128x128xf32>, vector<1000x128xf32> -> vector<1000x128xf32>
    %add3A_131 = vector.broadcast %get3A_7 : vector<1x128xf32> to vector<1000x128xf32>
    %add3A_132 = arith.addf %dot_general3A_130, %add3A_131 : vector<1000x128xf32>
    %logistic3A_133 = arith.negf %add3A_132 : vector<1000x128xf32>
    %logistic3A_134 = math.exp %logistic3A_133 : vector<1000x128xf32>
    %logistic3A_135 = arith.constant 1.000000e+00 : f32
    %logistic3A_136 = vector.broadcast %logistic3A_135 : f32 to vector<1000x128xf32>
    %logistic3A_137 = arith.addf %logistic3A_136, %logistic3A_134 : vector<1000x128xf32>
    %logistic3A_138 = arith.divf %logistic3A_136, %logistic3A_137 : vector<1000x128xf32>
    %mul3A_139 = arith.mulf %add3A_132, %logistic3A_138 : vector<1000x128xf32>
    %mul3A_140 = vector.broadcast %get3A_13 : vector<1x128xf32> to vector<1000x128xf32>
    %mul3A_141 = arith.mulf %mul3A_139, %mul3A_140 : vector<1000x128xf32>
    %reduce_sum3A_142 = arith.constant dense<0.000000e+00> : vector<1000xf32>
    %reduce_sum3A_143 = vector.multi_reduction <add>, %mul3A_141, %reduce_sum3A_142 [1] : vector<1000x128xf32> to vector<1000xf32>
    %broadcast_in_dim3A_144 = vector.shape_cast %reduce_sum3A_143 : vector<1000xf32> to vector<1000x1xf32>
    %mul3A_145 = vector.broadcast %broadcast_in_dim3A_144 : vector<1000x1xf32> to vector<1000x16xf32>
    %mul3A_146 = arith.mulf %get3A_86, %mul3A_145 : vector<1000x16xf32>
    %add3A_147 = vector.broadcast %convert_element_type3A_23 : vector<1x16xf32> to vector<1000x16xf32>
    %add3A_148 = arith.addf %mul3A_146, %add3A_147 : vector<1000x16xf32>
    %get3A_149 = arith.constant 0 : index
    %get3A_150 = arith.constant 0 : index
    %get3A_151 = vector.load %arg10[%get3A_149, %get3A_150] : memref<1000x16xf32, #tpu.memory_space<vmem>>, vector<1000x16xf32>
    %mul3A_152 = arith.mulf %get3A_151, %get3A_151 : vector<1000x16xf32>
    %reduce_sum3A_153 = arith.constant dense<0.000000e+00> : vector<1000xf32>
    %reduce_sum3A_154 = vector.multi_reduction <add>, %mul3A_152, %reduce_sum3A_153 [1] : vector<1000x16xf32> to vector<1000xf32>
    %broadcast_in_dim3A_155 = vector.shape_cast %reduce_sum3A_154 : vector<1000xf32> to vector<1000x1xf32>
    %get3A_156 = arith.constant 0 : index
    %get3A_157 = arith.constant 0 : index
    %get3A_158 = vector.load %arg3[%get3A_156, %get3A_157] : memref<1000x128xf32, #tpu.memory_space<vmem>>, vector<1000x128xf32>
    %get3A_159 = arith.constant 0 : index
    %get3A_160 = arith.constant 0 : index
    %get3A_161 = vector.load %arg6[%get3A_159, %get3A_160] : memref<1000x128xf32, #tpu.memory_space<vmem>>, vector<1000x128xf32>
    %add3A_162 = arith.addf %get3A_158, %get3A_161 : vector<1000x128xf32>
    %add3A_163 = arith.addf %add3A_162, %dot_general3A_20 : vector<1000x128xf32>
    %mul3A_164 = vector.broadcast %broadcast_in_dim3A_155 : vector<1000x1xf32> to vector<1000x128xf32>
    %mul3A_165 = vector.broadcast %get3A_10 : vector<1x128xf32> to vector<1000x128xf32>
    %mul3A_166 = arith.mulf %mul3A_164, %mul3A_165 : vector<1000x128xf32>
    %add3A_167 = arith.addf %add3A_163, %mul3A_166 : vector<1000x128xf32>
    %add3A_168 = vector.broadcast %get3A_1 : vector<1x128xf32> to vector<1000x128xf32>
    %add3A_169 = arith.addf %add3A_167, %add3A_168 : vector<1000x128xf32>
    %logistic3A_170 = arith.negf %add3A_169 : vector<1000x128xf32>
    %logistic3A_171 = math.exp %logistic3A_170 : vector<1000x128xf32>
    %logistic3A_172 = arith.constant 1.000000e+00 : f32
    %logistic3A_173 = vector.broadcast %logistic3A_172 : f32 to vector<1000x128xf32>
    %logistic3A_174 = arith.addf %logistic3A_173, %logistic3A_171 : vector<1000x128xf32>
    %logistic3A_175 = arith.divf %logistic3A_173, %logistic3A_174 : vector<1000x128xf32>
    %mul3A_176 = arith.mulf %add3A_169, %logistic3A_175 : vector<1000x128xf32>
    %get3A_177 = arith.constant 0 : index
    %get3A_178 = arith.constant 0 : index
    %get3A_179 = vector.load %arg15[%get3A_177, %get3A_178] : memref<128x128xf32, #tpu.memory_space<vmem>>, vector<128x128xf32>
    %dot_general3A_180 = arith.constant dense<0.000000e+00> : vector<1000x128xf32>
    %dot_general3A_181 = tpu.matmul %mul3A_176, %get3A_179, %dot_general3A_180 {dimension_numbers = #tpu.dot_dimension_numbers<[1], [0], [0], [1], [0, 0, 1, 1], [], []>, transpose_lhs_hint = false} : vector<1000x128xf32>, vector<128x128xf32>, vector<1000x128xf32> -> vector<1000x128xf32>
    %add3A_182 = vector.broadcast %get3A_4 : vector<1x128xf32> to vector<1000x128xf32>
    %add3A_183 = arith.addf %dot_general3A_181, %add3A_182 : vector<1000x128xf32>
    %logistic3A_184 = arith.negf %add3A_183 : vector<1000x128xf32>
    %logistic3A_185 = math.exp %logistic3A_184 : vector<1000x128xf32>
    %logistic3A_186 = arith.constant 1.000000e+00 : f32
    %logistic3A_187 = vector.broadcast %logistic3A_186 : f32 to vector<1000x128xf32>
    %logistic3A_188 = arith.addf %logistic3A_187, %logistic3A_185 : vector<1000x128xf32>
    %logistic3A_189 = arith.divf %logistic3A_187, %logistic3A_188 : vector<1000x128xf32>
    %mul3A_190 = arith.mulf %add3A_183, %logistic3A_189 : vector<1000x128xf32>
    %get3A_191 = arith.constant 0 : index
    %get3A_192 = arith.constant 0 : index
    %get3A_193 = vector.load %arg16[%get3A_191, %get3A_192] : memref<128x128xf32, #tpu.memory_space<vmem>>, vector<128x128xf32>
    %dot_general3A_194 = arith.constant dense<0.000000e+00> : vector<1000x128xf32>
    %dot_general3A_195 = tpu.matmul %mul3A_190, %get3A_193, %dot_general3A_194 {dimension_numbers = #tpu.dot_dimension_numbers<[1], [0], [0], [1], [0, 0, 1, 1], [], []>, transpose_lhs_hint = false} : vector<1000x128xf32>, vector<128x128xf32>, vector<1000x128xf32> -> vector<1000x128xf32>
    %add3A_196 = vector.broadcast %get3A_7 : vector<1x128xf32> to vector<1000x128xf32>
    %add3A_197 = arith.addf %dot_general3A_195, %add3A_196 : vector<1000x128xf32>
    %logistic3A_198 = arith.negf %add3A_197 : vector<1000x128xf32>
    %logistic3A_199 = math.exp %logistic3A_198 : vector<1000x128xf32>
    %logistic3A_200 = arith.constant 1.000000e+00 : f32
    %logistic3A_201 = vector.broadcast %logistic3A_200 : f32 to vector<1000x128xf32>
    %logistic3A_202 = arith.addf %logistic3A_201, %logistic3A_199 : vector<1000x128xf32>
    %logistic3A_203 = arith.divf %logistic3A_201, %logistic3A_202 : vector<1000x128xf32>
    %mul3A_204 = arith.mulf %add3A_197, %logistic3A_203 : vector<1000x128xf32>
    %mul3A_205 = vector.broadcast %get3A_13 : vector<1x128xf32> to vector<1000x128xf32>
    %mul3A_206 = arith.mulf %mul3A_204, %mul3A_205 : vector<1000x128xf32>
    %reduce_sum3A_207 = arith.constant dense<0.000000e+00> : vector<1000xf32>
    %reduce_sum3A_208 = vector.multi_reduction <add>, %mul3A_206, %reduce_sum3A_207 [1] : vector<1000x128xf32> to vector<1000xf32>
    %broadcast_in_dim3A_209 = vector.shape_cast %reduce_sum3A_208 : vector<1000xf32> to vector<1000x1xf32>
    %mul3A_210 = vector.broadcast %broadcast_in_dim3A_209 : vector<1000x1xf32> to vector<1000x16xf32>
    %mul3A_211 = arith.mulf %get3A_151, %mul3A_210 : vector<1000x16xf32>
    %add3A_212 = vector.broadcast %convert_element_type3A_23 : vector<1x16xf32> to vector<1000x16xf32>
    %add3A_213 = arith.addf %mul3A_211, %add3A_212 : vector<1000x16xf32>
    %get3A_214 = arith.constant 0 : index
    %get3A_215 = arith.constant 0 : index
    %get3A_216 = vector.load %arg11[%get3A_214, %get3A_215] : memref<1000x8xf32, #tpu.memory_space<vmem>>, vector<1000x1xf32>
    %mul3A_217 = vector.broadcast %get3A_216 : vector<1000x1xf32> to vector<1000x128xf32>
    %mul3A_218 = arith.mulf %mul3A_60, %mul3A_217 : vector<1000x128xf32>
    %get3A_219 = arith.constant 0 : index
    %get3A_220 = arith.constant 0 : index
    %get3A_221 = vector.load %arg11[%get3A_219, %get3A_220] : memref<1000x8xf32, #tpu.memory_space<vmem>>, vector<1000x1xf32>
    %mul3A_222 = vector.broadcast %get3A_221 : vector<1000x1xf32> to vector<1000x16xf32>
    %mul3A_223 = arith.mulf %add3A_83, %mul3A_222 : vector<1000x16xf32>
    %get3A_224 = arith.constant 0 : index
    %get3A_225 = arith.constant 0 : index
    %get3A_226 = vector.load %arg12[%get3A_224, %get3A_225] : memref<1000x8xf32, #tpu.memory_space<vmem>>, vector<1000x1xf32>
    %mul3A_227 = vector.broadcast %get3A_226 : vector<1000x1xf32> to vector<1000x128xf32>
    %mul3A_228 = arith.mulf %mul3A_125, %mul3A_227 : vector<1000x128xf32>
    %add3A_229 = arith.addf %mul3A_218, %mul3A_228 : vector<1000x128xf32>
    %get3A_230 = arith.constant 0 : index
    %get3A_231 = arith.constant 0 : index
    %get3A_232 = vector.load %arg12[%get3A_230, %get3A_231] : memref<1000x8xf32, #tpu.memory_space<vmem>>, vector<1000x1xf32>
    %mul3A_233 = vector.broadcast %get3A_232 : vector<1000x1xf32> to vector<1000x16xf32>
    %mul3A_234 = arith.mulf %add3A_148, %mul3A_233 : vector<1000x16xf32>
    %add3A_235 = arith.addf %mul3A_223, %mul3A_234 : vector<1000x16xf32>
    %get3A_236 = arith.constant 0 : index
    %get3A_237 = arith.constant 0 : index
    %get3A_238 = vector.load %arg13[%get3A_236, %get3A_237] : memref<1000x8xf32, #tpu.memory_space<vmem>>, vector<1000x1xf32>
    %mul3A_239 = vector.broadcast %get3A_238 : vector<1000x1xf32> to vector<1000x128xf32>
    %mul3A_240 = arith.mulf %mul3A_190, %mul3A_239 : vector<1000x128xf32>
    %add3A_241 = arith.addf %add3A_229, %mul3A_240 : vector<1000x128xf32>
    %get3A_242 = arith.constant 0 : index
    %get3A_243 = arith.constant 0 : index
    %get3A_244 = vector.load %arg13[%get3A_242, %get3A_243] : memref<1000x8xf32, #tpu.memory_space<vmem>>, vector<1000x1xf32>
    %mul3A_245 = vector.broadcast %get3A_244 : vector<1000x1xf32> to vector<1000x16xf32>
    %mul3A_246 = arith.mulf %add3A_213, %mul3A_245 : vector<1000x16xf32>
    %add3A_247 = arith.addf %add3A_235, %mul3A_246 : vector<1000x16xf32>
    %swap3A = arith.constant 0 : index
    %swap3A_248 = arith.constant 0 : index
    %swap3A_249 = vector.load %arg18[%swap3A, %swap3A_248] : memref<1000x512xf32, #tpu.memory_space<vmem>>, vector<1000x128xf32>
    tpu.vector_store %arg18[%swap3A, %swap3A_248], %add3A_241 {strides = array<i32>} : memref<1000x512xf32, #tpu.memory_space<vmem>>, vector<1000x128xf32>,
    %swap3A_250 = arith.constant 0 : index
    %swap3A_251 = arith.constant 0 : index
    %swap3A_252 = vector.load %arg19[%swap3A_250, %swap3A_251] : memref<1000x64xf32, #tpu.memory_space<vmem>>, vector<1000x16xf32>
    tpu.vector_store %arg19[%swap3A_250, %swap3A_251], %add3A_247 {strides = array<i32>} : memref<1000x64xf32, #tpu.memory_space<vmem>>, vector<1000x16xf32>,
    %get3A_253 = arith.constant 0 : index
    %get3A_254 = arith.constant 1 : index
    %get3A_255 = vector.load %arg11[%get3A_253, %get3A_254] : memref<1000x8xf32, #tpu.memory_space<vmem>>, vector<1000x1xf32>
    %mul3A_256 = vector.broadcast %get3A_255 : vector<1000x1xf32> to vector<1000x128xf32>
    %mul3A_257 = arith.mulf %mul3A_60, %mul3A_256 : vector<1000x128xf32>
    %get3A_258 = arith.constant 0 : index
    %get3A_259 = arith.constant 1 : index
    %get3A_260 = vector.load %arg11[%get3A_258, %get3A_259] : memref<1000x8xf32, #tpu.memory_space<vmem>>, vector<1000x1xf32>
    %mul3A_261 = vector.broadcast %get3A_260 : vector<1000x1xf32> to vector<1000x16xf32>
    %mul3A_262 = arith.mulf %add3A_83, %mul3A_261 : vector<1000x16xf32>
    %get3A_263 = arith.constant 0 : index
    %get3A_264 = arith.constant 1 : index
    %get3A_265 = vector.load %arg12[%get3A_263, %get3A_264] : memref<1000x8xf32, #tpu.memory_space<vmem>>, vector<1000x1xf32>
    %mul3A_266 = vector.broadcast %get3A_265 : vector<1000x1xf32> to vector<1000x128xf32>
    %mul3A_267 = arith.mulf %mul3A_125, %mul3A_266 : vector<1000x128xf32>
    %add3A_268 = arith.addf %mul3A_257, %mul3A_267 : vector<1000x128xf32>
    %get3A_269 = arith.constant 0 : index
    %get3A_270 = arith.constant 1 : index
    %get3A_271 = vector.load %arg12[%get3A_269, %get3A_270] : memref<1000x8xf32, #tpu.memory_space<vmem>>, vector<1000x1xf32>
    %mul3A_272 = vector.broadcast %get3A_271 : vector<1000x1xf32> to vector<1000x16xf32>
    %mul3A_273 = arith.mulf %add3A_148, %mul3A_272 : vector<1000x16xf32>
    %add3A_274 = arith.addf %mul3A_262, %mul3A_273 : vector<1000x16xf32>
    %get3A_275 = arith.constant 0 : index
    %get3A_276 = arith.constant 1 : index
    %get3A_277 = vector.load %arg13[%get3A_275, %get3A_276] : memref<1000x8xf32, #tpu.memory_space<vmem>>, vector<1000x1xf32>
    %mul3A_278 = vector.broadcast %get3A_277 : vector<1000x1xf32> to vector<1000x128xf32>
    %mul3A_279 = arith.mulf %mul3A_190, %mul3A_278 : vector<1000x128xf32>
    %add3A_280 = arith.addf %add3A_268, %mul3A_279 : vector<1000x128xf32>
    %get3A_281 = arith.constant 0 : index
    %get3A_282 = arith.constant 1 : index
    %get3A_283 = vector.load %arg13[%get3A_281, %get3A_282] : memref<1000x8xf32, #tpu.memory_space<vmem>>, vector<1000x1xf32>
    %mul3A_284 = vector.broadcast %get3A_283 : vector<1000x1xf32> to vector<1000x16xf32>
    %mul3A_285 = arith.mulf %add3A_213, %mul3A_284 : vector<1000x16xf32>
    %add3A_286 = arith.addf %add3A_274, %mul3A_285 : vector<1000x16xf32>
    %swap3A_287 = arith.constant 0 : index
    %swap3A_288 = arith.constant 128 : index
    %swap3A_289 = vector.load %arg18[%swap3A_287, %swap3A_288] : memref<1000x512xf32, #tpu.memory_space<vmem>>, vector<1000x128xf32>
    tpu.vector_store %arg18[%swap3A_287, %swap3A_288], %add3A_280 {strides = array<i32>} : memref<1000x512xf32, #tpu.memory_space<vmem>>, vector<1000x128xf32>,
    %swap3A_290 = arith.constant 0 : index
    %swap3A_291 = arith.constant 16 : index
    %swap3A_292 = vector.load %arg19[%swap3A_290, %swap3A_291] : memref<1000x64xf32, #tpu.memory_space<vmem>>, vector<1000x16xf32>
    tpu.vector_store %arg19[%swap3A_290, %swap3A_291], %add3A_286 {strides = array<i32>} : memref<1000x64xf32, #tpu.memory_space<vmem>>, vector<1000x16xf32>,
    %get3A_293 = arith.constant 0 : index
    %get3A_294 = arith.constant 2 : index
    %get3A_295 = vector.load %arg11[%get3A_293, %get3A_294] : memref<1000x8xf32, #tpu.memory_space<vmem>>, vector<1000x1xf32>
    %mul3A_296 = vector.broadcast %get3A_295 : vector<1000x1xf32> to vector<1000x128xf32>
    %mul3A_297 = arith.mulf %mul3A_60, %mul3A_296 : vector<1000x128xf32>
    %get3A_298 = arith.constant 0 : index
    %get3A_299 = arith.constant 2 : index
    %get3A_300 = vector.load %arg11[%get3A_298, %get3A_299] : memref<1000x8xf32, #tpu.memory_space<vmem>>, vector<1000x1xf32>
    %mul3A_301 = vector.broadcast %get3A_300 : vector<1000x1xf32> to vector<1000x16xf32>
    %mul3A_302 = arith.mulf %add3A_83, %mul3A_301 : vector<1000x16xf32>
    %get3A_303 = arith.constant 0 : index
    %get3A_304 = arith.constant 2 : index
    %get3A_305 = vector.load %arg12[%get3A_303, %get3A_304] : memref<1000x8xf32, #tpu.memory_space<vmem>>, vector<1000x1xf32>
    %mul3A_306 = vector.broadcast %get3A_305 : vector<1000x1xf32> to vector<1000x128xf32>
    %mul3A_307 = arith.mulf %mul3A_125, %mul3A_306 : vector<1000x128xf32>
    %add3A_308 = arith.addf %mul3A_297, %mul3A_307 : vector<1000x128xf32>
    %get3A_309 = arith.constant 0 : index
    %get3A_310 = arith.constant 2 : index
    %get3A_311 = vector.load %arg12[%get3A_309, %get3A_310] : memref<1000x8xf32, #tpu.memory_space<vmem>>, vector<1000x1xf32>
    %mul3A_312 = vector.broadcast %get3A_311 : vector<1000x1xf32> to vector<1000x16xf32>
    %mul3A_313 = arith.mulf %add3A_148, %mul3A_312 : vector<1000x16xf32>
    %add3A_314 = arith.addf %mul3A_302, %mul3A_313 : vector<1000x16xf32>
    %get3A_315 = arith.constant 0 : index
    %get3A_316 = arith.constant 2 : index
    %get3A_317 = vector.load %arg13[%get3A_315, %get3A_316] : memref<1000x8xf32, #tpu.memory_space<vmem>>, vector<1000x1xf32>
    %mul3A_318 = vector.broadcast %get3A_317 : vector<1000x1xf32> to vector<1000x128xf32>
    %mul3A_319 = arith.mulf %mul3A_190, %mul3A_318 : vector<1000x128xf32>
    %add3A_320 = arith.addf %add3A_308, %mul3A_319 : vector<1000x128xf32>
    %get3A_321 = arith.constant 0 : index
    %get3A_322 = arith.constant 2 : index
    %get3A_323 = vector.load %arg13[%get3A_321, %get3A_322] : memref<1000x8xf32, #tpu.memory_space<vmem>>, vector<1000x1xf32>
    %mul3A_324 = vector.broadcast %get3A_323 : vector<1000x1xf32> to vector<1000x16xf32>
    %mul3A_325 = arith.mulf %add3A_213, %mul3A_324 : vector<1000x16xf32>
    %add3A_326 = arith.addf %add3A_314, %mul3A_325 : vector<1000x16xf32>
    %swap3A_327 = arith.constant 0 : index
    %swap3A_328 = arith.constant 256 : index
    %swap3A_329 = vector.load %arg18[%swap3A_327, %swap3A_328] : memref<1000x512xf32, #tpu.memory_space<vmem>>, vector<1000x128xf32>
    tpu.vector_store %arg18[%swap3A_327, %swap3A_328], %add3A_320 {strides = array<i32>} : memref<1000x512xf32, #tpu.memory_space<vmem>>, vector<1000x128xf32>,
    %swap3A_330 = arith.constant 0 : index
    %swap3A_331 = arith.constant 32 : index
    %swap3A_332 = vector.load %arg19[%swap3A_330, %swap3A_331] : memref<1000x64xf32, #tpu.memory_space<vmem>>, vector<1000x16xf32>
    tpu.vector_store %arg19[%swap3A_330, %swap3A_331], %add3A_326 {strides = array<i32>} : memref<1000x64xf32, #tpu.memory_space<vmem>>, vector<1000x16xf32>,
    %get3A_333 = arith.constant 0 : index
    %get3A_334 = arith.constant 3 : index
    %get3A_335 = vector.load %arg11[%get3A_333, %get3A_334] : memref<1000x8xf32, #tpu.memory_space<vmem>>, vector<1000x1xf32>
    %mul3A_336 = vector.broadcast %get3A_335 : vector<1000x1xf32> to vector<1000x128xf32>
    %mul3A_337 = arith.mulf %mul3A_60, %mul3A_336 : vector<1000x128xf32>
    %get3A_338 = arith.constant 0 : index
    %get3A_339 = arith.constant 3 : index
    %get3A_340 = vector.load %arg11[%get3A_338, %get3A_339] : memref<1000x8xf32, #tpu.memory_space<vmem>>, vector<1000x1xf32>
    %mul3A_341 = vector.broadcast %get3A_340 : vector<1000x1xf32> to vector<1000x16xf32>
    %mul3A_342 = arith.mulf %add3A_83, %mul3A_341 : vector<1000x16xf32>
    %get3A_343 = arith.constant 0 : index
    %get3A_344 = arith.constant 3 : index
    %get3A_345 = vector.load %arg12[%get3A_343, %get3A_344] : memref<1000x8xf32, #tpu.memory_space<vmem>>, vector<1000x1xf32>
    %mul3A_346 = vector.broadcast %get3A_345 : vector<1000x1xf32> to vector<1000x128xf32>
    %mul3A_347 = arith.mulf %mul3A_125, %mul3A_346 : vector<1000x128xf32>
    %add3A_348 = arith.addf %mul3A_337, %mul3A_347 : vector<1000x128xf32>
    %get3A_349 = arith.constant 0 : index
    %get3A_350 = arith.constant 3 : index
    %get3A_351 = vector.load %arg12[%get3A_349, %get3A_350] : memref<1000x8xf32, #tpu.memory_space<vmem>>, vector<1000x1xf32>
    %mul3A_352 = vector.broadcast %get3A_351 : vector<1000x1xf32> to vector<1000x16xf32>
    %mul3A_353 = arith.mulf %add3A_148, %mul3A_352 : vector<1000x16xf32>
    %add3A_354 = arith.addf %mul3A_342, %mul3A_353 : vector<1000x16xf32>
    %get3A_355 = arith.constant 0 : index
    %get3A_356 = arith.constant 3 : index
    %get3A_357 = vector.load %arg13[%get3A_355, %get3A_356] : memref<1000x8xf32, #tpu.memory_space<vmem>>, vector<1000x1xf32>
    %mul3A_358 = vector.broadcast %get3A_357 : vector<1000x1xf32> to vector<1000x128xf32>
    %mul3A_359 = arith.mulf %mul3A_190, %mul3A_358 : vector<1000x128xf32>
    %add3A_360 = arith.addf %add3A_348, %mul3A_359 : vector<1000x128xf32>
    %get3A_361 = arith.constant 0 : index
    %get3A_362 = arith.constant 3 : index
    %get3A_363 = vector.load %arg13[%get3A_361, %get3A_362] : memref<1000x8xf32, #tpu.memory_space<vmem>>, vector<1000x1xf32>
    %mul3A_364 = vector.broadcast %get3A_363 : vector<1000x1xf32> to vector<1000x16xf32>
    %mul3A_365 = arith.mulf %add3A_213, %mul3A_364 : vector<1000x16xf32>
    %add3A_366 = arith.addf %add3A_354, %mul3A_365 : vector<1000x16xf32>
    %swap3A_367 = arith.constant 0 : index
    %swap3A_368 = arith.constant 384 : index
    %swap3A_369 = vector.load %arg18[%swap3A_367, %swap3A_368] : memref<1000x512xf32, #tpu.memory_space<vmem>>, vector<1000x128xf32>
    tpu.vector_store %arg18[%swap3A_367, %swap3A_368], %add3A_360 {strides = array<i32>} : memref<1000x512xf32, #tpu.memory_space<vmem>>, vector<1000x128xf32>,
    %swap3A_370 = arith.constant 0 : index
    %swap3A_371 = arith.constant 48 : index
    %swap3A_372 = vector.load %arg19[%swap3A_370, %swap3A_371] : memref<1000x64xf32, #tpu.memory_space<vmem>>, vector<1000x16xf32>
    tpu.vector_store %arg19[%swap3A_370, %swap3A_371], %add3A_366 {strides = array<i32>} : memref<1000x64xf32, #tpu.memory_space<vmem>>, vector<1000x16xf32>,
    return
  }
  func.func @transform_0(%arg0: i32) -> (i32, i32) {
    %add3A = arith.constant 0 : i32
    %add3A_0 = arith.addi %add3A, %arg0 : i32
    %c0_i32 = arith.constant 0 : i32
    %c0_i32_1 = arith.constant 0 : i32
    return %add3A_0, %c0_i32 : i32, i32
  }
  func.func @transform_1(%arg0: i32) -> (i32, i32) {
    %add3A = arith.constant 200 : i32
    %add3A_0 = arith.addi %add3A, %arg0 : i32
    %c0_i32 = arith.constant 0 : i32
    %c0_i32_1 = arith.constant 0 : i32
    return %add3A_0, %c0_i32 : i32, i32
  }
  func.func @transform_2(%arg0: i32) -> (i32, i32) {
    %add3A = arith.constant 400 : i32
    %add3A_0 = arith.addi %add3A, %arg0 : i32
    %c0_i32 = arith.constant 0 : i32
    %c0_i32_1 = arith.constant 0 : i32
    return %add3A_0, %c0_i32 : i32, i32
  }
  func.func @transform_3(%arg0: i32) -> (i32, i32) {
    %add3A = arith.constant 0 : i32
    %add3A_0 = arith.addi %add3A, %arg0 : i32
    %c0_i32 = arith.constant 0 : i32
    %c0_i32_1 = arith.constant 0 : i32
    return %add3A_0, %c0_i32 : i32, i32
  }
  func.func @transform_4(%arg0: i32) -> (i32, i32) {
    %add3A = arith.constant 200 : i32
    %add3A_0 = arith.addi %add3A, %arg0 : i32
    %c0_i32 = arith.constant 0 : i32
    %c0_i32_1 = arith.constant 0 : i32
    return %add3A_0, %c0_i32 : i32, i32
  }
  func.func @transform_5(%arg0: i32) -> (i32, i32) {
    %add3A = arith.constant 400 : i32
    %add3A_0 = arith.addi %add3A, %arg0 : i32
    %c0_i32 = arith.constant 0 : i32
    %c0_i32_1 = arith.constant 0 : i32
    return %add3A_0, %c0_i32 : i32, i32
  }
  func.func @transform_6(%arg0: i32) -> (i32, i32) {
    %c0_i32 = arith.constant 0 : i32
    %c0_i32_0 = arith.constant 0 : i32
    return %arg0, %c0_i32 : i32, i32
  }
  func.func @transform_7(%arg0: i32) -> (i32, i32) {
    %add3A = arith.constant 0 : i32
    %add3A_0 = arith.addi %add3A, %arg0 : i32
    %c0_i32 = arith.constant 0 : i32
    %c0_i32_1 = arith.constant 0 : i32
    return %add3A_0, %c0_i32 : i32, i32
  }
  func.func @transform_8(%arg0: i32) -> (i32, i32) {
    %add3A = arith.constant 200 : i32
    %add3A_0 = arith.addi %add3A, %arg0 : i32
    %c0_i32 = arith.constant 0 : i32
    %c0_i32_1 = arith.constant 0 : i32
    return %add3A_0, %c0_i32 : i32, i32
  }
  func.func @transform_9(%arg0: i32) -> (i32, i32) {
    %add3A = arith.constant 400 : i32
    %add3A_0 = arith.addi %add3A, %arg0 : i32
    %c0_i32 = arith.constant 0 : i32
    %c0_i32_1 = arith.constant 0 : i32
    return %add3A_0, %c0_i32 : i32, i32
  }
  func.func @transform_10(%arg0: i32) -> (i32, i32) {
    %add3A = arith.constant 0 : i32
    %add3A_0 = arith.addi %add3A, %arg0 : i32
    %c0_i32 = arith.constant 0 : i32
    %c0_i32_1 = arith.constant 0 : i32
    return %add3A_0, %c0_i32 : i32, i32
  }
  func.func @transform_11(%arg0: i32) -> (i32, i32) {
    %add3A = arith.constant 200 : i32
    %add3A_0 = arith.addi %add3A, %arg0 : i32
    %c0_i32 = arith.constant 0 : i32
    %c0_i32_1 = arith.constant 0 : i32
    return %add3A_0, %c0_i32 : i32, i32
  }
  func.func @transform_12(%arg0: i32) -> (i32, i32) {
    %add3A = arith.constant 400 : i32
    %add3A_0 = arith.addi %add3A, %arg0 : i32
    %c0_i32 = arith.constant 0 : i32
    %c0_i32_1 = arith.constant 0 : i32
    return %add3A_0, %c0_i32 : i32, i32
  }
  func.func @transform_13(%arg0: i32) -> (i32, i32) {
    %c0_i32 = arith.constant 0 : i32
    %c0_i32_0 = arith.constant 0 : i32
    %c0_i32_1 = arith.constant 0 : i32
    return %c0_i32, %c0_i32_0 : i32, i32
  }
  func.func @transform_14(%arg0: i32) -> (i32, i32) {
    %c0_i32 = arith.constant 0 : i32
    %c0_i32_0 = arith.constant 0 : i32
    %c0_i32_1 = arith.constant 0 : i32
    return %c0_i32, %c0_i32_0 : i32, i32
  }
  func.func @transform_15(%arg0: i32) -> (i32, i32) {
    %c0_i32 = arith.constant 0 : i32
    %c0_i32_0 = arith.constant 0 : i32
    %c0_i32_1 = arith.constant 0 : i32
    return %c0_i32, %c0_i32_0 : i32, i32
  }
  func.func @transform_16(%arg0: i32) -> (i32, i32) {
    %c0_i32 = arith.constant 0 : i32
    %c0_i32_0 = arith.constant 0 : i32
    %c0_i32_1 = arith.constant 0 : i32
    return %c0_i32, %c0_i32_0 : i32, i32
  }
  func.func @transform_17(%arg0: i32) -> (i32, i32) {
    %c0_i32 = arith.constant 0 : i32
    %c0_i32_0 = arith.constant 0 : i32
    return %arg0, %c0_i32 : i32, i32
  }
  func.func @transform_18(%arg0: i32) -> (i32, i32) {
    %c0_i32 = arith.constant 0 : i32
    %c0_i32_0 = arith.constant 0 : i32
    return %arg0, %c0_i32 : i32, i32
  }
}

module attributes {stable_mosaic.version = 14 : i64} {
  func.func @_node_body(%arg0: i32, %arg1: memref<2000x128xf32, #tpu.memory_space<vmem>>, %arg2: memref<2000x128xf32, #tpu.memory_space<vmem>>, %arg3: memref<2000x16xf32, #tpu.memory_space<vmem>>, %arg4: memref<2000x16xf32, #tpu.memory_space<vmem>>, %arg5: memref<2000x16xf32, #tpu.memory_space<vmem>>, %arg6: memref<128x128xf32, #tpu.memory_space<vmem>>, %arg7: memref<128x128xf32, #tpu.memory_space<vmem>>, %arg8: memref<128x128xf32, #tpu.memory_space<vmem>>, %arg9: memref<8x128xf32, #tpu.memory_space<vmem>>, %arg10: memref<2000x128xf32, #tpu.memory_space<vmem>>, %arg11: memref<2000x16xf32, #tpu.memory_space<vmem>>) attributes {dimension_semantics = [#tpu.dimension_semantics<arbitrary>], iteration_bounds = array<i64: 25>, scalar_prefetch = 0 : i64, scratch_operands = 0 : i64, tpu.core_type = #tpu.core_type<tc>, window_params = [{transform_indices = @transform_0, window_bounds = array<i64: 2000, 128>}, {transform_indices = @transform_1, window_bounds = array<i64: 2000, 128>}, {transform_indices = @transform_2, window_bounds = array<i64: 2000, 16>}, {transform_indices = @transform_3, window_bounds = array<i64: 2000, 16>}, {transform_indices = @transform_4, window_bounds = array<i64: 2000, 16>}, {pipeline_mode = #tpu.pipeline_mode<synchronous>, transform_indices = @transform_5, window_bounds = array<i64: 128, 128>}, {pipeline_mode = #tpu.pipeline_mode<synchronous>, transform_indices = @transform_6, window_bounds = array<i64: 128, 128>}, {pipeline_mode = #tpu.pipeline_mode<synchronous>, transform_indices = @transform_7, window_bounds = array<i64: 128, 128>}, {pipeline_mode = #tpu.pipeline_mode<synchronous>, transform_indices = @transform_8, window_bounds = array<i64: 8, 128>}, {transform_indices = @transform_9, window_bounds = array<i64: 2000, 128>}, {transform_indices = @transform_10, window_bounds = array<i64: 2000, 16>}]} {
    %get3A = arith.constant 0 : index
    %get3A_0 = arith.constant 0 : index
    %get3A_1 = vector.load %arg9[%get3A, %get3A_0] : memref<8x128xf32, #tpu.memory_space<vmem>>, vector<1x128xf32>
    %get3A_2 = arith.constant 1 : index
    %get3A_3 = arith.constant 0 : index
    %get3A_4 = vector.load %arg9[%get3A_2, %get3A_3] : memref<8x128xf32, #tpu.memory_space<vmem>>, vector<1x128xf32>
    %get3A_5 = arith.constant 0 : index
    %get3A_6 = arith.constant 0 : index
    %get3A_7 = vector.load %arg1[%get3A_5, %get3A_6] : memref<2000x128xf32, #tpu.memory_space<vmem>>, vector<2000x128xf32>
    %get3A_8 = arith.constant 0 : index
    %get3A_9 = arith.constant 0 : index
    %get3A_10 = vector.load %arg6[%get3A_8, %get3A_9] : memref<128x128xf32, #tpu.memory_space<vmem>>, vector<128x128xf32>
    %dot_general3A = arith.constant dense<0.000000e+00> : vector<2000x128xf32>
    %dot_general3A_11 = tpu.matmul %get3A_7, %get3A_10, %dot_general3A {dimension_numbers = #tpu.dot_dimension_numbers<[1], [0], [0], [1], [0, 0, 1, 1], [], []>, transpose_lhs_hint = false} : vector<2000x128xf32>, vector<128x128xf32>, vector<2000x128xf32> -> vector<2000x128xf32>
    %get3A_12 = arith.constant 0 : index
    %get3A_13 = arith.constant 0 : index
    %get3A_14 = vector.load %arg2[%get3A_12, %get3A_13] : memref<2000x128xf32, #tpu.memory_space<vmem>>, vector<2000x128xf32>
    %get3A_15 = arith.constant 0 : index
    %get3A_16 = arith.constant 0 : index
    %get3A_17 = vector.load %arg7[%get3A_15, %get3A_16] : memref<128x128xf32, #tpu.memory_space<vmem>>, vector<128x128xf32>
    %dot_general3A_18 = arith.constant dense<0.000000e+00> : vector<2000x128xf32>
    %dot_general3A_19 = tpu.matmul %get3A_14, %get3A_17, %dot_general3A_18 {dimension_numbers = #tpu.dot_dimension_numbers<[1], [0], [0], [1], [0, 0, 1, 1], [], []>, transpose_lhs_hint = false} : vector<2000x128xf32>, vector<128x128xf32>, vector<2000x128xf32> -> vector<2000x128xf32>
    %add3A = arith.addf %dot_general3A_11, %dot_general3A_19 : vector<2000x128xf32>
    %add3A_20 = vector.broadcast %get3A_1 : vector<1x128xf32> to vector<2000x128xf32>
    %add3A_21 = arith.addf %add3A, %add3A_20 : vector<2000x128xf32>
    %logistic3A = arith.negf %add3A_21 : vector<2000x128xf32>
    %logistic3A_22 = math.exp %logistic3A : vector<2000x128xf32>
    %logistic3A_23 = arith.constant 1.000000e+00 : f32
    %logistic3A_24 = vector.broadcast %logistic3A_23 : f32 to vector<2000x128xf32>
    %logistic3A_25 = arith.addf %logistic3A_24, %logistic3A_22 : vector<2000x128xf32>
    %logistic3A_26 = arith.divf %logistic3A_24, %logistic3A_25 : vector<2000x128xf32>
    %mul3A = arith.mulf %add3A_21, %logistic3A_26 : vector<2000x128xf32>
    %get3A_27 = arith.constant 0 : index
    %get3A_28 = arith.constant 0 : index
    %get3A_29 = vector.load %arg8[%get3A_27, %get3A_28] : memref<128x128xf32, #tpu.memory_space<vmem>>, vector<128x128xf32>
    %dot_general3A_30 = arith.constant dense<0.000000e+00> : vector<2000x128xf32>
    %dot_general3A_31 = tpu.matmul %mul3A, %get3A_29, %dot_general3A_30 {dimension_numbers = #tpu.dot_dimension_numbers<[1], [0], [0], [1], [0, 0, 1, 1], [], []>, transpose_lhs_hint = false} : vector<2000x128xf32>, vector<128x128xf32>, vector<2000x128xf32> -> vector<2000x128xf32>
    %add3A_32 = arith.addf %get3A_7, %dot_general3A_31 : vector<2000x128xf32>
    %add3A_33 = vector.broadcast %get3A_4 : vector<1x128xf32> to vector<2000x128xf32>
    %add3A_34 = arith.addf %add3A_32, %add3A_33 : vector<2000x128xf32>
    %swap3A = arith.constant 0 : index
    %swap3A_35 = arith.constant 0 : index
    %swap3A_36 = vector.load %arg10[%swap3A, %swap3A_35] : memref<2000x128xf32, #tpu.memory_space<vmem>>, vector<2000x128xf32>
    tpu.vector_store %arg10[%swap3A, %swap3A_35], %add3A_34 {strides = array<i32>} : memref<2000x128xf32, #tpu.memory_space<vmem>>, vector<2000x128xf32>,
    %iota3A = tpu.iota {dimensions = array<i32: 1>} : vector<1x16xi32>
    %ne3A = arith.constant 8 : i32
    %ne3A_37 = vector.broadcast %ne3A : i32 to vector<1x16xi32>
    %ne3A_38 = arith.cmpi ne, %iota3A, %ne3A_37 : vector<1x16xi32>
    %convert_element_type3A = arith.extui %ne3A_38 : vector<1x16xi1> to vector<1x16xi32>
    %convert_element_type3A_39 = arith.sitofp %convert_element_type3A : vector<1x16xi32> to vector<1x16xf32>
    %get3A_40 = arith.constant 0 : index
    %get3A_41 = arith.constant 0 : index
    %get3A_42 = vector.load %arg3[%get3A_40, %get3A_41] : memref<2000x16xf32, #tpu.memory_space<vmem>>, vector<2000x16xf32>
    %get3A_43 = arith.constant 0 : index
    %get3A_44 = arith.constant 0 : index
    %get3A_45 = vector.load %arg4[%get3A_43, %get3A_44] : memref<2000x16xf32, #tpu.memory_space<vmem>>, vector<2000x16xf32>
    %get3A_46 = arith.constant 0 : index
    %get3A_47 = arith.constant 0 : index
    %get3A_48 = vector.load %arg5[%get3A_46, %get3A_47] : memref<2000x16xf32, #tpu.memory_space<vmem>>, vector<2000x16xf32>
    %div3A = arith.divf %get3A_45, %get3A_48 : vector<2000x16xf32>
    %mul3A_49 = vector.broadcast %convert_element_type3A_39 : vector<1x16xf32> to vector<2000x16xf32>
    %mul3A_50 = arith.mulf %div3A, %mul3A_49 : vector<2000x16xf32>
    %add3A_51 = arith.addf %get3A_42, %mul3A_50 : vector<2000x16xf32>
    %swap3A_52 = arith.constant 0 : index
    %swap3A_53 = arith.constant 0 : index
    %swap3A_54 = vector.load %arg11[%swap3A_52, %swap3A_53] : memref<2000x16xf32, #tpu.memory_space<vmem>>, vector<2000x16xf32>
    tpu.vector_store %arg11[%swap3A_52, %swap3A_53], %add3A_51 {strides = array<i32>} : memref<2000x16xf32, #tpu.memory_space<vmem>>, vector<2000x16xf32>,
    return
  }
  func.func @transform_0(%arg0: i32) -> (i32, i32) {
    %c0_i32 = arith.constant 0 : i32
    %c0_i32_0 = arith.constant 0 : i32
    return %arg0, %c0_i32 : i32, i32
  }
  func.func @transform_1(%arg0: i32) -> (i32, i32) {
    %c0_i32 = arith.constant 0 : i32
    %c0_i32_0 = arith.constant 0 : i32
    return %arg0, %c0_i32 : i32, i32
  }
  func.func @transform_2(%arg0: i32) -> (i32, i32) {
    %c0_i32 = arith.constant 0 : i32
    %c0_i32_0 = arith.constant 0 : i32
    return %arg0, %c0_i32 : i32, i32
  }
  func.func @transform_3(%arg0: i32) -> (i32, i32) {
    %c0_i32 = arith.constant 0 : i32
    %c0_i32_0 = arith.constant 0 : i32
    return %arg0, %c0_i32 : i32, i32
  }
  func.func @transform_4(%arg0: i32) -> (i32, i32) {
    %c0_i32 = arith.constant 0 : i32
    %c0_i32_0 = arith.constant 0 : i32
    return %arg0, %c0_i32 : i32, i32
  }
  func.func @transform_5(%arg0: i32) -> (i32, i32) {
    %c0_i32 = arith.constant 0 : i32
    %c0_i32_0 = arith.constant 0 : i32
    %c0_i32_1 = arith.constant 0 : i32
    return %c0_i32, %c0_i32_0 : i32, i32
  }
  func.func @transform_6(%arg0: i32) -> (i32, i32) {
    %c0_i32 = arith.constant 0 : i32
    %c0_i32_0 = arith.constant 0 : i32
    %c0_i32_1 = arith.constant 0 : i32
    return %c0_i32, %c0_i32_0 : i32, i32
  }
  func.func @transform_7(%arg0: i32) -> (i32, i32) {
    %c0_i32 = arith.constant 0 : i32
    %c0_i32_0 = arith.constant 0 : i32
    %c0_i32_1 = arith.constant 0 : i32
    return %c0_i32, %c0_i32_0 : i32, i32
  }
  func.func @transform_8(%arg0: i32) -> (i32, i32) {
    %c0_i32 = arith.constant 0 : i32
    %c0_i32_0 = arith.constant 0 : i32
    %c0_i32_1 = arith.constant 0 : i32
    return %c0_i32, %c0_i32_0 : i32, i32
  }
  func.func @transform_9(%arg0: i32) -> (i32, i32) {
    %c0_i32 = arith.constant 0 : i32
    %c0_i32_0 = arith.constant 0 : i32
    return %arg0, %c0_i32 : i32, i32
  }
  func.func @transform_10(%arg0: i32) -> (i32, i32) {
    %c0_i32 = arith.constant 0 : i32
    %c0_i32_0 = arith.constant 0 : i32
    return %arg0, %c0_i32 : i32, i32
  }
}

</mosaic_0001>

<sc_bundles>
// kernel: kernel.16.cloned.1.call-start
scs
__scs_entry_jumppad:
0x0: {  	(pc) =	sbr.rel $0x88, $3  }
0x1: {  	(tag) =	ssettag $0x0;
	lr =	simm.s32 $0x1  }
0x2: {  	[smem:$0x3F8E] =	sst lr;
	_ =	strace $0xD0000000  }
0x3: {  	_ = 	snop  }
0x4: {  	_ = 	snop  }
0x5: {  	_ = 	snop  }
0x6: {  	_ = 	snop  }
0x7: {  	_ = 	snop  }
__scs_overlays_trampoline_lowered:
0x8: {  	[smem:$0x3F9D] =	sst s0  }
0x9: {  	[smem:$0x3F9E] =	sst s1  }
0xa: {  	[smem:$0x3F9F] =	sst s2  }
0xb: {  	[smem:$0x3FA0] =	sst s3  }
0xc: {  	[smem:$0x3FA1] =	sst s4  }
0xd: {  	[smem:$0x3FA2] =	sst s5  }
0xe: {  	[smem:$0x3FA3] =	sst s6  }
0xf: {  	[smem:$0x3FA4] =	sst s7  }
0x10: {  	[smem:$0x3FA5] =	sst s8  }
0x11: {  	[smem:$0x3FA6] =	sst s9;
	s0 =	simm.s32 @!p0 $0x0  }
0x12: {  	s1 =	sld [smem:$0x3F8C];
	s0 =	simm.s32 @p0 $0x1  }
0x13: {  	[smem:$0x3FA7] =	sst s0;
	s0 =	simm.s32 @!p1 $0x0  }
0x14: {  	s2 =	sld [smem:$0x3F8B];
	s0 =	simm.s32 @p1 $0x1  }
0x15: {  	[smem:$0x3FA8] =	sst s0;
	s0 =	simm.s32 @!p2 $0x0  }
0x16: {  	s3 =	sld [smem:$0x3FDB];
	s0 =	simm.s32 @p2 $0x1  }
0x17: {  	s4 =	simm.s32 $0x1BF5;
	[smem:$0x3FAA] =	sst s0  }
0x18: {  	s0 =	sld [smem:$0x3F8D];
	_ =	swait.ge [sflag:s4], $0x0  }
0x19: {  	s7 =	sld [smem:$0x3F8E]  }
0x1a: {  	s8 =	sadd.s32 $0xFFFFE003, lr  }
0x1b: {  	s9 =	sadd.s32 $0xFFFFFEF7, lr;
	s5 =	simm.s32 $0xFFFFFFFF;
	p2 =	slt.u32 s8, $0xFFFFF086  }
0x1c: {  	p1 =	slt.u32 s9, $0xF7A;
	s5 =	simm.s32 @!p2 $0x0  }
0x1d: {  	s5 =	simm.s32 @p1 $0x1;
	p0 =	seq.s32 s7, s2  }
0x1e: {  	s7 =	smul.u32 @!p0 $0xF7A, s2;
	p2 =	seq.s32 @!p0 s5, $0x0  }
0x1f: {  	s9 =	smul.u32 $0xF7A, s1;
	s8 =	simm.s32 @!p0 $0x1BF5;
	p2 =	por !p2, p0  }
0x20: {  	[sflag:s8] =	ssyncset.s32 @!p0 $0xFFFFF086;
	s6 =	sadd.s32 @!p0 s3, s7;
	s7 =	simm.s32 @!p0 $0x108  }
0x21: {  	s3 =	sadd.s32 s3, s9;
	s6 =	sadd.s32 @!p0 $0x88, s6;
	s7 =	simm.s32 @p2 $0x1082  }
0x22: {  	[simem:s7], [sflag:s8] =	dma.local @!p0 [hbm:s6], $0xF7A  }
0x23: {  	s9 =	sor.u32 $0xD0000000, s2;
	s6 =	simm.s32 $0x108;
	_ =	swait.ge @!p0 [sflag:s8], $0x0  }
0x24: {  	s3 =	sadd.s32 $0x88, s3;
	s6 =	simm.s32 @!p1 $0x1082;
	[sflag:s4] =	ssyncset.s32 $0xFFFFF086  }
0x25: {  	[simem:s6], [sflag:s4] =	dma.local [hbm:s3], $0xF7A  }
0x26: {  	[smem:$0x3F8E] =	sst s1;
	(tag) =	ssettag s2;
	_ =	strace s9  }
0x27: {  	s1 =	sld [smem:$0x3F9E]  }
0x28: {  	s2 =	sld [smem:$0x3F9F]  }
0x29: {  	s4 =	sld [smem:$0x3FA1]  }
0x2a: {  	p0 =	seq.s32 s5, $0x0;
	s5 =	sld [smem:$0x3FA2]  }
0x2b: {  	s6 =	sld [smem:$0x3FA3]  }
0x2c: {  	s7 =	sld [smem:$0x3FA4]  }
0x2d: {  	s3 =	simm.s32 $0x108;
	s8 =	sld [smem:$0x3FA5]  }
0x2e: {  	s3 =	simm.s32 @!p0 $0x1082;
	s9 =	sld [smem:$0x3FA6]  }
0x2f: {  	lr =	sadd.s32 s0, s3;
	s0 =	sld [smem:$0x3F9D]  }
0x30: {  	s3 =	sld [smem:$0x3FA0]  }
0x31: {  	[smem:$0x3FA9] =	sst s10  }
0x32: {  	s10 =	sld [smem:$0x3FA7];
	_ =	sdelay $0x3  }
0x33: {  	p0 =	seq.s32 s10, $0x1;
	s10 =	sld [smem:$0x3FA9];
	_ =	sdelay $0x3  }
0x34: {  	[smem:$0x3FA9] =	sst s10  }
0x35: {  	s10 =	sld [smem:$0x3FA8];
	_ =	sdelay $0x3  }
0x36: {  	p1 =	seq.s32 s10, $0x1;
	s10 =	sld [smem:$0x3FA9];
	_ =	sdelay $0x3  }
0x37: {  	[smem:$0x3FA9] =	sst s10  }
0x38: {  	s10 =	sld [smem:$0x3FAA]  }
0x39: {  	_ = 	snop;
	(pc) =	sbr.ind lr, $3  }
0x3a: {  	_ = 	snop  }
0x3b: {  	_ = 	snop  }
0x3c: {  	p2 =	seq.s32 s10, $0x1;
	s10 =	sld [smem:$0x3FA9]  }
0x3d: {  	_ =	shalt  }
0x3e: {  	_ =	shalt  }
0x3f: {  	_ =	shalt  }
0x40: {  	_ =	shalt  }
0x41: {  	_ =	shalt  }
0x42: {  	_ =	shalt  }
0x43: {  	_ =	shalt  }
0x44: {  	_ =	shalt  }
0x45: {  	_ =	shalt  }
0x46: {  	_ =	shalt  }
0x47: {  	_ =	shalt  }
0x48: {  	_ =	shalt  }
0x49: {  	_ =	shalt  }
0x4a: {  	_ =	shalt  }
0x4b: {  	_ =	shalt  }
0x4c: {  	_ =	shalt  }
0x4d: {  	_ =	shalt  }
0x4e: {  	_ =	shalt  }
0x4f: {  	_ =	shalt  }
0x50: {  	_ =	shalt  }
0x51: {  	_ =	shalt  }
0x52: {  	_ =	shalt  }
0x53: {  	_ =	shalt  }
0x54: {  	_ =	shalt  }
0x55: {  	_ =	shalt  }
0x56: {  	_ =	shalt  }
0x57: {  	_ =	shalt  }
0x58: {  	_ =	shalt  }
0x59: {  	_ =	shalt  }
0x5a: {  	_ =	shalt  }
0x5b: {  	_ =	shalt  }
0x5c: {  	_ =	shalt  }
0x5d: {  	_ =	shalt  }
0x5e: {  	_ =	shalt  }
0x5f: {  	_ =	shalt  }
0x60: {  	_ =	shalt  }
0x61: {  	_ =	shalt  }
0x62: {  	_ =	shalt  }
0x63: {  	_ =	shalt  }
0x64: {  	_ =	shalt  }
0x65: {  	_ =	shalt  }
0x66: {  	_ =	shalt  }
0x67: {  	_ =	shalt  }
0x68: {  	_ =	shalt  }
0x69: {  	_ =	shalt  }
0x6a: {  	_ =	shalt  }
0x6b: {  	_ =	shalt  }
0x6c: {  	_ =	shalt  }
0x6d: {  	_ =	shalt  }
0x6e: {  	_ =	shalt  }
0x6f: {  	_ =	shalt  }
0x70: {  	_ =	shalt  }
0x71: {  	_ =	shalt  }
0x72: {  	_ =	shalt  }
0x73: {  	_ =	shalt  }
0x74: {  	_ =	shalt  }
0x75: {  	_ =	shalt  }
0x76: {  	_ =	shalt  }
0x77: {  	_ =	shalt  }
0x78: {  	_ =	shalt  }
0x79: {  	_ =	shalt  }
0x7a: {  	_ =	shalt  }
0x7b: {  	_ =	shalt  }
0x7c: {  	_ =	shalt  }
0x7d: {  	_ =	shalt  }
0x7e: {  	_ =	shalt  }
0x7f: {  	_ =	shalt  }
0x80: {  	_ =	shalt  }
0x81: {  	_ =	shalt  }
0x82: {  	_ =	shalt  }
0x83: {  	_ =	shalt  }
0x84: {  	_ =	shalt  }
0x85: {  	_ =	shalt  }
0x86: {  	_ =	shalt  }
0x87: {  	_ =	shalt  }
.Lfunc_end0:
.L_simem_size_0:
called_computation.4_lowered:
.L_overlay_start_0:
0x88: {  	s2 =	sld [smem:$0x3FD9]  }
0x89: {  	s3 =	sld [smem:$0x3FFE];
	_ =	sdelay $0x1  }
0x8a: {  	s1 =	srdreg.scid  }
0x8b: {  	s0 =	sand.u32 $0x1, s1  }
0x8c: {  	s17 =	sshll.u32 s0, $0xA;
	s2 =	sadd.s32 s3, s2  }
0x8d: {  	s2 =	sadd.s32 s2, s17  }
0x8e: {  	[smem:$0x3FB5] =	sst s2  }
0x8f: {  	_ = 	snop  }
0x90: {  	(tm) =	ssettm $0x1  }
0x91: {  	s18 =	sld [smem:$0x3FFB];
	_ =	sdelay $0x3  }
0x92: {  	_ =	strace s18  }
0x93: {  	s2 =	sld [smem:$0x3FFC];
	_ =	sdelay $0x3  }
0x94: {  	_ =	strace s2  }
0x95: {  	s2 =	sld [smem:$0x3FFD];
	_ =	sdelay $0x3  }
0x96: {  	_ =	strace s2  }
0x97: {  	_ =	strace $0x8FFFFFFF  }
0x98: {  	s19 =	sld [smem:$0x3FDB];
	_ =	sdelay $0x1  }
0x99: {  	s20 =	simm.s32 $_scs_section_size  }
0x9a: {  	s4 =	simm.s32 $_size__tile_overlayer_lowered;
	s5 =	simm.s32 $_tile_overlayer_lowered  }
0x9b: {  	s6 =	simm.s32 $0x1BFF;
	s21 =	sshll.u32 s5, $0x1;
	s3 =	sadd.s32 s20, s19  }
0x9c: {  	s22 =	simm.s32 $0x0;
	s4 =	sshll.u32 s4, $0x1;
	s5 =	sadd.s32 s21, s3  }
0x9d: {  	[timem:s22], [sflag:s6] =	dma.local [hbm:s5], s4  }
0x9e: {  	_ =	swait.ge [sflag:s6], s4  }
0x9f: {  	s4 =	ssub.s32 $0x0, s4;
	[sflag:s6] =	ssyncset.done $0x0  }
0xa0: {  	[sflag:s6] =	ssyncadd.s32 s4;
	_ =	sdelay $0x1  }
0xa1: {  	s23 =	simm.s32 $0x1B8B  }
0xa2: {  	_ =	swait.ge [sflag:s23], $0x1  }
0xa3: {  	[sflag:s23] =	ssyncset.done $0x0  }
0xa4: {  	[sflag:s23] =	ssyncadd.s32 $0xFFFFFFFF  }
0xa5: {  	s4 =	sld [smem:$0x0]  }
0xa6: {  	s5 =	sand.u32 $0xFFFFFFFE, s1  }
0xa7: {  	p0 =	sne.s32 s1, s5  }
0xa8: {  	s5 =	sshll.u32 @p0 s5, $0xE  }
0xa9: {  	s5 =	sadd.s32 @p0 $0x11B8D, s5;
	s6 =	sshll.u32 @p0 s4, $0x11  }
0xaa: {  	s5 =	sor.u32 @p0 s6, s5  }
0xab: {  	[sflag:s5] =	ssyncadd.remote.s32 @p0 $0x1;
	_ =	sdelay $0x1  }
0xac: {  	s5 =	simm.s32 @p0 $0x1B8D  }
0xad: {  	_ =	swait.eq @p0 [sflag:s5], $0x1  }
0xae: {  	[sflag:s5] =	ssyncadd.s32 @p0 $0xFFFFFFFF  }
0xaf: {  	s6 =	sshll.u32 @!p0 s1, $0xE  }
0xb0: {  	s6 =	sor.u32 @!p0 $0x4000, s6;
	s5 =	simm.s32 @!p0 $0x1B8D  }
0xb1: {  	s4 =	sshll.u32 @!p0 s4, $0x11;
	s6 =	sadd.s32 @!p0 $0x11B8D, s6;
	_ =	swait.eq @!p0 [sflag:s5], $0x1  }
0xb2: {  	s4 =	sor.u32 @!p0 s4, s6;
	[sflag:s5] =	ssyncadd.s32 @!p0 $0xFFFFFFFF  }
0xb3: {  	s25 =	simm.s32 $0x1B8E;
	s24 =	sld [smem:$0x3FFE];
	[sflag:s4] =	ssyncadd.remote.s32 @!p0 $0x1  }
0xb4: {  	s26 =	simm.s32 $execute0_lowered;
	[smem:$0x3FD2] =	sst s25  }
0xb5: {  	s5 =	sshll.u32 s26, $0x1;
	_ =	strace $0x80000049;
	[dreg:$0x1] =	wrdreg $0xFFFFFFFF  }
0xb6: {  	s28 =	simm.s32 $_size_execute0_lowered;
	s3 =	sadd.s32 s3, s5;
	[dreg:$0x0] =	wrdreg $0x0  }
0xb7: {  	s5 =	sshll.u32 s28, $0x1;
	[dreg:$0x2] =	wrdreg s3  }
0xb8: {  	[dreg:$0x3] =	wrdreg s5  }
0xb9: {  	[dreg:$0x4] =	wrdreg $0xC0  }
0xba: {  	_ =	task [dreg:s22], $0x5FFFF  }
0xbb: {  	[dreg:$0x1] =	wrdreg $0xFFFFFFFF  }
0xbc: {  	[dreg:$0x0] =	wrdreg $0x60  }
0xbd: {  	[dreg:$0x2] =	wrdreg s24  }
0xbe: {  	[dreg:$0x3] =	wrdreg $0x9  }
0xbf: {  	_ =	task.clear_ibuf [dreg:s22], $0x4FFFF;
	_ =	strace $0x90000049  }
0xc0: {  	s29 =	simm.s32 $0x9;
	_ =	strace $0x8000004B  }
0xc1: {  	_ =	swait.ge [sflag:s29], $0x1  }
0xc2: {  	[sflag:s29] =	ssyncadd.s32 $0xFFFFFFFF  }
0xc3: {  	_ =	strace $0x9000004B  }
0xc4: {  	_ =	sfence  }
0xc5: {  	s30 =	sld [smem:$0x0];
	_ =	sdelay $0x2  }
0xc6: {  	s31 =	sshll.u32 s1, $0xD;
	s1 =	sshrl.u32 s1, $0x2  }
0xc7: {  	s4 =	sand.u32 $0x4000, s31;
	s1 =	sadd.s32 s1, s30  }
0xc8: {  	s0 =	sor.u32 s4, s0;
	s1 =	sshll.u32 s1, $0x11  }
0xc9: {  	s0 =	sor.u32 s1, s0  }
0xca: {  	s0 =	sadd.s32 $0x8F2B, s0  }
0xcb: {  	[sflag:s0] =	ssyncadd.remote.s32 $0x1  }
0xcc: {  	_ =	sfence.sel $0xFFFF  }
0xcd: {  	[dreg:$0x0] =	wrdreg $0xFFFFFFFF;
	(pc) =	sbr.abs _section_cstart, $3  }
0xce: {  	[dreg:$0x1] =	wrdreg $0xFFFFFFFF  }
0xcf: {  	_ =	task.clear_ibuf [dreg:s22], $0x2FFFF;
	_ =	strace $0x9FFFFFFF  }
0xd0: {  	(tm) =	ssettm $0x7FFFFFFF  }
0xd1: {  	_ =	shalt  }
tec
execute0_lowered:
.L_overlay_start_1:
0x0: {  	(tag) =	ssettag $0x1  }
0x1: {  	s4 =	rddreg [dreg:$0x0]  }
0x2: {  	s0 =	rddreg [dreg:$0x1]  }
0x3: {  	s3 =	srdreg.scid;
	s1 =	stileid.u32;
	s2 =	simm.s32 $0x0  }
0x4: {  	s10 =	simm.s32 $0x1;
	s11 =	simm.s32 $0x0;
	s6 =	smul.u32 $0x9600, s1  }
0x5: {  	s5 =	sand.u32 $0x1, s3;
	[smem:$0x7FF] =	sst s2;
	s8 =	smul.u32 $0x96000, s1  }
0x6: {  	s3 =	sadd.s32 $0xB8B200, s4;
	s7 =	smul.u32 $0x4B00, s5;
	s9 =	ssub.s32 $0x2, s5  }
0x7: {  	_ =	strace $0x8000004A;
	s5 =	smul.u32 $0x4B000, s5;
	s31 =	sshrl.u32 s9, $0x1  }
0x8: {  	s30 =	sadd.s32 s8, s4;
	s6 =	sadd.s32 s7, s6;
	s8 =	ssub.s32 s9, s31  }
0x9: {  	s5 =	sadd.s32 s5, s30;
	s7 =	simm.s32 $0x2;
	s6 =	sshrl.u32 s6, $0x3  }
0xa: {  	s9 =	simm.s32 $0x180;
	s5 =	sadd.s32 $0xC4E800, s5;
	s6 =	sadd.s32 s6, s4  }
0xb: {  	s4 =	smax.u32 s8, $0x1;
	s8 =	simm.s32 $0x140;
	s6 =	sadd.s32 $0x138600, s6  }
.LBB2_1:
0xc: {  	s12 =	sadd.s32 $0x0, s6  }
0xd: {  	[tilespmem:s2], [sflag:$0x2] =	stream.linear.gather [hbm4b:s12+s2], $0x140, $0x38;
	[tilespmem:$0xA180] =	vst v63  }
0xe: {  	_ =	swait.ge [sflag:s7], $0x140  }
0xf: {  	[sflag:s7] =	ssyncset.done $0x0  }
0x10: {  	[sflag:s7] =	ssyncadd.s32 $0xFFFFFEC0  }
0x11: {  	[tilespmem:s9], [sflag:$0x1] =	stream.indirect.gather [hbm4b:s3+s8], $0x80, s2, s8, $0xb8;
	[tilespmem:$0xA180] =	vst v63  }
0x12: {  	_ =	swait.ge [sflag:s10], $0xA000  }
0x13: {  	[sflag:s10] =	ssyncset.done $0x0  }
0x14: {  	[sflag:s10] =	ssyncadd.s32 $0xFFFF6000  }
0x15: {  	[hbm4b:s5+s2] =	stream.linear.scatter [tilespmem:s9], [sflag:$0x2], $0xA000, $0x38;
	[tilespmem:$0xA180] =	vst v63  }
0x16: {  	s13 =	simm.s32 $0x28;
	_ =	swait.ge [sflag:s7], $0xA000  }
0x17: {  	s14 =	simm.s32 $0x50;
	s12 =	sadd.s32 $0x1400, s5;
	[sflag:s7] =	ssyncset.done $0x0  }
.LBB2_2:
0x18: {  	s15 =	sadd.s32 s13, s6  }
0x19: {  	[sflag:s7] =	ssyncadd.s32 $0xFFFF6000;
	s13 =	smov.u32 s14;
	s16 =	sadd.s32 $0x28, s14  }
0x1a: {  	[tilespmem:s2], [sflag:$0x2] =	stream.linear.gather [hbm4b:s15+s2], $0x140, $0x38;
	[tilespmem:$0xA180] =	vst v63  }
0x1b: {  	p0 =	sne.s32 s14, $0x938;
	_ =	swait.ge [sflag:s7], $0x140  }
0x1c: {  	[sflag:s7] =	ssyncset.done $0x0  }
0x1d: {  	[sflag:s7] =	ssyncadd.s32 $0xFFFFFEC0  }
0x1e: {  	[tilespmem:s9], [sflag:$0x1] =	stream.indirect.gather [hbm4b:s3+s8], $0x80, s2, s8, $0xb8;
	[tilespmem:$0xA180] =	vst v63  }
0x1f: {  	_ =	swait.ge [sflag:s10], $0xA000  }
.Ltmp0:
0x20: {  	[sflag:s10] =	ssyncset.done $0x0;
	(pc) =	sbr.rel @p0 .LBB2_2-.Ltmp0, $4  }
0x21: {  	[sflag:s10] =	ssyncadd.s32 $0xFFFF6000  }
0x22: {  	[hbm4b:s12+s2] =	stream.linear.scatter [tilespmem:s9], [sflag:$0x2], $0xA000, $0x38;
	[tilespmem:$0xA180] =	vst v63  }
0x23: {  	_ =	swait.ge [sflag:s7], $0xA000  }
0x24: {  	s14 =	smov.u32 s16;
	s12 =	sadd.s32 $0x1400, s12;
	[sflag:s7] =	ssyncset.done $0x0  }
0x25: {  	s13 =	sadd.s32 s13, s6;
	[sflag:s7] =	ssyncadd.s32 $0xFFFF6000  }
0x26: {  	[tilespmem:s2], [sflag:$0x2] =	stream.linear.gather [hbm4b:s13+s2], $0x140, $0x38;
	[tilespmem:$0xA180] =	vst v63  }
0x27: {  	_ =	swait.ge [sflag:s7], $0x140  }
0x28: {  	[sflag:s7] =	ssyncset.done $0x0  }
0x29: {  	[sflag:s7] =	ssyncadd.s32 $0xFFFFFEC0  }
0x2a: {  	[tilespmem:s9], [sflag:$0x1] =	stream.indirect.gather [hbm4b:s3+s8], $0x80, s2, s8, $0xb8;
	[tilespmem:$0xA180] =	vst v63  }
0x2b: {  	s11 =	sadd.s32 $0x1, s11;
	_ =	swait.ge [sflag:s10], $0xA000  }
0x2c: {  	p0 =	sne.s32 s11, s4;
	[sflag:s10] =	ssyncset.done $0x0  }
.Ltmp1:
0x2d: {  	[sflag:s10] =	ssyncadd.s32 $0xFFFF6000;
	(pc) =	sbr.rel @p0 .LBB2_1-.Ltmp1, $4  }
0x2e: {  	[hbm4b:s12+s2] =	stream.linear.scatter [tilespmem:s9], [sflag:$0x2], $0xA000, $0x38;
	[tilespmem:$0xA180] =	vst v63  }
0x2f: {  	_ =	swait.ge [sflag:s7], $0xA000  }
0x30: {  	[sflag:s7] =	ssyncset.done $0x0  }
0x31: {  	[sflag:s7] =	ssyncadd.s32 $0xFFFF6000  }
0x32: {  	_ =	sfence.sel $0x180000  }
0x33: {  	[bflag:$0x0] =	sbarrier.arrive $0xFFFF  }
0x34: {  	p0 =	sne.s32 s1, $0x0;
	_ =	strace $0x9000004A  }
0x35: {  	s0 =	sadd.s32 @!p0 $0x100000, s0;
	[bflag:$0x2] =	sbarrier.arrive $0xFFFF  }
0x36: {  	[sflag:s0] =	ssyncadd.tile.s32 @!p0 $0x1;
	_ =	shalt  }
.Lfunc_end2:
_tile_overlayer_lowered:
.L_overlay_start_2:
0x37: {  	(tag) =	ssettag $0x2  }
0x38: {  	s0 =	rddreg [dreg:$0x0];
	s2 =	stileid.u32  }
0x39: {  	s1 =	rddreg [dreg:$0x1];
	p0 =	sne.s32 s2, $0x0  }
0x3a: {  	s3 =	rddreg [dreg:$0x2];
	[bflag:$0x3] =	sbarrier.arrive $0xFFFF;
	s2 =	simm.s32 @!p0 $0x1C02  }
0x3b: {  	[timem:s3], [sflag:s2] =	dma.local @!p0 [hbm:s0], s1  }
0x3c: {  	s0 =	simm.s32 @!p0 $0x2  }
0x3d: {  	_ =	swait.ge @!p0 [sflag:s0], s1  }
0x3e: {  	s1 =	ssub.s32 @!p0 $0x0, s1;
	[sflag:s0] =	ssyncset.done @!p0 $0x0  }
0x3f: {  	[sflag:s0] =	ssyncadd.s32 @!p0 s1  }
0x40: {  	[bflag:$0x3] =	sbarrier.arrive $0xFFFF  }
0x41: {  	_ =	shalt  }

// kernel: kernel.19.cloned.1.call-start
scs
__scs_entry_jumppad:
0x0: {  	(pc) =	sbr.rel $0x88, $3  }
0x1: {  	(tag) =	ssettag $0x0;
	lr =	simm.s32 $0x1  }
0x2: {  	[smem:$0x3F8E] =	sst lr;
	_ =	strace $0xD0000000  }
0x3: {  	_ = 	snop  }
0x4: {  	_ = 	snop  }
0x5: {  	_ = 	snop  }
0x6: {  	_ = 	snop  }
0x7: {  	_ = 	snop  }
__scs_overlays_trampoline_lowered:
0x8: {  	[smem:$0x3F9D] =	sst s0  }
0x9: {  	[smem:$0x3F9E] =	sst s1  }
0xa: {  	[smem:$0x3F9F] =	sst s2  }
0xb: {  	[smem:$0x3FA0] =	sst s3  }
0xc: {  	[smem:$0x3FA1] =	sst s4  }
0xd: {  	[smem:$0x3FA2] =	sst s5  }
0xe: {  	[smem:$0x3FA3] =	sst s6  }
0xf: {  	[smem:$0x3FA4] =	sst s7  }
0x10: {  	[smem:$0x3FA5] =	sst s8  }
0x11: {  	[smem:$0x3FA6] =	sst s9;
	s0 =	simm.s32 @!p0 $0x0  }
0x12: {  	s1 =	sld [smem:$0x3F8C];
	s0 =	simm.s32 @p0 $0x1  }
0x13: {  	[smem:$0x3FA7] =	sst s0;
	s0 =	simm.s32 @!p1 $0x0  }
0x14: {  	s2 =	sld [smem:$0x3F8B];
	s0 =	simm.s32 @p1 $0x1  }
0x15: {  	[smem:$0x3FA8] =	sst s0;
	s0 =	simm.s32 @!p2 $0x0  }
0x16: {  	s3 =	sld [smem:$0x3FDB];
	s0 =	simm.s32 @p2 $0x1  }
0x17: {  	s4 =	simm.s32 $0x1BF5;
	[smem:$0x3FAA] =	sst s0  }
0x18: {  	s0 =	sld [smem:$0x3F8D];
	_ =	swait.ge [sflag:s4], $0x0  }
0x19: {  	s7 =	sld [smem:$0x3F8E]  }
0x1a: {  	s8 =	sadd.s32 $0xFFFFE003, lr  }
0x1b: {  	s9 =	sadd.s32 $0xFFFFFEF7, lr;
	s5 =	simm.s32 $0xFFFFFFFF;
	p2 =	slt.u32 s8, $0xFFFFF086  }
0x1c: {  	p1 =	slt.u32 s9, $0xF7A;
	s5 =	simm.s32 @!p2 $0x0  }
0x1d: {  	s5 =	simm.s32 @p1 $0x1;
	p0 =	seq.s32 s7, s2  }
0x1e: {  	s7 =	smul.u32 @!p0 $0xF7A, s2;
	p2 =	seq.s32 @!p0 s5, $0x0  }
0x1f: {  	s9 =	smul.u32 $0xF7A, s1;
	s8 =	simm.s32 @!p0 $0x1BF5;
	p2 =	por !p2, p0  }
0x20: {  	[sflag:s8] =	ssyncset.s32 @!p0 $0xFFFFF086;
	s6 =	sadd.s32 @!p0 s3, s7;
	s7 =	simm.s32 @!p0 $0x108  }
0x21: {  	s3 =	sadd.s32 s3, s9;
	s6 =	sadd.s32 @!p0 $0x88, s6;
	s7 =	simm.s32 @p2 $0x1082  }
0x22: {  	[simem:s7], [sflag:s8] =	dma.local @!p0 [hbm:s6], $0xF7A  }
0x23: {  	s9 =	sor.u32 $0xD0000000, s2;
	s6 =	simm.s32 $0x108;
	_ =	swait.ge @!p0 [sflag:s8], $0x0  }
0x24: {  	s3 =	sadd.s32 $0x88, s3;
	s6 =	simm.s32 @!p1 $0x1082;
	[sflag:s4] =	ssyncset.s32 $0xFFFFF086  }
0x25: {  	[simem:s6], [sflag:s4] =	dma.local [hbm:s3], $0xF7A  }
0x26: {  	[smem:$0x3F8E] =	sst s1;
	(tag) =	ssettag s2;
	_ =	strace s9  }
0x27: {  	s1 =	sld [smem:$0x3F9E]  }
0x28: {  	s2 =	sld [smem:$0x3F9F]  }
0x29: {  	s4 =	sld [smem:$0x3FA1]  }
0x2a: {  	p0 =	seq.s32 s5, $0x0;
	s5 =	sld [smem:$0x3FA2]  }
0x2b: {  	s6 =	sld [smem:$0x3FA3]  }
0x2c: {  	s7 =	sld [smem:$0x3FA4]  }
0x2d: {  	s3 =	simm.s32 $0x108;
	s8 =	sld [smem:$0x3FA5]  }
0x2e: {  	s3 =	simm.s32 @!p0 $0x1082;
	s9 =	sld [smem:$0x3FA6]  }
0x2f: {  	lr =	sadd.s32 s0, s3;
	s0 =	sld [smem:$0x3F9D]  }
0x30: {  	s3 =	sld [smem:$0x3FA0]  }
0x31: {  	[smem:$0x3FA9] =	sst s10  }
0x32: {  	s10 =	sld [smem:$0x3FA7];
	_ =	sdelay $0x3  }
0x33: {  	p0 =	seq.s32 s10, $0x1;
	s10 =	sld [smem:$0x3FA9];
	_ =	sdelay $0x3  }
0x34: {  	[smem:$0x3FA9] =	sst s10  }
0x35: {  	s10 =	sld [smem:$0x3FA8];
	_ =	sdelay $0x3  }
0x36: {  	p1 =	seq.s32 s10, $0x1;
	s10 =	sld [smem:$0x3FA9];
	_ =	sdelay $0x3  }
0x37: {  	[smem:$0x3FA9] =	sst s10  }
0x38: {  	s10 =	sld [smem:$0x3FAA]  }
0x39: {  	_ = 	snop;
	(pc) =	sbr.ind lr, $3  }
0x3a: {  	_ = 	snop  }
0x3b: {  	_ = 	snop  }
0x3c: {  	p2 =	seq.s32 s10, $0x1;
	s10 =	sld [smem:$0x3FA9]  }
0x3d: {  	_ =	shalt  }
0x3e: {  	_ =	shalt  }
0x3f: {  	_ =	shalt  }
0x40: {  	_ =	shalt  }
0x41: {  	_ =	shalt  }
0x42: {  	_ =	shalt  }
0x43: {  	_ =	shalt  }
0x44: {  	_ =	shalt  }
0x45: {  	_ =	shalt  }
0x46: {  	_ =	shalt  }
0x47: {  	_ =	shalt  }
0x48: {  	_ =	shalt  }
0x49: {  	_ =	shalt  }
0x4a: {  	_ =	shalt  }
0x4b: {  	_ =	shalt  }
0x4c: {  	_ =	shalt  }
0x4d: {  	_ =	shalt  }
0x4e: {  	_ =	shalt  }
0x4f: {  	_ =	shalt  }
0x50: {  	_ =	shalt  }
0x51: {  	_ =	shalt  }
0x52: {  	_ =	shalt  }
0x53: {  	_ =	shalt  }
0x54: {  	_ =	shalt  }
0x55: {  	_ =	shalt  }
0x56: {  	_ =	shalt  }
0x57: {  	_ =	shalt  }
0x58: {  	_ =	shalt  }
0x59: {  	_ =	shalt  }
0x5a: {  	_ =	shalt  }
0x5b: {  	_ =	shalt  }
0x5c: {  	_ =	shalt  }
0x5d: {  	_ =	shalt  }
0x5e: {  	_ =	shalt  }
0x5f: {  	_ =	shalt  }
0x60: {  	_ =	shalt  }
0x61: {  	_ =	shalt  }
0x62: {  	_ =	shalt  }
0x63: {  	_ =	shalt  }
0x64: {  	_ =	shalt  }
0x65: {  	_ =	shalt  }
0x66: {  	_ =	shalt  }
0x67: {  	_ =	shalt  }
0x68: {  	_ =	shalt  }
0x69: {  	_ =	shalt  }
0x6a: {  	_ =	shalt  }
0x6b: {  	_ =	shalt  }
0x6c: {  	_ =	shalt  }
0x6d: {  	_ =	shalt  }
0x6e: {  	_ =	shalt  }
0x6f: {  	_ =	shalt  }
0x70: {  	_ =	shalt  }
0x71: {  	_ =	shalt  }
0x72: {  	_ =	shalt  }
0x73: {  	_ =	shalt  }
0x74: {  	_ =	shalt  }
0x75: {  	_ =	shalt  }
0x76: {  	_ =	shalt  }
0x77: {  	_ =	shalt  }
0x78: {  	_ =	shalt  }
0x79: {  	_ =	shalt  }
0x7a: {  	_ =	shalt  }
0x7b: {  	_ =	shalt  }
0x7c: {  	_ =	shalt  }
0x7d: {  	_ =	shalt  }
0x7e: {  	_ =	shalt  }
0x7f: {  	_ =	shalt  }
0x80: {  	_ =	shalt  }
0x81: {  	_ =	shalt  }
0x82: {  	_ =	shalt  }
0x83: {  	_ =	shalt  }
0x84: {  	_ =	shalt  }
0x85: {  	_ =	shalt  }
0x86: {  	_ =	shalt  }
0x87: {  	_ =	shalt  }
.Lfunc_end0:
.L_simem_size_0:
called_computation.5_lowered:
.L_overlay_start_0:
0x88: {  	s2 =	sld [smem:$0x3FD9]  }
0x89: {  	s3 =	sld [smem:$0x3FFE];
	_ =	sdelay $0x1  }
0x8a: {  	s1 =	srdreg.scid  }
0x8b: {  	s0 =	sand.u32 $0x1, s1  }
0x8c: {  	s16 =	sshll.u32 s0, $0xA;
	s2 =	sadd.s32 s3, s2  }
0x8d: {  	s2 =	sadd.s32 s2, s16  }
0x8e: {  	[smem:$0x3FB5] =	sst s2  }
0x8f: {  	_ = 	snop  }
0x90: {  	(tm) =	ssettm $0x1  }
0x91: {  	s17 =	sld [smem:$0x3FFB];
	_ =	sdelay $0x3  }
0x92: {  	_ =	strace s17  }
0x93: {  	s2 =	sld [smem:$0x3FFC];
	_ =	sdelay $0x3  }
0x94: {  	_ =	strace s2  }
0x95: {  	s2 =	sld [smem:$0x3FFD];
	_ =	sdelay $0x3  }
0x96: {  	_ =	strace s2  }
0x97: {  	_ =	strace $0x8FFFFFFF  }
0x98: {  	s18 =	sld [smem:$0x3FDB];
	_ =	sdelay $0x1  }
0x99: {  	s19 =	simm.s32 $_scs_section_size  }
0x9a: {  	s4 =	simm.s32 $_size__tile_overlayer_lowered;
	s5 =	simm.s32 $_tile_overlayer_lowered  }
0x9b: {  	s22 =	simm.s32 $0x1BFF;
	s21 =	sshll.u32 s5, $0x1;
	s2 =	sadd.s32 s19, s18  }
0x9c: {  	s6 =	simm.s32 $0x0;
	s20 =	sshll.u32 s4, $0x1;
	s4 =	sadd.s32 s21, s2  }
0x9d: {  	[timem:s6], [sflag:s22] =	dma.local [hbm:s4], s20  }
0x9e: {  	_ =	swait.ge [sflag:s22], s20  }
0x9f: {  	s3 =	ssub.s32 $0x0, s20;
	[sflag:s22] =	ssyncset.done $0x0  }
0xa0: {  	[sflag:s22] =	ssyncadd.s32 s3;
	_ =	sdelay $0x1  }
0xa1: {  	s23 =	simm.s32 $0x1B8B  }
0xa2: {  	_ =	swait.ge [sflag:s23], $0x1  }
0xa3: {  	[sflag:s23] =	ssyncset.done $0x0  }
0xa4: {  	s25 =	simm.s32 $0x1B8E;
	s24 =	sld [smem:$0x3FFE];
	[sflag:s23] =	ssyncadd.s32 $0xFFFFFFFF  }
0xa5: {  	s26 =	simm.s32 $execute0_lowered;
	[smem:$0x3FD2] =	sst s25  }
0xa6: {  	s4 =	sshll.u32 s26, $0x1;
	_ =	strace $0x80000046;
	[dreg:$0x1] =	wrdreg $0xFFFFFFFF  }
0xa7: {  	s28 =	simm.s32 $_size_execute0_lowered;
	s2 =	sadd.s32 s2, s4;
	[dreg:$0x0] =	wrdreg $0x0  }
0xa8: {  	s4 =	sshll.u32 s28, $0x1;
	[dreg:$0x2] =	wrdreg s2  }
0xa9: {  	[dreg:$0x3] =	wrdreg s4  }
0xaa: {  	[dreg:$0x4] =	wrdreg $0xC0  }
0xab: {  	_ =	task [dreg:s6], $0x5FFFF  }
0xac: {  	[dreg:$0x1] =	wrdreg $0xFFFFFFFF  }
0xad: {  	[dreg:$0x0] =	wrdreg $0x60  }
0xae: {  	[dreg:$0x2] =	wrdreg s24  }
0xaf: {  	[dreg:$0x3] =	wrdreg $0xA  }
0xb0: {  	_ =	task.clear_ibuf [dreg:s6], $0x4FFFF;
	_ =	strace $0x90000046  }
0xb1: {  	s29 =	simm.s32 $0xA;
	_ =	strace $0x80000048  }
0xb2: {  	_ =	swait.ge [sflag:s29], $0x1  }
0xb3: {  	[sflag:s29] =	ssyncadd.s32 $0xFFFFFFFF  }
0xb4: {  	_ =	strace $0x90000048  }
0xb5: {  	_ =	sfence  }
0xb6: {  	s30 =	sld [smem:$0x0];
	_ =	sdelay $0x2  }
0xb7: {  	s31 =	sshll.u32 s1, $0xD;
	s1 =	sshrl.u32 s1, $0x2  }
0xb8: {  	s3 =	sand.u32 $0x4000, s31;
	s1 =	sadd.s32 s1, s30  }
0xb9: {  	s0 =	sor.u32 s3, s0;
	s1 =	sshll.u32 s1, $0x11  }
0xba: {  	s0 =	sor.u32 s1, s0  }
0xbb: {  	s0 =	sadd.s32 $0x8F2B, s0  }
0xbc: {  	[sflag:s0] =	ssyncadd.remote.s32 $0x1  }
0xbd: {  	_ =	sfence.sel $0xFFFF  }
0xbe: {  	[dreg:$0x0] =	wrdreg $0xFFFFFFFF;
	(pc) =	sbr.abs _section_cstart, $3  }
0xbf: {  	[dreg:$0x1] =	wrdreg $0xFFFFFFFF  }
0xc0: {  	_ =	task.clear_ibuf [dreg:s6], $0x2FFFF;
	_ =	strace $0x9FFFFFFF  }
0xc1: {  	(tm) =	ssettm $0x7FFFFFFF  }
tec
execute0_lowered:
.L_overlay_start_1:
0x0: {  	(tag) =	ssettag $0x1  }
0x1: {  	s4 =	rddreg [dreg:$0x0]  }
0x2: {  	s0 =	rddreg [dreg:$0x1]  }
0x3: {  	s3 =	srdreg.scid;
	s1 =	stileid.u32;
	s2 =	simm.s32 $0x0  }
0x4: {  	s10 =	simm.s32 $0x1;
	s11 =	simm.s32 $0x0;
	s6 =	smul.u32 $0x9600, s1  }
0x5: {  	s5 =	sand.u32 $0x1, s3;
	[smem:$0x7FF] =	sst s2;
	s8 =	smul.u32 $0x96000, s1  }
0x6: {  	s3 =	sadd.s32 $0x167C00, s4;
	s7 =	smul.u32 $0x4B00, s5;
	s9 =	ssub.s32 $0x2, s5  }
0x7: {  	_ =	strace $0x80000047;
	s5 =	smul.u32 $0x4B000, s5;
	s31 =	sshrl.u32 s9, $0x1  }
0x8: {  	s30 =	sadd.s32 s8, s4;
	s6 =	sadd.s32 s7, s6;
	s8 =	ssub.s32 s9, s31  }
0x9: {  	s5 =	sadd.s32 s5, s30;
	s7 =	simm.s32 $0x2;
	s6 =	sshrl.u32 s6, $0x3  }
0xa: {  	s9 =	simm.s32 $0x180;
	s5 =	sadd.s32 $0x22B200, s5;
	s6 =	sadd.s32 s6, s4  }
0xb: {  	s4 =	smax.u32 s8, $0x1;
	s8 =	simm.s32 $0x140;
	s6 =	sadd.s32 $0x113200, s6  }
.LBB2_1:
0xc: {  	s12 =	sadd.s32 $0x0, s6  }
0xd: {  	[tilespmem:s2], [sflag:$0x2] =	stream.linear.gather [hbm4b:s12+s2], $0x140, $0x38;
	[tilespmem:$0xA180] =	vst v63  }
0xe: {  	_ =	swait.ge [sflag:s7], $0x140  }
0xf: {  	[sflag:s7] =	ssyncset.done $0x0  }
0x10: {  	[sflag:s7] =	ssyncadd.s32 $0xFFFFFEC0  }
0x11: {  	[tilespmem:s9], [sflag:$0x1] =	stream.indirect.gather [hbm4b:s3+s8], $0x80, s2, s8, $0xb8;
	[tilespmem:$0xA180] =	vst v63  }
0x12: {  	_ =	swait.ge [sflag:s10], $0xA000  }
0x13: {  	[sflag:s10] =	ssyncset.done $0x0  }
0x14: {  	[sflag:s10] =	ssyncadd.s32 $0xFFFF6000  }
0x15: {  	[hbm4b:s5+s2] =	stream.linear.scatter [tilespmem:s9], [sflag:$0x2], $0xA000, $0x38;
	[tilespmem:$0xA180] =	vst v63  }
0x16: {  	s13 =	simm.s32 $0x28;
	_ =	swait.ge [sflag:s7], $0xA000  }
0x17: {  	s14 =	simm.s32 $0x50;
	s12 =	sadd.s32 $0x1400, s5;
	[sflag:s7] =	ssyncset.done $0x0  }
.LBB2_2:
0x18: {  	s15 =	sadd.s32 s13, s6  }
0x19: {  	[sflag:s7] =	ssyncadd.s32 $0xFFFF6000;
	s13 =	smov.u32 s14;
	s16 =	sadd.s32 $0x28, s14  }
0x1a: {  	[tilespmem:s2], [sflag:$0x2] =	stream.linear.gather [hbm4b:s15+s2], $0x140, $0x38;
	[tilespmem:$0xA180] =	vst v63  }
0x1b: {  	p0 =	sne.s32 s14, $0x938;
	_ =	swait.ge [sflag:s7], $0x140  }
0x1c: {  	[sflag:s7] =	ssyncset.done $0x0  }
0x1d: {  	[sflag:s7] =	ssyncadd.s32 $0xFFFFFEC0  }
0x1e: {  	[tilespmem:s9], [sflag:$0x1] =	stream.indirect.gather [hbm4b:s3+s8], $0x80, s2, s8, $0xb8;
	[tilespmem:$0xA180] =	vst v63  }
0x1f: {  	_ =	swait.ge [sflag:s10], $0xA000  }
.Ltmp0:
0x20: {  	[sflag:s10] =	ssyncset.done $0x0;
	(pc) =	sbr.rel @p0 .LBB2_2-.Ltmp0, $4  }
0x21: {  	[sflag:s10] =	ssyncadd.s32 $0xFFFF6000  }
0x22: {  	[hbm4b:s12+s2] =	stream.linear.scatter [tilespmem:s9], [sflag:$0x2], $0xA000, $0x38;
	[tilespmem:$0xA180] =	vst v63  }
0x23: {  	_ =	swait.ge [sflag:s7], $0xA000  }
0x24: {  	s14 =	smov.u32 s16;
	s12 =	sadd.s32 $0x1400, s12;
	[sflag:s7] =	ssyncset.done $0x0  }
0x25: {  	s13 =	sadd.s32 s13, s6;
	[sflag:s7] =	ssyncadd.s32 $0xFFFF6000  }
0x26: {  	[tilespmem:s2], [sflag:$0x2] =	stream.linear.gather [hbm4b:s13+s2], $0x140, $0x38;
	[tilespmem:$0xA180] =	vst v63  }
0x27: {  	_ =	swait.ge [sflag:s7], $0x140  }
0x28: {  	[sflag:s7] =	ssyncset.done $0x0  }
0x29: {  	[sflag:s7] =	ssyncadd.s32 $0xFFFFFEC0  }
0x2a: {  	[tilespmem:s9], [sflag:$0x1] =	stream.indirect.gather [hbm4b:s3+s8], $0x80, s2, s8, $0xb8;
	[tilespmem:$0xA180] =	vst v63  }
0x2b: {  	s11 =	sadd.s32 $0x1, s11;
	_ =	swait.ge [sflag:s10], $0xA000  }
0x2c: {  	p0 =	sne.s32 s11, s4;
	[sflag:s10] =	ssyncset.done $0x0  }
.Ltmp1:
0x2d: {  	[sflag:s10] =	ssyncadd.s32 $0xFFFF6000;
	(pc) =	sbr.rel @p0 .LBB2_1-.Ltmp1, $4  }
0x2e: {  	[hbm4b:s12+s2] =	stream.linear.scatter [tilespmem:s9], [sflag:$0x2], $0xA000, $0x38;
	[tilespmem:$0xA180] =	vst v63  }
0x2f: {  	_ =	swait.ge [sflag:s7], $0xA000  }
0x30: {  	[sflag:s7] =	ssyncset.done $0x0  }
0x31: {  	[sflag:s7] =	ssyncadd.s32 $0xFFFF6000  }
0x32: {  	_ =	sfence.sel $0x180000  }
0x33: {  	[bflag:$0x0] =	sbarrier.arrive $0xFFFF  }
0x34: {  	p0 =	sne.s32 s1, $0x0;
	_ =	strace $0x90000047  }
0x35: {  	s0 =	sadd.s32 @!p0 $0x100000, s0;
	[bflag:$0x2] =	sbarrier.arrive $0xFFFF  }
0x36: {  	[sflag:s0] =	ssyncadd.tile.s32 @!p0 $0x1;
	_ =	shalt  }
.Lfunc_end2:
_tile_overlayer_lowered:
.L_overlay_start_2:
0x37: {  	(tag) =	ssettag $0x2  }
0x38: {  	s0 =	rddreg [dreg:$0x0];
	s2 =	stileid.u32  }
0x39: {  	s1 =	rddreg [dreg:$0x1];
	p0 =	sne.s32 s2, $0x0  }
0x3a: {  	s3 =	rddreg [dreg:$0x2];
	[bflag:$0x3] =	sbarrier.arrive $0xFFFF;
	s2 =	simm.s32 @!p0 $0x1C02  }
0x3b: {  	[timem:s3], [sflag:s2] =	dma.local @!p0 [hbm:s0], s1  }
0x3c: {  	s0 =	simm.s32 @!p0 $0x2  }
0x3d: {  	_ =	swait.ge @!p0 [sflag:s0], s1  }
0x3e: {  	s1 =	ssub.s32 @!p0 $0x0, s1;
	[sflag:s0] =	ssyncset.done @!p0 $0x0  }
0x3f: {  	[sflag:s0] =	ssyncadd.s32 @!p0 s1  }
0x40: {  	[bflag:$0x3] =	sbarrier.arrive $0xFFFF  }
0x41: {  	_ =	shalt  }

// kernel: kernel.22.cloned.1.call-start
scs
__scs_entry_jumppad:
0x0: {  	(pc) =	sbr.rel $0x88, $3  }
0x1: {  	(tag) =	ssettag $0x0;
	lr =	simm.s32 $0x1  }
0x2: {  	[smem:$0x3F8E] =	sst lr;
	_ =	strace $0xD0000000  }
0x3: {  	_ = 	snop  }
0x4: {  	_ = 	snop  }
0x5: {  	_ = 	snop  }
0x6: {  	_ = 	snop  }
0x7: {  	_ = 	snop  }
__scs_overlays_trampoline_lowered:
0x8: {  	[smem:$0x3F9D] =	sst s0  }
0x9: {  	[smem:$0x3F9E] =	sst s1  }
0xa: {  	[smem:$0x3F9F] =	sst s2  }
0xb: {  	[smem:$0x3FA0] =	sst s3  }
0xc: {  	[smem:$0x3FA1] =	sst s4  }
0xd: {  	[smem:$0x3FA2] =	sst s5  }
0xe: {  	[smem:$0x3FA3] =	sst s6  }
0xf: {  	[smem:$0x3FA4] =	sst s7  }
0x10: {  	[smem:$0x3FA5] =	sst s8  }
0x11: {  	[smem:$0x3FA6] =	sst s9;
	s0 =	simm.s32 @!p0 $0x0  }
0x12: {  	s1 =	sld [smem:$0x3F8C];
	s0 =	simm.s32 @p0 $0x1  }
0x13: {  	[smem:$0x3FA7] =	sst s0;
	s0 =	simm.s32 @!p1 $0x0  }
0x14: {  	s2 =	sld [smem:$0x3F8B];
	s0 =	simm.s32 @p1 $0x1  }
0x15: {  	[smem:$0x3FA8] =	sst s0;
	s0 =	simm.s32 @!p2 $0x0  }
0x16: {  	s3 =	sld [smem:$0x3FDB];
	s0 =	simm.s32 @p2 $0x1  }
0x17: {  	s4 =	simm.s32 $0x1BF5;
	[smem:$0x3FAA] =	sst s0  }
0x18: {  	s0 =	sld [smem:$0x3F8D];
	_ =	swait.ge [sflag:s4], $0x0  }
0x19: {  	s7 =	sld [smem:$0x3F8E]  }
0x1a: {  	s8 =	sadd.s32 $0xFFFFE003, lr  }
0x1b: {  	s9 =	sadd.s32 $0xFFFFFEF7, lr;
	s5 =	simm.s32 $0xFFFFFFFF;
	p2 =	slt.u32 s8, $0xFFFFF086  }
0x1c: {  	p1 =	slt.u32 s9, $0xF7A;
	s5 =	simm.s32 @!p2 $0x0  }
0x1d: {  	s5 =	simm.s32 @p1 $0x1;
	p0 =	seq.s32 s7, s2  }
0x1e: {  	s7 =	smul.u32 @!p0 $0xF7A, s2;
	p2 =	seq.s32 @!p0 s5, $0x0  }
0x1f: {  	s9 =	smul.u32 $0xF7A, s1;
	s8 =	simm.s32 @!p0 $0x1BF5;
	p2 =	por !p2, p0  }
0x20: {  	[sflag:s8] =	ssyncset.s32 @!p0 $0xFFFFF086;
	s6 =	sadd.s32 @!p0 s3, s7;
	s7 =	simm.s32 @!p0 $0x108  }
0x21: {  	s3 =	sadd.s32 s3, s9;
	s6 =	sadd.s32 @!p0 $0x88, s6;
	s7 =	simm.s32 @p2 $0x1082  }
0x22: {  	[simem:s7], [sflag:s8] =	dma.local @!p0 [hbm:s6], $0xF7A  }
0x23: {  	s9 =	sor.u32 $0xD0000000, s2;
	s6 =	simm.s32 $0x108;
	_ =	swait.ge @!p0 [sflag:s8], $0x0  }
0x24: {  	s3 =	sadd.s32 $0x88, s3;
	s6 =	simm.s32 @!p1 $0x1082;
	[sflag:s4] =	ssyncset.s32 $0xFFFFF086  }
0x25: {  	[simem:s6], [sflag:s4] =	dma.local [hbm:s3], $0xF7A  }
0x26: {  	[smem:$0x3F8E] =	sst s1;
	(tag) =	ssettag s2;
	_ =	strace s9  }
0x27: {  	s1 =	sld [smem:$0x3F9E]  }
0x28: {  	s2 =	sld [smem:$0x3F9F]  }
0x29: {  	s4 =	sld [smem:$0x3FA1]  }
0x2a: {  	p0 =	seq.s32 s5, $0x0;
	s5 =	sld [smem:$0x3FA2]  }
0x2b: {  	s6 =	sld [smem:$0x3FA3]  }
0x2c: {  	s7 =	sld [smem:$0x3FA4]  }
0x2d: {  	s3 =	simm.s32 $0x108;
	s8 =	sld [smem:$0x3FA5]  }
0x2e: {  	s3 =	simm.s32 @!p0 $0x1082;
	s9 =	sld [smem:$0x3FA6]  }
0x2f: {  	lr =	sadd.s32 s0, s3;
	s0 =	sld [smem:$0x3F9D]  }
0x30: {  	s3 =	sld [smem:$0x3FA0]  }
0x31: {  	[smem:$0x3FA9] =	sst s10  }
0x32: {  	s10 =	sld [smem:$0x3FA7];
	_ =	sdelay $0x3  }
0x33: {  	p0 =	seq.s32 s10, $0x1;
	s10 =	sld [smem:$0x3FA9];
	_ =	sdelay $0x3  }
0x34: {  	[smem:$0x3FA9] =	sst s10  }
0x35: {  	s10 =	sld [smem:$0x3FA8];
	_ =	sdelay $0x3  }
0x36: {  	p1 =	seq.s32 s10, $0x1;
	s10 =	sld [smem:$0x3FA9];
	_ =	sdelay $0x3  }
0x37: {  	[smem:$0x3FA9] =	sst s10  }
0x38: {  	s10 =	sld [smem:$0x3FAA]  }
0x39: {  	_ = 	snop;
	(pc) =	sbr.ind lr, $3  }
0x3a: {  	_ = 	snop  }
0x3b: {  	_ = 	snop  }
0x3c: {  	p2 =	seq.s32 s10, $0x1;
	s10 =	sld [smem:$0x3FA9]  }
0x3d: {  	_ =	shalt  }
0x3e: {  	_ =	shalt  }
0x3f: {  	_ =	shalt  }
0x40: {  	_ =	shalt  }
0x41: {  	_ =	shalt  }
0x42: {  	_ =	shalt  }
0x43: {  	_ =	shalt  }
0x44: {  	_ =	shalt  }
0x45: {  	_ =	shalt  }
0x46: {  	_ =	shalt  }
0x47: {  	_ =	shalt  }
0x48: {  	_ =	shalt  }
0x49: {  	_ =	shalt  }
0x4a: {  	_ =	shalt  }
0x4b: {  	_ =	shalt  }
0x4c: {  	_ =	shalt  }
0x4d: {  	_ =	shalt  }
0x4e: {  	_ =	shalt  }
0x4f: {  	_ =	shalt  }
0x50: {  	_ =	shalt  }
0x51: {  	_ =	shalt  }
0x52: {  	_ =	shalt  }
0x53: {  	_ =	shalt  }
0x54: {  	_ =	shalt  }
0x55: {  	_ =	shalt  }
0x56: {  	_ =	shalt  }
0x57: {  	_ =	shalt  }
0x58: {  	_ =	shalt  }
0x59: {  	_ =	shalt  }
0x5a: {  	_ =	shalt  }
0x5b: {  	_ =	shalt  }
0x5c: {  	_ =	shalt  }
0x5d: {  	_ =	shalt  }
0x5e: {  	_ =	shalt  }
0x5f: {  	_ =	shalt  }
0x60: {  	_ =	shalt  }
0x61: {  	_ =	shalt  }
0x62: {  	_ =	shalt  }
0x63: {  	_ =	shalt  }
0x64: {  	_ =	shalt  }
0x65: {  	_ =	shalt  }
0x66: {  	_ =	shalt  }
0x67: {  	_ =	shalt  }
0x68: {  	_ =	shalt  }
0x69: {  	_ =	shalt  }
0x6a: {  	_ =	shalt  }
0x6b: {  	_ =	shalt  }
0x6c: {  	_ =	shalt  }
0x6d: {  	_ =	shalt  }
0x6e: {  	_ =	shalt  }
0x6f: {  	_ =	shalt  }
0x70: {  	_ =	shalt  }
0x71: {  	_ =	shalt  }
0x72: {  	_ =	shalt  }
0x73: {  	_ =	shalt  }
0x74: {  	_ =	shalt  }
0x75: {  	_ =	shalt  }
0x76: {  	_ =	shalt  }
0x77: {  	_ =	shalt  }
0x78: {  	_ =	shalt  }
0x79: {  	_ =	shalt  }
0x7a: {  	_ =	shalt  }
0x7b: {  	_ =	shalt  }
0x7c: {  	_ =	shalt  }
0x7d: {  	_ =	shalt  }
0x7e: {  	_ =	shalt  }
0x7f: {  	_ =	shalt  }
0x80: {  	_ =	shalt  }
0x81: {  	_ =	shalt  }
0x82: {  	_ =	shalt  }
0x83: {  	_ =	shalt  }
0x84: {  	_ =	shalt  }
0x85: {  	_ =	shalt  }
0x86: {  	_ =	shalt  }
0x87: {  	_ =	shalt  }
.Lfunc_end0:
.L_simem_size_0:
called_computation.6_lowered:
.L_overlay_start_0:
0x88: {  	s2 =	sld [smem:$0x3FD9]  }
0x89: {  	s3 =	sld [smem:$0x3FFE];
	_ =	sdelay $0x1  }
0x8a: {  	s1 =	srdreg.scid  }
0x8b: {  	s0 =	sand.u32 $0x1, s1  }
0x8c: {  	s15 =	sshll.u32 s0, $0xA;
	s2 =	sadd.s32 s3, s2  }
0x8d: {  	s2 =	sadd.s32 s2, s15  }
0x8e: {  	[smem:$0x3FB5] =	sst s2  }
0x8f: {  	_ = 	snop  }
0x90: {  	s2 =	sld [smem:$0x3FD0];
	_ =	sdelay $0x2  }
0x91: {  	s16 =	simm.s32 $0xD;
	s4 =	simm.s32 $0x10  }
0x92: {  	[smem:s4], [sflag:s16] =	dma.local [hbm:s2], $0x1  }
0x93: {  	_ =	swait.eq [sflag:s16], $0x1  }
0x94: {  	[sflag:s16] =	ssyncset.done $0x0  }
0x95: {  	[sflag:s16] =	ssyncadd.s32 $0xFFFFFFFF  }
0x96: {  	s17 =	sld [smem:$0x10];
	(tm) =	ssettm $0x1  }
0x97: {  	s18 =	sld [smem:$0x3FFB];
	_ =	sdelay $0x3  }
0x98: {  	_ =	strace s18  }
0x99: {  	s2 =	sld [smem:$0x3FFC];
	_ =	sdelay $0x3  }
0x9a: {  	_ =	strace s2  }
0x9b: {  	s2 =	sld [smem:$0x3FFD];
	_ =	sdelay $0x3  }
0x9c: {  	_ =	strace s2  }
0x9d: {  	_ =	strace $0x8FFFFFFF  }
0x9e: {  	s19 =	sld [smem:$0x3FDB];
	_ =	sdelay $0x1  }
0x9f: {  	s20 =	simm.s32 $_scs_section_size  }
0xa0: {  	s5 =	simm.s32 $_size__tile_overlayer_lowered;
	s6 =	simm.s32 $_tile_overlayer_lowered  }
0xa1: {  	s7 =	simm.s32 $0x1BFF;
	s21 =	sshll.u32 s6, $0x1;
	s4 =	sadd.s32 s20, s19  }
0xa2: {  	s22 =	simm.s32 $0x0;
	s5 =	sshll.u32 s5, $0x1;
	s6 =	sadd.s32 s21, s4  }
0xa3: {  	[timem:s22], [sflag:s7] =	dma.local [hbm:s6], s5  }
0xa4: {  	_ =	swait.ge [sflag:s7], s5  }
0xa5: {  	s5 =	ssub.s32 $0x0, s5;
	[sflag:s7] =	ssyncset.done $0x0  }
0xa6: {  	[sflag:s7] =	ssyncadd.s32 s5;
	_ =	sdelay $0x1  }
0xa7: {  	s23 =	simm.s32 $0x1B8B  }
0xa8: {  	_ =	swait.ge [sflag:s23], $0x1  }
0xa9: {  	[sflag:s23] =	ssyncset.done $0x0  }
0xaa: {  	[sflag:s23] =	ssyncadd.s32 $0xFFFFFFFF  }
0xab: {  	s5 =	sld [smem:$0x0]  }
0xac: {  	s6 =	sand.u32 $0xFFFFFFFE, s1  }
0xad: {  	p0 =	sne.s32 s1, s6  }
0xae: {  	s6 =	sshll.u32 @p0 s6, $0xE  }
0xaf: {  	s6 =	sadd.s32 @p0 $0x11B8D, s6;
	s7 =	sshll.u32 @p0 s5, $0x11  }
0xb0: {  	s6 =	sor.u32 @p0 s7, s6  }
0xb1: {  	[sflag:s6] =	ssyncadd.remote.s32 @p0 $0x1;
	_ =	sdelay $0x1  }
0xb2: {  	s6 =	simm.s32 @p0 $0x1B8D  }
0xb3: {  	_ =	swait.eq @p0 [sflag:s6], $0x1  }
0xb4: {  	[sflag:s6] =	ssyncadd.s32 @p0 $0xFFFFFFFF  }
0xb5: {  	s7 =	sshll.u32 @!p0 s1, $0xE  }
0xb6: {  	s7 =	sor.u32 @!p0 $0x4000, s7;
	s6 =	simm.s32 @!p0 $0x1B8D  }
0xb7: {  	s5 =	sshll.u32 @!p0 s5, $0x11;
	s7 =	sadd.s32 @!p0 $0x11B8D, s7;
	_ =	swait.eq @!p0 [sflag:s6], $0x1  }
0xb8: {  	s5 =	sor.u32 @!p0 s5, s7;
	[sflag:s6] =	ssyncadd.s32 @!p0 $0xFFFFFFFF  }
0xb9: {  	s25 =	simm.s32 $0x1B8E;
	s24 =	sld [smem:$0x3FFE];
	[sflag:s5] =	ssyncadd.remote.s32 @!p0 $0x1  }
0xba: {  	s26 =	simm.s32 $execute0_lowered;
	[smem:$0x3FD2] =	sst s25  }
0xbb: {  	s6 =	sshll.u32 s26, $0x1;
	_ =	strace $0x8000005B;
	[dreg:$0x1] =	wrdreg $0xFFFFFFFF  }
0xbc: {  	s28 =	simm.s32 $_size_execute0_lowered;
	s4 =	sadd.s32 s4, s6;
	[dreg:$0x0] =	wrdreg $0x0  }
0xbd: {  	s6 =	sshll.u32 s28, $0x1;
	[dreg:$0x2] =	wrdreg s4  }
0xbe: {  	[dreg:$0x3] =	wrdreg s6  }
0xbf: {  	[dreg:$0x4] =	wrdreg $0xC0  }
0xc0: {  	_ =	task [dreg:s22], $0x5FFFF  }
0xc1: {  	[dreg:$0x1] =	wrdreg $0xFFFFFFFF  }
0xc2: {  	[dreg:$0x0] =	wrdreg $0x60  }
0xc3: {  	[dreg:$0x2] =	wrdreg s17  }
0xc4: {  	[dreg:$0x3] =	wrdreg s24  }
0xc5: {  	[dreg:$0x4] =	wrdreg $0x9  }
0xc6: {  	_ =	task.clear_ibuf [dreg:s22], $0x5FFFF;
	_ =	strace $0x9000005B  }
0xc7: {  	s29 =	simm.s32 $0x9;
	_ =	strace $0x8000005D  }
0xc8: {  	_ =	swait.ge [sflag:s29], $0x1  }
0xc9: {  	[sflag:s29] =	ssyncadd.s32 $0xFFFFFFFF  }
0xca: {  	_ =	strace $0x9000005D  }
0xcb: {  	_ =	sfence  }
0xcc: {  	s30 =	sld [smem:$0x0];
	_ =	sdelay $0x2  }
0xcd: {  	s31 =	sshll.u32 s1, $0xD;
	s1 =	sshrl.u32 s1, $0x2  }
0xce: {  	s4 =	sand.u32 $0x4000, s31;
	s1 =	sadd.s32 s1, s30  }
0xcf: {  	s0 =	sor.u32 s4, s0;
	s1 =	sshll.u32 s1, $0x11  }
0xd0: {  	s0 =	sor.u32 s1, s0  }
0xd1: {  	s0 =	sadd.s32 $0x8F2B, s0  }
0xd2: {  	[sflag:s0] =	ssyncadd.remote.s32 $0x1  }
0xd3: {  	_ =	sfence.sel $0xFFFF  }
0xd4: {  	[dreg:$0x0] =	wrdreg $0xFFFFFFFF;
	(pc) =	sbr.abs _section_cstart, $3  }
0xd5: {  	[dreg:$0x1] =	wrdreg $0xFFFFFFFF  }
0xd6: {  	_ =	task.clear_ibuf [dreg:s22], $0x2FFFF;
	_ =	strace $0x9FFFFFFF  }
0xd7: {  	(tm) =	ssettm $0x7FFFFFFF  }
tec
execute0_lowered:
.L_overlay_start_1:
0x0: {  	(tag) =	ssettag $0x1  }
0x1: {  	s2 =	rddreg [dreg:$0x0];
	s1 =	srdreg.scid  }
0x2: {  	s0 =	stileid.u32;
	s4 =	rddreg [dreg:$0x1];
	s3 =	simm.s32 $0x0  }
0x3: {  	s10 =	simm.s32 $0x1;
	s11 =	simm.s32 $0x0;
	s6 =	smul.u32 $0x9600, s0  }
0x4: {  	s5 =	sand.u32 $0x1, s1;
	s1 =	rddreg [dreg:$0x2];
	s8 =	smul.u32 $0x96000, s0  }
0x5: {  	[smem:$0x7FF] =	sst s3;
	s7 =	smul.u32 $0x4B00, s5;
	s9 =	ssub.s32 $0x2, s5  }
0x6: {  	_ =	strace $0x8000005C;
	s5 =	smul.u32 $0x4B000, s5;
	s31 =	sshrl.u32 s9, $0x1  }
0x7: {  	s30 =	sadd.s32 s8, s4;
	s6 =	sadd.s32 s7, s6;
	s8 =	ssub.s32 s9, s31  }
0x8: {  	s5 =	sadd.s32 s5, s30;
	s7 =	simm.s32 $0x2;
	s6 =	sshrl.u32 s6, $0x3  }
0x9: {  	s9 =	simm.s32 $0x180;
	s5 =	sadd.s32 $0xB8A200, s5;
	s6 =	sadd.s32 s6, s4  }
0xa: {  	s4 =	smax.u32 s8, $0x1;
	s8 =	simm.s32 $0x140;
	s6 =	sadd.s32 $0x138600, s6  }
.LBB2_1:
0xb: {  	s12 =	sadd.s32 $0x0, s6  }
0xc: {  	[tilespmem:s3], [sflag:$0x2] =	stream.linear.gather [hbm4b:s12+s3], $0x140, $0x38;
	[tilespmem:$0xA180] =	vst v63  }
0xd: {  	_ =	swait.ge [sflag:s7], $0x140  }
0xe: {  	[sflag:s7] =	ssyncset.done $0x0  }
0xf: {  	[sflag:s7] =	ssyncadd.s32 $0xFFFFFEC0  }
0x10: {  	[tilespmem:s9], [sflag:$0x1] =	stream.indirect.gather [hbm4b:s2+s8], $0x80, s3, s8, $0xb8;
	[tilespmem:$0xA180] =	vst v63  }
0x11: {  	_ =	swait.ge [sflag:s10], $0xA000  }
0x12: {  	[sflag:s10] =	ssyncset.done $0x0  }
0x13: {  	[sflag:s10] =	ssyncadd.s32 $0xFFFF6000  }
0x14: {  	[hbm4b:s5+s3] =	stream.linear.scatter [tilespmem:s9], [sflag:$0x2], $0xA000, $0x38;
	[tilespmem:$0xA180] =	vst v63  }
0x15: {  	s13 =	simm.s32 $0x28;
	_ =	swait.ge [sflag:s7], $0xA000  }
0x16: {  	s14 =	simm.s32 $0x50;
	s12 =	sadd.s32 $0x1400, s5;
	[sflag:s7] =	ssyncset.done $0x0  }
.LBB2_2:
0x17: {  	s15 =	sadd.s32 s13, s6  }
0x18: {  	[sflag:s7] =	ssyncadd.s32 $0xFFFF6000;
	s13 =	smov.u32 s14;
	s16 =	sadd.s32 $0x28, s14  }
0x19: {  	[tilespmem:s3], [sflag:$0x2] =	stream.linear.gather [hbm4b:s15+s3], $0x140, $0x38;
	[tilespmem:$0xA180] =	vst v63  }
0x1a: {  	p0 =	sne.s32 s14, $0x938;
	_ =	swait.ge [sflag:s7], $0x140  }
0x1b: {  	[sflag:s7] =	ssyncset.done $0x0  }
0x1c: {  	[sflag:s7] =	ssyncadd.s32 $0xFFFFFEC0  }
0x1d: {  	[tilespmem:s9], [sflag:$0x1] =	stream.indirect.gather [hbm4b:s2+s8], $0x80, s3, s8, $0xb8;
	[tilespmem:$0xA180] =	vst v63  }
0x1e: {  	_ =	swait.ge [sflag:s10], $0xA000  }
.Ltmp0:
0x1f: {  	[sflag:s10] =	ssyncset.done $0x0;
	(pc) =	sbr.rel @p0 .LBB2_2-.Ltmp0, $4  }
0x20: {  	[sflag:s10] =	ssyncadd.s32 $0xFFFF6000  }
0x21: {  	[hbm4b:s12+s3] =	stream.linear.scatter [tilespmem:s9], [sflag:$0x2], $0xA000, $0x38;
	[tilespmem:$0xA180] =	vst v63  }
0x22: {  	_ =	swait.ge [sflag:s7], $0xA000  }
0x23: {  	s14 =	smov.u32 s16;
	s12 =	sadd.s32 $0x1400, s12;
	[sflag:s7] =	ssyncset.done $0x0  }
0x24: {  	s13 =	sadd.s32 s13, s6;
	[sflag:s7] =	ssyncadd.s32 $0xFFFF6000  }
0x25: {  	[tilespmem:s3], [sflag:$0x2] =	stream.linear.gather [hbm4b:s13+s3], $0x140, $0x38;
	[tilespmem:$0xA180] =	vst v63  }
0x26: {  	_ =	swait.ge [sflag:s7], $0x140  }
0x27: {  	[sflag:s7] =	ssyncset.done $0x0  }
0x28: {  	[sflag:s7] =	ssyncadd.s32 $0xFFFFFEC0  }
0x29: {  	[tilespmem:s9], [sflag:$0x1] =	stream.indirect.gather [hbm4b:s2+s8], $0x80, s3, s8, $0xb8;
	[tilespmem:$0xA180] =	vst v63  }
0x2a: {  	s11 =	sadd.s32 $0x1, s11;
	_ =	swait.ge [sflag:s10], $0xA000  }
0x2b: {  	p0 =	sne.s32 s11, s4;
	[sflag:s10] =	ssyncset.done $0x0  }
.Ltmp1:
0x2c: {  	[sflag:s10] =	ssyncadd.s32 $0xFFFF6000;
	(pc) =	sbr.rel @p0 .LBB2_1-.Ltmp1, $4  }
0x2d: {  	[hbm4b:s12+s3] =	stream.linear.scatter [tilespmem:s9], [sflag:$0x2], $0xA000, $0x38;
	[tilespmem:$0xA180] =	vst v63  }
0x2e: {  	_ =	swait.ge [sflag:s7], $0xA000  }
0x2f: {  	[sflag:s7] =	ssyncset.done $0x0  }
0x30: {  	[sflag:s7] =	ssyncadd.s32 $0xFFFF6000  }
0x31: {  	_ =	sfence.sel $0x180000  }
0x32: {  	[bflag:$0x0] =	sbarrier.arrive $0xFFFF  }
0x33: {  	p0 =	sne.s32 s0, $0x0;
	_ =	strace $0x9000005C  }
0x34: {  	s0 =	sadd.s32 @!p0 $0x100000, s1;
	[bflag:$0x2] =	sbarrier.arrive $0xFFFF  }
0x35: {  	[sflag:s0] =	ssyncadd.tile.s32 @!p0 $0x1;
	_ =	shalt  }
.Lfunc_end2:
_tile_overlayer_lowered:
.L_overlay_start_2:
0x36: {  	(tag) =	ssettag $0x2  }
0x37: {  	s0 =	rddreg [dreg:$0x0];
	s2 =	stileid.u32  }
0x38: {  	s1 =	rddreg [dreg:$0x1];
	p0 =	sne.s32 s2, $0x0  }
0x39: {  	s3 =	rddreg [dreg:$0x2];
	[bflag:$0x3] =	sbarrier.arrive $0xFFFF;
	s2 =	simm.s32 @!p0 $0x1C02  }
0x3a: {  	[timem:s3], [sflag:s2] =	dma.local @!p0 [hbm:s0], s1  }
0x3b: {  	s0 =	simm.s32 @!p0 $0x2  }
0x3c: {  	_ =	swait.ge @!p0 [sflag:s0], s1  }
0x3d: {  	s1 =	ssub.s32 @!p0 $0x0, s1;
	[sflag:s0] =	ssyncset.done @!p0 $0x0  }
0x3e: {  	[sflag:s0] =	ssyncadd.s32 @!p0 s1  }
0x3f: {  	[bflag:$0x3] =	sbarrier.arrive $0xFFFF  }
0x40: {  	_ =	shalt  }

// kernel: kernel.25.cloned.1.call-start
scs
__scs_entry_jumppad:
0x0: {  	(pc) =	sbr.rel $0x88, $3  }
0x1: {  	(tag) =	ssettag $0x0;
	lr =	simm.s32 $0x1  }
0x2: {  	[smem:$0x3F8E] =	sst lr;
	_ =	strace $0xD0000000  }
0x3: {  	_ = 	snop  }
0x4: {  	_ = 	snop  }
0x5: {  	_ = 	snop  }
0x6: {  	_ = 	snop  }
0x7: {  	_ = 	snop  }
__scs_overlays_trampoline_lowered:
0x8: {  	[smem:$0x3F9D] =	sst s0  }
0x9: {  	[smem:$0x3F9E] =	sst s1  }
0xa: {  	[smem:$0x3F9F] =	sst s2  }
0xb: {  	[smem:$0x3FA0] =	sst s3  }
0xc: {  	[smem:$0x3FA1] =	sst s4  }
0xd: {  	[smem:$0x3FA2] =	sst s5  }
0xe: {  	[smem:$0x3FA3] =	sst s6  }
0xf: {  	[smem:$0x3FA4] =	sst s7  }
0x10: {  	[smem:$0x3FA5] =	sst s8  }
0x11: {  	[smem:$0x3FA6] =	sst s9;
	s0 =	simm.s32 @!p0 $0x0  }
0x12: {  	s1 =	sld [smem:$0x3F8C];
	s0 =	simm.s32 @p0 $0x1  }
0x13: {  	[smem:$0x3FA7] =	sst s0;
	s0 =	simm.s32 @!p1 $0x0  }
0x14: {  	s2 =	sld [smem:$0x3F8B];
	s0 =	simm.s32 @p1 $0x1  }
0x15: {  	[smem:$0x3FA8] =	sst s0;
	s0 =	simm.s32 @!p2 $0x0  }
0x16: {  	s3 =	sld [smem:$0x3FDB];
	s0 =	simm.s32 @p2 $0x1  }
0x17: {  	s4 =	simm.s32 $0x1BF5;
	[smem:$0x3FAA] =	sst s0  }
0x18: {  	s0 =	sld [smem:$0x3F8D];
	_ =	swait.ge [sflag:s4], $0x0  }
0x19: {  	s7 =	sld [smem:$0x3F8E]  }
0x1a: {  	s8 =	sadd.s32 $0xFFFFE003, lr  }
0x1b: {  	s9 =	sadd.s32 $0xFFFFFEF7, lr;
	s5 =	simm.s32 $0xFFFFFFFF;
	p2 =	slt.u32 s8, $0xFFFFF086  }
0x1c: {  	p1 =	slt.u32 s9, $0xF7A;
	s5 =	simm.s32 @!p2 $0x0  }
0x1d: {  	s5 =	simm.s32 @p1 $0x1;
	p0 =	seq.s32 s7, s2  }
0x1e: {  	s7 =	smul.u32 @!p0 $0xF7A, s2;
	p2 =	seq.s32 @!p0 s5, $0x0  }
0x1f: {  	s9 =	smul.u32 $0xF7A, s1;
	s8 =	simm.s32 @!p0 $0x1BF5;
	p2 =	por !p2, p0  }
0x20: {  	[sflag:s8] =	ssyncset.s32 @!p0 $0xFFFFF086;
	s6 =	sadd.s32 @!p0 s3, s7;
	s7 =	simm.s32 @!p0 $0x108  }
0x21: {  	s3 =	sadd.s32 s3, s9;
	s6 =	sadd.s32 @!p0 $0x88, s6;
	s7 =	simm.s32 @p2 $0x1082  }
0x22: {  	[simem:s7], [sflag:s8] =	dma.local @!p0 [hbm:s6], $0xF7A  }
0x23: {  	s9 =	sor.u32 $0xD0000000, s2;
	s6 =	simm.s32 $0x108;
	_ =	swait.ge @!p0 [sflag:s8], $0x0  }
0x24: {  	s3 =	sadd.s32 $0x88, s3;
	s6 =	simm.s32 @!p1 $0x1082;
	[sflag:s4] =	ssyncset.s32 $0xFFFFF086  }
0x25: {  	[simem:s6], [sflag:s4] =	dma.local [hbm:s3], $0xF7A  }
0x26: {  	[smem:$0x3F8E] =	sst s1;
	(tag) =	ssettag s2;
	_ =	strace s9  }
0x27: {  	s1 =	sld [smem:$0x3F9E]  }
0x28: {  	s2 =	sld [smem:$0x3F9F]  }
0x29: {  	s4 =	sld [smem:$0x3FA1]  }
0x2a: {  	p0 =	seq.s32 s5, $0x0;
	s5 =	sld [smem:$0x3FA2]  }
0x2b: {  	s6 =	sld [smem:$0x3FA3]  }
0x2c: {  	s7 =	sld [smem:$0x3FA4]  }
0x2d: {  	s3 =	simm.s32 $0x108;
	s8 =	sld [smem:$0x3FA5]  }
0x2e: {  	s3 =	simm.s32 @!p0 $0x1082;
	s9 =	sld [smem:$0x3FA6]  }
0x2f: {  	lr =	sadd.s32 s0, s3;
	s0 =	sld [smem:$0x3F9D]  }
0x30: {  	s3 =	sld [smem:$0x3FA0]  }
0x31: {  	[smem:$0x3FA9] =	sst s10  }
0x32: {  	s10 =	sld [smem:$0x3FA7];
	_ =	sdelay $0x3  }
0x33: {  	p0 =	seq.s32 s10, $0x1;
	s10 =	sld [smem:$0x3FA9];
	_ =	sdelay $0x3  }
0x34: {  	[smem:$0x3FA9] =	sst s10  }
0x35: {  	s10 =	sld [smem:$0x3FA8];
	_ =	sdelay $0x3  }
0x36: {  	p1 =	seq.s32 s10, $0x1;
	s10 =	sld [smem:$0x3FA9];
	_ =	sdelay $0x3  }
0x37: {  	[smem:$0x3FA9] =	sst s10  }
0x38: {  	s10 =	sld [smem:$0x3FAA]  }
0x39: {  	_ = 	snop;
	(pc) =	sbr.ind lr, $3  }
0x3a: {  	_ = 	snop  }
0x3b: {  	_ = 	snop  }
0x3c: {  	p2 =	seq.s32 s10, $0x1;
	s10 =	sld [smem:$0x3FA9]  }
0x3d: {  	_ =	shalt  }
0x3e: {  	_ =	shalt  }
0x3f: {  	_ =	shalt  }
0x40: {  	_ =	shalt  }
0x41: {  	_ =	shalt  }
0x42: {  	_ =	shalt  }
0x43: {  	_ =	shalt  }
0x44: {  	_ =	shalt  }
0x45: {  	_ =	shalt  }
0x46: {  	_ =	shalt  }
0x47: {  	_ =	shalt  }
0x48: {  	_ =	shalt  }
0x49: {  	_ =	shalt  }
0x4a: {  	_ =	shalt  }
0x4b: {  	_ =	shalt  }
0x4c: {  	_ =	shalt  }
0x4d: {  	_ =	shalt  }
0x4e: {  	_ =	shalt  }
0x4f: {  	_ =	shalt  }
0x50: {  	_ =	shalt  }
0x51: {  	_ =	shalt  }
0x52: {  	_ =	shalt  }
0x53: {  	_ =	shalt  }
0x54: {  	_ =	shalt  }
0x55: {  	_ =	shalt  }
0x56: {  	_ =	shalt  }
0x57: {  	_ =	shalt  }
0x58: {  	_ =	shalt  }
0x59: {  	_ =	shalt  }
0x5a: {  	_ =	shalt  }
0x5b: {  	_ =	shalt  }
0x5c: {  	_ =	shalt  }
0x5d: {  	_ =	shalt  }
0x5e: {  	_ =	shalt  }
0x5f: {  	_ =	shalt  }
0x60: {  	_ =	shalt  }
0x61: {  	_ =	shalt  }
0x62: {  	_ =	shalt  }
0x63: {  	_ =	shalt  }
0x64: {  	_ =	shalt  }
0x65: {  	_ =	shalt  }
0x66: {  	_ =	shalt  }
0x67: {  	_ =	shalt  }
0x68: {  	_ =	shalt  }
0x69: {  	_ =	shalt  }
0x6a: {  	_ =	shalt  }
0x6b: {  	_ =	shalt  }
0x6c: {  	_ =	shalt  }
0x6d: {  	_ =	shalt  }
0x6e: {  	_ =	shalt  }
0x6f: {  	_ =	shalt  }
0x70: {  	_ =	shalt  }
0x71: {  	_ =	shalt  }
0x72: {  	_ =	shalt  }
0x73: {  	_ =	shalt  }
0x74: {  	_ =	shalt  }
0x75: {  	_ =	shalt  }
0x76: {  	_ =	shalt  }
0x77: {  	_ =	shalt  }
0x78: {  	_ =	shalt  }
0x79: {  	_ =	shalt  }
0x7a: {  	_ =	shalt  }
0x7b: {  	_ =	shalt  }
0x7c: {  	_ =	shalt  }
0x7d: {  	_ =	shalt  }
0x7e: {  	_ =	shalt  }
0x7f: {  	_ =	shalt  }
0x80: {  	_ =	shalt  }
0x81: {  	_ =	shalt  }
0x82: {  	_ =	shalt  }
0x83: {  	_ =	shalt  }
0x84: {  	_ =	shalt  }
0x85: {  	_ =	shalt  }
0x86: {  	_ =	shalt  }
0x87: {  	_ =	shalt  }
.Lfunc_end0:
.L_simem_size_0:
called_computation.7_lowered:
.L_overlay_start_0:
0x88: {  	s2 =	sld [smem:$0x3FD9]  }
0x89: {  	s3 =	sld [smem:$0x3FFE];
	_ =	sdelay $0x1  }
0x8a: {  	s1 =	srdreg.scid  }
0x8b: {  	s0 =	sand.u32 $0x1, s1  }
0x8c: {  	s16 =	sshll.u32 s0, $0xA;
	s2 =	sadd.s32 s3, s2  }
0x8d: {  	s2 =	sadd.s32 s2, s16  }
0x8e: {  	[smem:$0x3FB5] =	sst s2  }
0x8f: {  	_ = 	snop  }
0x90: {  	(tm) =	ssettm $0x1  }
0x91: {  	s17 =	sld [smem:$0x3FFB];
	_ =	sdelay $0x3  }
0x92: {  	_ =	strace s17  }
0x93: {  	s2 =	sld [smem:$0x3FFC];
	_ =	sdelay $0x3  }
0x94: {  	_ =	strace s2  }
0x95: {  	s2 =	sld [smem:$0x3FFD];
	_ =	sdelay $0x3  }
0x96: {  	_ =	strace s2  }
0x97: {  	_ =	strace $0x8FFFFFFF  }
0x98: {  	s18 =	sld [smem:$0x3FDB];
	_ =	sdelay $0x1  }
0x99: {  	s19 =	simm.s32 $_scs_section_size  }
0x9a: {  	s4 =	simm.s32 $_size__tile_overlayer_lowered;
	s5 =	simm.s32 $_tile_overlayer_lowered  }
0x9b: {  	s22 =	simm.s32 $0x1BFF;
	s21 =	sshll.u32 s5, $0x1;
	s2 =	sadd.s32 s19, s18  }
0x9c: {  	s6 =	simm.s32 $0x0;
	s20 =	sshll.u32 s4, $0x1;
	s4 =	sadd.s32 s21, s2  }
0x9d: {  	[timem:s6], [sflag:s22] =	dma.local [hbm:s4], s20  }
0x9e: {  	_ =	swait.ge [sflag:s22], s20  }
0x9f: {  	s3 =	ssub.s32 $0x0, s20;
	[sflag:s22] =	ssyncset.done $0x0  }
0xa0: {  	[sflag:s22] =	ssyncadd.s32 s3;
	_ =	sdelay $0x1  }
0xa1: {  	s23 =	simm.s32 $0x1B8B  }
0xa2: {  	_ =	swait.ge [sflag:s23], $0x1  }
0xa3: {  	[sflag:s23] =	ssyncset.done $0x0  }
0xa4: {  	s25 =	simm.s32 $0x1B8E;
	s24 =	sld [smem:$0x3FFE];
	[sflag:s23] =	ssyncadd.s32 $0xFFFFFFFF  }
0xa5: {  	s26 =	simm.s32 $execute0_lowered;
	[smem:$0x3FD2] =	sst s25  }
0xa6: {  	s4 =	sshll.u32 s26, $0x1;
	_ =	strace $0x80000058;
	[dreg:$0x1] =	wrdreg $0xFFFFFFFF  }
0xa7: {  	s28 =	simm.s32 $_size_execute0_lowered;
	s2 =	sadd.s32 s2, s4;
	[dreg:$0x0] =	wrdreg $0x0  }
0xa8: {  	s4 =	sshll.u32 s28, $0x1;
	[dreg:$0x2] =	wrdreg s2  }
0xa9: {  	[dreg:$0x3] =	wrdreg s4  }
0xaa: {  	[dreg:$0x4] =	wrdreg $0xC0  }
0xab: {  	_ =	task [dreg:s6], $0x5FFFF  }
0xac: {  	[dreg:$0x1] =	wrdreg $0xFFFFFFFF  }
0xad: {  	[dreg:$0x0] =	wrdreg $0x60  }
0xae: {  	[dreg:$0x2] =	wrdreg s24  }
0xaf: {  	[dreg:$0x3] =	wrdreg $0xA  }
0xb0: {  	_ =	task.clear_ibuf [dreg:s6], $0x4FFFF;
	_ =	strace $0x90000058  }
0xb1: {  	s29 =	simm.s32 $0xA;
	_ =	strace $0x8000005A  }
0xb2: {  	_ =	swait.ge [sflag:s29], $0x1  }
0xb3: {  	[sflag:s29] =	ssyncadd.s32 $0xFFFFFFFF  }
0xb4: {  	_ =	strace $0x9000005A  }
0xb5: {  	_ =	sfence  }
0xb6: {  	s30 =	sld [smem:$0x0];
	_ =	sdelay $0x2  }
0xb7: {  	s31 =	sshll.u32 s1, $0xD;
	s1 =	sshrl.u32 s1, $0x2  }
0xb8: {  	s3 =	sand.u32 $0x4000, s31;
	s1 =	sadd.s32 s1, s30  }
0xb9: {  	s0 =	sor.u32 s3, s0;
	s1 =	sshll.u32 s1, $0x11  }
0xba: {  	s0 =	sor.u32 s1, s0  }
0xbb: {  	s0 =	sadd.s32 $0x8F2B, s0  }
0xbc: {  	[sflag:s0] =	ssyncadd.remote.s32 $0x1  }
0xbd: {  	_ =	sfence.sel $0xFFFF  }
0xbe: {  	[dreg:$0x0] =	wrdreg $0xFFFFFFFF;
	(pc) =	sbr.abs _section_cstart, $3  }
0xbf: {  	[dreg:$0x1] =	wrdreg $0xFFFFFFFF  }
0xc0: {  	_ =	task.clear_ibuf [dreg:s6], $0x2FFFF;
	_ =	strace $0x9FFFFFFF  }
0xc1: {  	(tm) =	ssettm $0x7FFFFFFF  }
tec
execute0_lowered:
.L_overlay_start_1:
0x0: {  	(tag) =	ssettag $0x1  }
0x1: {  	s4 =	rddreg [dreg:$0x0]  }
0x2: {  	s0 =	rddreg [dreg:$0x1]  }
0x3: {  	s3 =	srdreg.scid;
	s1 =	stileid.u32;
	s2 =	simm.s32 $0x0  }
0x4: {  	s10 =	simm.s32 $0x1;
	s11 =	simm.s32 $0x0;
	s6 =	smul.u32 $0x9600, s1  }
0x5: {  	s5 =	sand.u32 $0x1, s3;
	[smem:$0x7FF] =	sst s2;
	s8 =	smul.u32 $0x96000, s1  }
0x6: {  	s3 =	sadd.s32 $0xB800, s4;
	s7 =	smul.u32 $0x4B00, s5;
	s9 =	ssub.s32 $0x2, s5  }
0x7: {  	_ =	strace $0x80000059;
	s5 =	smul.u32 $0x4B000, s5;
	s31 =	sshrl.u32 s9, $0x1  }
0x8: {  	s30 =	sadd.s32 s8, s4;
	s6 =	sadd.s32 s7, s6;
	s8 =	ssub.s32 s9, s31  }
0x9: {  	s5 =	sadd.s32 s5, s30;
	s7 =	simm.s32 $0x2;
	s6 =	sshrl.u32 s6, $0x3  }
0xa: {  	s9 =	simm.s32 $0x180;
	s5 =	sadd.s32 $0x22A200, s5;
	s6 =	sadd.s32 s6, s4  }
0xb: {  	s4 =	smax.u32 s8, $0x1;
	s8 =	simm.s32 $0x140;
	s6 =	sadd.s32 $0x113200, s6  }
.LBB2_1:
0xc: {  	s12 =	sadd.s32 $0x0, s6  }
0xd: {  	[tilespmem:s2], [sflag:$0x2] =	stream.linear.gather [hbm4b:s12+s2], $0x140, $0x38;
	[tilespmem:$0xA180] =	vst v63  }
0xe: {  	_ =	swait.ge [sflag:s7], $0x140  }
0xf: {  	[sflag:s7] =	ssyncset.done $0x0  }
0x10: {  	[sflag:s7] =	ssyncadd.s32 $0xFFFFFEC0  }
0x11: {  	[tilespmem:s9], [sflag:$0x1] =	stream.indirect.gather [hbm4b:s3+s8], $0x80, s2, s8, $0xb8;
	[tilespmem:$0xA180] =	vst v63  }
0x12: {  	_ =	swait.ge [sflag:s10], $0xA000  }
0x13: {  	[sflag:s10] =	ssyncset.done $0x0  }
0x14: {  	[sflag:s10] =	ssyncadd.s32 $0xFFFF6000  }
0x15: {  	[hbm4b:s5+s2] =	stream.linear.scatter [tilespmem:s9], [sflag:$0x2], $0xA000, $0x38;
	[tilespmem:$0xA180] =	vst v63  }
0x16: {  	s13 =	simm.s32 $0x28;
	_ =	swait.ge [sflag:s7], $0xA000  }
0x17: {  	s14 =	simm.s32 $0x50;
	s12 =	sadd.s32 $0x1400, s5;
	[sflag:s7] =	ssyncset.done $0x0  }
.LBB2_2:
0x18: {  	s15 =	sadd.s32 s13, s6  }
0x19: {  	[sflag:s7] =	ssyncadd.s32 $0xFFFF6000;
	s13 =	smov.u32 s14;
	s16 =	sadd.s32 $0x28, s14  }
0x1a: {  	[tilespmem:s2], [sflag:$0x2] =	stream.linear.gather [hbm4b:s15+s2], $0x140, $0x38;
	[tilespmem:$0xA180] =	vst v63  }
0x1b: {  	p0 =	sne.s32 s14, $0x938;
	_ =	swait.ge [sflag:s7], $0x140  }
0x1c: {  	[sflag:s7] =	ssyncset.done $0x0  }
0x1d: {  	[sflag:s7] =	ssyncadd.s32 $0xFFFFFEC0  }
0x1e: {  	[tilespmem:s9], [sflag:$0x1] =	stream.indirect.gather [hbm4b:s3+s8], $0x80, s2, s8, $0xb8;
	[tilespmem:$0xA180] =	vst v63  }
0x1f: {  	_ =	swait.ge [sflag:s10], $0xA000  }
.Ltmp0:
0x20: {  	[sflag:s10] =	ssyncset.done $0x0;
	(pc) =	sbr.rel @p0 .LBB2_2-.Ltmp0, $4  }
0x21: {  	[sflag:s10] =	ssyncadd.s32 $0xFFFF6000  }
0x22: {  	[hbm4b:s12+s2] =	stream.linear.scatter [tilespmem:s9], [sflag:$0x2], $0xA000, $0x38;
	[tilespmem:$0xA180] =	vst v63  }
0x23: {  	_ =	swait.ge [sflag:s7], $0xA000  }
0x24: {  	s14 =	smov.u32 s16;
	s12 =	sadd.s32 $0x1400, s12;
	[sflag:s7] =	ssyncset.done $0x0  }
0x25: {  	s13 =	sadd.s32 s13, s6;
	[sflag:s7] =	ssyncadd.s32 $0xFFFF6000  }
0x26: {  	[tilespmem:s2], [sflag:$0x2] =	stream.linear.gather [hbm4b:s13+s2], $0x140, $0x38;
	[tilespmem:$0xA180] =	vst v63  }
0x27: {  	_ =	swait.ge [sflag:s7], $0x140  }
0x28: {  	[sflag:s7] =	ssyncset.done $0x0  }
0x29: {  	[sflag:s7] =	ssyncadd.s32 $0xFFFFFEC0  }
0x2a: {  	[tilespmem:s9], [sflag:$0x1] =	stream.indirect.gather [hbm4b:s3+s8], $0x80, s2, s8, $0xb8;
	[tilespmem:$0xA180] =	vst v63  }
0x2b: {  	s11 =	sadd.s32 $0x1, s11;
	_ =	swait.ge [sflag:s10], $0xA000  }
0x2c: {  	p0 =	sne.s32 s11, s4;
	[sflag:s10] =	ssyncset.done $0x0  }
.Ltmp1:
0x2d: {  	[sflag:s10] =	ssyncadd.s32 $0xFFFF6000;
	(pc) =	sbr.rel @p0 .LBB2_1-.Ltmp1, $4  }
0x2e: {  	[hbm4b:s12+s2] =	stream.linear.scatter [tilespmem:s9], [sflag:$0x2], $0xA000, $0x38;
	[tilespmem:$0xA180] =	vst v63  }
0x2f: {  	_ =	swait.ge [sflag:s7], $0xA000  }
0x30: {  	[sflag:s7] =	ssyncset.done $0x0  }
0x31: {  	[sflag:s7] =	ssyncadd.s32 $0xFFFF6000  }
0x32: {  	_ =	sfence.sel $0x180000  }
0x33: {  	[bflag:$0x0] =	sbarrier.arrive $0xFFFF  }
0x34: {  	p0 =	sne.s32 s1, $0x0;
	_ =	strace $0x90000059  }
0x35: {  	s0 =	sadd.s32 @!p0 $0x100000, s0;
	[bflag:$0x2] =	sbarrier.arrive $0xFFFF  }
0x36: {  	[sflag:s0] =	ssyncadd.tile.s32 @!p0 $0x1;
	_ =	shalt  }
.Lfunc_end2:
_tile_overlayer_lowered:
.L_overlay_start_2:
0x37: {  	(tag) =	ssettag $0x2  }
0x38: {  	s0 =	rddreg [dreg:$0x0];
	s2 =	stileid.u32  }
0x39: {  	s1 =	rddreg [dreg:$0x1];
	p0 =	sne.s32 s2, $0x0  }
0x3a: {  	s3 =	rddreg [dreg:$0x2];
	[bflag:$0x3] =	sbarrier.arrive $0xFFFF;
	s2 =	simm.s32 @!p0 $0x1C02  }
0x3b: {  	[timem:s3], [sflag:s2] =	dma.local @!p0 [hbm:s0], s1  }
0x3c: {  	s0 =	simm.s32 @!p0 $0x2  }
0x3d: {  	_ =	swait.ge @!p0 [sflag:s0], s1  }
0x3e: {  	s1 =	ssub.s32 @!p0 $0x0, s1;
	[sflag:s0] =	ssyncset.done @!p0 $0x0  }
0x3f: {  	[sflag:s0] =	ssyncadd.s32 @!p0 s1  }
0x40: {  	[bflag:$0x3] =	sbarrier.arrive $0xFFFF  }
0x41: {  	_ =	shalt  }

// kernel: scatter_offload_async_start.1
scs
__scs_entry_jumppad:
0x0: {  	(pc) =	sbr.rel $0x88, $3  }
0x1: {  	(tag) =	ssettag $0x0;
	lr =	simm.s32 $0x1  }
0x2: {  	[smem:$0x3F8E] =	sst lr;
	_ =	strace $0xD0000000  }
0x3: {  	_ = 	snop  }
0x4: {  	_ = 	snop  }
0x5: {  	_ = 	snop  }
0x6: {  	_ = 	snop  }
0x7: {  	_ = 	snop  }
__scs_overlays_trampoline_lowered:
0x8: {  	[smem:$0x3F9D] =	sst s0  }
0x9: {  	[smem:$0x3F9E] =	sst s1  }
0xa: {  	[smem:$0x3F9F] =	sst s2  }
0xb: {  	[smem:$0x3FA0] =	sst s3  }
0xc: {  	[smem:$0x3FA1] =	sst s4  }
0xd: {  	[smem:$0x3FA2] =	sst s5  }
0xe: {  	[smem:$0x3FA3] =	sst s6  }
0xf: {  	[smem:$0x3FA4] =	sst s7  }
0x10: {  	[smem:$0x3FA5] =	sst s8  }
0x11: {  	[smem:$0x3FA6] =	sst s9;
	s0 =	simm.s32 @!p0 $0x0  }
0x12: {  	s1 =	sld [smem:$0x3F8C];
	s0 =	simm.s32 @p0 $0x1  }
0x13: {  	[smem:$0x3FA7] =	sst s0;
	s0 =	simm.s32 @!p1 $0x0  }
0x14: {  	s2 =	sld [smem:$0x3F8B];
	s0 =	simm.s32 @p1 $0x1  }
0x15: {  	[smem:$0x3FA8] =	sst s0;
	s0 =	simm.s32 @!p2 $0x0  }
0x16: {  	s3 =	sld [smem:$0x3FDB];
	s0 =	simm.s32 @p2 $0x1  }
0x17: {  	s4 =	simm.s32 $0x1BF5;
	[smem:$0x3FAA] =	sst s0  }
0x18: {  	s0 =	sld [smem:$0x3F8D];
	_ =	swait.ge [sflag:s4], $0x0  }
0x19: {  	s7 =	sld [smem:$0x3F8E]  }
0x1a: {  	s8 =	sadd.s32 $0xFFFFE003, lr  }
0x1b: {  	s9 =	sadd.s32 $0xFFFFFEF7, lr;
	s5 =	simm.s32 $0xFFFFFFFF;
	p2 =	slt.u32 s8, $0xFFFFF086  }
0x1c: {  	p1 =	slt.u32 s9, $0xF7A;
	s5 =	simm.s32 @!p2 $0x0  }
0x1d: {  	s5 =	simm.s32 @p1 $0x1;
	p0 =	seq.s32 s7, s2  }
0x1e: {  	s7 =	smul.u32 @!p0 $0xF7A, s2;
	p2 =	seq.s32 @!p0 s5, $0x0  }
0x1f: {  	s9 =	smul.u32 $0xF7A, s1;
	s8 =	simm.s32 @!p0 $0x1BF5;
	p2 =	por !p2, p0  }
0x20: {  	[sflag:s8] =	ssyncset.s32 @!p0 $0xFFFFF086;
	s6 =	sadd.s32 @!p0 s3, s7;
	s7 =	simm.s32 @!p0 $0x108  }
0x21: {  	s3 =	sadd.s32 s3, s9;
	s6 =	sadd.s32 @!p0 $0x88, s6;
	s7 =	simm.s32 @p2 $0x1082  }
0x22: {  	[simem:s7], [sflag:s8] =	dma.local @!p0 [hbm:s6], $0xF7A  }
0x23: {  	s9 =	sor.u32 $0xD0000000, s2;
	s6 =	simm.s32 $0x108;
	_ =	swait.ge @!p0 [sflag:s8], $0x0  }
0x24: {  	s3 =	sadd.s32 $0x88, s3;
	s6 =	simm.s32 @!p1 $0x1082;
	[sflag:s4] =	ssyncset.s32 $0xFFFFF086  }
0x25: {  	[simem:s6], [sflag:s4] =	dma.local [hbm:s3], $0xF7A  }
0x26: {  	[smem:$0x3F8E] =	sst s1;
	(tag) =	ssettag s2;
	_ =	strace s9  }
0x27: {  	s1 =	sld [smem:$0x3F9E]  }
0x28: {  	s2 =	sld [smem:$0x3F9F]  }
0x29: {  	s4 =	sld [smem:$0x3FA1]  }
0x2a: {  	p0 =	seq.s32 s5, $0x0;
	s5 =	sld [smem:$0x3FA2]  }
0x2b: {  	s6 =	sld [smem:$0x3FA3]  }
0x2c: {  	s7 =	sld [smem:$0x3FA4]  }
0x2d: {  	s3 =	simm.s32 $0x108;
	s8 =	sld [smem:$0x3FA5]  }
0x2e: {  	s3 =	simm.s32 @!p0 $0x1082;
	s9 =	sld [smem:$0x3FA6]  }
0x2f: {  	lr =	sadd.s32 s0, s3;
	s0 =	sld [smem:$0x3F9D]  }
0x30: {  	s3 =	sld [smem:$0x3FA0]  }
0x31: {  	[smem:$0x3FA9] =	sst s10  }
0x32: {  	s10 =	sld [smem:$0x3FA7];
	_ =	sdelay $0x3  }
0x33: {  	p0 =	seq.s32 s10, $0x1;
	s10 =	sld [smem:$0x3FA9];
	_ =	sdelay $0x3  }
0x34: {  	[smem:$0x3FA9] =	sst s10  }
0x35: {  	s10 =	sld [smem:$0x3FA8];
	_ =	sdelay $0x3  }
0x36: {  	p1 =	seq.s32 s10, $0x1;
	s10 =	sld [smem:$0x3FA9];
	_ =	sdelay $0x3  }
0x37: {  	[smem:$0x3FA9] =	sst s10  }
0x38: {  	s10 =	sld [smem:$0x3FAA]  }
0x39: {  	_ = 	snop;
	(pc) =	sbr.ind lr, $3  }
0x3a: {  	_ = 	snop  }
0x3b: {  	_ = 	snop  }
0x3c: {  	p2 =	seq.s32 s10, $0x1;
	s10 =	sld [smem:$0x3FA9]  }
0x3d: {  	_ =	shalt  }
0x3e: {  	_ =	shalt  }
0x3f: {  	_ =	shalt  }
0x40: {  	_ =	shalt  }
0x41: {  	_ =	shalt  }
0x42: {  	_ =	shalt  }
0x43: {  	_ =	shalt  }
0x44: {  	_ =	shalt  }
0x45: {  	_ =	shalt  }
0x46: {  	_ =	shalt  }
0x47: {  	_ =	shalt  }
0x48: {  	_ =	shalt  }
0x49: {  	_ =	shalt  }
0x4a: {  	_ =	shalt  }
0x4b: {  	_ =	shalt  }
0x4c: {  	_ =	shalt  }
0x4d: {  	_ =	shalt  }
0x4e: {  	_ =	shalt  }
0x4f: {  	_ =	shalt  }
0x50: {  	_ =	shalt  }
0x51: {  	_ =	shalt  }
0x52: {  	_ =	shalt  }
0x53: {  	_ =	shalt  }
0x54: {  	_ =	shalt  }
0x55: {  	_ =	shalt  }
0x56: {  	_ =	shalt  }
0x57: {  	_ =	shalt  }
0x58: {  	_ =	shalt  }
0x59: {  	_ =	shalt  }
0x5a: {  	_ =	shalt  }
0x5b: {  	_ =	shalt  }
0x5c: {  	_ =	shalt  }
0x5d: {  	_ =	shalt  }
0x5e: {  	_ =	shalt  }
0x5f: {  	_ =	shalt  }
0x60: {  	_ =	shalt  }
0x61: {  	_ =	shalt  }
0x62: {  	_ =	shalt  }
0x63: {  	_ =	shalt  }
0x64: {  	_ =	shalt  }
0x65: {  	_ =	shalt  }
0x66: {  	_ =	shalt  }
0x67: {  	_ =	shalt  }
0x68: {  	_ =	shalt  }
0x69: {  	_ =	shalt  }
0x6a: {  	_ =	shalt  }
0x6b: {  	_ =	shalt  }
0x6c: {  	_ =	shalt  }
0x6d: {  	_ =	shalt  }
0x6e: {  	_ =	shalt  }
0x6f: {  	_ =	shalt  }
0x70: {  	_ =	shalt  }
0x71: {  	_ =	shalt  }
0x72: {  	_ =	shalt  }
0x73: {  	_ =	shalt  }
0x74: {  	_ =	shalt  }
0x75: {  	_ =	shalt  }
0x76: {  	_ =	shalt  }
0x77: {  	_ =	shalt  }
0x78: {  	_ =	shalt  }
0x79: {  	_ =	shalt  }
0x7a: {  	_ =	shalt  }
0x7b: {  	_ =	shalt  }
0x7c: {  	_ =	shalt  }
0x7d: {  	_ =	shalt  }
0x7e: {  	_ =	shalt  }
0x7f: {  	_ =	shalt  }
0x80: {  	_ =	shalt  }
0x81: {  	_ =	shalt  }
0x82: {  	_ =	shalt  }
0x83: {  	_ =	shalt  }
0x84: {  	_ =	shalt  }
0x85: {  	_ =	shalt  }
0x86: {  	_ =	shalt  }
0x87: {  	_ =	shalt  }
.Lfunc_end0:
.L_simem_size_0:
called_computation.1_lowered:
.L_overlay_start_0:
0x88: {  	s2 =	sld [smem:$0x3FD9]  }
0x89: {  	s3 =	sld [smem:$0x3FFE];
	_ =	sdelay $0x1  }
0x8a: {  	s1 =	srdreg.scid  }
0x8b: {  	s0 =	sand.u32 $0x1, s1  }
0x8c: {  	s15 =	sshll.u32 s0, $0xA;
	s2 =	sadd.s32 s3, s2  }
0x8d: {  	s2 =	sadd.s32 s2, s15  }
0x8e: {  	[smem:$0x3FB5] =	sst s2  }
0x8f: {  	_ = 	snop  }
0x90: {  	(tm) =	ssettm $0x1  }
0x91: {  	s16 =	sld [smem:$0x3FFB];
	_ =	sdelay $0x3  }
0x92: {  	_ =	strace s16  }
0x93: {  	s2 =	sld [smem:$0x3FFC];
	_ =	sdelay $0x3  }
0x94: {  	_ =	strace s2  }
0x95: {  	s2 =	sld [smem:$0x3FFD];
	_ =	sdelay $0x3  }
0x96: {  	_ =	strace s2  }
0x97: {  	_ =	strace $0x8FFFFFFF  }
0x98: {  	s17 =	sld [smem:$0x3FDB];
	_ =	sdelay $0x1  }
0x99: {  	s18 =	simm.s32 $_scs_section_size  }
0x9a: {  	s4 =	simm.s32 $_size__tile_overlayer_lowered;
	s5 =	simm.s32 $_tile_overlayer_lowered  }
0x9b: {  	s6 =	simm.s32 $0x1BFF;
	s19 =	sshll.u32 s5, $0x1;
	s3 =	sadd.s32 s18, s17  }
0x9c: {  	s20 =	simm.s32 $0x0;
	s4 =	sshll.u32 s4, $0x1;
	s5 =	sadd.s32 s19, s3  }
0x9d: {  	[timem:s20], [sflag:s6] =	dma.local [hbm:s5], s4  }
0x9e: {  	_ =	swait.ge [sflag:s6], s4  }
0x9f: {  	s4 =	ssub.s32 $0x0, s4;
	[sflag:s6] =	ssyncset.done $0x0  }
0xa0: {  	[sflag:s6] =	ssyncadd.s32 s4;
	_ =	sdelay $0x1  }
0xa1: {  	s21 =	simm.s32 $0x1B8B  }
0xa2: {  	_ =	swait.ge [sflag:s21], $0x1  }
0xa3: {  	[sflag:s21] =	ssyncset.done $0x0  }
0xa4: {  	s22 =	sld [smem:$0x3FFE];
	[sflag:s21] =	ssyncadd.s32 $0xFFFFFFFF  }
0xa5: {  	s24 =	simm.s32 $0x1B8E;
	s23 =	sld [smem:$0x0]  }
0xa6: {  	s25 =	simm.s32 $execute0_lowered;
	[smem:$0x3FD2] =	sst s24  }
0xa7: {  	s6 =	sshll.u32 s25, $0x1;
	_ =	strace $0x8000004C;
	[dreg:$0x1] =	wrdreg $0xFFFFFFFF  }
0xa8: {  	s7 =	simm.s32 $_size_execute0_lowered;
	s6 =	sadd.s32 s3, s6;
	[dreg:$0x0] =	wrdreg $0x0  }
0xa9: {  	s7 =	sshll.u32 s7, $0x1;
	[dreg:$0x2] =	wrdreg s6  }
0xaa: {  	[dreg:$0x3] =	wrdreg s7  }
0xab: {  	[dreg:$0x4] =	wrdreg $0xC0  }
0xac: {  	s26 =	simm.s32 $execute1_lowered;
	_ =	task [dreg:s20], $0x5FFFF  }
0xad: {  	s6 =	sshll.u32 s26, $0x1;
	[dreg:$0x1] =	wrdreg $0xFFFFFFFF  }
0xae: {  	s3 =	sadd.s32 s3, s6;
	[dreg:$0x0] =	wrdreg $0x60  }
0xaf: {  	[dreg:$0x2] =	wrdreg s3  }
0xb0: {  	[dreg:$0x3] =	wrdreg s22  }
0xb1: {  	[dreg:$0x4] =	wrdreg $0xB  }
0xb2: {  	_ =	task.clear_ibuf [dreg:s20], $0x5FFFF;
	_ =	strace $0x9000004C  }
0xb3: {  	s28 =	simm.s32 $0xB;
	_ =	strace $0x8000004E  }
0xb4: {  	_ =	swait.ge [sflag:s28], $0x1  }
0xb5: {  	[sflag:s28] =	ssyncadd.s32 $0xFFFFFFFF  }
0xb6: {  	_ =	strace $0x9000004E  }
0xb7: {  	s3 =	sld [smem:$0x0]  }
0xb8: {  	s6 =	sand.u32 $0xFFFFFFFE, s1  }
0xb9: {  	p0 =	sne.s32 s1, s6  }
0xba: {  	s6 =	sshll.u32 @p0 s6, $0xE  }
0xbb: {  	s6 =	sadd.s32 @p0 $0x11BF3, s6;
	s7 =	sshll.u32 @p0 s3, $0x11  }
0xbc: {  	s6 =	sor.u32 @p0 s7, s6  }
0xbd: {  	[sflag:s6] =	ssyncadd.remote.s32 @p0 $0x1;
	_ =	sdelay $0x1  }
0xbe: {  	s6 =	simm.s32 @p0 $0x1BF3  }
0xbf: {  	_ =	swait.eq @p0 [sflag:s6], $0x1  }
0xc0: {  	[sflag:s6] =	ssyncadd.s32 @p0 $0xFFFFFFFF  }
0xc1: {  	s7 =	sshll.u32 @!p0 s1, $0xE  }
0xc2: {  	s7 =	sor.u32 @!p0 $0x4000, s7;
	s6 =	simm.s32 @!p0 $0x1BF3  }
0xc3: {  	s3 =	sshll.u32 @!p0 s3, $0x11;
	s7 =	sadd.s32 @!p0 $0x11BF3, s7;
	_ =	swait.eq @!p0 [sflag:s6], $0x1  }
0xc4: {  	s3 =	sor.u32 @!p0 s3, s7;
	[sflag:s6] =	ssyncadd.s32 @!p0 $0xFFFFFFFF  }
0xc5: {  	[sflag:s3] =	ssyncadd.remote.s32 @!p0 $0x1  }
0xc6: {  	_ =	strace $0x8000004F;
	[dreg:$0x1] =	wrdreg $0xFFFFFFFF  }
0xc7: {  	[dreg:$0x0] =	wrdreg $0x2030  }
0xc8: {  	[dreg:$0x2] =	wrdreg s22  }
0xc9: {  	[dreg:$0x3] =	wrdreg s1  }
0xca: {  	[dreg:$0x4] =	wrdreg s23  }
0xcb: {  	[dreg:$0x5] =	wrdreg $0xC  }
0xcc: {  	_ =	task.clear_ibuf [dreg:s20], $0x6FFFF;
	_ =	strace $0x9000004F  }
0xcd: {  	s29 =	simm.s32 $0xC;
	_ =	strace $0x80000051  }
0xce: {  	_ =	swait.ge [sflag:s29], $0x1  }
0xcf: {  	[sflag:s29] =	ssyncadd.s32 $0xFFFFFFFF  }
0xd0: {  	_ =	strace $0x90000051  }
0xd1: {  	_ =	sfence  }
0xd2: {  	s30 =	sld [smem:$0x0];
	_ =	sdelay $0x2  }
0xd3: {  	s31 =	sshll.u32 s1, $0xD;
	s1 =	sshrl.u32 s1, $0x2  }
0xd4: {  	s4 =	sand.u32 $0x4000, s31;
	s1 =	sadd.s32 s1, s30  }
0xd5: {  	s0 =	sor.u32 s4, s0;
	s1 =	sshll.u32 s1, $0x11  }
0xd6: {  	s0 =	sor.u32 s1, s0  }
0xd7: {  	s0 =	sadd.s32 $0x8F2B, s0  }
0xd8: {  	[sflag:s0] =	ssyncadd.remote.s32 $0x1  }
0xd9: {  	_ =	sfence.sel $0xFFFF  }
0xda: {  	[dreg:$0x0] =	wrdreg $0xFFFFFFFF;
	(pc) =	sbr.abs _section_cstart, $3  }
0xdb: {  	[dreg:$0x1] =	wrdreg $0xFFFFFFFF  }
0xdc: {  	_ =	task.clear_ibuf [dreg:s20], $0x2FFFF;
	_ =	strace $0x9FFFFFFF  }
0xdd: {  	(tm) =	ssettm $0x7FFFFFFF  }
tec
execute0_lowered:
.L_overlay_start_1:
0x0: {  	(tag) =	ssettag $0x1  }
0x1: {  	s2 =	rddreg [dreg:$0x0]  }
0x2: {  	s5 =	rddreg [dreg:$0x1]  }
0x3: {  	s0 =	rddreg [dreg:$0x2];
	s3 =	stileid.u32;
	[bflag:$0x3] =	sbarrier.arrive $0xFFFF  }
0x4: {  	s1 =	simm.s32 $_size_execute1_lowered;
	s29 =	srdreg.scid;
	s31 =	simm.s32 $0x2  }
0x5: {  	s13 =	simm.s32 $0x0;
	s8 =	simm.s32 $0x40;
	p0 =	sne.s32 s3, $0x0  }
0x6: {  	s1 =	sshll.u32 s1, $0x1;
	s4 =	simm.s32 @!p0 $0x1C3F;
	s6 =	simm.s32 @!p0 $0x4060  }
0x7: {  	[timem:s6], [sflag:s4] =	dma.local @!p0 [hbm:s2], s1  }
0x8: {  	s9 =	simm.s32 $0x80;
	s11 =	simm.s32 $0x0;
	s2 =	sshll.u32 s29, $0x8  }
.Ltmp0:
0x9: {  	s3 =	sshll.u32 s3, $0x9;
	s30 =	sand.u32 $0x100, s2;
	(pc) =	sbr.rel .LBB2_1-.Ltmp0, $4  }
0xa: {  	s12 =	simm.s32 $0x0;
	_ =	strace $0x8000004D;
	s3 =	sor.u32 s3, s30  }
0xb: {  	s4 =	simm.s32 $0x1;
	s2 =	sadd.s32 $0x2B0B400, s5;
	s7 =	ssub.s32 $0x3000, s3  }
0xc: {  	s5 =	sadd.s32 $0x2B3C200, s5;
	[sflag:s4] =	ssyncpa.u1 $0x0;
	s6 =	sshrl.u32 s7, $0xD  }
0xd: {  	[sflag:s31] =	ssyncpa.u1 $0x0;
	s10 =	smov.u32 s3;
	s7 =	sor.u32 $0x2, s6  }
.LBB2_5:
0xe: {  	_ =	sdelay $0x3  }
0xf: {  	[tilespmem:v3+s18+$0x0 ss:$0x1] =	vst.idx.msk $0xffff, v1  }
0x10: {  	[tilespmem:v3+s17+$0x0 ss:$0x1] =	vst.idx.msk $0xffff, v2  }
0x11: {  	[tilespmem:v3+s16+$0x0 ss:$0x1] =	vst.idx.msk $0xffff, v4  }
0x12: {  	[tilespmem:v3+s19+$0x0 ss:$0x1] =	vst.idx.msk $0xffff, v5  }
.LBB2_6:
0x13: {  	s16 =	sand.u32 $0x1FFFFFF, s11  }
0x14: {  	s17 =	smulhi.u32 $0xA7B7EF, s16;
	_ =	sdelay $0x1  }
0x15: {  	s17 =	sshrl.u32 s17, $0x5  }
0x16: {  	s17 =	smul.u32 $0x30D8, s17;
	_ =	sdelay $0x1  }
0x17: {  	s16 =	ssub.s32 s16, s17  }
0x18: {  	s16 =	sshll.u32 s16, $0x4  }
0x19: {  	s16 =	sadd.s32 s5, s16  }
0x1a: {  	[hbm4b:s16+s8] =	stream.strided.scatter [tilespmem:s15], [sflag:$0x2], s14, s9, s8, $0x38;
	[tilespmem:$0x10000] =	vst v63  }
.LBB2_7:
0x1b: {  	p1 =	slt.u32 s12, $0x2  }
0x1c: {  	p2 =	sgt.s32 @!p1 s13, $0x2FD8  }
0x1d: {  	s14 =	smov.u32 s13;
	s15 =	sshra.s32 @!p1 s13, $0x1F;
	p2 =	por !p2, p1  }
0x1e: {  	s13 =	sand.u32 @!p1 s15, s13;
	s14 =	simm.s32 @p2 $0x2FD8  }
0x1f: {  	s13 =	ssub.s32 @!p1 s14, s13  }
0x20: {  	s13 =	sadd.s32 @!p1 $0xFFFFD028, s13  }
0x21: {  	s14 =	sshll.u32 @!p1 s13, $0x8  }
0x22: {  	p2 =	sgt.s32 @!p1 s13, $0xFF;
	s13 =	ssub.s32 @!p1 $0x10000, s14  }
0x23: {  	s15 =	sadd.s32 $0x2000, s10;
	p2 =	por !p2, p1;
	s13 =	sshrl.u32 @!p1 s13, $0x2  }
0x24: {  	s13 =	simm.s32 @!p2 $0x0;
	p2 =	sgt.s32 s15, $0x30D3  }
0x25: {  	s15 =	smov.u32 @p2 s3;
	p2 =	sne.s32 s12, s7  }
.Ltmp1:
0x26: {  	_ = 	snop;
	(pc) =	sbr.rel @!p2 .LBB2_8-.Ltmp1, $4  }
0x27: {  	s14 =	simm.s32 @!p1 $0x2  }
0x28: {  	_ =	swait.ge @!p1 [sflag:s14], s13;
	s16 =	ssub.s32 @!p1 $0x0, s13  }
0x29: {  	s13 =	smov.u32 s11;
	s12 =	sadd.s32 $0x1, s12;
	[sflag:s14] =	ssyncset.done @!p1 $0x0  }
0x2a: {  	s11 =	smov.u32 s10;
	s10 =	smov.u32 s15;
	[sflag:s14] =	ssyncadd.s32 @!p1 s16  }
.LBB2_1:
0x2b: {  	p1 =	sgt.u32 s12, s6  }
0x2c: {  	s15 =	smov.u32 s10;
	p2 =	sgt.s32 @!p1 s10, $0x2FD8  }
0x2d: {  	s14 =	sand.u32 @!p1 $0x1FFFFFF, s10;
	s16 =	sshra.s32 @!p1 s10, $0x1F;
	p2 =	por !p2, p1  }
0x2e: {  	s17 =	smulhi.u32 @!p1 $0xA7B7EF, s14;
	s16 =	sand.u32 @!p1 s16, s10;
	s15 =	simm.s32 @p2 $0x2FD8  }
0x2f: {  	s15 =	ssub.s32 @!p1 s15, s16  }
0x30: {  	s16 =	sshrl.u32 @!p1 s17, $0x5;
	s15 =	sadd.s32 @!p1 $0xFFFFD028, s15  }
0x31: {  	s17 =	sxor.u32 @!p1 $0xFFFFFFFF, s12;
	s16 =	smul.u32 @!p1 $0x30D8, s16;
	s18 =	sshll.u32 @!p1 s15, $0x8  }
0x32: {  	s17 =	sshll.u32 @!p1 s17, $0xE;
	p2 =	sgt.s32 @!p1 s15, $0xFF;
	s15 =	ssub.s32 @!p1 $0x10000, s18  }
0x33: {  	s14 =	ssub.s32 @!p1 s14, s16;
	p2 =	por !p2, p1;
	s16 =	sand.u32 @!p1 $0x4000, s17  }
0x34: {  	s17 =	simm.s32 @!p1 $0x40;
	s15 =	sshrl.u32 @!p1 s15, $0x2;
	s14 =	sshll.u32 @!p1 s14, $0x4  }
0x35: {  	s18 =	simm.s32 @!p1 $0x80;
	s15 =	simm.s32 @!p2 $0x0;
	s14 =	sadd.s32 @!p1 s2, s14  }
0x36: {  	[tilespmem:s16], [sflag:$0x1] =	stream.strided.gather @!p1 [hbm4b:s14+s17], s15, s18, s17, $0x38;
	[tilespmem:$0x10000] =	vst v63  }
0x37: {  	p1 =	seq.s32 s12, $0x0  }
0x38: {  	p2 =	sge.u32 @!p1 s12, s7  }
0x39: {  	p1 =	por p1, p2  }
.Ltmp2:
0x3a: {  	_ = 	snop;
	(pc) =	sbr.rel @p1 .LBB2_7-.Ltmp2, $1  }
0x3b: {  	_ =	sdelay $0x3  }
0x3c: {  	p1 =	sgt.s32 s11, $0x2FD8;
	s14 =	smov.u32 s11;
	s15 =	sshra.s32 s11, $0x1F  }
0x3d: {  	s14 =	simm.s32 @!p1 $0x2FD8;
	s15 =	sand.u32 s15, s11  }
0x3e: {  	s14 =	ssub.s32 s14, s15  }
0x3f: {  	s14 =	sadd.s32 $0xFFFFD028, s14  }
0x40: {  	s31 =	sshll.u32 s14, $0x8  }
0x41: {  	s15 =	ssub.s32 $0x10000, s31  }
0x42: {  	p1 =	sgt.s32 s14, $0xFF;
	s14 =	sshrl.u32 s15, $0x2;
	s15 =	sadd.s32 $0x100, s11  }
0x43: {  	s14 =	simm.s32 @p1 $0x0;
	p1 =	slt.s32 s15, $0x30D4  }
0x44: {  	s15 =	simm.s32 @!p1 $0x30D4  }
0x45: {  	s20 =	ssub.s32 s15, s11  }
0x46: {  	p1 =	slt.s32 s20, $0x1  }
.Ltmp3:
0x47: {  	_ = 	snop;
	(pc) =	sbr.rel @p1 .LBB2_6-.Ltmp3, $4  }
0x48: {  	_ = 	snop  }
0x49: {  	s16 =	sshll.u32 s12, $0xE;
	_ =	swait.ge [sflag:s4], s14  }
0x4a: {  	s16 =	sand.u32 $0x4000, s16;
	s17 =	ssub.s32 $0x0, s14;
	[sflag:s4] =	ssyncset.done $0x0  }
0x4b: {  	s15 =	sor.u32 $0x8000, s16;
	[sflag:s4] =	ssyncadd.s32 s17  }
0x4c: {  	v0 =	vmov s16;
	_ =	sdelay $0x2  }
0x4d: {  	s31 =	simm.s32 $0x0;
	p1 =	sne.s32 s20, $0x1  }
.Ltmp4:
0x4e: {  	s18 =	sand.u32 $0x3FC0, s31;
	(pc) =	sbr.rel @!p1 .LBB2_5-.Ltmp4, $4  }
0x4f: {  	s17 =	sor.u32 $0x30, s18;
	v1 =	vld.idx.msk [tilespmem:v0+s18+$0x0 ss:$0x1], $0xffff  }
0x50: {  	v3 =	vmov s15;
	s16 =	sor.u32 $0x10, s18;
	v2 =	vld.idx.msk [tilespmem:v0+s17+$0x0 ss:$0x1], $0xffff  }
0x51: {  	s19 =	sor.u32 $0x20, s18;
	v4 =	vld.idx.msk [tilespmem:v0+s16+$0x0 ss:$0x1], $0xffff  }
0x52: {  	s20 =	sadd.s32 $0xFFFFFFFF, s20;
	s21 =	simm.s32 $0x40;
	v5 =	vld.idx.msk [tilespmem:v0+s19+$0x0 ss:$0x1], $0xffff  }
.LBB2_4:
0x53: {  	s22 =	sand.u32 $0x3FC0, s21  }
0x54: {  	p1 =	sne.s32 s20, $0x1;
	s20 =	sadd.s32 $0xFFFFFFFF, s20;
	s23 =	sor.u32 $0x10, s22  }
.Ltmp5:
0x55: {  	s24 =	sor.u32 $0x20, s22;
	s25 =	sor.u32 $0x30, s22;
	[tilespmem:v3+s18+$0x0 ss:$0x1] =	vst.idx.msk $0xffff, v1;
	v1 =	vld.idx.msk [tilespmem:v0+s22+$0x0 ss:$0x1], $0xffff;
	(pc) =	sbr.rel @p1 .LBB2_4-.Ltmp5, $4  }
0x56: {  	s18 =	smov.u32 s22;
	[tilespmem:v3+s17+$0x0 ss:$0x1] =	vst.idx.msk $0xffff, v2;
	v2 =	vld.idx.msk [tilespmem:v0+s25+$0x0 ss:$0x1], $0xffff;
	s17 =	smov.u32 s25  }
0x57: {  	[tilespmem:v3+s16+$0x0 ss:$0x1] =	vst.idx.msk $0xffff, v4;
	v4 =	vld.idx.msk [tilespmem:v0+s23+$0x0 ss:$0x1], $0xffff;
	s16 =	smov.u32 s23  }
0x58: {  	[tilespmem:v3+s19+$0x0 ss:$0x1] =	vst.idx.msk $0xffff, v5;
	v5 =	vld.idx.msk [tilespmem:v0+s24+$0x0 ss:$0x1], $0xffff;
	s19 =	smov.u32 s24  }
0x59: {  	s21 =	sadd.s32 $0x40, s21  }
.Ltmp6:
0x5a: {  	_ = 	snop;
	(pc) =	sbr.rel .LBB2_5-.Ltmp6, $1  }
0x5b: {  	_ =	sdelay $0x3  }
.LBB2_8:
0x5c: {  	_ =	sfence.sel $0x180000  }
0x5d: {  	s2 =	simm.s32 $0x1;
	[bflag:$0x0] =	sbarrier.arrive $0xFFFF  }
0x5e: {  	s31 =	simm.s32 $0x2;
	[sflag:s2] =	ssyncpa.u1 $0x1  }
0x5f: {  	[sflag:s31] =	ssyncpa.u1 $0x1  }
0x60: {  	_ =	strace $0x9000004D  }
0x61: {  	s0 =	sadd.s32 @!p0 $0x100000, s0;
	[bflag:$0x2] =	sbarrier.arrive $0xFFFF  }
0x62: {  	[sflag:s0] =	ssyncadd.tile.s32 @!p0 $0x1;
	s0 =	simm.s32 @!p0 $0x3F  }
0x63: {  	_ =	swait.ge @!p0 [sflag:s0], s1  }
0x64: {  	s1 =	ssub.s32 @!p0 $0x0, s1;
	[sflag:s0] =	ssyncset.done @!p0 $0x0  }
0x65: {  	[sflag:s0] =	ssyncadd.s32 @!p0 s1  }
0x66: {  	[bflag:$0x3] =	sbarrier.arrive $0xFFFF  }
0x67: {  	_ =	shalt  }
.Lfunc_end2:
execute1_lowered:
.L_overlay_start_2:
0x68: {  	(tag) =	ssettag $0x2  }
0x69: {  	s2 =	rddreg [dreg:$0x0]  }
0x6a: {  	s3 =	rddreg [dreg:$0x1];
	_ =	strace $0x80000050;
	s0 =	simm.s32 $0x1  }
0x6b: {  	s4 =	simm.s32 $0x88;
	v0 =	vimm.s32 $0x0;
	[sflag:s0] =	ssyncpa.u1 $0x0  }
0x6c: {  	s1 =	sadd.s32 $0x2B3C200, s2;
	[tilespmem:s4+$0x30] =	vst v0  }
0x6d: {  	s0 =	sadd.s32 $0x15D800, s2;
	s6 =	sadd.s32 $0x15AE800, s2;
	[tilespmem:s4+$0x20] =	vst v0  }
0x6e: {  	s14 =	sadd.s32 $0x5600, s2;
	s9 =	sand.u32 $0x1, s3;
	s2 =	simm.s32 $0x40;
	[tilespmem:s4+$0x10] =	vst v0  }
.LBB3_1:
0x6f: {  	s2 =	sadd.s32 $0x40, s2  }
0x70: {  	[tilespmem:s4+$0x0] =	vst v0;
	s4 =	sadd.s32 $0x40, s4;
	p0 =	slt.u32 s2, $0x5040  }
.Ltmp7:
0x71: {  	(pc) =	sbr.rel @p0 .LBB3_1-.Ltmp7, $4  }
0x72: {  	_ = 	snop  }
0x73: {  	[tilespmem:s4+$0x30] =	vst v0  }
0x74: {  	[tilespmem:s4+$0x20] =	vst v0  }
0x75: {  	[tilespmem:s4+$0x10] =	vst v0  }
0x76: {  	s10 =	stileid.u32  }
0x77: {  	s2 =	smul.u32 $0x13, s10  }
0x78: {  	s3 =	smin.u32 s10, $0x9  }
0x79: {  	s2 =	sadd.s32 s3, s2  }
0x7a: {  	p0 =	slt.u32 s10, $0x9;
	s7 =	smul.u32 $0x140, s2;
	s2 =	simm.s32 $0x1900  }
0x7b: {  	s2 =	simm.s32 @!p0 $0x17C0  }
0x7c: {  	s2 =	sadd.s32 s2, s7  }
0x7d: {  	s8 =	smin.u32 s2, $0x186A0  }
0x7e: {  	s2 =	ssub.s32 s8, s7  }
0x7f: {  	s26 =	simm.s32 $0x2;
	s29 =	simm.s32 $0x9;
	p0 =	sgt.s32 s2, $0x0  }
0x80: {  	s30 =	simm.s32 $0xA;
	s31 =	smul.u32 $0x30D4, s9;
	s2 =	simm.s32 @!p0 $0x0  }
0x81: {  	s11 =	simm.s32 $0xB;
	[dreg:$0x4] =	wrdreg s9;
	s28 =	smulhi.u32 $0x66666667, s2  }
0x82: {  	s12 =	simm.s32 $0x1;
	s18 =	simm.s32 $0x0;
	p1 =	por $0x0, $0x0  }
0x83: {  	s19 =	simm.s32 $0xC;
	s23 =	simm.s32 $0x0;
	s3 =	sshrl.u32 s28, $0x7  }
0x84: {  	s20 =	simm.s32 $0x0;
	s22 =	simm.s32 $0x0;
	s5 =	smul.u32 $0x140, s3  }
.Ltmp8:
0x85: {  	[tilespmem:s4+$0x0] =	vst v0;
	v0 =	vimm.s32 $0xFFFFFFFF;
	[sflag:s26] =	ssyncpa.u1 $0x0;
	s16 =	sshll.u32 s10, $0x7;
	(pc) =	sbr.rel .LBB3_3-.Ltmp8, $4  }
0x86: {  	[tilespmem:$0xA108] =	vst v0;
	[sflag:s29] =	ssyncpa.u1 $0x0;
	p0 =	sne.s32 s2, s5;
	s2 =	simm.s32 $0x1  }
0x87: {  	s14 =	sadd.s32 s31, s14;
	[sflag:s30] =	ssyncpa.u1 $0x0;
	s2 =	simm.s32 @!p0 $0x0  }
0x88: {  	s15 =	sadd.s32 s31, s0;
	[sflag:s11] =	ssyncpa.u1 $0x0;
	s13 =	sadd.s32 s2, s3  }
0x89: {  	v0 =	vlaneseq.u32;
	s21 =	smov.u32 s7;
	p0 =	por $0x1, $0x1;
	s17 =	sadd.s32 $0x1, s13  }
.LBB3_24:
0x8a: {  	s0 =	sshrl.u32 s0, $0x2  }
.LBB3_26:
0x8b: {  	_ =	swait.ge [sflag:s19], s0  }
0x8c: {  	s30 =	ssub.s32 $0x0, s0;
	v1 =	vmov s25;
	vm0 =	veq.s32 v0, $0x0;
	[sflag:s19] =	ssyncset.done $0x0  }
0x8d: {  	vm15 =	veq.s32 v0, $0x2;
	v1 =	vsel vm0, s31, v1;
	[sflag:s19] =	ssyncadd.s32 s30  }
0x8e: {  	v1 =	vsel vm15, s23, v1;
	[sflag:s19] =	ssyncpa.u1 $0x1  }
0x8f: {  	[tilespmem:$0xA108] =	vst v1  }
.LBB3_27:
0x90: {  	s0 =	sadd.s32 $0x140, s21  }
0x91: {  	s2 =	smov.u32 s7;
	p2 =	slt.s32 s0, s8  }
0x92: {  	s2 =	smov.u32 @p2 s0;
	p2 =	sne.s32 s22, s17  }
.Ltmp9:
0x93: {  	_ = 	snop;
	(pc) =	sbr.rel @!p2 .LBB3_28-.Ltmp9, $4  }
0x94: {  	_ = 	snop  }
0x95: {  	s23 =	smov.u32 s20  }
0x96: {  	s31 =	sadd.s32 $0x1, s22;
	s20 =	smov.u32 s21;
	p0 =	por !p0, !p0  }
0x97: {  	p1 =	por !p1, !p1;
	s22 =	smov.u32 s31;
	s21 =	smov.u32 s2  }
.LBB3_3:
0x98: {  	p2 =	sge.u32 s22, s13  }
0x99: {  	s0 =	smulhi.u32 @!p2 $0xAAAAAAAB, s22  }
0x9a: {  	s2 =	smov.u32 s21;
	p3 =	sgt.s32 @!p2 s21, $0x18560  }
0x9b: {  	s3 =	sshra.s32 @!p2 s21, $0x1F;
	p3 =	por !p3, p2;
	s0 =	sshrl.u32 @!p2 s0, $0x1  }
0x9c: {  	s3 =	sand.u32 @!p2 s3, s21;
	s2 =	simm.s32 @p3 $0x18560;
	s0 =	smul.u32 @!p2 $0x3, s0  }
0x9d: {  	s2 =	ssub.s32 @!p2 s2, s3  }
0x9e: {  	s2 =	sadd.s32 @!p2 $0xFFFE7AA0, s2;
	s0 =	ssub.s32 @!p2 s22, s0  }
0x9f: {  	s3 =	sshll.u32 @!p2 s2, $0x2;
	p3 =	sgt.s32 @!p2 s2, $0x13F;
	s0 =	smul.u32 @!p2 $0x500, s0  }
0xa0: {  	s4 =	sand.u32 @!p2 $0x7, s21;
	s2 =	ssub.s32 @!p2 $0x500, s3;
	p3 =	por !p3, p2  }
0xa1: {  	s3 =	sshrl.u32 @!p2 s21, $0x3;
	s2 =	sshrl.u32 @!p2 s2, $0x2;
	s0 =	sshrl.u32 @!p2 s0, $0x2  }
0xa2: {  	s3 =	sadd.s32 @!p2 s3, s14;
	s2 =	simm.s32 @!p3 $0x0;
	s0 =	sadd.s32 @!p2 $0xA948, s0  }
0xa3: {  	[tilespmem:s0], [sflag:$0xA] =	stream.linear.gather @!p2 [hbm4b:s3+s4], s2, $0x38;
	[tilespmem:$0x1EF88] =	vst v63  }
0xa4: {  	s4 =	sadd.s32 $0xFFFFFFFF, s22  }
0xa5: {  	p2 =	sge.u32 s4, s13  }
0xa6: {  	p3 =	sgt.s32 @!p2 s20, $0x18560  }
0xa7: {  	s0 =	smov.u32 s20;
	s2 =	sshra.s32 @!p2 s20, $0x1F;
	p3 =	por !p3, p2  }
0xa8: {  	s2 =	sand.u32 @!p2 s2, s20;
	s0 =	simm.s32 @p3 $0x18560  }
0xa9: {  	s0 =	ssub.s32 @!p2 s0, s2  }
0xaa: {  	s0 =	sadd.s32 @!p2 $0xFFFE7AA0, s0  }
0xab: {  	s2 =	sshll.u32 @!p2 s0, $0x2  }
0xac: {  	p3 =	sgt.s32 @!p2 s0, $0x13F;
	s0 =	ssub.s32 @!p2 $0x500, s2  }
0xad: {  	p3 =	por !p3, p2;
	s0 =	sshrl.u32 @!p2 s0, $0x2  }
0xae: {  	s3 =	simm.s32 @!p2 $0xA;
	s2 =	sand.u32 @!p2 $0x1, s4;
	s0 =	simm.s32 @!p3 $0x0  }
0xaf: {  	s2 =	smul.u32 @!p2 $0x500, s2;
	_ =	swait.ge @!p2 [sflag:s3], s0  }
0xb0: {  	s5 =	ssub.s32 @!p2 $0x0, s0;
	[sflag:s3] =	ssyncset.done @!p2 $0x0  }
0xb1: {  	s2 =	sshrl.u32 @!p2 s2, $0x2;
	[sflag:s3] =	ssyncadd.s32 @!p2 s5;
	s3 =	sshrl.u32 @!p2 s20, $0x3  }
0xb2: {  	s2 =	sadd.s32 @!p2 $0xAD08, s2;
	s5 =	sand.u32 @!p2 $0x7, s20;
	s3 =	sadd.s32 @!p2 s3, s15  }
0xb3: {  	[tilespmem:s2], [sflag:$0xB] =	stream.linear.gather @!p2 [hbm4b:s3+s5], s0, $0x38;
	[tilespmem:$0x1EF88] =	vst v63  }
0xb4: {  	s0 =	ssub.s32 @!p2 $0x186A0, s20  }
0xb5: {  	p3 =	slt.s32 @!p2 s0, $0x1  }
0xb6: {  	p3 =	por p2, p3  }
.Ltmp10:
0xb7: {  	_ = 	snop;
	(pc) =	sbr.rel @p3 .LBB3_9-.Ltmp10, $1  }
0xb8: {  	_ =	sdelay $0x3  }
0xb9: {  	s2 =	smulhi.u32 $0xAAAAAAAB, s4;
	_ =	sdelay $0x1  }
0xba: {  	s2 =	sshrl.u32 s2, $0x1  }
0xbb: {  	s2 =	smul.u32 $0x3, s2;
	_ =	sdelay $0x1  }
0xbc: {  	s2 =	ssub.s32 s4, s2  }
0xbd: {  	s3 =	simm.s32 $0x1;
	s2 =	smul.u32 $0x500, s2  }
.Ltmp11:
0xbe: {  	s3 =	simm.s32 @!p0 $0x0;
	(pc) =	sbr.rel .LBB3_6-.Ltmp11, $4  }
0xbf: {  	s3 =	smul.u32 $0x28000, s3  }
0xc0: {  	p3 =	slt.s32 @!p2 s0, $0x140;
	s2 =	sshrl.u32 s2, $0x2  }
0xc1: {  	p2 =	por !p3, p2;
	s3 =	sshrl.u32 s3, $0x2;
	s2 =	sadd.s32 $0xA948, s2  }
0xc2: {  	s24 =	simm.s32 $0x0;
	s0 =	simm.s32 @p2 $0x140;
	s4 =	sadd.s32 $0xAF88, s3;
	v1 =	vmov s2  }
.LBB3_5:
0xc3: {  	p2 =	sge.s32 s24, s0  }
.Ltmp12:
0xc4: {  	_ = 	snop;
	(pc) =	sbr.rel @p2 .LBB3_9-.Ltmp12, $2  }
0xc5: {  	_ =	sdelay $0x2  }
0xc6: {  	s4 =	sadd.s32 $0x800, s4  }
.LBB3_6:
0xc7: {  	p2 =	sle.s32 s0, s24  }
.Ltmp13:
0xc8: {  	_ = 	snop;
	(pc) =	sbr.rel @p2 .LBB3_5-.Ltmp13, $2  }
0xc9: {  	_ =	sdelay $0x2  }
0xca: {  	s5 =	smov.u32 s24;
	s24 =	sadd.s32 $0x10, s24  }
0xcb: {  	s2 =	ssub.s32 s0, s5  }
0xcc: {  	p2 =	slt.s32 s2, $0x10  }
0xcd: {  	s2 =	simm.s32 @!p2 $0x10  }
0xce: {  	v2 =	vmov s2  }
0xcf: {  	vm0 =	vgt.s32 v2, v0;
	_ =	sdelay $0x5  }
0xd0: {  	v2 =	vld.idx.msk [tilespmem:v1+s5+$0x0 ss:$0x1], vm0;
	_ =	sdelay $0x2  }
0xd1: {  	p2 =	slt.s32 s24, s0;
	s2 =	smov.u32 s0  }
0xd2: {  	s3 =	smov.u32 s4;
	s25 =	simm.s32 $0x0;
	s2 =	smov.u32 @p2 s24  }
.LBB3_8:
0xd3: {  	(v2sf) =	vpush v2, s25;
	_ =	sdelay $0xc  }
0xd4: {  	s25 =	sadd.s32 $0x1, s25  }
0xd5: {  	s31 =	sadd.s32 s25, s5  }
0xd6: {  	p2 =	slt.s32 s31, s2;
	s9 =	spop (v2sf)  }
.Ltmp14:
0xd7: {  	s9 =	sshll.u32 s9, $0x4;
	(pc) =	sbr.rel @p2 .LBB3_8-.Ltmp14, $4  }
0xd8: {  	s9 =	sand.u32 $0x1FFFFFF0, s9  }
0xd9: {  	s9 =	sadd.s32 s6, s9  }
0xda: {  	[tilespmem:s3], [sflag:$0x9] =	stream.linear.gather [hbm4b:s9+s18], $0x40, $0x38;
	[tilespmem:$0x1EF88] =	vst v63  }
0xdb: {  	s3 =	sadd.s32 $0x80, s3  }
.Ltmp15:
0xdc: {  	_ = 	snop;
	(pc) =	sbr.rel .LBB3_5-.Ltmp15, $1  }
0xdd: {  	_ =	sdelay $0x3  }
.LBB3_9:
0xde: {  	p2 =	slt.u32 s22, $0x2  }
.Ltmp16:
0xdf: {  	_ = 	snop;
	(pc) =	sbr.rel @p2 .LBB3_27-.Ltmp16, $1  }
0xe0: {  	_ =	sdelay $0x3  }
0xe1: {  	p2 =	sgt.s32 s23, $0x18560  }
0xe2: {  	s0 =	smov.u32 s23;
	s2 =	sshra.s32 s23, $0x1F;
	s3 =	ssub.s32 $0x186A0, s23  }
0xe3: {  	s0 =	simm.s32 @!p2 $0x18560;
	s2 =	sand.u32 s2, s23;
	p2 =	slt.s32 s3, $0x140  }
0xe4: {  	s0 =	ssub.s32 s0, s2;
	s3 =	simm.s32 @!p2 $0x140  }
0xe5: {  	s0 =	sadd.s32 $0xFFFE7AA0, s0;
	s10 =	sshll.u32 s3, $0x6  }
0xe6: {  	s26 =	simm.s32 $0x9;
	s24 =	sshll.u32 s0, $0x2;
	s2 =	sand.u32 $0x3FFFFFC0, s10  }
0xe7: {  	p2 =	sgt.s32 s0, $0x13F;
	s25 =	ssub.s32 $0x500, s24;
	_ =	swait.ge [sflag:s26], s2  }
0xe8: {  	s2 =	ssub.s32 $0x0, s2;
	[sflag:s26] =	ssyncset.done $0x0;
	s0 =	sshrl.u32 s25, $0x2  }
0xe9: {  	[sflag:s26] =	ssyncadd.s32 s2;
	s0 =	simm.s32 @p2 $0x0  }
0xea: {  	_ =	swait.ge [sflag:s11], s0  }
0xeb: {  	s0 =	ssub.s32 $0x0, s0;
	[sflag:s11] =	ssyncset.done $0x0  }
0xec: {  	[sflag:s11] =	ssyncadd.s32 s0  }
0xed: {  	v1 =	vld [tilespmem:$0xA108];
	_ =	sdelay $0x4  }
0xee: {  	(v2sf) =	vpush v1, $0x0  }
0xef: {  	(v2sf) =	vpush v1, $0x1  }
0xf0: {  	(v2sf) =	vpush v1, $0x2;
	_ =	sdelay $0x3  }
0xf1: {  	s0 =	sadd.s32 $0x140, s23  }
0xf2: {  	s2 =	ssub.s32 $0x30D40, s23;
	p2 =	slt.s32 s8, s0  }
0xf3: {  	s0 =	smov.u32 @p2 s8;
	p2 =	sgt.s32 s2, $0x0  }
0xf4: {  	s0 =	ssub.s32 s0, s23;
	s2 =	simm.s32 @!p2 $0x0  }
0xf5: {  	p2 =	slt.s32 s2, s0  }
0xf6: {  	s0 =	smov.u32 @p2 s2  }
0xf7: {  	s26 =	simm.s32 $0x1;
	p2 =	slt.s32 s0, $0x1  }
.Ltmp17:
0xf8: {  	s26 =	simm.s32 @!p1 $0x0;
	(pc) =	sbr.rel @p2 .LBB3_14-.Ltmp17, $4  }
0xf9: {  	s30 =	smul.u32 $0x500, s26  }
0xfa: {  	s28 =	spop (v2sf)  }
0xfb: {  	s31 =	sshrl.u32 s30, $0x2;
	s29 =	spop (v2sf)  }
0xfc: {  	s24 =	sadd.s32 $0xAD08, s31;
	s23 =	spop (v2sf)  }
0xfd: {  	s2 =	smin.u32 s0, $0x10  }
0xfe: {  	v1 =	vmov s2  }
0xff: {  	p3 =	sgt.s32 s0, $0x10;
	vm1 =	vgt.u32 v1, v0  }
.Ltmp18:
0x100: {  	_ = 	snop;
	(pc) =	sbr.rel @!p3 .LBB3_13-.Ltmp18, $2  }
0x101: {  	_ =	sdelay $0x2  }
0x102: {  	s5 =	simm.s32 $0x10;
	s25 =	sadd.s32 $0xFFFFFFF0, s0;
	s4 =	smov.u32 s24;
	vm0 =	vmmov vm1  }
.LBB3_12:
0x103: {  	s2 =	smin.u32 s25, $0x10;
	s5 =	sadd.s32 $0x10, s5;
	v1 =	vld.msk [tilespmem:s4+$0x0 ss:$0x1], vm1  }
0x104: {  	v2 =	vmov s2;
	p3 =	slt.s32 s5, s0  }
0x105: {  	vm1 =	vgt.u32 v2, v0  }
.Ltmp19:
0x106: {  	(pc) =	sbr.rel @p3 .LBB3_12-.Ltmp19, $3  }
0x107: {  	_ =	sdelay $0x1  }
0x108: {  	v1 =	vshll.u32 v1, $0x4  }
0x109: {  	s25 =	sadd.s32 $0xFFFFFFF0, s25;
	[tilespmem:s4+$0x0] =	vst.msk vm0, v1;
	s4 =	sadd.s32 $0x10, s4;
	vm0 =	vmmov vm1  }
.LBB3_13:
0x10a: {  	_ =	sdelay $0x4  }
0x10b: {  	v1 =	vld.msk [tilespmem:s4+$0x0 ss:$0x1], vm1;
	_ =	sdelay $0x4  }
0x10c: {  	v1 =	vshll.u32 v1, $0x4  }
0x10d: {  	[tilespmem:s4+$0x0] =	vst.msk vm0, v1  }
.LBB3_14:
0x10e: {  	s2 =	sand.u32 $0x1, s22  }
0x10f: {  	s2 =	smul.u32 $0x140, s2  }
0x110: {  	p3 =	sne.s32 s29, $0xFFFFFFFF  }
0x111: {  	v1 =	vld.msk @!p3 [tilespmem:s2+$0xAD08], $0x1;
	_ =	sdelay $0x4  }
0x112: {  	(v2sf) =	vpush @!p3 v1, $0x0;
	_ =	sdelay $0xc  }
.Ltmp20:
0x113: {  	_ = 	snop;
	(pc) =	sbr.rel @p2 .LBB3_25-.Ltmp20, $4  }
0x114: {  	_ = 	snop  }
0x115: {  	s30 =	spop @!p3 (v2sf)  }
0x116: {  	s23 =	simm.s32 @!p3 $0x0;
	s25 =	smov.u32 s30  }
0x117: {  	[sflag:s19] =	ssyncpa.u1 $0x0;
	s30 =	smov.u32 @p3 s28;
	s25 =	smov.u32 @p3 s29  }
0x118: {  	v1 =	vld.msk [tilespmem:s24+$0x0], $0x1;
	_ =	sdelay $0x4  }
0x119: {  	(v2sf) =	vpush v1, $0x0;
	_ =	sdelay $0xe  }
0x11a: {  	s2 =	smul.u32 $0x28000, s26;
	s4 =	spop (v2sf)  }
0x11b: {  	s28 =	ssub.s32 $0x0, s0;
	p2 =	seq.s32 s30, s4  }
0x11c: {  	s0 =	sadd.s32 $0x1, s28;
	s2 =	sshrl.u32 s2, $0x2;
	p3 =	sgt.s32 @!p2 s30, $0x0  }
0x11d: {  	s26 =	sadd.s32 $0xAFA8, s2;
	s2 =	smov.u32 s30;
	p3 =	por !p3, p2  }
0x11e: {  	s2 =	simm.s32 @p3 $0x0;
	p3 =	seq.s32 s0, $0x0  }
.Ltmp21:
0x11f: {  	_ = 	snop;
	(pc) =	sbr.rel @p3 .LBB3_17-.Ltmp21, $4  }
0x120: {  	_ = 	snop  }
0x121: {  	s29 =	simm.s32 $0x0;
	s5 =	simm.s32 @!p2 $0x1;
	s3 =	smin.u32 @!p2 s2, $0x30D78  }
0x122: {  	s31 =	sadd.s32 $0x1, s24;
	s5 =	smov.u32 @p2 s29;
	s9 =	sand.u32 @!p2 $0x3FFF8, s3  }
0x123: {  	s2 =	simm.s32 @!p2 $0x50C8;
	s3 =	sand.u32 @!p2 $0x7, s3;
	s9 =	sadd.s32 @!p2 s1, s9  }
.LBB3_16:
0x124: {  	s10 =	smov.u32 s5  }
0x125: {  	[tilespmem:s2], [sflag:$0x2] =	stream.linear.gather @!p2 [hbm4b:s9+s3], $0x40, $0x38;
	[tilespmem:$0x1EF88] =	vst v63  }
0x126: {  	s0 =	sadd.s32 $0x1, s0;
	s3 =	smov.u32 s4;
	v1 =	vld.msk [tilespmem:s31+$0x0], $0x1  }
0x127: {  	p3 =	seq.s32 s0, $0x0;
	_ =	sdelay $0x3  }
0x128: {  	(v2sf) =	vpush v1, $0x0;
	_ =	sdelay $0xe  }
0x129: {  	s4 =	spop (v2sf)  }
0x12a: {  	p2 =	seq.s32 s3, s4  }
0x12b: {  	p4 =	sgt.s32 @!p2 s3, $0x0;
	s2 =	sshll.u32 @!p2 s5, $0x8;
	s5 =	sadd.s32 @!p2 $0x1, s5  }
.Ltmp22:
0x12c: {  	p4 =	por !p4, p2;
	s2 =	sshra.s32 @!p2 s2, $0x2;
	(pc) =	sbr.rel @!p3 .LBB3_16-.Ltmp22, $4  }
0x12d: {  	s5 =	smov.u32 @p2 s10;
	s3 =	simm.s32 @p4 $0x0;
	s2 =	sadd.s32 @!p2 $0x50C8, s2  }
0x12e: {  	s3 =	smin.u32 @!p2 s3, $0x30D78  }
0x12f: {  	s9 =	sand.u32 @!p2 $0x3FFF8, s3;
	s3 =	sand.u32 @!p2 $0x7, s3  }
0x130: {  	s31 =	sadd.s32 $0x1, s31;
	s9 =	sadd.s32 @!p2 s1, s9  }
.LBB3_17:
0x131: {  	[tilespmem:s2], [sflag:$0x2] =	stream.linear.gather @!p2 [hbm4b:s9+s3], $0x40, $0x38;
	[tilespmem:$0x1EF88] =	vst v63  }
.Ltmp23:
0x132: {  	s0 =	sshll.u32 s5, $0x6;
	(pc) =	sbr.rel .LBB3_18-.Ltmp23, $4  }
0x133: {  	s31 =	simm.s32 $0x2;
	s0 =	sand.u32 $0x3FFFFFC0, s0  }
0x134: {  	_ =	swait.ge [sflag:s31], s0  }
0x135: {  	s0 =	ssub.s32 $0x0, s0;
	[sflag:s31] =	ssyncset.done $0x0  }
0x136: {  	[sflag:s31] =	ssyncadd.s32 s0;
	s0 =	simm.s32 $0x0  }
.LBB3_19:
0x137: {  	v1 =	vld [tilespmem:s26+$0xFFFFFFE0];
	_ =	sdelay $0x4  }
0x138: {  	[tilespmem:s4+$0x88] =	vst.add.f32.msk $0xffff, v1  }
0x139: {  	v1 =	vld [tilespmem:s26+$0xFFFFFFF0];
	_ =	sdelay $0x4  }
0x13a: {  	[tilespmem:s4+$0x98] =	vst.add.f32.msk $0xffff, v1  }
0x13b: {  	v1 =	vld [tilespmem:s26+$0x0];
	_ =	sdelay $0x4  }
0x13c: {  	[tilespmem:s4+$0xA8] =	vst.add.f32.msk $0xffff, v1  }
0x13d: {  	v1 =	vld [tilespmem:s26+$0x10];
	_ =	sdelay $0x4  }
0x13e: {  	[tilespmem:s4+$0xB8] =	vst.add.f32.msk $0xffff, v1  }
.LBB3_23:
0x13f: {  	s28 =	sadd.s32 $0x1, s28  }
0x140: {  	p2 =	seq.s32 s28, $0x0  }
.Ltmp24:
0x141: {  	_ = 	snop;
	(pc) =	sbr.rel @p2 .LBB3_24-.Ltmp24, $2  }
0x142: {  	_ =	sdelay $0x2  }
0x143: {  	s26 =	sadd.s32 $0x80, s26;
	s24 =	sadd.s32 $0x1, s24;
	s30 =	smov.u32 s31  }
.LBB3_18:
0x144: {  	v1 =	vld.msk [tilespmem:s24+$0x0], $0x1;
	_ =	sdelay $0x4  }
0x145: {  	(v2sf) =	vpush v1, $0x0;
	_ =	sdelay $0xe  }
0x146: {  	s31 =	spop (v2sf)  }
0x147: {  	p2 =	sne.s32 s30, s31  }
.Ltmp25:
0x148: {  	_ = 	snop;
	(pc) =	sbr.rel @!p2 .LBB3_19-.Ltmp25, $3  }
0x149: {  	_ =	sdelay $0x1  }
0x14a: {  	s2 =	sshll.u32 s23, $0x8  }
0x14b: {  	s4 =	sshra.s32 s2, $0x2  }
0x14c: {  	p2 =	seq.s32 s30, s25  }
.Ltmp26:
0x14d: {  	_ = 	snop;
	(pc) =	sbr.rel @!p2 .LBB3_21-.Ltmp26, $1  }
0x14e: {  	_ =	sdelay $0x3  }
.Ltmp27:
0x14f: {  	s2 =	sadd.s32 $0x88, s4;
	(pc) =	sbr.rel .LBB3_22-.Ltmp27, $4  }
0x150: {  	[spmem:s16] =	stream.linear.scatter [tilespmem:s2], [sflag:$0x1], $0x40, $0x38;
	[tilespmem:$0x1EF88] =	vst v63  }
0x151: {  	_ =	swait.ge [sflag:s12], $0x40  }
0x152: {  	[sflag:s12] =	ssyncset.done $0x0  }
0x153: {  	[sflag:s12] =	ssyncadd.s32 $0xFFFFFFC0  }
.LBB3_21:
0x154: {  	s2 =	sshll.u32 s29, $0x8  }
0x155: {  	s2 =	sshra.s32 s2, $0x2  }
0x156: {  	v1 =	vld [tilespmem:s2+$0x50C8];
	_ =	sdelay $0x4  }
0x157: {  	[tilespmem:s4+$0x88] =	vst.add.f32.msk $0xffff, v1  }
0x158: {  	v1 =	vld [tilespmem:s2+$0x50D8];
	_ =	sdelay $0x4  }
0x159: {  	[tilespmem:s4+$0x98] =	vst.add.f32.msk $0xffff, v1  }
0x15a: {  	v1 =	vld [tilespmem:s2+$0x50E8];
	_ =	sdelay $0x4  }
0x15b: {  	[tilespmem:s4+$0xA8] =	vst.add.f32.msk $0xffff, v1  }
0x15c: {  	v1 =	vld [tilespmem:s2+$0x50F8];
	_ =	sdelay $0x2  }
0x15d: {  	p2 =	sgt.u32 s30, $0x30D78  }
0x15e: {  	s2 =	sand.u32 @!p2 $0x3FFF8, s30  }
0x15f: {  	s3 =	sadd.s32 $0x88, s4;
	s2 =	sadd.s32 @!p2 s1, s2;
	[tilespmem:s4+$0xB8] =	vst.add.f32.msk $0xffff, v1;
	s4 =	sand.u32 @!p2 $0x7, s30  }
0x160: {  	[hbm4b:s2+s4] =	stream.linear.scatter @!p2 [tilespmem:s3], [sflag:$0xC], $0x40, $0x38;
	[tilespmem:$0x1EF88] =	vst v63  }
0x161: {  	s2 =	simm.s32 $0x0  }
0x162: {  	s2 =	simm.s32 @!p2 $0x100  }
0x163: {  	s0 =	sadd.s32 s2, s0  }
.LBB3_22:
0x164: {  	s2 =	sadd.s32 $0x1, s23  }
0x165: {  	s3 =	smulhi.u32 $0xCCCCCCCD, s2;
	_ =	sdelay $0x1  }
0x166: {  	v1 =	vld [tilespmem:s26+$0xFFFFFFE0];
	s3 =	sshrl.u32 s3, $0x8  }
0x167: {  	s3 =	smul.u32 $0x140, s3;
	_ =	sdelay $0x1  }
0x168: {  	s23 =	ssub.s32 s2, s3  }
0x169: {  	s2 =	sshll.u32 s23, $0x6  }
0x16a: {  	[tilespmem:s2+$0x88] =	vst v1  }
0x16b: {  	v1 =	vld [tilespmem:s26+$0xFFFFFFF0];
	_ =	sdelay $0x4  }
0x16c: {  	[tilespmem:s2+$0x98] =	vst v1  }
0x16d: {  	v1 =	vld [tilespmem:s26+$0x0];
	_ =	sdelay $0x4  }
0x16e: {  	[tilespmem:s2+$0xA8] =	vst v1  }
0x16f: {  	v1 =	vld [tilespmem:s26+$0x10]  }
.Ltmp28:
0x170: {  	_ = 	snop;
	(pc) =	sbr.rel .LBB3_23-.Ltmp28, $2  }
0x171: {  	_ =	sdelay $0x2  }
0x172: {  	s29 =	sadd.s32 $0x1, s29;
	[tilespmem:s2+$0xB8] =	vst v1  }
.LBB3_25:
.Ltmp29:
0x173: {  	(pc) =	sbr.rel .LBB3_26-.Ltmp29, $4  }
0x174: {  	_ = 	snop  }
0x175: {  	s0 =	simm.s32 $0x2  }
0x176: {  	_ =	swait.ge [sflag:s0], $0x0  }
0x177: {  	s31 =	smov.u32 s30;
	[sflag:s0] =	ssyncset.done $0x0;
	s0 =	simm.s32 $0x0  }
.LBB3_28:
0x178: {  	_ =	sfence.sel $0x180000  }
0x179: {  	s0 =	simm.s32 $0x9;
	[bflag:$0x0] =	sbarrier.arrive $0xFFFF  }
0x17a: {  	s24 =	simm.s32 $0xA;
	[sflag:s0] =	ssyncpa.u1 $0x1  }
0x17b: {  	s25 =	simm.s32 $0xB;
	[sflag:s24] =	ssyncpa.u1 $0x1  }
0x17c: {  	s26 =	simm.s32 $0x2;
	[sflag:s25] =	ssyncpa.u1 $0x1  }
0x17d: {  	[sflag:s26] =	ssyncpa.u1 $0x1  }
0x17e: {  	v0 =	vld [tilespmem:$0xA108];
	_ =	sdelay $0x4  }
0x17f: {  	(v2sf) =	vpush v0, $0x0  }
0x180: {  	(v2sf) =	vpush v0, $0x1;
	_ =	sdelay $0x1  }
0x181: {  	(v2sf) =	vpush v0, $0x2;
	_ =	sdelay $0xb  }
0x182: {  	s0 =	spop (v2sf)  }
0x183: {  	s2 =	spop (v2sf)  }
0x184: {  	s3 =	smov.u32 s0;
	p0 =	sne.s32 s0, s2  }
0x185: {  	s4 =	spop (v2sf);
	s3 =	simm.s32 @!p0 $0xFFFFFFFF  }
0x186: {  	v2 =	vimm.s32 $0x1;
	v3 =	vlaneseq.u32;
	p0 =	seq.s32 s4, $0xFFFFFFFF;
	v1 =	vmov s3  }
0x187: {  	s15 =	stileid.u32;
	v0 =	vperm.xlane v0, v2;
	p1 =	sne.s32 @!p0 s0, s2;
	v1 =	vperm.xlane v1, v3  }
0x188: {  	vm0 =	vcmask $0x3F04;
	s6 =	simm.s32 $0xA108;
	s0 =	simm.s32 @!p0 $0x1;
	p1 =	por !p1, p0  }
0x189: {  	s3 =	sshll.u32 s15, $0x1;
	s2 =	sshll.u32 @!p0 s4, $0x8;
	s0 =	simm.s32 @p1 $0x0;
	v0 =	vsel vm0, v1, v0  }
0x18a: {  	s5 =	sor.u32 $0x800, s3;
	s2 =	sshra.s32 @!p0 s2, $0x2;
	s0 =	sor.u32 @!p0 s0, s3;
	[tilespmem:$0xA108] =	vst v0  }
0x18b: {  	[spmem:s5] =	stream.linear.scatter [tilespmem:s6], [sflag:$0x1], $0x2, $0x38;
	[tilespmem:$0x1EF88] =	vst v63  }
0x18c: {  	s2 =	sadd.s32 @!p0 $0x88, s2;
	s0 =	sshll.u32 @!p0 s0, $0x6  }
0x18d: {  	[spmem:s0] =	stream.linear.scatter @!p0 [tilespmem:s2], [sflag:$0x1], $0x40, $0x38;
	[tilespmem:$0x1EF88] =	vst v63  }
0x18e: {  	s0 =	simm.s32 @!p0 $0x42  }
0x18f: {  	s28 =	simm.s32 $0x1;
	s0 =	simm.s32 @p0 $0x2  }
0x190: {  	_ =	swait.ge [sflag:s28], s0  }
0x191: {  	s0 =	ssub.s32 $0x0, s0;
	[sflag:s28] =	ssyncset.done $0x0  }
0x192: {  	p0 =	sne.s32 s15, $0x0;
	[sflag:s28] =	ssyncadd.s32 s0  }
.Ltmp30:
0x193: {  	_ =	sfence.stream.spmem;
	(pc) =	sbr.rel @p0 .LBB3_45-.Ltmp30, $4  }
0x194: {  	s29 =	simm.s32 $0x3;
	[bflag:$0x0] =	sbarrier.arrive $0xFFFF  }
0x195: {  	s30 =	simm.s32 $0x4;
	[sflag:s29] =	ssyncpa.u1 $0x1  }
0x196: {  	s31 =	simm.s32 $0x3C;
	[sflag:s30] =	ssyncpa.u1 $0x1  }
0x197: {  	s14 =	rddreg [dreg:$0x4];
	[sflag:s31] =	ssyncpa.u1 $0x1  }
0x198: {  	_ =	sfence.stream.spmem;
	s0 =	simm.s32 $0x5  }
0x199: {  	s2 =	simm.s32 $0x800;
	s3 =	simm.s32 $0xA118;
	[sflag:s0] =	ssyncpa.u1 $0x0  }
0x19a: {  	[tilespmem:s3], [sflag:$0x5] =	stream.linear.gather [spmem:s2], $0x20, $0x38;
	[tilespmem:$0x1EF88] =	vst v63  }
0x19b: {  	s26 =	simm.s32 $0x0;
	s28 =	simm.s32 $0xA138  }
0x19c: {  	[tilespmem:s28], [sflag:$0x5] =	stream.linear.gather [spmem:s26], $0x800, $0x38;
	[tilespmem:$0x1EF88] =	vst v63  }
0x19d: {  	_ =	swait.ge [sflag:s0], $0x820  }
0x19e: {  	[sflag:s0] =	ssyncset.done $0x0  }
0x19f: {  	s29 =	simm.s32 $0x0;
	[sflag:s0] =	ssyncadd.s32 $0xFFFFF7E0  }
0x1a0: {  	v0 =	vld.msk [tilespmem:s29+$0xA118], $0x1;
	_ =	sdelay $0x1  }
0x1a1: {  	s30 =	simm.s32 $0x1  }
0x1a2: {  	v1 =	vld.msk [tilespmem:s30+$0xA118], $0x1;
	_ =	sdelay $0x1  }
0x1a3: {  	(v2sf) =	vpush v0, $0x0;
	_ =	sdelay $0x2  }
0x1a4: {  	(v2sf) =	vpush v1, $0x0;
	_ =	sdelay $0x2  }
0x1a5: {  	s31 =	simm.s32 $0x2  }
0x1a6: {  	v0 =	vld.msk [tilespmem:s31+$0xA118], $0x1;
	_ =	sdelay $0x2  }
0x1a7: {  	s4 =	simm.s32 $0xFFFFFFFF;
	s2 =	simm.s32 $0xFFFFFFFF;
	s0 =	simm.s32 $0xC  }
.LBB3_30:
0x1a8: {  	s3 =	smov.u32 s4;
	s5 =	smov.u32 s2  }
0x1a9: {  	s2 =	sshra.s32 s0, $0x2;
	p1 =	sne.s32 s0, $0x7C;
	s0 =	sadd.s32 $0x4, s0;
	(v2sf) =	vpush v0, $0x0  }
0x1aa: {  	v0 =	vld.msk [tilespmem:s2+$0xA118], $0x1  }
.Ltmp31:
0x1ab: {  	(pc) =	sbr.rel @p1 .LBB3_30-.Ltmp31, $4  }
0x1ac: {  	s4 =	spop (v2sf)  }
0x1ad: {  	p2 =	sne.s32 s5, $0xFFFFFFFF;
	s2 =	smov.u32 s4  }
0x1ae: {  	p3 =	seq.s32 s4, $0xFFFFFFFF;
	s2 =	smov.u32 @p2 s5  }
0x1af: {  	s4 =	smov.u32 @p3 s3;
	s2 =	smov.u32 @p3 s5  }
0x1b0: {  	(v2sf) =	vpush v0, $0x0;
	_ =	sdelay $0x8  }
0x1b1: {  	s0 =	spop (v2sf)  }
0x1b2: {  	p1 =	sne.s32 s2, $0xFFFFFFFF;
	s3 =	smov.u32 s0  }
0x1b3: {  	s9 =	simm.s32 $0x6;
	p2 =	seq.s32 s0, $0xFFFFFFFF;
	s3 =	smov.u32 @p1 s2  }
0x1b4: {  	s6 =	simm.s32 $0x0;
	s3 =	smov.u32 @p2 s2;
	s2 =	spop (v2sf)  }
0x1b5: {  	s0 =	smov.u32 @p2 s4;
	p1 =	sne.s32 s3, $0xFFFFFFFF;
	s5 =	smov.u32 s2  }
.Ltmp32:
0x1b6: {  	p2 =	seq.s32 s2, $0xFFFFFFFF;
	s5 =	smov.u32 @p1 s3;
	(pc) =	sbr.rel .LBB3_32-.Ltmp32, $4  }
0x1b7: {  	s10 =	simm.s32 $0xA0C8;
	s5 =	smov.u32 @p2 s3;
	s7 =	spop (v2sf)  }
0x1b8: {  	s11 =	simm.s32 $0x0;
	p1 =	sne.s32 s5, $0xFFFFFFFF;
	s8 =	smov.u32 s7  }
0x1b9: {  	s2 =	smov.u32 @p2 s0;
	p2 =	seq.s32 s7, $0xFFFFFFFF;
	s8 =	smov.u32 @p1 s5  }
0x1ba: {  	[sflag:s9] =	ssyncpa.u1 $0x0;
	s7 =	smov.u32 @p2 s2;
	s8 =	smov.u32 @p2 s5  }
.LBB3_38:
0x1bb: {  	p1 =	sgt.u32 s12, $0x30D78  }
0x1bc: {  	p2 =	seq.s32 @!p1 s12, s8  }
0x1bd: {  	p1 =	por p1, p2  }
0x1be: {  	p2 =	sne.s32 @!p1 s12, s7  }
0x1bf: {  	p1 =	por p1, !p2  }
0x1c0: {  	s0 =	sshll.u32 @p1 s11, $0x8  }
0x1c1: {  	s0 =	sand.u32 @!p1 $0x3FFF8, s12  }
0x1c2: {  	s2 =	sand.u32 @!p1 $0x7, s12;
	s0 =	sadd.s32 @!p1 s1, s0  }
0x1c3: {  	[tilespmem:s10], [sflag:$0x6] =	stream.linear.gather @!p1 [hbm4b:s0+s2], $0x40, $0x38;
	[tilespmem:$0x1EF88] =	vst v63  }
0x1c4: {  	_ =	swait.ge @!p1 [sflag:s9], $0x40  }
0x1c5: {  	[sflag:s9] =	ssyncset.done @!p1 $0x0  }
0x1c6: {  	[sflag:s9] =	ssyncadd.s32 @!p1 $0xFFFFFFC0  }
0x1c7: {  	v1 =	vld @!p1 [tilespmem:$0xA0C8];
	_ =	sdelay $0x2  }
0x1c8: {  	s0 =	sshll.u32 @!p1 s11, $0x8  }
0x1c9: {  	s2 =	sshrl.u32 @!p1 s0, $0x2  }
0x1ca: {  	[tilespmem:s2+$0xA138] =	vst.add.f32.msk @!p1 $0xffff, v1  }
0x1cb: {  	v1 =	vld @!p1 [tilespmem:$0xA0D8];
	_ =	sdelay $0x4  }
0x1cc: {  	[tilespmem:s2+$0xA148] =	vst.add.f32.msk @!p1 $0xffff, v1  }
0x1cd: {  	v1 =	vld @!p1 [tilespmem:$0xA0E8];
	_ =	sdelay $0x4  }
0x1ce: {  	[tilespmem:s2+$0xA158] =	vst.add.f32.msk @!p1 $0xffff, v1  }
0x1cf: {  	v1 =	vld @!p1 [tilespmem:$0xA0F8];
	_ =	sdelay $0x4  }
0x1d0: {  	[tilespmem:s2+$0xA168] =	vst.add.f32.msk @!p1 $0xffff, v1  }
0x1d1: {  	s0 =	sshrl.u32 s0, $0x2;
	[tilespmem:s6+$0xA118] =	vst.msk $0x1, v0  }
0x1d2: {  	v0 =	vld [tilespmem:s0+$0xA138];
	_ =	sdelay $0x2  }
0x1d3: {  	s31 =	sshll.u32 s6, $0x8  }
0x1d4: {  	s2 =	sshra.s32 s31, $0x2  }
0x1d5: {  	[tilespmem:s2+$0xA138] =	vst v0  }
0x1d6: {  	v0 =	vld [tilespmem:s0+$0xA148];
	_ =	sdelay $0x4  }
0x1d7: {  	[tilespmem:s2+$0xA148] =	vst v0  }
0x1d8: {  	v0 =	vld [tilespmem:s0+$0xA158];
	_ =	sdelay $0x4  }
0x1d9: {  	[tilespmem:s2+$0xA158] =	vst v0  }
0x1da: {  	v0 =	vld [tilespmem:s0+$0xA168];
	_ =	sdelay $0x4  }
0x1db: {  	s6 =	sadd.s32 $0x1, s6;
	[tilespmem:s2+$0xA168] =	vst v0  }
.LBB3_39:
0x1dc: {  	s11 =	sadd.s32 $0x1, s11  }
0x1dd: {  	p1 =	sne.s32 s11, $0x20  }
.Ltmp33:
0x1de: {  	_ = 	snop;
	(pc) =	sbr.rel @!p1 .LBB3_40-.Ltmp33, $1  }
0x1df: {  	_ =	sdelay $0x3  }
.LBB3_32:
0x1e0: {  	v0 =	vld.msk [tilespmem:s11+$0xA118], $0x1;
	_ =	sdelay $0x4  }
0x1e1: {  	(v2sf) =	vpush v0, $0x0;
	_ =	sdelay $0xe  }
0x1e2: {  	s12 =	spop (v2sf)  }
0x1e3: {  	p1 =	seq.s32 s12, $0xFFFFFFFF  }
.Ltmp34:
0x1e4: {  	_ = 	snop;
	(pc) =	sbr.rel @p1 .LBB3_39-.Ltmp34, $1  }
0x1e5: {  	_ =	sdelay $0x3  }
0x1e6: {  	p1 =	slt.s32 s6, $0x1  }
.Ltmp35:
0x1e7: {  	_ = 	snop;
	(pc) =	sbr.rel @p1 .LBB3_38-.Ltmp35, $1  }
0x1e8: {  	_ =	sdelay $0x3  }
0x1e9: {  	s0 =	simm.s32 $0xA118;
	p1 =	por $0x0, $0x0  }
0x1ea: {  	v1 =	vld.msk @!p1 [tilespmem:s0+$0x0], $0x1;
	_ =	sdelay $0x4  }
0x1eb: {  	(v2sf) =	vpush @!p1 v1, $0x0;
	_ =	sdelay $0xd  }
0x1ec: {  	p3 =	sne.s32 s6, $0x1  }
.Ltmp36:
0x1ed: {  	s2 =	spop @!p1 (v2sf);
	(pc) =	sbr.rel @!p3 .LBB3_36-.Ltmp36, $4  }
0x1ee: {  	p2 =	seq.s32 @!p1 s12, s2  }
0x1ef: {  	s13 =	simm.s32 $0x0;
	p2 =	por !p2, p1  }
0x1f0: {  	s2 =	simm.s32 $0xFFFFFFFF;
	s13 =	simm.s32 @p2 $0xFFFFFFFF  }
0x1f1: {  	s4 =	simm.s32 $0x1;
	s13 =	smov.u32 @p1 s2  }
.LBB3_35:
0x1f2: {  	s2 =	smov.u32 s13;
	p1 =	sne.s32 s13, $0xFFFFFFFF  }
0x1f3: {  	s0 =	sadd.s32 $0x1, s0;
	s13 =	smov.u32 s4;
	s4 =	sadd.s32 $0x1, s4  }
0x1f4: {  	p2 =	sne.s32 s6, s4;
	v1 =	vld.msk @!p1 [tilespmem:s0+$0x0], $0x1;
	_ =	sdelay $0x4  }
0x1f5: {  	(v2sf) =	vpush @!p1 v1, $0x0;
	_ =	sdelay $0xe  }
.Ltmp37:
0x1f6: {  	s3 =	spop @!p1 (v2sf);
	(pc) =	sbr.rel @p2 .LBB3_35-.Ltmp37, $4  }
0x1f7: {  	p3 =	seq.s32 @!p1 s12, s3  }
0x1f8: {  	p3 =	por !p3, p1  }
0x1f9: {  	s13 =	simm.s32 @p3 $0xFFFFFFFF  }
0x1fa: {  	s13 =	smov.u32 @p1 s2  }
.LBB3_36:
0x1fb: {  	p1 =	seq.s32 s13, $0xFFFFFFFF  }
.Ltmp38:
0x1fc: {  	_ = 	snop;
	(pc) =	sbr.rel @p1 .LBB3_38-.Ltmp38, $1  }
0x1fd: {  	_ =	sdelay $0x3  }
0x1fe: {  	s0 =	sshll.u32 s11, $0x6  }
0x1ff: {  	s0 =	sand.u32 $0x3FFFFFC0, s0  }
0x200: {  	v0 =	vld [tilespmem:s0+$0xA138];
	_ =	sdelay $0x2  }
0x201: {  	s2 =	sshll.u32 s13, $0x8  }
0x202: {  	s2 =	sshra.s32 s2, $0x2  }
0x203: {  	[tilespmem:s2+$0xA138] =	vst.add.f32.msk $0xffff, v0  }
0x204: {  	v0 =	vld [tilespmem:s0+$0xA148];
	_ =	sdelay $0x4  }
0x205: {  	[tilespmem:s2+$0xA148] =	vst.add.f32.msk $0xffff, v0  }
0x206: {  	v0 =	vld [tilespmem:s0+$0xA158];
	_ =	sdelay $0x4  }
0x207: {  	[tilespmem:s2+$0xA158] =	vst.add.f32.msk $0xffff, v0  }
0x208: {  	v0 =	vld [tilespmem:s0+$0xA168]  }
.Ltmp39:
0x209: {  	_ = 	snop;
	(pc) =	sbr.rel .LBB3_39-.Ltmp39, $2  }
0x20a: {  	_ =	sdelay $0x2  }
0x20b: {  	[tilespmem:s2+$0xA168] =	vst.add.f32.msk $0xffff, v0  }
.LBB3_40:
0x20c: {  	s0 =	simm.s32 $0x6;
	p1 =	seq.s32 s6, $0x0  }
0x20d: {  	[sflag:s0] =	ssyncpa.u1 $0x1;
	v0 =	vimm.s32 @p1 $0xFFFFFFFF  }
0x20e: {  	s0 =	sadd.s32 $0xFFFFFFFF, s6;
	[tilespmem:$0xA938] =	vst @p1 v0  }
0x20f: {  	v0 =	vld.msk @!p1 [tilespmem:s0+$0xA118], $0x1;
	_ =	sdelay $0x1  }
0x210: {  	v1 =	vld.msk @!p1 [tilespmem:$0xA118], $0x1;
	_ =	sdelay $0x2  }
0x211: {  	p2 =	seq.s32 @!p1 s0, $0x0;
	v0 =	vbroadcast @!p1 v0, $0x0  }
0x212: {  	vm0 =	vmmov @!p1 $0x1;
	p2 =	por !p2, p1  }
0x213: {  	v1 =	vnsel @!p1 vm0, $0xFFFFFFFF, v1;
	vm0 =	vcmask @!p1 $0x308;
	v0 =	vpsel !p2, $0xFFFFFFFF, v0  }
0x214: {  	p2 =	sne.s32 @!p1 s8, s7;
	v0 =	vsel @!p1 vm0, v1, v0  }
0x215: {  	s2 =	simm.s32 @!p1 $0xA138;
	s3 =	simm.s32 @!p1 $0x0;
	p3 =	por !p2, p1;
	[tilespmem:$0xA938] =	vst @!p1 v0  }
0x216: {  	[spmem:s3] =	stream.linear.scatter @!p1 [tilespmem:s2], [sflag:$0x1], $0x40, $0x38;
	[tilespmem:$0x1EF88] =	vst v63  }
0x217: {  	s2 =	sshll.u32 @!p3 s0, $0x8  }
0x218: {  	s2 =	sshra.s32 @!p3 s2, $0x2  }
0x219: {  	s3 =	simm.s32 @!p3 $0x40;
	s2 =	sadd.s32 @!p3 $0xA138, s2  }
0x21a: {  	[spmem:s3] =	stream.linear.scatter @!p3 [tilespmem:s2], [sflag:$0x1], $0x40, $0x38;
	[tilespmem:$0x1EF88] =	vst v63  }
0x21b: {  	s2 =	simm.s32 @!p3 $0x1  }
0x21c: {  	_ =	swait.ge @!p3 [sflag:s2], $0x80  }
0x21d: {  	p1 =	por p2, p1;
	[sflag:s2] =	ssyncset.done @!p3 $0x0  }
0x21e: {  	[sflag:s2] =	ssyncadd.s32 @!p3 $0xFFFFFF80;
	s2 =	simm.s32 @!p1 $0x1  }
0x21f: {  	_ =	swait.ge @!p1 [sflag:s2], $0x40  }
0x220: {  	s29 =	simm.s32 $0xA938;
	[sflag:s2] =	ssyncset.done @!p1 $0x0  }
0x221: {  	s30 =	simm.s32 $0x800;
	s31 =	simm.s32 $0x1;
	[sflag:s2] =	ssyncadd.s32 @!p1 $0xFFFFFFC0  }
0x222: {  	[spmem:s30] =	stream.linear.scatter [tilespmem:s29], [sflag:$0x1], $0x10, $0x38;
	[tilespmem:$0x1EF88] =	vst v63  }
0x223: {  	_ =	swait.ge [sflag:s31], $0x10  }
0x224: {  	[sflag:s31] =	ssyncset.done $0x0  }
0x225: {  	p1 =	seq.s32 s14, $0x0;
	s9 =	rddreg [dreg:$0x1];
	[sflag:s31] =	ssyncadd.s32 $0xFFFFFFF0  }
0x226: {  	s3 =	sshll.u32 @p1 s9, $0xE;
	s8 =	rddreg [dreg:$0x2]  }
0x227: {  	s2 =	sadd.s32 @p1 $0x15C3C, s3;
	s3 =	sshll.u32 @p1 s8, $0x11  }
0x228: {  	_ =	sfence.stream.spmem;
	s2 =	sor.u32 @p1 s3, s2  }
0x229: {  	[sflag:s2] =	ssyncadd.remote.s32 @p1 $0x1;
	s2 =	simm.s32 @p1 $0x4  }
0x22a: {  	s4 =	simm.s32 @!p1 $0x3C;
	s3 =	sand.u32 $0xFFFFFFFE, s9;
	_ =	swait.ge @p1 [sflag:s2], $0x12  }
0x22b: {  	s5 =	simm.s32 @!p1 $0x0;
	s3 =	sadd.s32 @!p1 $0x4, s3;
	[sflag:s2] =	ssyncset.done @p1 $0x0  }
0x22c: {  	s7 =	simm.s32 @!p1 $0x80;
	[sflag:s2] =	ssyncadd.s32 @p1 $0xFFFFFFEE;
	s2 =	sshll.u32 @!p1 s3, $0x1A  }
0x22d: {  	s3 =	sshll.u32 @!p1 s3, $0xD;
	s2 =	sor.u32 @!p1 s2, s8;
	_ =	swait.eq @!p1 [sflag:s4], $0x1  }
0x22e: {  	s3 =	sor.u32 @!p1 $0x1C04, s3;
	s4 =	simm.s32 @!p1 $0x1C03;
	s2 =	sor.u32 @!p1 $0x80004000, s2  }
0x22f: {  	[spmem:s7], [sflag:s3] =	dma.general @!p1 [spmem:s5], [sflag:s4], length:$0x10, [dreg:$0x0], stride_count:$0x0, ici_dest:s2, dma_misc:DstOpCode:WRITE  }
0x230: {  	p2 =	slt.s32 s0, $0x2;
	s5 =	simm.s32 @!p1 $0x100;
	s7 =	simm.s32 @!p1 $0x102  }
0x231: {  	[spmem:s7], [sflag:s3] =	dma.general @!p1 [spmem:s5], [sflag:s4], length:$0x2, [dreg:$0x0], stride_count:$0x0, ici_dest:s2, dma_misc:DstOpCode:WRITE  }
.Ltmp40:
0x232: {  	s2 =	simm.s32 @!p1 $0x3;
	(pc) =	sbr.rel @p2 .LBB3_44-.Ltmp40, $4  }
0x233: {  	s3 =	sshll.u32 @!p1 s9, $0xE;
	_ =	swait.ge @!p1 [sflag:s2], $0x12  }
0x234: {  	s4 =	sshll.u32 @!p1 s8, $0x11;
	s3 =	sadd.s32 @!p1 $0x11C3C, s3;
	[sflag:s2] =	ssyncset.done @!p1 $0x0  }
0x235: {  	[sflag:s2] =	ssyncadd.s32 @!p1 $0xFFFFFFEE;
	s2 =	sor.u32 @!p1 s4, s3  }
0x236: {  	s0 =	simm.s32 $0x0;
	[sflag:s2] =	ssyncadd.remote.s32 @!p1 $0xFFFFFFFF  }
0x237: {  	s0 =	simm.s32 $0xA119  }
0x238: {  	v0 =	vld.msk [tilespmem:s0+$0x0], $0x1;
	_ =	sdelay $0x4  }
0x239: {  	(v2sf) =	vpush v0, $0x0;
	_ =	sdelay $0xd  }
0x23a: {  	s3 =	sadd.s32 $0xFFFFFFFE, s6  }
0x23b: {  	s4 =	sadd.s32 $0xFFFFFFFF, s3;
	s2 =	spop (v2sf)  }
0x23c: {  	p2 =	sne.s32 s4, $0x0;
	p1 =	sgt.u32 s2, $0x30D78  }
.Ltmp41:
0x23d: {  	s5 =	sand.u32 @!p1 $0x3FFF8, s2;
	(pc) =	sbr.rel @!p2 .LBB3_43-.Ltmp41, $4  }
0x23e: {  	s0 =	simm.s32 $0xA178;
	s2 =	sand.u32 @!p1 $0x7, s2;
	s3 =	sadd.s32 @!p1 s1, s5  }
0x23f: {  	[hbm4b:s3+s2] =	stream.linear.scatter @!p1 [tilespmem:s0], [sflag:$0x5], $0x40, $0x38;
	[tilespmem:$0x1EF88] =	vst v63  }
0x240: {  	s2 =	simm.s32 $0x0  }
0x241: {  	s6 =	simm.s32 $0xA11A;
	s5 =	simm.s32 $0x0;
	s2 =	simm.s32 @!p1 $0x100  }
.LBB3_42:
0x242: {  	v0 =	vld.msk [tilespmem:s6+$0x0], $0x1;
	s4 =	sadd.s32 $0xFFFFFFFF, s4;
	s5 =	sadd.s32 s5, s2  }
0x243: {  	p1 =	sne.s32 s4, $0x0;
	_ =	sdelay $0x3  }
0x244: {  	(v2sf) =	vpush v0, $0x0;
	_ =	sdelay $0xe  }
.Ltmp42:
0x245: {  	s3 =	spop (v2sf);
	(pc) =	sbr.rel @p1 .LBB3_42-.Ltmp42, $4  }
0x246: {  	s2 =	simm.s32 $0x0;
	p2 =	sgt.u32 s3, $0x30D78  }
0x247: {  	s0 =	sadd.s32 $0x40, s0;
	s2 =	simm.s32 @!p2 $0x100;
	s7 =	sand.u32 @!p2 $0x3FFF8, s3  }
0x248: {  	s6 =	sadd.s32 $0x1, s6;
	s3 =	sand.u32 @!p2 $0x7, s3;
	s7 =	sadd.s32 @!p2 s1, s7  }
0x249: {  	[hbm4b:s7+s3] =	stream.linear.scatter @!p2 [tilespmem:s0], [sflag:$0x5], $0x40, $0x38;
	[tilespmem:$0x1EF88] =	vst v63  }
.LBB3_43:
0x24a: {  	s0 =	sadd.s32 s5, s2  }
0x24b: {  	s0 =	sshrl.u32 s0, $0x2  }
.LBB3_44:
0x24c: {  	s2 =	simm.s32 $0x5  }
0x24d: {  	_ =	swait.ge [sflag:s2], s0  }
0x24e: {  	s31 =	ssub.s32 $0x0, s0;
	[sflag:s2] =	ssyncset.done $0x0  }
0x24f: {  	[sflag:s2] =	ssyncadd.s32 s31  }
0x250: {  	[sflag:s2] =	ssyncpa.u1 $0x1  }
.LBB3_45:
0x251: {  	s0 =	sor.u32 s14, s15  }
0x252: {  	p1 =	sne.s32 s0, $0x0  }
.Ltmp43:
0x253: {  	_ = 	snop;
	(pc) =	sbr.rel @p1 .LBB3_60-.Ltmp43, $3  }
0x254: {  	_ =	sdelay $0x1  }
0x255: {  	[bflag:$0x0] =	sbarrier.arrive $0xFFFF  }
0x256: {  	_ =	sfence  }
0x257: {  	s0 =	simm.s32 $0x7  }
0x258: {  	s2 =	simm.s32 $0x800;
	s3 =	simm.s32 $0xA118;
	[sflag:s0] =	ssyncpa.u1 $0x0  }
0x259: {  	[tilespmem:s3], [sflag:$0x7] =	stream.linear.gather [spmem:s2], $0x20, $0x38;
	[tilespmem:$0x1EF88] =	vst v63  }
0x25a: {  	s30 =	simm.s32 $0xA138;
	s2 =	simm.s32 $0x0  }
0x25b: {  	[tilespmem:s30], [sflag:$0x7] =	stream.linear.gather [spmem:s2], $0x800, $0x38;
	[tilespmem:$0x1EF88] =	vst v63  }
.Ltmp44:
0x25c: {  	_ = 	snop;
	(pc) =	sbr.rel .LBB3_47-.Ltmp44, $4  }
0x25d: {  	_ =	swait.ge [sflag:s0], $0x820  }
0x25e: {  	[sflag:s0] =	ssyncset.done $0x0  }
0x25f: {  	s31 =	simm.s32 $0x8;
	[sflag:s0] =	ssyncadd.s32 $0xFFFFF7E0  }
0x260: {  	s3 =	simm.s32 $0x0;
	[sflag:s31] =	ssyncpa.u1 $0x0  }
.LBB3_53:
0x261: {  	p1 =	slt.u32 s0, $0x30D79  }
0x262: {  	s4 =	sand.u32 @p1 $0x3FFF8, s0  }
0x263: {  	s0 =	sand.u32 @p1 $0x7, s0;
	s5 =	simm.s32 @p1 $0xA0C8;
	s4 =	sadd.s32 @p1 s1, s4  }
0x264: {  	[tilespmem:s5], [sflag:$0x8] =	stream.linear.gather @p1 [hbm4b:s4+s0], $0x40, $0x38;
	[tilespmem:$0x1EF88] =	vst v63  }
0x265: {  	s0 =	simm.s32 @p1 $0x8  }
0x266: {  	_ =	swait.ge @p1 [sflag:s0], $0x40  }
0x267: {  	[sflag:s0] =	ssyncset.done @p1 $0x0  }
0x268: {  	[sflag:s0] =	ssyncadd.s32 @p1 $0xFFFFFFC0  }
0x269: {  	v1 =	vld @p1 [tilespmem:$0xA0C8];
	_ =	sdelay $0x2  }
0x26a: {  	s0 =	sshll.u32 @p1 s3, $0x8  }
0x26b: {  	s4 =	sshrl.u32 @p1 s0, $0x2  }
0x26c: {  	[tilespmem:s4+$0xA138] =	vst.add.f32.msk @p1 $0xffff, v1  }
0x26d: {  	v1 =	vld @p1 [tilespmem:$0xA0D8];
	_ =	sdelay $0x4  }
0x26e: {  	[tilespmem:s4+$0xA148] =	vst.add.f32.msk @p1 $0xffff, v1  }
0x26f: {  	v1 =	vld @p1 [tilespmem:$0xA0E8];
	_ =	sdelay $0x4  }
0x270: {  	[tilespmem:s4+$0xA158] =	vst.add.f32.msk @p1 $0xffff, v1  }
0x271: {  	v1 =	vld @p1 [tilespmem:$0xA0F8];
	_ =	sdelay $0x3  }
0x272: {  	s5 =	sshll.u32 @!p1 s3, $0x8  }
0x273: {  	s5 =	smov.u32 @p1 s0;
	[tilespmem:s4+$0xA168] =	vst.add.f32.msk @p1 $0xffff, v1  }
0x274: {  	s0 =	sshrl.u32 s5, $0x2;
	[tilespmem:s2+$0xA118] =	vst.msk $0x1, v0  }
0x275: {  	v0 =	vld [tilespmem:s0+$0xA138];
	_ =	sdelay $0x2  }
0x276: {  	s31 =	sshll.u32 s2, $0x8  }
0x277: {  	s4 =	sshra.s32 s31, $0x2  }
0x278: {  	[tilespmem:s4+$0xA138] =	vst v0  }
0x279: {  	v0 =	vld [tilespmem:s0+$0xA148];
	_ =	sdelay $0x4  }
0x27a: {  	[tilespmem:s4+$0xA148] =	vst v0  }
0x27b: {  	v0 =	vld [tilespmem:s0+$0xA158];
	_ =	sdelay $0x4  }
0x27c: {  	[tilespmem:s4+$0xA158] =	vst v0  }
0x27d: {  	v0 =	vld [tilespmem:s0+$0xA168];
	_ =	sdelay $0x4  }
0x27e: {  	s2 =	sadd.s32 $0x1, s2;
	[tilespmem:s4+$0xA168] =	vst v0  }
.LBB3_54:
0x27f: {  	s3 =	sadd.s32 $0x1, s3  }
0x280: {  	p1 =	sne.s32 s3, $0x20  }
.Ltmp45:
0x281: {  	_ = 	snop;
	(pc) =	sbr.rel @!p1 .LBB3_55-.Ltmp45, $1  }
0x282: {  	_ =	sdelay $0x3  }
.LBB3_47:
0x283: {  	v0 =	vld.msk [tilespmem:s3+$0xA118], $0x1;
	_ =	sdelay $0x4  }
0x284: {  	(v2sf) =	vpush v0, $0x0;
	_ =	sdelay $0xe  }
0x285: {  	s0 =	spop (v2sf)  }
0x286: {  	p1 =	seq.s32 s0, $0xFFFFFFFF  }
.Ltmp46:
0x287: {  	_ = 	snop;
	(pc) =	sbr.rel @p1 .LBB3_54-.Ltmp46, $1  }
0x288: {  	_ =	sdelay $0x3  }
0x289: {  	p1 =	slt.s32 s2, $0x1  }
.Ltmp47:
0x28a: {  	_ = 	snop;
	(pc) =	sbr.rel @p1 .LBB3_53-.Ltmp47, $1  }
0x28b: {  	_ =	sdelay $0x3  }
0x28c: {  	s4 =	simm.s32 $0xA118;
	p1 =	por $0x0, $0x0  }
0x28d: {  	v1 =	vld.msk @!p1 [tilespmem:s4+$0x0], $0x1;
	_ =	sdelay $0x4  }
0x28e: {  	(v2sf) =	vpush @!p1 v1, $0x0;
	_ =	sdelay $0xd  }
0x28f: {  	p3 =	sne.s32 s2, $0x1  }
.Ltmp48:
0x290: {  	s5 =	spop @!p1 (v2sf);
	(pc) =	sbr.rel @!p3 .LBB3_51-.Ltmp48, $4  }
0x291: {  	p2 =	seq.s32 @!p1 s0, s5  }
0x292: {  	s5 =	simm.s32 $0x0;
	p2 =	por !p2, p1  }
0x293: {  	s7 =	simm.s32 $0xFFFFFFFF;
	s5 =	simm.s32 @p2 $0xFFFFFFFF  }
0x294: {  	s6 =	simm.s32 $0x1;
	s5 =	smov.u32 @p1 s7  }
.LBB3_50:
0x295: {  	s7 =	smov.u32 s5;
	p1 =	sne.s32 s5, $0xFFFFFFFF  }
0x296: {  	s4 =	sadd.s32 $0x1, s4;
	s5 =	smov.u32 s6;
	s6 =	sadd.s32 $0x1, s6  }
0x297: {  	p2 =	sne.s32 s2, s6;
	v1 =	vld.msk @!p1 [tilespmem:s4+$0x0], $0x1;
	_ =	sdelay $0x4  }
0x298: {  	(v2sf) =	vpush @!p1 v1, $0x0;
	_ =	sdelay $0xe  }
.Ltmp49:
0x299: {  	s8 =	spop @!p1 (v2sf);
	(pc) =	sbr.rel @p2 .LBB3_50-.Ltmp49, $4  }
0x29a: {  	p3 =	seq.s32 @!p1 s0, s8  }
0x29b: {  	p3 =	por !p3, p1  }
0x29c: {  	s5 =	simm.s32 @p3 $0xFFFFFFFF  }
0x29d: {  	s5 =	smov.u32 @p1 s7  }
.LBB3_51:
0x29e: {  	p1 =	seq.s32 s5, $0xFFFFFFFF  }
.Ltmp50:
0x29f: {  	_ = 	snop;
	(pc) =	sbr.rel @p1 .LBB3_53-.Ltmp50, $1  }
0x2a0: {  	_ =	sdelay $0x3  }
0x2a1: {  	s0 =	sshll.u32 s3, $0x6  }
0x2a2: {  	s0 =	sand.u32 $0x3FFFFFC0, s0  }
0x2a3: {  	v0 =	vld [tilespmem:s0+$0xA138];
	_ =	sdelay $0x2  }
0x2a4: {  	s4 =	sshll.u32 s5, $0x8  }
0x2a5: {  	s4 =	sshra.s32 s4, $0x2  }
0x2a6: {  	[tilespmem:s4+$0xA138] =	vst.add.f32.msk $0xffff, v0  }
0x2a7: {  	v0 =	vld [tilespmem:s0+$0xA148];
	_ =	sdelay $0x4  }
0x2a8: {  	[tilespmem:s4+$0xA148] =	vst.add.f32.msk $0xffff, v0  }
0x2a9: {  	v0 =	vld [tilespmem:s0+$0xA158];
	_ =	sdelay $0x4  }
0x2aa: {  	[tilespmem:s4+$0xA158] =	vst.add.f32.msk $0xffff, v0  }
0x2ab: {  	v0 =	vld [tilespmem:s0+$0xA168]  }
.Ltmp51:
0x2ac: {  	_ = 	snop;
	(pc) =	sbr.rel .LBB3_54-.Ltmp51, $2  }
0x2ad: {  	_ =	sdelay $0x2  }
0x2ae: {  	[tilespmem:s4+$0xA168] =	vst.add.f32.msk $0xffff, v0  }
.LBB3_55:
0x2af: {  	p1 =	slt.s32 s2, $0x1  }
.Ltmp52:
0x2b0: {  	_ = 	snop;
	(pc) =	sbr.rel @p1 .LBB3_59-.Ltmp52, $3  }
0x2b1: {  	_ =	sdelay $0x1  }
0x2b2: {  	s0 =	simm.s32 $0x8  }
0x2b3: {  	[sflag:s0] =	ssyncpa.u1 $0x1;
	s0 =	simm.s32 $0x0  }
0x2b4: {  	s3 =	simm.s32 $0xA118  }
0x2b5: {  	v0 =	vld.msk [tilespmem:s3+$0x0], $0x1;
	_ =	sdelay $0x4  }
0x2b6: {  	(v2sf) =	vpush v0, $0x0;
	_ =	sdelay $0xe  }
0x2b7: {  	s2 =	sadd.s32 $0xFFFFFFFF, s2;
	s4 =	spop (v2sf)  }
0x2b8: {  	p2 =	sne.s32 s2, $0x0;
	p1 =	sgt.u32 s4, $0x30D78  }
.Ltmp53:
0x2b9: {  	s5 =	sand.u32 @!p1 $0x3FFF8, s4;
	(pc) =	sbr.rel @!p2 .LBB3_58-.Ltmp53, $4  }
0x2ba: {  	s3 =	simm.s32 $0xA138;
	s4 =	sand.u32 @!p1 $0x7, s4;
	s5 =	sadd.s32 @!p1 s1, s5  }
0x2bb: {  	[hbm4b:s5+s4] =	stream.linear.scatter @!p1 [tilespmem:s3], [sflag:$0x7], $0x40, $0x38;
	[tilespmem:$0x1EF88] =	vst v63  }
0x2bc: {  	s5 =	simm.s32 $0x0  }
0x2bd: {  	s4 =	simm.s32 $0xA119;
	s5 =	simm.s32 @!p1 $0x100  }
.LBB3_57:
0x2be: {  	v0 =	vld.msk [tilespmem:s4+$0x0], $0x1;
	s2 =	sadd.s32 $0xFFFFFFFF, s2;
	s0 =	sadd.s32 s0, s5  }
0x2bf: {  	p1 =	sne.s32 s2, $0x0;
	_ =	sdelay $0x3  }
0x2c0: {  	(v2sf) =	vpush v0, $0x0;
	_ =	sdelay $0xe  }
.Ltmp54:
0x2c1: {  	s6 =	spop (v2sf);
	(pc) =	sbr.rel @p1 .LBB3_57-.Ltmp54, $4  }
0x2c2: {  	s5 =	simm.s32 $0x0;
	p2 =	sgt.u32 s6, $0x30D78  }
0x2c3: {  	s3 =	sadd.s32 $0x40, s3;
	s5 =	simm.s32 @!p2 $0x100;
	s7 =	sand.u32 @!p2 $0x3FFF8, s6  }
0x2c4: {  	s4 =	sadd.s32 $0x1, s4;
	s6 =	sand.u32 @!p2 $0x7, s6;
	s7 =	sadd.s32 @!p2 s1, s7  }
0x2c5: {  	[hbm4b:s7+s6] =	stream.linear.scatter @!p2 [tilespmem:s3], [sflag:$0x7], $0x40, $0x38;
	[tilespmem:$0x1EF88] =	vst v63  }
.LBB3_58:
0x2c6: {  	s0 =	sadd.s32 s0, s5  }
0x2c7: {  	s0 =	sshrl.u32 s0, $0x2  }
.LBB3_59:
0x2c8: {  	s1 =	simm.s32 $0x7  }
0x2c9: {  	_ =	swait.ge [sflag:s1], s0  }
0x2ca: {  	s31 =	ssub.s32 $0x0, s0;
	[sflag:s1] =	ssyncset.done $0x0  }
0x2cb: {  	[sflag:s1] =	ssyncadd.s32 s31  }
0x2cc: {  	[sflag:s1] =	ssyncpa.u1 $0x1  }
.LBB3_60:
0x2cd: {  	_ =	sfence;
	s0 =	simm.s32 $0x1  }
0x2ce: {  	[sflag:s0] =	ssyncpa.u1 $0x1  }
0x2cf: {  	_ =	strace $0x90000050  }
0x2d0: {  	[bflag:$0x2] =	sbarrier.arrive $0xFFFF  }
0x2d1: {  	s0 =	rddreg [dreg:$0x3]  }
0x2d2: {  	s0 =	sadd.s32 @!p0 $0x100000, s0  }
0x2d3: {  	[sflag:s0] =	ssyncadd.tile.s32 @!p0 $0x1;
	_ =	shalt  }
.Lfunc_end3:
_tile_overlayer_lowered:
.L_overlay_start_3:
0x2d4: {  	(tag) =	ssettag $0x3  }
0x2d5: {  	s0 =	rddreg [dreg:$0x0];
	s2 =	stileid.u32  }
0x2d6: {  	s1 =	rddreg [dreg:$0x1];
	p0 =	sne.s32 s2, $0x0  }
0x2d7: {  	s3 =	rddreg [dreg:$0x2];
	[bflag:$0x3] =	sbarrier.arrive $0xFFFF;
	s2 =	simm.s32 @!p0 $0x1C01  }
0x2d8: {  	[timem:s3], [sflag:s2] =	dma.local @!p0 [hbm:s0], s1  }
0x2d9: {  	s0 =	simm.s32 @!p0 $0x1  }
0x2da: {  	_ =	swait.ge @!p0 [sflag:s0], s1  }
0x2db: {  	s1 =	ssub.s32 @!p0 $0x0, s1;
	[sflag:s0] =	ssyncset.done @!p0 $0x0  }
0x2dc: {  	[sflag:s0] =	ssyncadd.s32 @!p0 s1  }
0x2dd: {  	[bflag:$0x3] =	sbarrier.arrive $0xFFFF  }
0x2de: {  	_ =	shalt  }

// kernel: scatter_offload_async_start.2
scs
__scs_entry_jumppad:
0x0: {  	(pc) =	sbr.rel $0x88, $3  }
0x1: {  	(tag) =	ssettag $0x0;
	lr =	simm.s32 $0x1  }
0x2: {  	[smem:$0x3F8E] =	sst lr;
	_ =	strace $0xD0000000  }
0x3: {  	_ = 	snop  }
0x4: {  	_ = 	snop  }
0x5: {  	_ = 	snop  }
0x6: {  	_ = 	snop  }
0x7: {  	_ = 	snop  }
__scs_overlays_trampoline_lowered:
0x8: {  	[smem:$0x3F9D] =	sst s0  }
0x9: {  	[smem:$0x3F9E] =	sst s1  }
0xa: {  	[smem:$0x3F9F] =	sst s2  }
0xb: {  	[smem:$0x3FA0] =	sst s3  }
0xc: {  	[smem:$0x3FA1] =	sst s4  }
0xd: {  	[smem:$0x3FA2] =	sst s5  }
0xe: {  	[smem:$0x3FA3] =	sst s6  }
0xf: {  	[smem:$0x3FA4] =	sst s7  }
0x10: {  	[smem:$0x3FA5] =	sst s8  }
0x11: {  	[smem:$0x3FA6] =	sst s9;
	s0 =	simm.s32 @!p0 $0x0  }
0x12: {  	s1 =	sld [smem:$0x3F8C];
	s0 =	simm.s32 @p0 $0x1  }
0x13: {  	[smem:$0x3FA7] =	sst s0;
	s0 =	simm.s32 @!p1 $0x0  }
0x14: {  	s2 =	sld [smem:$0x3F8B];
	s0 =	simm.s32 @p1 $0x1  }
0x15: {  	[smem:$0x3FA8] =	sst s0;
	s0 =	simm.s32 @!p2 $0x0  }
0x16: {  	s3 =	sld [smem:$0x3FDB];
	s0 =	simm.s32 @p2 $0x1  }
0x17: {  	s4 =	simm.s32 $0x1BF5;
	[smem:$0x3FAA] =	sst s0  }
0x18: {  	s0 =	sld [smem:$0x3F8D];
	_ =	swait.ge [sflag:s4], $0x0  }
0x19: {  	s7 =	sld [smem:$0x3F8E]  }
0x1a: {  	s8 =	sadd.s32 $0xFFFFE003, lr  }
0x1b: {  	s9 =	sadd.s32 $0xFFFFFEF7, lr;
	s5 =	simm.s32 $0xFFFFFFFF;
	p2 =	slt.u32 s8, $0xFFFFF086  }
0x1c: {  	p1 =	slt.u32 s9, $0xF7A;
	s5 =	simm.s32 @!p2 $0x0  }
0x1d: {  	s5 =	simm.s32 @p1 $0x1;
	p0 =	seq.s32 s7, s2  }
0x1e: {  	s7 =	smul.u32 @!p0 $0xF7A, s2;
	p2 =	seq.s32 @!p0 s5, $0x0  }
0x1f: {  	s9 =	smul.u32 $0xF7A, s1;
	s8 =	simm.s32 @!p0 $0x1BF5;
	p2 =	por !p2, p0  }
0x20: {  	[sflag:s8] =	ssyncset.s32 @!p0 $0xFFFFF086;
	s6 =	sadd.s32 @!p0 s3, s7;
	s7 =	simm.s32 @!p0 $0x108  }
0x21: {  	s3 =	sadd.s32 s3, s9;
	s6 =	sadd.s32 @!p0 $0x88, s6;
	s7 =	simm.s32 @p2 $0x1082  }
0x22: {  	[simem:s7], [sflag:s8] =	dma.local @!p0 [hbm:s6], $0xF7A  }
0x23: {  	s9 =	sor.u32 $0xD0000000, s2;
	s6 =	simm.s32 $0x108;
	_ =	swait.ge @!p0 [sflag:s8], $0x0  }
0x24: {  	s3 =	sadd.s32 $0x88, s3;
	s6 =	simm.s32 @!p1 $0x1082;
	[sflag:s4] =	ssyncset.s32 $0xFFFFF086  }
0x25: {  	[simem:s6], [sflag:s4] =	dma.local [hbm:s3], $0xF7A  }
0x26: {  	[smem:$0x3F8E] =	sst s1;
	(tag) =	ssettag s2;
	_ =	strace s9  }
0x27: {  	s1 =	sld [smem:$0x3F9E]  }
0x28: {  	s2 =	sld [smem:$0x3F9F]  }
0x29: {  	s4 =	sld [smem:$0x3FA1]  }
0x2a: {  	p0 =	seq.s32 s5, $0x0;
	s5 =	sld [smem:$0x3FA2]  }
0x2b: {  	s6 =	sld [smem:$0x3FA3]  }
0x2c: {  	s7 =	sld [smem:$0x3FA4]  }
0x2d: {  	s3 =	simm.s32 $0x108;
	s8 =	sld [smem:$0x3FA5]  }
0x2e: {  	s3 =	simm.s32 @!p0 $0x1082;
	s9 =	sld [smem:$0x3FA6]  }
0x2f: {  	lr =	sadd.s32 s0, s3;
	s0 =	sld [smem:$0x3F9D]  }
0x30: {  	s3 =	sld [smem:$0x3FA0]  }
0x31: {  	[smem:$0x3FA9] =	sst s10  }
0x32: {  	s10 =	sld [smem:$0x3FA7];
	_ =	sdelay $0x3  }
0x33: {  	p0 =	seq.s32 s10, $0x1;
	s10 =	sld [smem:$0x3FA9];
	_ =	sdelay $0x3  }
0x34: {  	[smem:$0x3FA9] =	sst s10  }
0x35: {  	s10 =	sld [smem:$0x3FA8];
	_ =	sdelay $0x3  }
0x36: {  	p1 =	seq.s32 s10, $0x1;
	s10 =	sld [smem:$0x3FA9];
	_ =	sdelay $0x3  }
0x37: {  	[smem:$0x3FA9] =	sst s10  }
0x38: {  	s10 =	sld [smem:$0x3FAA]  }
0x39: {  	_ = 	snop;
	(pc) =	sbr.ind lr, $3  }
0x3a: {  	_ = 	snop  }
0x3b: {  	_ = 	snop  }
0x3c: {  	p2 =	seq.s32 s10, $0x1;
	s10 =	sld [smem:$0x3FA9]  }
0x3d: {  	_ =	shalt  }
0x3e: {  	_ =	shalt  }
0x3f: {  	_ =	shalt  }
0x40: {  	_ =	shalt  }
0x41: {  	_ =	shalt  }
0x42: {  	_ =	shalt  }
0x43: {  	_ =	shalt  }
0x44: {  	_ =	shalt  }
0x45: {  	_ =	shalt  }
0x46: {  	_ =	shalt  }
0x47: {  	_ =	shalt  }
0x48: {  	_ =	shalt  }
0x49: {  	_ =	shalt  }
0x4a: {  	_ =	shalt  }
0x4b: {  	_ =	shalt  }
0x4c: {  	_ =	shalt  }
0x4d: {  	_ =	shalt  }
0x4e: {  	_ =	shalt  }
0x4f: {  	_ =	shalt  }
0x50: {  	_ =	shalt  }
0x51: {  	_ =	shalt  }
0x52: {  	_ =	shalt  }
0x53: {  	_ =	shalt  }
0x54: {  	_ =	shalt  }
0x55: {  	_ =	shalt  }
0x56: {  	_ =	shalt  }
0x57: {  	_ =	shalt  }
0x58: {  	_ =	shalt  }
0x59: {  	_ =	shalt  }
0x5a: {  	_ =	shalt  }
0x5b: {  	_ =	shalt  }
0x5c: {  	_ =	shalt  }
0x5d: {  	_ =	shalt  }
0x5e: {  	_ =	shalt  }
0x5f: {  	_ =	shalt  }
0x60: {  	_ =	shalt  }
0x61: {  	_ =	shalt  }
0x62: {  	_ =	shalt  }
0x63: {  	_ =	shalt  }
0x64: {  	_ =	shalt  }
0x65: {  	_ =	shalt  }
0x66: {  	_ =	shalt  }
0x67: {  	_ =	shalt  }
0x68: {  	_ =	shalt  }
0x69: {  	_ =	shalt  }
0x6a: {  	_ =	shalt  }
0x6b: {  	_ =	shalt  }
0x6c: {  	_ =	shalt  }
0x6d: {  	_ =	shalt  }
0x6e: {  	_ =	shalt  }
0x6f: {  	_ =	shalt  }
0x70: {  	_ =	shalt  }
0x71: {  	_ =	shalt  }
0x72: {  	_ =	shalt  }
0x73: {  	_ =	shalt  }
0x74: {  	_ =	shalt  }
0x75: {  	_ =	shalt  }
0x76: {  	_ =	shalt  }
0x77: {  	_ =	shalt  }
0x78: {  	_ =	shalt  }
0x79: {  	_ =	shalt  }
0x7a: {  	_ =	shalt  }
0x7b: {  	_ =	shalt  }
0x7c: {  	_ =	shalt  }
0x7d: {  	_ =	shalt  }
0x7e: {  	_ =	shalt  }
0x7f: {  	_ =	shalt  }
0x80: {  	_ =	shalt  }
0x81: {  	_ =	shalt  }
0x82: {  	_ =	shalt  }
0x83: {  	_ =	shalt  }
0x84: {  	_ =	shalt  }
0x85: {  	_ =	shalt  }
0x86: {  	_ =	shalt  }
0x87: {  	_ =	shalt  }
.Lfunc_end0:
.L_simem_size_0:
called_computation.2_lowered:
.L_overlay_start_0:
0x88: {  	s2 =	sld [smem:$0x3FD9]  }
0x89: {  	s3 =	sld [smem:$0x3FFE];
	_ =	sdelay $0x1  }
0x8a: {  	s1 =	srdreg.scid  }
0x8b: {  	s0 =	sand.u32 $0x1, s1  }
0x8c: {  	s17 =	sshll.u32 s0, $0xA;
	s2 =	sadd.s32 s3, s2  }
0x8d: {  	s2 =	sadd.s32 s2, s17  }
0x8e: {  	[smem:$0x3FB5] =	sst s2  }
0x8f: {  	_ = 	snop  }
0x90: {  	(tm) =	ssettm $0x1  }
0x91: {  	s18 =	sld [smem:$0x3FFB];
	_ =	sdelay $0x3  }
0x92: {  	_ =	strace s18  }
0x93: {  	s2 =	sld [smem:$0x3FFC];
	_ =	sdelay $0x3  }
0x94: {  	_ =	strace s2  }
0x95: {  	s2 =	sld [smem:$0x3FFD];
	_ =	sdelay $0x3  }
0x96: {  	_ =	strace s2  }
0x97: {  	_ =	strace $0x8FFFFFFF  }
0x98: {  	s19 =	sld [smem:$0x3FDB];
	_ =	sdelay $0x1  }
0x99: {  	s20 =	simm.s32 $_scs_section_size  }
0x9a: {  	s4 =	simm.s32 $_size__tile_overlayer_lowered;
	s5 =	simm.s32 $_tile_overlayer_lowered  }
0x9b: {  	s6 =	simm.s32 $0x1BFF;
	s21 =	sshll.u32 s5, $0x1;
	s3 =	sadd.s32 s20, s19  }
0x9c: {  	s22 =	simm.s32 $0x0;
	s4 =	sshll.u32 s4, $0x1;
	s5 =	sadd.s32 s21, s3  }
0x9d: {  	[timem:s22], [sflag:s6] =	dma.local [hbm:s5], s4  }
0x9e: {  	_ =	swait.ge [sflag:s6], s4  }
0x9f: {  	s4 =	ssub.s32 $0x0, s4;
	[sflag:s6] =	ssyncset.done $0x0  }
0xa0: {  	[sflag:s6] =	ssyncadd.s32 s4;
	_ =	sdelay $0x1  }
0xa1: {  	s23 =	simm.s32 $0x1B8B  }
0xa2: {  	_ =	swait.ge [sflag:s23], $0x1  }
0xa3: {  	[sflag:s23] =	ssyncset.done $0x0  }
0xa4: {  	[sflag:s23] =	ssyncadd.s32 $0xFFFFFFFF  }
0xa5: {  	s4 =	sld [smem:$0x0]  }
0xa6: {  	s5 =	sand.u32 $0xFFFFFFFE, s1  }
0xa7: {  	p0 =	sne.s32 s1, s5  }
0xa8: {  	s5 =	sshll.u32 @p0 s5, $0xE  }
0xa9: {  	s5 =	sadd.s32 @p0 $0x11B8D, s5;
	s6 =	sshll.u32 @p0 s4, $0x11  }
0xaa: {  	s5 =	sor.u32 @p0 s6, s5  }
0xab: {  	[sflag:s5] =	ssyncadd.remote.s32 @p0 $0x1;
	_ =	sdelay $0x1  }
0xac: {  	s5 =	simm.s32 @p0 $0x1B8D  }
0xad: {  	_ =	swait.eq @p0 [sflag:s5], $0x1  }
0xae: {  	[sflag:s5] =	ssyncadd.s32 @p0 $0xFFFFFFFF  }
0xaf: {  	s6 =	sshll.u32 @!p0 s1, $0xE  }
0xb0: {  	s6 =	sor.u32 @!p0 $0x4000, s6;
	s5 =	simm.s32 @!p0 $0x1B8D  }
0xb1: {  	s7 =	sshll.u32 @!p0 s4, $0x11;
	s6 =	sadd.s32 @!p0 $0x11B8D, s6;
	_ =	swait.eq @!p0 [sflag:s5], $0x1  }
0xb2: {  	[sflag:s5] =	ssyncadd.s32 @!p0 $0xFFFFFFFF;
	s5 =	sor.u32 @!p0 s7, s6  }
0xb3: {  	s25 =	simm.s32 $0x1B8E;
	s24 =	sld [smem:$0x3FFE];
	[sflag:s5] =	ssyncadd.remote.s32 @!p0 $0x1  }
0xb4: {  	s26 =	simm.s32 $execute0_lowered;
	[smem:$0x3FD2] =	sst s25  }
0xb5: {  	s6 =	sshll.u32 s26, $0x1;
	_ =	strace $0x80000061;
	[dreg:$0x1] =	wrdreg $0xFFFFFFFF  }
0xb6: {  	s28 =	simm.s32 $_size_execute0_lowered;
	s3 =	sadd.s32 s3, s6;
	[dreg:$0x0] =	wrdreg $0x0  }
0xb7: {  	s6 =	sshll.u32 s28, $0x1;
	[dreg:$0x2] =	wrdreg s3  }
0xb8: {  	[dreg:$0x3] =	wrdreg s6  }
0xb9: {  	[dreg:$0x4] =	wrdreg $0xC0  }
0xba: {  	_ =	task [dreg:s22], $0x5FFFF  }
0xbb: {  	[dreg:$0x1] =	wrdreg $0xFFFFFFFF  }
0xbc: {  	[dreg:$0x0] =	wrdreg $0x60  }
0xbd: {  	[dreg:$0x2] =	wrdreg s24  }
0xbe: {  	[dreg:$0x3] =	wrdreg s1  }
0xbf: {  	[dreg:$0x4] =	wrdreg s4  }
0xc0: {  	[dreg:$0x5] =	wrdreg $0x9  }
0xc1: {  	_ =	task.clear_ibuf [dreg:s22], $0x6FFFF;
	_ =	strace $0x90000061  }
0xc2: {  	s29 =	simm.s32 $0x9;
	_ =	strace $0x80000063  }
0xc3: {  	_ =	swait.ge [sflag:s29], $0x1  }
0xc4: {  	[sflag:s29] =	ssyncadd.s32 $0xFFFFFFFF  }
0xc5: {  	_ =	strace $0x90000063  }
0xc6: {  	_ =	sfence  }
0xc7: {  	s30 =	sld [smem:$0x0];
	_ =	sdelay $0x2  }
0xc8: {  	s31 =	sshll.u32 s1, $0xD;
	s1 =	sshrl.u32 s1, $0x2  }
0xc9: {  	s4 =	sand.u32 $0x4000, s31;
	s1 =	sadd.s32 s1, s30  }
0xca: {  	s0 =	sor.u32 s4, s0;
	s1 =	sshll.u32 s1, $0x11  }
0xcb: {  	s0 =	sor.u32 s1, s0  }
0xcc: {  	s0 =	sadd.s32 $0x8F2B, s0  }
0xcd: {  	[sflag:s0] =	ssyncadd.remote.s32 $0x1  }
0xce: {  	_ =	sfence.sel $0xFFFF  }
0xcf: {  	[dreg:$0x0] =	wrdreg $0xFFFFFFFF;
	(pc) =	sbr.abs _section_cstart, $3  }
0xd0: {  	[dreg:$0x1] =	wrdreg $0xFFFFFFFF  }
0xd1: {  	_ =	task.clear_ibuf [dreg:s22], $0x2FFFF;
	_ =	strace $0x9FFFFFFF  }
0xd2: {  	(tm) =	ssettm $0x7FFFFFFF  }
0xd3: {  	_ =	shalt  }
tec
execute0_lowered:
.L_overlay_start_1:
0x0: {  	(tag) =	ssettag $0x1  }
0x1: {  	s2 =	rddreg [dreg:$0x0]  }
0x2: {  	s3 =	rddreg [dreg:$0x1];
	_ =	strace $0x80000062;
	s0 =	simm.s32 $0x1  }
0x3: {  	s4 =	simm.s32 $0x408;
	v0 =	vimm.s32 $0x0;
	[sflag:s0] =	ssyncpa.u1 $0x0  }
0x4: {  	[tilespmem:s4+$0x70] =	vst v0  }
0x5: {  	[tilespmem:s4+$0x60] =	vst v0  }
0x6: {  	[tilespmem:s4+$0x50] =	vst v0  }
0x7: {  	[tilespmem:s4+$0x40] =	vst v0  }
0x8: {  	s1 =	sadd.s32 $0x2B6D000, s2;
	[tilespmem:s4+$0x30] =	vst v0  }
0x9: {  	s0 =	sadd.s32 $0x15D800, s2;
	s6 =	sadd.s32 $0x17F7600, s2;
	[tilespmem:s4+$0x20] =	vst v0  }
0xa: {  	s2 =	sadd.s32 $0x5600, s2;
	s7 =	sand.u32 $0x1, s3;
	s3 =	simm.s32 $0x40;
	[tilespmem:s4+$0x10] =	vst v0  }
.LBB2_1:
0xb: {  	s3 =	sadd.s32 $0x40, s3;
	[tilespmem:s4+$0x0] =	vst v0;
	s4 =	sadd.s32 $0x80, s4  }
0xc: {  	p0 =	slt.u32 s3, $0x3100;
	[tilespmem:s4+$0x70] =	vst v0  }
0xd: {  	[tilespmem:s4+$0x60] =	vst v0  }
.Ltmp0:
0xe: {  	[tilespmem:s4+$0x50] =	vst v0;
	(pc) =	sbr.rel @p0 .LBB2_1-.Ltmp0, $4  }
0xf: {  	[tilespmem:s4+$0x40] =	vst v0  }
0x10: {  	[tilespmem:s4+$0x30] =	vst v0  }
0x11: {  	[tilespmem:s4+$0x20] =	vst v0  }
0x12: {  	[tilespmem:s4+$0x10] =	vst v0  }
0x13: {  	s10 =	stileid.u32  }
0x14: {  	s3 =	smul.u32 $0x82, s10  }
0x15: {  	s5 =	smin.u32 s10, $0x4  }
0x16: {  	s3 =	sadd.s32 s5, s3  }
0x17: {  	p0 =	slt.u32 s10, $0x4;
	s11 =	smul.u32 $0x30, s3;
	s3 =	simm.s32 $0x1890  }
0x18: {  	s3 =	simm.s32 @!p0 $0x1860  }
0x19: {  	s3 =	sadd.s32 s3, s11  }
0x1a: {  	s8 =	smin.u32 s3, $0x186A0  }
0x1b: {  	s26 =	simm.s32 $0x2;
	s9 =	simm.s32 $0x9;
	s3 =	ssub.s32 s8, s11  }
0x1c: {  	s29 =	simm.s32 $0xA;
	s30 =	simm.s32 $0xB;
	p0 =	sgt.s32 s3, $0x0  }
0x1d: {  	[dreg:$0x4] =	wrdreg s7;
	s31 =	smul.u32 $0x30D4, s7;
	s3 =	simm.s32 @!p0 $0x0  }
0x1e: {  	s12 =	simm.s32 $0x1;
	s24 =	simm.s32 $0x0;
	s25 =	smulhi.u32 $0x2AAAAAAB, s3  }
0x1f: {  	p1 =	por $0x0, $0x0;
	s18 =	simm.s32 $0x80;
	s19 =	simm.s32 $0x400  }
0x20: {  	s20 =	simm.s32 $0xC;
	s21 =	simm.s32 $0x0;
	s28 =	sshrl.u32 s25, $0x3  }
0x21: {  	[tilespmem:s4+$0x0] =	vst v0;
	v0 =	vimm.s32 $0xFFFFFFFF;
	s23 =	simm.s32 $0x0;
	[sflag:s26] =	ssyncpa.u1 $0x0;
	s5 =	smul.u32 $0x30, s28  }
0x22: {  	s16 =	sshll.u32 s10, $0xA;
	[tilespmem:$0xC808] =	vst v0;
	[sflag:s9] =	ssyncpa.u1 $0x0;
	s14 =	sadd.s32 s31, s2  }
.Ltmp1:
0x23: {  	p0 =	sne.s32 s3, s5;
	s3 =	simm.s32 $0x1;
	(pc) =	sbr.rel .LBB2_3-.Ltmp1, $4  }
0x24: {  	s15 =	sadd.s32 s31, s0;
	[dreg:$0x6] =	wrdreg s14;
	s3 =	simm.s32 @!p0 $0x0  }
0x25: {  	[sflag:s29] =	ssyncpa.u1 $0x0;
	[dreg:$0x7] =	wrdreg s15;
	s13 =	sadd.s32 s3, s28  }
0x26: {  	[sflag:s30] =	ssyncpa.u1 $0x0;
	s17 =	sadd.s32 $0x1, s13;
	[dreg:$0x5] =	wrdreg s13  }
0x27: {  	v0 =	vlaneseq.u32;
	s22 =	smov.u32 s11;
	p0 =	por $0x1, $0x1;
	[dreg:$0x8] =	wrdreg s17  }
.LBB2_30:
0x28: {  	s0 =	sshrl.u32 s0, $0x2  }
.LBB2_32:
0x29: {  	_ =	swait.ge [sflag:s20], s0  }
0x2a: {  	s30 =	ssub.s32 $0x0, s0;
	v1 =	vmov s26;
	vm0 =	veq.s32 v0, $0x0;
	[sflag:s20] =	ssyncset.done $0x0  }
0x2b: {  	vm15 =	veq.s32 v0, $0x2;
	v1 =	vsel vm0, s31, v1;
	[sflag:s20] =	ssyncadd.s32 s30  }
0x2c: {  	v1 =	vsel vm15, s24, v1;
	[sflag:s20] =	ssyncpa.u1 $0x1  }
0x2d: {  	[tilespmem:$0xC808] =	vst v1  }
.LBB2_33:
0x2e: {  	s0 =	sadd.s32 $0x30, s22  }
0x2f: {  	s2 =	smov.u32 s11;
	p2 =	slt.s32 s0, s8  }
0x30: {  	s2 =	smov.u32 @p2 s0;
	p2 =	sne.s32 s23, s17  }
.Ltmp2:
0x31: {  	_ = 	snop;
	(pc) =	sbr.rel @!p2 .LBB2_34-.Ltmp2, $4  }
0x32: {  	_ = 	snop  }
0x33: {  	s24 =	smov.u32 s21  }
0x34: {  	s31 =	sadd.s32 $0x1, s23;
	s21 =	smov.u32 s22;
	p0 =	por !p0, !p0  }
0x35: {  	p1 =	por !p1, !p1;
	s23 =	smov.u32 s31;
	s22 =	smov.u32 s2  }
.LBB2_3:
0x36: {  	p2 =	sge.u32 s23, s13  }
0x37: {  	s0 =	smulhi.u32 @!p2 $0xAAAAAAAB, s23  }
0x38: {  	s2 =	smov.u32 s22;
	p3 =	sgt.s32 @!p2 s22, $0x18670  }
0x39: {  	s3 =	sshra.s32 @!p2 s22, $0x1F;
	p3 =	por !p3, p2;
	s0 =	sshrl.u32 @!p2 s0, $0x1  }
0x3a: {  	s3 =	sand.u32 @!p2 s3, s22;
	s2 =	simm.s32 @p3 $0x18670;
	s0 =	smul.u32 @!p2 $0x3, s0  }
0x3b: {  	s2 =	ssub.s32 @!p2 s2, s3  }
0x3c: {  	s2 =	sadd.s32 @!p2 $0xFFFE7990, s2;
	s0 =	ssub.s32 @!p2 s23, s0  }
0x3d: {  	s3 =	sshll.u32 @!p2 s2, $0x2;
	p3 =	sgt.s32 @!p2 s2, $0x2F;
	s0 =	smul.u32 @!p2 $0xC0, s0  }
0x3e: {  	s4 =	sand.u32 @!p2 $0x7, s22;
	s2 =	ssub.s32 @!p2 $0xC0, s3;
	p3 =	por !p3, p2  }
0x3f: {  	s3 =	sshrl.u32 @!p2 s22, $0x3;
	s2 =	sshrl.u32 @!p2 s2, $0x2;
	s0 =	sshrl.u32 @!p2 s0, $0x2  }
0x40: {  	s3 =	sadd.s32 @!p2 s3, s14;
	s2 =	simm.s32 @!p3 $0x0;
	s0 =	sadd.s32 @!p2 $0x10848, s0  }
0x41: {  	[tilespmem:s0], [sflag:$0xA] =	stream.linear.gather @!p2 [hbm4b:s3+s4], s2, $0x38;
	[tilespmem:$0x1C938] =	vst v63  }
0x42: {  	s2 =	sadd.s32 $0xFFFFFFFF, s23  }
0x43: {  	p2 =	sge.u32 s2, s13  }
0x44: {  	p3 =	sgt.s32 @!p2 s21, $0x18670  }
0x45: {  	s0 =	smov.u32 s21;
	s3 =	sshra.s32 @!p2 s21, $0x1F;
	p3 =	por !p3, p2  }
0x46: {  	s3 =	sand.u32 @!p2 s3, s21;
	s0 =	simm.s32 @p3 $0x18670  }
0x47: {  	s0 =	ssub.s32 @!p2 s0, s3  }
0x48: {  	s0 =	sadd.s32 @!p2 $0xFFFE7990, s0  }
0x49: {  	s3 =	sshll.u32 @!p2 s0, $0x2  }
0x4a: {  	p3 =	sgt.s32 @!p2 s0, $0x2F;
	s0 =	ssub.s32 @!p2 $0xC0, s3  }
0x4b: {  	p3 =	por !p3, p2;
	s0 =	sshrl.u32 @!p2 s0, $0x2  }
0x4c: {  	s4 =	simm.s32 @!p2 $0xA;
	s3 =	sand.u32 @!p2 $0x1, s2;
	s0 =	simm.s32 @!p3 $0x0  }
0x4d: {  	s3 =	smul.u32 @!p2 $0xC0, s3;
	_ =	swait.ge @!p2 [sflag:s4], s0  }
0x4e: {  	s5 =	ssub.s32 @!p2 $0x0, s0;
	[sflag:s4] =	ssyncset.done @!p2 $0x0  }
0x4f: {  	s3 =	sshrl.u32 @!p2 s3, $0x2;
	[sflag:s4] =	ssyncadd.s32 @!p2 s5;
	s4 =	sshrl.u32 @!p2 s21, $0x3  }
0x50: {  	s3 =	sadd.s32 @!p2 $0x108D8, s3;
	s5 =	sand.u32 @!p2 $0x7, s21;
	s4 =	sadd.s32 @!p2 s4, s15  }
0x51: {  	[tilespmem:s3], [sflag:$0xB] =	stream.linear.gather @!p2 [hbm4b:s4+s5], s0, $0x38;
	[tilespmem:$0x1C938] =	vst v63  }
0x52: {  	s0 =	ssub.s32 @!p2 $0x186A0, s21  }
0x53: {  	p3 =	slt.s32 @!p2 s0, $0x1  }
0x54: {  	p3 =	por p2, p3  }
.Ltmp3:
0x55: {  	_ = 	snop;
	(pc) =	sbr.rel @p3 .LBB2_9-.Ltmp3, $1  }
0x56: {  	_ =	sdelay $0x3  }
0x57: {  	s3 =	smulhi.u32 $0xAAAAAAAB, s2;
	_ =	sdelay $0x1  }
0x58: {  	s3 =	sshrl.u32 s3, $0x1  }
0x59: {  	s3 =	smul.u32 $0x3, s3;
	_ =	sdelay $0x1  }
0x5a: {  	s29 =	ssub.s32 s2, s3  }
0x5b: {  	s4 =	simm.s32 $0x1;
	s2 =	smul.u32 $0xC0, s29  }
.Ltmp4:
0x5c: {  	s4 =	simm.s32 @!p0 $0x0;
	(pc) =	sbr.rel .LBB2_6-.Ltmp4, $4  }
0x5d: {  	s30 =	smul.u32 $0x18000, s4  }
0x5e: {  	p3 =	slt.s32 @!p2 s0, $0x30;
	s2 =	sshrl.u32 s2, $0x2  }
0x5f: {  	p2 =	por !p3, p2;
	s3 =	sshrl.u32 s30, $0x2;
	s31 =	sadd.s32 $0x10848, s2  }
0x60: {  	s0 =	simm.s32 @p2 $0x30;
	s2 =	sor.u32 $0x10938, s3;
	s3 =	simm.s32 $0x0;
	v1 =	vmov s31  }
.LBB2_5:
0x61: {  	p2 =	sge.s32 s3, s0  }
.Ltmp5:
0x62: {  	_ = 	snop;
	(pc) =	sbr.rel @p2 .LBB2_9-.Ltmp5, $2  }
0x63: {  	_ =	sdelay $0x2  }
0x64: {  	s2 =	sadd.s32 $0x2000, s2  }
.LBB2_6:
0x65: {  	p2 =	sle.s32 s0, s3  }
.Ltmp6:
0x66: {  	_ = 	snop;
	(pc) =	sbr.rel @p2 .LBB2_5-.Ltmp6, $2  }
0x67: {  	_ =	sdelay $0x2  }
0x68: {  	s4 =	smov.u32 s3;
	s3 =	sadd.s32 $0x10, s3  }
0x69: {  	s5 =	ssub.s32 s0, s4  }
0x6a: {  	p2 =	slt.s32 s5, $0x10  }
0x6b: {  	s5 =	simm.s32 @!p2 $0x10  }
0x6c: {  	v2 =	vmov s5  }
0x6d: {  	vm0 =	vgt.s32 v2, v0;
	_ =	sdelay $0x5  }
0x6e: {  	v2 =	vld.idx.msk [tilespmem:v1+s4+$0x0 ss:$0x1], vm0;
	_ =	sdelay $0x2  }
0x6f: {  	p2 =	slt.s32 s3, s0;
	s5 =	smov.u32 s0  }
0x70: {  	s9 =	smov.u32 s2;
	s25 =	simm.s32 $0x0;
	s5 =	smov.u32 @p2 s3  }
.LBB2_8:
0x71: {  	(v2sf) =	vpush v2, s25;
	_ =	sdelay $0xe  }
0x72: {  	s25 =	sadd.s32 $0x1, s25;
	s10 =	spop (v2sf)  }
0x73: {  	s31 =	sadd.s32 s25, s4;
	s26 =	sshll.u32 s10, $0x9;
	s10 =	sshll.u32 s10, $0x7  }
0x74: {  	p2 =	slt.s32 s31, s5;
	s26 =	sand.u32 $0xFFFFF000, s26;
	s10 =	sand.u32 $0x380, s10  }
.Ltmp7:
0x75: {  	s10 =	sor.u32 s10, s26;
	(pc) =	sbr.rel @p2 .LBB2_8-.Ltmp7, $4  }
0x76: {  	s10 =	sshrl.u32 s10, $0x3  }
0x77: {  	s10 =	sadd.s32 s6, s10  }
0x78: {  	[tilespmem:s9], [sflag:$0x9] =	stream.strided.gather [hbm4b:s10+s18], $0x200, s19, s18, $0x38;
	[tilespmem:$0x1C938] =	vst v63  }
0x79: {  	s9 =	sadd.s32 $0x200, s9  }
.Ltmp8:
0x7a: {  	_ = 	snop;
	(pc) =	sbr.rel .LBB2_5-.Ltmp8, $1  }
0x7b: {  	_ =	sdelay $0x3  }
.LBB2_9:
0x7c: {  	p2 =	slt.u32 s23, $0x2  }
.Ltmp9:
0x7d: {  	_ = 	snop;
	(pc) =	sbr.rel @p2 .LBB2_33-.Ltmp9, $1  }
0x7e: {  	_ =	sdelay $0x3  }
0x7f: {  	p2 =	sgt.s32 s24, $0x18670  }
0x80: {  	s0 =	smov.u32 s24;
	s2 =	sshra.s32 s24, $0x1F;
	s3 =	ssub.s32 $0x186A0, s24  }
0x81: {  	s0 =	simm.s32 @!p2 $0x18670;
	s2 =	sand.u32 s2, s24;
	p2 =	slt.s32 s3, $0x30  }
0x82: {  	s0 =	ssub.s32 s0, s2;
	s3 =	simm.s32 @!p2 $0x30  }
0x83: {  	s0 =	sadd.s32 $0xFFFE7990, s0;
	s25 =	sshll.u32 s3, $0x9  }
0x84: {  	s29 =	simm.s32 $0x9;
	s26 =	sshll.u32 s0, $0x2;
	s2 =	sand.u32 $0x3FFFFE00, s25  }
0x85: {  	p2 =	sgt.s32 s0, $0x2F;
	s28 =	ssub.s32 $0xC0, s26;
	_ =	swait.ge [sflag:s29], s2  }
0x86: {  	s2 =	ssub.s32 $0x0, s2;
	[sflag:s29] =	ssyncset.done $0x0;
	s0 =	sshrl.u32 s28, $0x2  }
0x87: {  	s30 =	simm.s32 $0xB;
	[sflag:s29] =	ssyncadd.s32 s2;
	s0 =	simm.s32 @p2 $0x0  }
0x88: {  	_ =	swait.ge [sflag:s30], s0  }
0x89: {  	s0 =	ssub.s32 $0x0, s0;
	[sflag:s30] =	ssyncset.done $0x0  }
0x8a: {  	[sflag:s30] =	ssyncadd.s32 s0  }
0x8b: {  	v1 =	vld [tilespmem:$0xC808];
	_ =	sdelay $0x4  }
0x8c: {  	(v2sf) =	vpush v1, $0x0  }
0x8d: {  	(v2sf) =	vpush v1, $0x1  }
0x8e: {  	(v2sf) =	vpush v1, $0x2;
	_ =	sdelay $0x3  }
0x8f: {  	s2 =	sadd.s32 $0x30, s24  }
0x90: {  	s3 =	ssub.s32 $0x30D40, s24;
	p2 =	slt.s32 s8, s2  }
0x91: {  	s2 =	smov.u32 @p2 s8;
	p2 =	sgt.s32 s3, $0x0  }
0x92: {  	s25 =	ssub.s32 s2, s24;
	s3 =	simm.s32 @!p2 $0x0  }
0x93: {  	p2 =	slt.s32 s3, s25  }
0x94: {  	s25 =	smov.u32 @p2 s3  }
0x95: {  	s0 =	simm.s32 $0x1;
	p2 =	slt.s32 s25, $0x1  }
.Ltmp10:
0x96: {  	s0 =	simm.s32 @!p1 $0x0;
	(pc) =	sbr.rel @p2 .LBB2_14-.Ltmp10, $4  }
0x97: {  	s4 =	smul.u32 $0xC0, s0  }
0x98: {  	s2 =	spop (v2sf)  }
0x99: {  	s31 =	sshrl.u32 s4, $0x2;
	s5 =	spop (v2sf)  }
0x9a: {  	s4 =	sadd.s32 $0x108D8, s31;
	s24 =	spop (v2sf)  }
0x9b: {  	s3 =	smin.u32 s25, $0x10  }
0x9c: {  	v1 =	vmov s3  }
0x9d: {  	vm1 =	vgt.u32 v1, v0  }
0x9e: {  	p3 =	sgt.s32 s25, $0x10  }
.Ltmp11:
0x9f: {  	_ = 	snop;
	(pc) =	sbr.rel @!p3 .LBB2_13-.Ltmp11, $2  }
0xa0: {  	_ =	sdelay $0x2  }
0xa1: {  	s9 =	simm.s32 $0x10;
	s26 =	sadd.s32 $0xFFFFFFF0, s25;
	s3 =	smov.u32 s4;
	vm0 =	vmmov vm1;
	v1 =	vld.msk [tilespmem:s4+$0x0 ss:$0x1], vm1  }
.LBB2_12:
0xa2: {  	s10 =	smin.u32 s26, $0x10;
	s9 =	sadd.s32 $0x10, s9  }
0xa3: {  	v2 =	vmov s10;
	p3 =	slt.s32 s9, s25  }
0xa4: {  	vm1 =	vgt.u32 v2, v0;
	_ =	sdelay $0x1  }
0xa5: {  	v2 =	vshll.u32 v1, $0x6;
	v1 =	vshll.u32 v1, $0x4  }
.Ltmp12:
0xa6: {  	v2 =	vand.u32 $0xFFFFFE00, v2;
	v1 =	vand.u32 $0x70, v1;
	(pc) =	sbr.rel @p3 .LBB2_12-.Ltmp12, $4  }
0xa7: {  	v1 =	vor.u32 v1, v2  }
0xa8: {  	[tilespmem:s3+$0x0] =	vst.msk vm0, v1;
	s3 =	sadd.s32 $0x10, s3;
	vm0 =	vmmov vm1  }
0xa9: {  	v1 =	vld.msk [tilespmem:s3+$0x0 ss:$0x1], vm1  }
0xaa: {  	s26 =	sadd.s32 $0xFFFFFFF0, s26  }
.LBB2_13:
0xab: {  	_ =	sdelay $0x3  }
0xac: {  	v2 =	vshll.u32 v1, $0x6;
	v1 =	vshll.u32 v1, $0x4  }
0xad: {  	v2 =	vand.u32 $0xFFFFFE00, v2;
	v1 =	vand.u32 $0x70, v1  }
0xae: {  	v1 =	vor.u32 v1, v2  }
0xaf: {  	[tilespmem:s3+$0x0] =	vst.msk vm0, v1  }
.LBB2_14:
0xb0: {  	s3 =	sand.u32 $0x1, s23  }
0xb1: {  	s3 =	smul.u32 $0x30, s3  }
0xb2: {  	p3 =	sne.s32 s5, $0xFFFFFFFF  }
0xb3: {  	v1 =	vld.msk @!p3 [tilespmem:s3+$0x108D8], $0x1;
	_ =	sdelay $0x4  }
0xb4: {  	(v2sf) =	vpush @!p3 v1, $0x0;
	_ =	sdelay $0xc  }
.Ltmp13:
0xb5: {  	_ = 	snop;
	(pc) =	sbr.rel @p2 .LBB2_31-.Ltmp13, $4  }
0xb6: {  	_ = 	snop  }
0xb7: {  	s30 =	spop @!p3 (v2sf)  }
0xb8: {  	s24 =	simm.s32 @!p3 $0x0;
	s26 =	smov.u32 s30  }
0xb9: {  	[sflag:s20] =	ssyncpa.u1 $0x0;
	s30 =	smov.u32 @p3 s2;
	s26 =	smov.u32 @p3 s5  }
0xba: {  	v1 =	vld.msk [tilespmem:s4+$0x0], $0x1;
	_ =	sdelay $0x4  }
0xbb: {  	(v2sf) =	vpush v1, $0x0;
	_ =	sdelay $0xd  }
0xbc: {  	s0 =	smul.u32 $0x18000, s0  }
0xbd: {  	s13 =	smov.u32 s8;
	s8 =	smov.u32 s11;
	s5 =	spop (v2sf)  }
0xbe: {  	s2 =	ssub.s32 $0x0, s25;
	s0 =	sshrl.u32 s0, $0x2;
	p2 =	seq.s32 s30, s5  }
0xbf: {  	s29 =	simm.s32 $0x0;
	s28 =	sor.u32 $0x10938, s0;
	p3 =	sgt.s32 @!p2 s30, $0x0  }
0xc0: {  	s0 =	sadd.s32 $0x108D8, s3;
	s3 =	smov.u32 s30;
	p3 =	por !p3, p2  }
0xc1: {  	s4 =	sadd.s32 $0x1, s4;
	s31 =	sadd.s32 $0x1, s2;
	s3 =	simm.s32 @p3 $0x0  }
0xc2: {  	s2 =	simm.s32 @!p2 $0x1;
	s9 =	simm.s32 @!p2 $0x6608;
	s10 =	smin.u32 @!p2 s3, $0xC3470  }
0xc3: {  	p3 =	seq.s32 s31, $0x0;
	s3 =	sand.u32 @!p2 $0xFFFF8, s10;
	s11 =	sadd.s32 @!p2 $0x80, s10  }
0xc4: {  	s14 =	sadd.s32 @!p2 $0x100, s10;
	s15 =	sadd.s32 @!p2 s1, s3;
	s3 =	sand.u32 @!p2 $0x7, s10  }
0xc5: {  	s11 =	sand.u32 @!p2 $0x1FFFF8, s11;
	s14 =	sand.u32 @!p2 $0x1FFFF8, s14;
	s10 =	sadd.s32 @!p2 $0x180, s10  }
0xc6: {  	[tilespmem:s9], [sflag:$0x2] =	stream.linear.gather @!p2 [hbm4b:s15+s3], $0x80, $0x38;
	[tilespmem:$0x1C938] =	vst v63  }
.Ltmp14:
0xc7: {  	s9 =	simm.s32 @!p2 $0x6688;
	s11 =	sadd.s32 @!p2 s1, s11;
	(pc) =	sbr.rel @p3 .LBB2_17-.Ltmp14, $4  }
0xc8: {  	[tilespmem:s9], [sflag:$0x2] =	stream.linear.gather @!p2 [hbm4b:s11+s3], $0x80, $0x38;
	[tilespmem:$0x1C938] =	vst v63  }
0xc9: {  	s10 =	sand.u32 @!p2 $0x1FFFF8, s10;
	s9 =	simm.s32 @!p2 $0x6708;
	s11 =	sadd.s32 @!p2 s1, s14  }
0xca: {  	[tilespmem:s9], [sflag:$0x2] =	stream.linear.gather @!p2 [hbm4b:s11+s3], $0x80, $0x38;
	[tilespmem:$0x1C938] =	vst v63  }
0xcb: {  	s2 =	smov.u32 @p2 s29;
	s10 =	sadd.s32 @!p2 s1, s10;
	s9 =	simm.s32 @!p2 $0x6788  }
.LBB2_16:
0xcc: {  	s11 =	smov.u32 s2  }
0xcd: {  	[tilespmem:s9], [sflag:$0x2] =	stream.linear.gather @!p2 [hbm4b:s10+s3], $0x80, $0x38;
	[tilespmem:$0x1C938] =	vst v63  }
0xce: {  	s31 =	sadd.s32 $0x1, s31;
	s3 =	smov.u32 s5  }
0xcf: {  	p3 =	seq.s32 s31, $0x0;
	v1 =	vld.msk [tilespmem:s4+$0x0], $0x1;
	_ =	sdelay $0x4  }
0xd0: {  	(v2sf) =	vpush v1, $0x0;
	_ =	sdelay $0xe  }
0xd1: {  	s5 =	spop (v2sf)  }
0xd2: {  	p2 =	seq.s32 s3, s5  }
0xd3: {  	p4 =	sgt.s32 @!p2 s3, $0x0  }
0xd4: {  	s9 =	sshll.u32 @!p2 s2, $0xB;
	s2 =	sadd.s32 @!p2 $0x1, s2;
	p4 =	por !p4, p2  }
0xd5: {  	s9 =	sshra.s32 @!p2 s9, $0x2;
	s2 =	smov.u32 @p2 s11;
	s3 =	simm.s32 @p4 $0x0  }
0xd6: {  	s10 =	sadd.s32 @!p2 $0x6608, s9;
	s11 =	sadd.s32 @!p2 $0x6688, s9;
	s14 =	smin.u32 @!p2 s3, $0xC3470  }
0xd7: {  	s15 =	sadd.s32 @!p2 $0x6708, s9;
	s9 =	sadd.s32 @!p2 $0x6788, s9;
	s3 =	sand.u32 @!p2 $0xFFFF8, s14  }
0xd8: {  	s17 =	sadd.s32 @!p2 $0x80, s14;
	s7 =	sadd.s32 @!p2 $0x100, s14;
	s20 =	sadd.s32 @!p2 s1, s3  }
0xd9: {  	s3 =	sand.u32 @!p2 $0x7, s14;
	s17 =	sand.u32 @!p2 $0x1FFFF8, s17;
	s7 =	sand.u32 @!p2 $0x1FFFF8, s7  }
0xda: {  	[tilespmem:s10], [sflag:$0x2] =	stream.linear.gather @!p2 [hbm4b:s20+s3], $0x80, $0x38;
	[tilespmem:$0x1C938] =	vst v63  }
.Ltmp15:
0xdb: {  	s14 =	sadd.s32 @!p2 $0x180, s14;
	s10 =	sadd.s32 @!p2 s1, s17;
	(pc) =	sbr.rel @!p3 .LBB2_16-.Ltmp15, $4  }
0xdc: {  	[tilespmem:s11], [sflag:$0x2] =	stream.linear.gather @!p2 [hbm4b:s10+s3], $0x80, $0x38;
	[tilespmem:$0x1C938] =	vst v63  }
0xdd: {  	s7 =	sadd.s32 @!p2 s1, s7;
	s10 =	sand.u32 @!p2 $0x1FFFF8, s14  }
0xde: {  	[tilespmem:s15], [sflag:$0x2] =	stream.linear.gather @!p2 [hbm4b:s7+s3], $0x80, $0x38;
	[tilespmem:$0x1C938] =	vst v63  }
0xdf: {  	s4 =	sadd.s32 $0x1, s4;
	s10 =	sadd.s32 @!p2 s1, s10  }
.LBB2_17:
0xe0: {  	[tilespmem:s9], [sflag:$0x2] =	stream.linear.gather @!p2 [hbm4b:s10+s3], $0x80, $0x38;
	[tilespmem:$0x1C938] =	vst v63  }
0xe1: {  	s2 =	sshll.u32 s2, $0x9  }
0xe2: {  	s31 =	simm.s32 $0x2;
	s2 =	sand.u32 $0x3FFFFE00, s2  }
.Ltmp16:
0xe3: {  	_ =	swait.ge [sflag:s31], s2;
	(pc) =	sbr.rel .LBB2_18-.Ltmp16, $4  }
0xe4: {  	s11 =	smov.u32 s8;
	s8 =	smov.u32 s13;
	s13 =	rddreg [dreg:$0x5]  }
0xe5: {  	v1 =	vmov s0;
	s0 =	simm.s32 $0x0;
	s4 =	simm.s32 $0x0;
	s14 =	rddreg [dreg:$0x6]  }
0xe6: {  	s2 =	ssub.s32 $0x0, s2;
	[sflag:s31] =	ssyncset.done $0x0;
	s15 =	rddreg [dreg:$0x7]  }
0xe7: {  	s20 =	simm.s32 $0xC;
	s17 =	rddreg [dreg:$0x8];
	[sflag:s31] =	ssyncadd.s32 s2  }
.LBB2_28:
0xe8: {  	[tilespmem:s2+$0x0] =	vst v2;
	s29 =	sadd.s32 $0x1, s29  }
.LBB2_29:
0xe9: {  	s4 =	sadd.s32 $0x1, s4  }
0xea: {  	p2 =	sne.s32 s4, s25  }
.Ltmp17:
0xeb: {  	_ = 	snop;
	(pc) =	sbr.rel @!p2 .LBB2_30-.Ltmp17, $2  }
0xec: {  	_ =	sdelay $0x2  }
0xed: {  	s28 =	sadd.s32 $0x200, s28;
	s30 =	smov.u32 s31  }
.LBB2_18:
0xee: {  	_ =	sdelay $0x3  }
0xef: {  	v2 =	vld.idx.msk [tilespmem:v1+s4+$0x0 ss:$0x1], $0x1;
	_ =	sdelay $0x4  }
0xf0: {  	(v2sf) =	vpush v2, $0x0;
	_ =	sdelay $0xe  }
0xf1: {  	s31 =	spop (v2sf)  }
0xf2: {  	p2 =	sne.s32 s30, s31  }
.Ltmp18:
0xf3: {  	_ = 	snop;
	(pc) =	sbr.rel @p2 .LBB2_22-.Ltmp18, $3  }
0xf4: {  	_ =	sdelay $0x1  }
0xf5: {  	s2 =	sshll.u32 s24, $0xB  }
0xf6: {  	s2 =	sshra.s32 s2, $0x2  }
0xf7: {  	s2 =	sadd.s32 $0x408, s2;
	s3 =	simm.s32 $0x0;
	v2 =	vld [tilespmem:s28+$0x0];
	s5 =	smov.u32 s28  }
.LBB2_20:
0xf8: {  	s3 =	sadd.s32 $0x10, s3  }
0xf9: {  	p2 =	slt.u32 s3, $0x1F0  }
.Ltmp19:
0xfa: {  	_ = 	snop;
	(pc) =	sbr.rel @p2 .LBB2_20-.Ltmp19, $3  }
0xfb: {  	_ =	sdelay $0x1  }
0xfc: {  	s5 =	sadd.s32 $0x10, s5;
	[tilespmem:s2+$0x0] =	vst.add.f32.msk $0xffff, v2;
	s2 =	sadd.s32 $0x10, s2  }
0xfd: {  	v2 =	vld [tilespmem:s5+$0x0]  }
.Ltmp20:
0xfe: {  	_ = 	snop;
	(pc) =	sbr.rel .LBB2_29-.Ltmp20, $2  }
0xff: {  	_ =	sdelay $0x2  }
0x100: {  	[tilespmem:s2+$0x0] =	vst.add.f32.msk $0xffff, v2  }
.LBB2_22:
0x101: {  	p2 =	seq.s32 s30, s26  }
.Ltmp21:
0x102: {  	_ = 	snop;
	(pc) =	sbr.rel @!p2 .LBB2_23-.Ltmp21, $1  }
0x103: {  	_ =	sdelay $0x3  }
.Ltmp22:
0x104: {  	s2 =	sadd.s32 $0x408, s2;
	(pc) =	sbr.rel .LBB2_26-.Ltmp22, $4  }
0x105: {  	[spmem:s16] =	stream.linear.scatter [tilespmem:s2], [sflag:$0x1], $0x200, $0x38;
	[tilespmem:$0x1C938] =	vst v63  }
0x106: {  	_ =	swait.ge [sflag:s12], $0x200  }
0x107: {  	[sflag:s12] =	ssyncset.done $0x0  }
0x108: {  	[sflag:s12] =	ssyncadd.s32 $0xFFFFFE00  }
.LBB2_23:
0x109: {  	s3 =	sshll.u32 s29, $0xB  }
0x10a: {  	s3 =	sshra.s32 s3, $0x2  }
0x10b: {  	s5 =	sadd.s32 $0x6608, s3;
	s3 =	sadd.s32 $0x408, s2  }
0x10c: {  	s10 =	simm.s32 $0x0;
	v2 =	vld [tilespmem:s5+$0x0];
	s9 =	smov.u32 s3  }
.LBB2_24:
0x10d: {  	s10 =	sadd.s32 $0x10, s10  }
0x10e: {  	p2 =	slt.u32 s10, $0x1F0  }
.Ltmp23:
0x10f: {  	_ = 	snop;
	(pc) =	sbr.rel @p2 .LBB2_24-.Ltmp23, $3  }
0x110: {  	_ =	sdelay $0x1  }
0x111: {  	s5 =	sadd.s32 $0x10, s5;
	[tilespmem:s9+$0x0] =	vst.add.f32.msk $0xffff, v2;
	s9 =	sadd.s32 $0x10, s9  }
0x112: {  	v2 =	vld [tilespmem:s5+$0x0]  }
0x113: {  	_ =	sdelay $0x1  }
0x114: {  	p2 =	sgt.u32 s30, $0xC3470  }
0x115: {  	s5 =	sand.u32 @!p2 $0xFFFF8, s30  }
0x116: {  	s7 =	sand.u32 @!p2 $0x7, s30;
	s5 =	sadd.s32 @!p2 s1, s5;
	[tilespmem:s9+$0x0] =	vst.add.f32.msk $0xffff, v2  }
0x117: {  	[hbm4b:s5+s7] =	stream.linear.scatter @!p2 [tilespmem:s3], [sflag:$0xC], $0x80, $0x38;
	[tilespmem:$0x1C938] =	vst v63  }
0x118: {  	s3 =	sadd.s32 @!p2 $0x80, s30  }
0x119: {  	s3 =	sand.u32 @!p2 $0x1FFFF8, s3  }
0x11a: {  	s5 =	sadd.s32 @!p2 $0x488, s2;
	s3 =	sadd.s32 @!p2 s1, s3  }
0x11b: {  	[hbm4b:s3+s7] =	stream.linear.scatter @!p2 [tilespmem:s5], [sflag:$0xC], $0x80, $0x38;
	[tilespmem:$0x1C938] =	vst v63  }
0x11c: {  	s3 =	sadd.s32 @!p2 $0x100, s30  }
0x11d: {  	s3 =	sand.u32 @!p2 $0x1FFFF8, s3  }
0x11e: {  	s5 =	sadd.s32 @!p2 $0x508, s2;
	s3 =	sadd.s32 @!p2 s1, s3  }
0x11f: {  	[hbm4b:s3+s7] =	stream.linear.scatter @!p2 [tilespmem:s5], [sflag:$0xC], $0x80, $0x38;
	[tilespmem:$0x1C938] =	vst v63  }
0x120: {  	s3 =	sadd.s32 @!p2 $0x180, s30;
	s5 =	simm.s32 $0x0  }
0x121: {  	s3 =	sand.u32 @!p2 $0x1FFFF8, s3;
	s5 =	simm.s32 @!p2 $0x800  }
0x122: {  	s2 =	sadd.s32 @!p2 $0x588, s2;
	s3 =	sadd.s32 @!p2 s1, s3;
	s0 =	sadd.s32 s5, s0  }
0x123: {  	[hbm4b:s3+s7] =	stream.linear.scatter @!p2 [tilespmem:s2], [sflag:$0xC], $0x80, $0x38;
	[tilespmem:$0x1C938] =	vst v63  }
.LBB2_26:
0x124: {  	s2 =	sadd.s32 $0x1, s24  }
0x125: {  	s3 =	smulhi.u32 $0xAAAAAAAB, s2;
	_ =	sdelay $0x1  }
0x126: {  	s3 =	sshrl.u32 s3, $0x5  }
0x127: {  	s3 =	smul.u32 $0x30, s3;
	_ =	sdelay $0x1  }
0x128: {  	s24 =	ssub.s32 s2, s3  }
0x129: {  	s2 =	sshll.u32 s24, $0x9  }
0x12a: {  	v2 =	vld [tilespmem:s28+$0x0];
	s5 =	smov.u32 s28;
	s3 =	simm.s32 $0x0;
	s2 =	sadd.s32 $0x408, s2  }
.LBB2_27:
0x12b: {  	s3 =	sadd.s32 $0x10, s3  }
0x12c: {  	p2 =	slt.u32 s3, $0x1F0  }
.Ltmp24:
0x12d: {  	_ = 	snop;
	(pc) =	sbr.rel @p2 .LBB2_27-.Ltmp24, $3  }
0x12e: {  	_ =	sdelay $0x1  }
0x12f: {  	[tilespmem:s2+$0x0] =	vst v2;
	s2 =	sadd.s32 $0x10, s2;
	s5 =	sadd.s32 $0x10, s5  }
0x130: {  	v2 =	vld [tilespmem:s5+$0x0]  }
.Ltmp25:
0x131: {  	_ = 	snop;
	(pc) =	sbr.rel .LBB2_28-.Ltmp25, $1  }
0x132: {  	_ =	sdelay $0x3  }
.LBB2_31:
.Ltmp26:
0x133: {  	(pc) =	sbr.rel .LBB2_32-.Ltmp26, $4  }
0x134: {  	_ = 	snop  }
0x135: {  	s0 =	simm.s32 $0x2  }
0x136: {  	_ =	swait.ge [sflag:s0], $0x0  }
0x137: {  	s31 =	smov.u32 s30;
	[sflag:s0] =	ssyncset.done $0x0;
	s0 =	simm.s32 $0x0  }
.LBB2_34:
0x138: {  	_ =	sfence.sel $0x180000  }
0x139: {  	s0 =	simm.s32 $0x9;
	[bflag:$0x0] =	sbarrier.arrive $0xFFFF  }
0x13a: {  	s24 =	simm.s32 $0xA;
	[sflag:s0] =	ssyncpa.u1 $0x1  }
0x13b: {  	s25 =	simm.s32 $0xB;
	[sflag:s24] =	ssyncpa.u1 $0x1  }
0x13c: {  	s26 =	simm.s32 $0x2;
	[sflag:s25] =	ssyncpa.u1 $0x1  }
0x13d: {  	[sflag:s26] =	ssyncpa.u1 $0x1  }
0x13e: {  	v0 =	vld [tilespmem:$0xC808];
	_ =	sdelay $0x4  }
0x13f: {  	(v2sf) =	vpush v0, $0x0  }
0x140: {  	(v2sf) =	vpush v0, $0x1;
	_ =	sdelay $0x1  }
0x141: {  	(v2sf) =	vpush v0, $0x2;
	_ =	sdelay $0xb  }
0x142: {  	s0 =	spop (v2sf)  }
0x143: {  	s2 =	spop (v2sf)  }
0x144: {  	s3 =	smov.u32 s0;
	p0 =	sne.s32 s0, s2  }
0x145: {  	s4 =	spop (v2sf);
	s3 =	simm.s32 @!p0 $0xFFFFFFFF  }
0x146: {  	v2 =	vimm.s32 $0x1;
	v3 =	vlaneseq.u32;
	p0 =	seq.s32 s4, $0xFFFFFFFF;
	v1 =	vmov s3  }
0x147: {  	s17 =	stileid.u32;
	v0 =	vperm.xlane v0, v2;
	p1 =	sne.s32 @!p0 s0, s2;
	v1 =	vperm.xlane v1, v3  }
0x148: {  	vm0 =	vcmask $0x3F04;
	s6 =	simm.s32 $0xC808;
	s0 =	simm.s32 @!p0 $0x1;
	p1 =	por !p1, p0  }
0x149: {  	s3 =	sshll.u32 s17, $0x1;
	s2 =	sshll.u32 @!p0 s4, $0xB;
	s0 =	simm.s32 @p1 $0x0;
	v0 =	vsel vm0, v1, v0  }
0x14a: {  	s5 =	sor.u32 $0x4000, s3;
	s2 =	sshra.s32 @!p0 s2, $0x2;
	s0 =	sor.u32 @!p0 s0, s3;
	[tilespmem:$0xC808] =	vst v0  }
0x14b: {  	[spmem:s5] =	stream.linear.scatter [tilespmem:s6], [sflag:$0x1], $0x2, $0x38;
	[tilespmem:$0x1C938] =	vst v63  }
0x14c: {  	s2 =	sadd.s32 @!p0 $0x408, s2;
	s0 =	sshll.u32 @!p0 s0, $0x9  }
0x14d: {  	[spmem:s0] =	stream.linear.scatter @!p0 [tilespmem:s2], [sflag:$0x1], $0x200, $0x38;
	[tilespmem:$0x1C938] =	vst v63  }
0x14e: {  	s0 =	simm.s32 @!p0 $0x202  }
0x14f: {  	s28 =	simm.s32 $0x1;
	s0 =	simm.s32 @p0 $0x2  }
0x150: {  	_ =	swait.ge [sflag:s28], s0  }
0x151: {  	s0 =	ssub.s32 $0x0, s0;
	[sflag:s28] =	ssyncset.done $0x0  }
0x152: {  	p0 =	sne.s32 s17, $0x0;
	[sflag:s28] =	ssyncadd.s32 s0  }
.Ltmp27:
0x153: {  	_ =	sfence.stream.spmem;
	(pc) =	sbr.rel @p0 .LBB2_59-.Ltmp27, $4  }
0x154: {  	s29 =	simm.s32 $0x3;
	[bflag:$0x0] =	sbarrier.arrive $0xFFFF  }
0x155: {  	s30 =	simm.s32 $0x4;
	[sflag:s29] =	ssyncpa.u1 $0x1  }
0x156: {  	s31 =	simm.s32 $0x3C;
	[sflag:s30] =	ssyncpa.u1 $0x1  }
0x157: {  	s16 =	rddreg [dreg:$0x4];
	[sflag:s31] =	ssyncpa.u1 $0x1  }
0x158: {  	_ =	sfence.stream.spmem;
	s0 =	simm.s32 $0x5  }
0x159: {  	s2 =	simm.s32 $0x4000;
	s3 =	simm.s32 $0xC818;
	[sflag:s0] =	ssyncpa.u1 $0x0  }
0x15a: {  	[tilespmem:s3], [sflag:$0x5] =	stream.linear.gather [spmem:s2], $0x20, $0x38;
	[tilespmem:$0x1C938] =	vst v63  }
0x15b: {  	s26 =	simm.s32 $0x0;
	s28 =	simm.s32 $0xC838  }
0x15c: {  	[tilespmem:s28], [sflag:$0x5] =	stream.linear.gather [spmem:s26], $0x4000, $0x38;
	[tilespmem:$0x1C938] =	vst v63  }
0x15d: {  	_ =	swait.ge [sflag:s0], $0x4020  }
0x15e: {  	[sflag:s0] =	ssyncset.done $0x0  }
0x15f: {  	s29 =	simm.s32 $0x0;
	[sflag:s0] =	ssyncadd.s32 $0xFFFFBFE0  }
0x160: {  	v0 =	vld.msk [tilespmem:s29+$0xC818], $0x1;
	_ =	sdelay $0x1  }
0x161: {  	s30 =	simm.s32 $0x1  }
0x162: {  	v1 =	vld.msk [tilespmem:s30+$0xC818], $0x1;
	_ =	sdelay $0x1  }
0x163: {  	(v2sf) =	vpush v0, $0x0;
	_ =	sdelay $0x2  }
0x164: {  	(v2sf) =	vpush v1, $0x0;
	_ =	sdelay $0x2  }
0x165: {  	s31 =	simm.s32 $0x2  }
0x166: {  	v0 =	vld.msk [tilespmem:s31+$0xC818], $0x1;
	_ =	sdelay $0x2  }
0x167: {  	s2 =	simm.s32 $0xFFFFFFFF;
	s3 =	simm.s32 $0xFFFFFFFF;
	s0 =	simm.s32 $0xC  }
.LBB2_36:
0x168: {  	s4 =	smov.u32 s3;
	s5 =	smov.u32 s2  }
0x169: {  	s2 =	sshra.s32 s0, $0x2;
	p1 =	sne.s32 s0, $0x7C;
	s0 =	sadd.s32 $0x4, s0;
	(v2sf) =	vpush v0, $0x0  }
0x16a: {  	v0 =	vld.msk [tilespmem:s2+$0xC818], $0x1  }
.Ltmp28:
0x16b: {  	(pc) =	sbr.rel @p1 .LBB2_36-.Ltmp28, $4  }
0x16c: {  	s3 =	spop (v2sf)  }
0x16d: {  	p2 =	sne.s32 s5, $0xFFFFFFFF;
	s2 =	smov.u32 s3  }
0x16e: {  	p3 =	seq.s32 s3, $0xFFFFFFFF;
	s2 =	smov.u32 @p2 s5  }
0x16f: {  	s3 =	smov.u32 @p3 s4;
	s2 =	smov.u32 @p3 s5  }
0x170: {  	(v2sf) =	vpush v0, $0x0;
	_ =	sdelay $0x8  }
0x171: {  	s0 =	spop (v2sf);
	p1 =	sne.s32 s2, $0xFFFFFFFF;
	s9 =	simm.s32 $0x6  }
0x172: {  	s6 =	simm.s32 $0x0;
	s10 =	simm.s32 $0xC838;
	s4 =	smov.u32 s0  }
0x173: {  	s11 =	simm.s32 $0xC688;
	p2 =	seq.s32 s0, $0xFFFFFFFF;
	s4 =	smov.u32 @p1 s2  }
0x174: {  	s12 =	simm.s32 $0xC708;
	s4 =	smov.u32 @p2 s2;
	s2 =	spop (v2sf)  }
0x175: {  	s0 =	smov.u32 @p2 s3;
	p1 =	sne.s32 s4, $0xFFFFFFFF;
	s5 =	smov.u32 s2  }
.Ltmp29:
0x176: {  	p2 =	seq.s32 s2, $0xFFFFFFFF;
	s5 =	smov.u32 @p1 s4;
	(pc) =	sbr.rel .LBB2_38-.Ltmp29, $4  }
0x177: {  	s13 =	simm.s32 $0xC788;
	s5 =	smov.u32 @p2 s4;
	s7 =	spop (v2sf)  }
0x178: {  	s14 =	simm.s32 $0x0;
	p1 =	sne.s32 s5, $0xFFFFFFFF;
	s8 =	smov.u32 s7  }
0x179: {  	s2 =	smov.u32 @p2 s0;
	p2 =	seq.s32 s7, $0xFFFFFFFF;
	s8 =	smov.u32 @p1 s5  }
0x17a: {  	[sflag:s9] =	ssyncpa.u1 $0x0;
	s7 =	smov.u32 @p2 s2;
	s8 =	smov.u32 @p2 s5  }
.LBB2_53:
0x17b: {  	s14 =	sadd.s32 $0x1, s14  }
0x17c: {  	p1 =	sne.s32 s14, $0x20  }
.Ltmp30:
0x17d: {  	_ = 	snop;
	(pc) =	sbr.rel @!p1 .LBB2_54-.Ltmp30, $2  }
0x17e: {  	_ =	sdelay $0x2  }
0x17f: {  	s10 =	sadd.s32 $0x200, s10  }
.LBB2_38:
0x180: {  	v0 =	vld.msk [tilespmem:s14+$0xC818], $0x1;
	_ =	sdelay $0x4  }
0x181: {  	(v2sf) =	vpush v0, $0x0;
	_ =	sdelay $0xe  }
0x182: {  	s0 =	spop (v2sf)  }
0x183: {  	p1 =	seq.s32 s0, $0xFFFFFFFF  }
.Ltmp31:
0x184: {  	_ = 	snop;
	(pc) =	sbr.rel @p1 .LBB2_53-.Ltmp31, $1  }
0x185: {  	_ =	sdelay $0x3  }
0x186: {  	p1 =	slt.s32 s6, $0x1  }
.Ltmp32:
0x187: {  	_ = 	snop;
	(pc) =	sbr.rel @p1 .LBB2_46-.Ltmp32, $1  }
0x188: {  	_ =	sdelay $0x3  }
0x189: {  	s2 =	simm.s32 $0xC818;
	p1 =	por $0x0, $0x0  }
0x18a: {  	v1 =	vld.msk @!p1 [tilespmem:s2+$0x0], $0x1;
	_ =	sdelay $0x4  }
0x18b: {  	(v2sf) =	vpush @!p1 v1, $0x0;
	_ =	sdelay $0xd  }
0x18c: {  	p3 =	sne.s32 s6, $0x1  }
.Ltmp33:
0x18d: {  	s3 =	spop @!p1 (v2sf);
	(pc) =	sbr.rel @!p3 .LBB2_42-.Ltmp33, $4  }
0x18e: {  	p2 =	seq.s32 @!p1 s0, s3  }
0x18f: {  	s4 =	simm.s32 $0x0;
	p2 =	por !p2, p1  }
0x190: {  	s3 =	simm.s32 $0xFFFFFFFF;
	s4 =	simm.s32 @p2 $0xFFFFFFFF  }
0x191: {  	s5 =	simm.s32 $0x1;
	s4 =	smov.u32 @p1 s3  }
.LBB2_41:
0x192: {  	s3 =	smov.u32 s4;
	p1 =	sne.s32 s4, $0xFFFFFFFF  }
0x193: {  	s2 =	sadd.s32 $0x1, s2;
	s4 =	smov.u32 s5;
	s5 =	sadd.s32 $0x1, s5  }
0x194: {  	p2 =	sne.s32 s6, s5;
	v1 =	vld.msk @!p1 [tilespmem:s2+$0x0], $0x1;
	_ =	sdelay $0x4  }
0x195: {  	(v2sf) =	vpush @!p1 v1, $0x0;
	_ =	sdelay $0xe  }
.Ltmp34:
0x196: {  	s15 =	spop @!p1 (v2sf);
	(pc) =	sbr.rel @p2 .LBB2_41-.Ltmp34, $4  }
0x197: {  	p3 =	seq.s32 @!p1 s0, s15  }
0x198: {  	p3 =	por !p3, p1  }
0x199: {  	s4 =	simm.s32 @p3 $0xFFFFFFFF  }
0x19a: {  	s4 =	smov.u32 @p1 s3  }
.LBB2_42:
0x19b: {  	p1 =	seq.s32 s4, $0xFFFFFFFF  }
.Ltmp35:
0x19c: {  	_ = 	snop;
	(pc) =	sbr.rel @p1 .LBB2_46-.Ltmp35, $1  }
0x19d: {  	_ =	sdelay $0x3  }
0x19e: {  	s0 =	sshll.u32 s4, $0xB  }
0x19f: {  	s0 =	sshra.s32 s0, $0x2  }
0x1a0: {  	s2 =	simm.s32 $0x0;
	v0 =	vld [tilespmem:s10+$0x0];
	s3 =	smov.u32 s10;
	s0 =	sadd.s32 $0xC838, s0  }
.LBB2_44:
0x1a1: {  	s2 =	sadd.s32 $0x10, s2  }
0x1a2: {  	p1 =	slt.u32 s2, $0x1F0  }
.Ltmp36:
0x1a3: {  	_ = 	snop;
	(pc) =	sbr.rel @p1 .LBB2_44-.Ltmp36, $3  }
0x1a4: {  	_ =	sdelay $0x1  }
0x1a5: {  	s3 =	sadd.s32 $0x10, s3;
	[tilespmem:s0+$0x0] =	vst.add.f32.msk $0xffff, v0;
	s0 =	sadd.s32 $0x10, s0  }
0x1a6: {  	v0 =	vld [tilespmem:s3+$0x0]  }
.Ltmp37:
0x1a7: {  	_ = 	snop;
	(pc) =	sbr.rel .LBB2_53-.Ltmp37, $2  }
0x1a8: {  	_ =	sdelay $0x2  }
0x1a9: {  	[tilespmem:s0+$0x0] =	vst.add.f32.msk $0xffff, v0  }
.LBB2_46:
0x1aa: {  	p1 =	sgt.u32 s0, $0xC3470  }
0x1ab: {  	p2 =	seq.s32 @!p1 s0, s8  }
0x1ac: {  	p1 =	por p1, p2  }
0x1ad: {  	p2 =	seq.s32 @!p1 s0, s7  }
0x1ae: {  	p1 =	por p1, p2  }
.Ltmp38:
0x1af: {  	_ = 	snop;
	(pc) =	sbr.rel @p1 .LBB2_50-.Ltmp38, $1  }
0x1b0: {  	_ =	sdelay $0x3  }
0x1b1: {  	s2 =	sand.u32 $0xFFFF8, s0;
	s4 =	sand.u32 $0x7, s0  }
0x1b2: {  	s29 =	sadd.s32 $0x80, s0;
	s3 =	sadd.s32 s1, s2;
	s2 =	simm.s32 $0xC608  }
0x1b3: {  	[tilespmem:s2], [sflag:$0x6] =	stream.linear.gather [hbm4b:s3+s4], $0x80, $0x38;
	[tilespmem:$0x1C938] =	vst v63  }
0x1b4: {  	s3 =	sand.u32 $0x1FFFF8, s29  }
0x1b5: {  	s30 =	sadd.s32 $0x100, s0;
	s3 =	sadd.s32 s1, s3  }
0x1b6: {  	[tilespmem:s11], [sflag:$0x6] =	stream.linear.gather [hbm4b:s3+s4], $0x80, $0x38;
	[tilespmem:$0x1C938] =	vst v63  }
0x1b7: {  	s31 =	sadd.s32 $0x180, s0;
	s3 =	sand.u32 $0x1FFFF8, s30  }
0x1b8: {  	s0 =	sand.u32 $0x1FFFF8, s31;
	s3 =	sadd.s32 s1, s3  }
0x1b9: {  	[tilespmem:s12], [sflag:$0x6] =	stream.linear.gather [hbm4b:s3+s4], $0x80, $0x38;
	[tilespmem:$0x1C938] =	vst v63  }
0x1ba: {  	s0 =	sadd.s32 s1, s0  }
0x1bb: {  	[tilespmem:s13], [sflag:$0x6] =	stream.linear.gather [hbm4b:s0+s4], $0x80, $0x38;
	[tilespmem:$0x1C938] =	vst v63  }
0x1bc: {  	_ =	swait.ge [sflag:s9], $0x200  }
0x1bd: {  	[sflag:s9] =	ssyncset.done $0x0  }
0x1be: {  	[sflag:s9] =	ssyncadd.s32 $0xFFFFFE00  }
0x1bf: {  	s3 =	smov.u32 s10;
	s0 =	simm.s32 $0x0;
	v1 =	vld [tilespmem:s2+$0x0]  }
.LBB2_48:
0x1c0: {  	s0 =	sadd.s32 $0x10, s0  }
0x1c1: {  	p1 =	slt.u32 s0, $0x1F0  }
.Ltmp39:
0x1c2: {  	_ = 	snop;
	(pc) =	sbr.rel @p1 .LBB2_48-.Ltmp39, $3  }
0x1c3: {  	_ =	sdelay $0x1  }
0x1c4: {  	s2 =	sadd.s32 $0x10, s2;
	[tilespmem:s3+$0x0] =	vst.add.f32.msk $0xffff, v1;
	s3 =	sadd.s32 $0x10, s3  }
0x1c5: {  	v1 =	vld [tilespmem:s2+$0x0]  }
0x1c6: {  	_ =	sdelay $0x3  }
0x1c7: {  	[tilespmem:s3+$0x0] =	vst.add.f32.msk $0xffff, v1  }
.LBB2_50:
0x1c8: {  	s0 =	sshll.u32 s6, $0xB  }
0x1c9: {  	[tilespmem:s6+$0xC818] =	vst.msk $0x1, v0;
	s0 =	sshra.s32 s0, $0x2  }
0x1ca: {  	s2 =	simm.s32 $0x0;
	s3 =	smov.u32 s10;
	v0 =	vld [tilespmem:s10+$0x0];
	s0 =	sadd.s32 $0xC838, s0  }
.LBB2_51:
0x1cb: {  	s2 =	sadd.s32 $0x10, s2  }
0x1cc: {  	p1 =	slt.u32 s2, $0x1F0  }
.Ltmp40:
0x1cd: {  	_ = 	snop;
	(pc) =	sbr.rel @p1 .LBB2_51-.Ltmp40, $3  }
0x1ce: {  	_ =	sdelay $0x1  }
0x1cf: {  	s3 =	sadd.s32 $0x10, s3;
	[tilespmem:s0+$0x0] =	vst v0;
	s0 =	sadd.s32 $0x10, s0  }
0x1d0: {  	v0 =	vld [tilespmem:s3+$0x0]  }
.Ltmp41:
0x1d1: {  	_ = 	snop;
	(pc) =	sbr.rel .LBB2_53-.Ltmp41, $2  }
0x1d2: {  	_ =	sdelay $0x2  }
0x1d3: {  	s6 =	sadd.s32 $0x1, s6;
	[tilespmem:s0+$0x0] =	vst v0  }
.LBB2_54:
0x1d4: {  	s0 =	simm.s32 $0x6;
	p1 =	seq.s32 s6, $0x0  }
0x1d5: {  	[sflag:s0] =	ssyncpa.u1 $0x1;
	v0 =	vimm.s32 @p1 $0xFFFFFFFF  }
0x1d6: {  	s0 =	sadd.s32 $0xFFFFFFFF, s6;
	[tilespmem:$0x10838] =	vst @p1 v0  }
0x1d7: {  	v0 =	vld.msk @!p1 [tilespmem:s0+$0xC818], $0x1;
	_ =	sdelay $0x1  }
0x1d8: {  	v1 =	vld.msk @!p1 [tilespmem:$0xC818], $0x1;
	_ =	sdelay $0x2  }
0x1d9: {  	p2 =	seq.s32 @!p1 s0, $0x0;
	v0 =	vbroadcast @!p1 v0, $0x0  }
0x1da: {  	vm0 =	vmmov @!p1 $0x1;
	p2 =	por !p2, p1  }
0x1db: {  	v1 =	vnsel @!p1 vm0, $0xFFFFFFFF, v1;
	vm0 =	vcmask @!p1 $0x308;
	v0 =	vpsel !p2, $0xFFFFFFFF, v0  }
0x1dc: {  	p2 =	sne.s32 @!p1 s8, s7;
	v0 =	vsel @!p1 vm0, v1, v0  }
0x1dd: {  	s2 =	simm.s32 @!p1 $0xC838;
	s3 =	simm.s32 @!p1 $0x0;
	p3 =	por !p2, p1;
	[tilespmem:$0x10838] =	vst @!p1 v0  }
0x1de: {  	[spmem:s3] =	stream.linear.scatter @!p1 [tilespmem:s2], [sflag:$0x1], $0x200, $0x38;
	[tilespmem:$0x1C938] =	vst v63  }
0x1df: {  	s2 =	sshll.u32 @!p3 s0, $0xB  }
0x1e0: {  	s2 =	sshra.s32 @!p3 s2, $0x2  }
0x1e1: {  	s3 =	simm.s32 @!p3 $0x200;
	s2 =	sadd.s32 @!p3 $0xC838, s2  }
0x1e2: {  	[spmem:s3] =	stream.linear.scatter @!p3 [tilespmem:s2], [sflag:$0x1], $0x200, $0x38;
	[tilespmem:$0x1C938] =	vst v63  }
0x1e3: {  	s2 =	simm.s32 @!p3 $0x1  }
0x1e4: {  	_ =	swait.ge @!p3 [sflag:s2], $0x400  }
0x1e5: {  	p1 =	por p2, p1;
	[sflag:s2] =	ssyncset.done @!p3 $0x0  }
0x1e6: {  	[sflag:s2] =	ssyncadd.s32 @!p3 $0xFFFFFC00;
	s2 =	simm.s32 @!p1 $0x1  }
0x1e7: {  	_ =	swait.ge @!p1 [sflag:s2], $0x200  }
0x1e8: {  	s29 =	simm.s32 $0x10838;
	[sflag:s2] =	ssyncset.done @!p1 $0x0  }
0x1e9: {  	s30 =	simm.s32 $0x4000;
	s31 =	simm.s32 $0x1;
	[sflag:s2] =	ssyncadd.s32 @!p1 $0xFFFFFE00  }
0x1ea: {  	[spmem:s30] =	stream.linear.scatter [tilespmem:s29], [sflag:$0x1], $0x10, $0x38;
	[tilespmem:$0x1C938] =	vst v63  }
0x1eb: {  	_ =	swait.ge [sflag:s31], $0x10  }
0x1ec: {  	[sflag:s31] =	ssyncset.done $0x0  }
0x1ed: {  	p1 =	seq.s32 s16, $0x0;
	s9 =	rddreg [dreg:$0x1];
	[sflag:s31] =	ssyncadd.s32 $0xFFFFFFF0  }
0x1ee: {  	s3 =	sshll.u32 @p1 s9, $0xE;
	s8 =	rddreg [dreg:$0x2]  }
0x1ef: {  	s2 =	sadd.s32 @p1 $0x15C3C, s3;
	s3 =	sshll.u32 @p1 s8, $0x11  }
0x1f0: {  	_ =	sfence.stream.spmem;
	s2 =	sor.u32 @p1 s3, s2  }
0x1f1: {  	[sflag:s2] =	ssyncadd.remote.s32 @p1 $0x1;
	s2 =	simm.s32 @p1 $0x4  }
0x1f2: {  	s4 =	simm.s32 @!p1 $0x3C;
	s3 =	sand.u32 $0xFFFFFFFE, s9;
	_ =	swait.ge @p1 [sflag:s2], $0x82  }
0x1f3: {  	s5 =	simm.s32 @!p1 $0x0;
	s3 =	sadd.s32 @!p1 $0x4, s3;
	[sflag:s2] =	ssyncset.done @p1 $0x0  }
0x1f4: {  	s7 =	simm.s32 @!p1 $0x400;
	[sflag:s2] =	ssyncadd.s32 @p1 $0xFFFFFF7E;
	s2 =	sshll.u32 @!p1 s3, $0x1A  }
0x1f5: {  	s3 =	sshll.u32 @!p1 s3, $0xD;
	s2 =	sor.u32 @!p1 s2, s8;
	_ =	swait.eq @!p1 [sflag:s4], $0x1  }
0x1f6: {  	s3 =	sor.u32 @!p1 $0x1C04, s3;
	s4 =	simm.s32 @!p1 $0x1C03;
	s2 =	sor.u32 @!p1 $0x80004000, s2  }
0x1f7: {  	[spmem:s7], [sflag:s3] =	dma.general @!p1 [spmem:s5], [sflag:s4], length:$0x80, [dreg:$0x0], stride_count:$0x0, ici_dest:s2, dma_misc:DstOpCode:WRITE  }
0x1f8: {  	p2 =	slt.s32 s0, $0x2;
	s5 =	simm.s32 @!p1 $0x800;
	s7 =	simm.s32 @!p1 $0x802  }
0x1f9: {  	[spmem:s7], [sflag:s3] =	dma.general @!p1 [spmem:s5], [sflag:s4], length:$0x2, [dreg:$0x0], stride_count:$0x0, ici_dest:s2, dma_misc:DstOpCode:WRITE  }
.Ltmp42:
0x1fa: {  	s2 =	simm.s32 @!p1 $0x3;
	(pc) =	sbr.rel @p2 .LBB2_58-.Ltmp42, $4  }
0x1fb: {  	s3 =	sshll.u32 @!p1 s9, $0xE;
	_ =	swait.ge @!p1 [sflag:s2], $0x82  }
0x1fc: {  	s4 =	sshll.u32 @!p1 s8, $0x11;
	s3 =	sadd.s32 @!p1 $0x11C3C, s3;
	[sflag:s2] =	ssyncset.done @!p1 $0x0  }
0x1fd: {  	[sflag:s2] =	ssyncadd.s32 @!p1 $0xFFFFFF7E;
	s2 =	sor.u32 @!p1 s4, s3  }
0x1fe: {  	s0 =	simm.s32 $0x0;
	[sflag:s2] =	ssyncadd.remote.s32 @!p1 $0xFFFFFFFF  }
0x1ff: {  	s0 =	simm.s32 $0xC819  }
0x200: {  	v0 =	vld.msk [tilespmem:s0+$0x0], $0x1;
	_ =	sdelay $0x4  }
0x201: {  	(v2sf) =	vpush v0, $0x0;
	_ =	sdelay $0xe  }
0x202: {  	s2 =	sadd.s32 $0xFFFFFFFE, s6;
	s3 =	spop (v2sf)  }
0x203: {  	s5 =	simm.s32 $0xCA38;
	s4 =	sadd.s32 $0xFFFFFFFF, s2;
	p1 =	sgt.u32 s3, $0xC3470  }
0x204: {  	s0 =	simm.s32 $0x0;
	p2 =	sne.s32 s4, $0x0;
	s2 =	sand.u32 @!p1 $0xFFFF8, s3  }
0x205: {  	s6 =	sadd.s32 @!p1 $0x80, s3;
	s7 =	sadd.s32 @!p1 $0x100, s3;
	s8 =	sadd.s32 @!p1 s1, s2  }
0x206: {  	s2 =	sand.u32 @!p1 $0x7, s3;
	s6 =	sand.u32 @!p1 $0x1FFFF8, s6;
	s7 =	sand.u32 @!p1 $0x1FFFF8, s7  }
0x207: {  	[hbm4b:s8+s2] =	stream.linear.scatter @!p1 [tilespmem:s5], [sflag:$0x5], $0x80, $0x38;
	[tilespmem:$0x1C938] =	vst v63  }
0x208: {  	s5 =	simm.s32 @!p1 $0xCAB8;
	s6 =	sadd.s32 @!p1 s1, s6;
	s7 =	sadd.s32 @!p1 s1, s7  }
.Ltmp43:
0x209: {  	s8 =	sadd.s32 @!p1 $0x180, s3;
	s3 =	simm.s32 $0x0;
	(pc) =	sbr.rel @!p2 .LBB2_57-.Ltmp43, $4  }
0x20a: {  	[hbm4b:s6+s2] =	stream.linear.scatter @!p1 [tilespmem:s5], [sflag:$0x5], $0x80, $0x38;
	[tilespmem:$0x1C938] =	vst v63  }
0x20b: {  	s3 =	simm.s32 @!p1 $0x800;
	s8 =	sand.u32 @!p1 $0x1FFFF8, s8;
	s6 =	simm.s32 @!p1 $0xCB38  }
0x20c: {  	[hbm4b:s7+s2] =	stream.linear.scatter @!p1 [tilespmem:s6], [sflag:$0x5], $0x80, $0x38;
	[tilespmem:$0x1C938] =	vst v63  }
0x20d: {  	s5 =	simm.s32 $0xC81A;
	s6 =	simm.s32 $0xCC38;
	s7 =	simm.s32 @!p1 $0xCBB8  }
.LBB2_56:
0x20e: {  	s4 =	sadd.s32 $0xFFFFFFFF, s4;
	s8 =	sadd.s32 @!p1 s1, s8;
	s0 =	sadd.s32 s0, s3  }
0x20f: {  	[hbm4b:s8+s2] =	stream.linear.scatter @!p1 [tilespmem:s7], [sflag:$0x5], $0x80, $0x38;
	[tilespmem:$0x1C938] =	vst v63  }
0x210: {  	p2 =	sne.s32 s4, $0x0;
	s7 =	smov.u32 s6;
	v0 =	vld.msk [tilespmem:s5+$0x0], $0x1;
	_ =	sdelay $0x4  }
0x211: {  	(v2sf) =	vpush v0, $0x0;
	_ =	sdelay $0xe  }
0x212: {  	s3 =	spop (v2sf)  }
0x213: {  	s6 =	sadd.s32 $0x200, s6;
	s5 =	sadd.s32 $0x1, s5;
	p1 =	sgt.u32 s3, $0xC3470  }
0x214: {  	s2 =	sand.u32 @!p1 $0xFFFF8, s3;
	s8 =	sadd.s32 @!p1 $0x80, s3;
	s9 =	sadd.s32 @!p1 $0x100, s3  }
0x215: {  	s10 =	sadd.s32 @!p1 s1, s2;
	s2 =	sand.u32 @!p1 $0x7, s3;
	s8 =	sand.u32 @!p1 $0x1FFFF8, s8  }
0x216: {  	[hbm4b:s10+s2] =	stream.linear.scatter @!p1 [tilespmem:s7], [sflag:$0x5], $0x80, $0x38;
	[tilespmem:$0x1C938] =	vst v63  }
0x217: {  	s9 =	sand.u32 @!p1 $0x1FFFF8, s9;
	s10 =	sadd.s32 @!p1 $0x80, s7  }
.Ltmp44:
0x218: {  	s8 =	sadd.s32 @!p1 s1, s8;
	s9 =	sadd.s32 @!p1 s1, s9;
	(pc) =	sbr.rel @p2 .LBB2_56-.Ltmp44, $4  }
0x219: {  	[hbm4b:s8+s2] =	stream.linear.scatter @!p1 [tilespmem:s10], [sflag:$0x5], $0x80, $0x38;
	[tilespmem:$0x1C938] =	vst v63  }
0x21a: {  	s8 =	sadd.s32 @!p1 $0x100, s7;
	s10 =	sadd.s32 @!p1 $0x180, s3;
	s3 =	simm.s32 $0x0  }
0x21b: {  	[hbm4b:s9+s2] =	stream.linear.scatter @!p1 [tilespmem:s8], [sflag:$0x5], $0x80, $0x38;
	[tilespmem:$0x1C938] =	vst v63  }
0x21c: {  	s7 =	sadd.s32 @!p1 $0x180, s7;
	s3 =	simm.s32 @!p1 $0x800;
	s8 =	sand.u32 @!p1 $0x1FFFF8, s10  }
.LBB2_57:
0x21d: {  	s4 =	sadd.s32 @!p1 s1, s8;
	s0 =	sadd.s32 s0, s3  }
0x21e: {  	[hbm4b:s4+s2] =	stream.linear.scatter @!p1 [tilespmem:s7], [sflag:$0x5], $0x80, $0x38;
	[tilespmem:$0x1C938] =	vst v63  }
0x21f: {  	s0 =	sshrl.u32 s0, $0x2  }
.LBB2_58:
0x220: {  	s2 =	simm.s32 $0x5  }
0x221: {  	_ =	swait.ge [sflag:s2], s0  }
0x222: {  	s31 =	ssub.s32 $0x0, s0;
	[sflag:s2] =	ssyncset.done $0x0  }
0x223: {  	[sflag:s2] =	ssyncadd.s32 s31  }
0x224: {  	[sflag:s2] =	ssyncpa.u1 $0x1  }
.LBB2_59:
0x225: {  	s0 =	sor.u32 s16, s17  }
0x226: {  	p1 =	sne.s32 s0, $0x0  }
.Ltmp45:
0x227: {  	_ = 	snop;
	(pc) =	sbr.rel @p1 .LBB2_82-.Ltmp45, $3  }
0x228: {  	_ =	sdelay $0x1  }
0x229: {  	[bflag:$0x0] =	sbarrier.arrive $0xFFFF  }
0x22a: {  	_ =	sfence  }
0x22b: {  	s0 =	simm.s32 $0x7  }
0x22c: {  	s2 =	simm.s32 $0x4000;
	s3 =	simm.s32 $0xC818;
	[sflag:s0] =	ssyncpa.u1 $0x0  }
0x22d: {  	[tilespmem:s3], [sflag:$0x7] =	stream.linear.gather [spmem:s2], $0x20, $0x38;
	[tilespmem:$0x1C938] =	vst v63  }
0x22e: {  	s2 =	simm.s32 $0x0;
	s3 =	simm.s32 $0xC838  }
0x22f: {  	[tilespmem:s3], [sflag:$0x7] =	stream.linear.gather [spmem:s2], $0x4000, $0x38;
	[tilespmem:$0x1C938] =	vst v63  }
.Ltmp46:
0x230: {  	_ = 	snop;
	(pc) =	sbr.rel .LBB2_61-.Ltmp46, $4  }
0x231: {  	_ =	swait.ge [sflag:s0], $0x4020  }
0x232: {  	s4 =	simm.s32 $0x8;
	[sflag:s0] =	ssyncset.done $0x0  }
0x233: {  	s5 =	simm.s32 $0xC688;
	s6 =	simm.s32 $0xC708;
	[sflag:s0] =	ssyncadd.s32 $0xFFFFBFE0  }
0x234: {  	s7 =	simm.s32 $0xC788;
	s8 =	simm.s32 $0x0;
	[sflag:s4] =	ssyncpa.u1 $0x0  }
.LBB2_76:
0x235: {  	s8 =	sadd.s32 $0x1, s8  }
0x236: {  	p1 =	sne.s32 s8, $0x20  }
.Ltmp47:
0x237: {  	_ = 	snop;
	(pc) =	sbr.rel @!p1 .LBB2_77-.Ltmp47, $2  }
0x238: {  	_ =	sdelay $0x2  }
0x239: {  	s3 =	sadd.s32 $0x200, s3  }
.LBB2_61:
0x23a: {  	v0 =	vld.msk [tilespmem:s8+$0xC818], $0x1;
	_ =	sdelay $0x4  }
0x23b: {  	(v2sf) =	vpush v0, $0x0;
	_ =	sdelay $0xe  }
0x23c: {  	s0 =	spop (v2sf)  }
0x23d: {  	p1 =	seq.s32 s0, $0xFFFFFFFF  }
.Ltmp48:
0x23e: {  	_ = 	snop;
	(pc) =	sbr.rel @p1 .LBB2_76-.Ltmp48, $1  }
0x23f: {  	_ =	sdelay $0x3  }
0x240: {  	p1 =	slt.s32 s2, $0x1  }
.Ltmp49:
0x241: {  	_ = 	snop;
	(pc) =	sbr.rel @p1 .LBB2_69-.Ltmp49, $1  }
0x242: {  	_ =	sdelay $0x3  }
0x243: {  	s9 =	simm.s32 $0xC818;
	p1 =	por $0x0, $0x0  }
0x244: {  	v1 =	vld.msk @!p1 [tilespmem:s9+$0x0], $0x1;
	_ =	sdelay $0x4  }
0x245: {  	(v2sf) =	vpush @!p1 v1, $0x0;
	_ =	sdelay $0xd  }
0x246: {  	p3 =	sne.s32 s2, $0x1  }
.Ltmp50:
0x247: {  	s10 =	spop @!p1 (v2sf);
	(pc) =	sbr.rel @!p3 .LBB2_65-.Ltmp50, $4  }
0x248: {  	p2 =	seq.s32 @!p1 s0, s10  }
0x249: {  	s10 =	simm.s32 $0x0;
	p2 =	por !p2, p1  }
0x24a: {  	s12 =	simm.s32 $0xFFFFFFFF;
	s10 =	simm.s32 @p2 $0xFFFFFFFF  }
0x24b: {  	s11 =	simm.s32 $0x1;
	s10 =	smov.u32 @p1 s12  }
.LBB2_64:
0x24c: {  	s12 =	smov.u32 s10;
	p1 =	sne.s32 s10, $0xFFFFFFFF  }
0x24d: {  	s9 =	sadd.s32 $0x1, s9;
	s10 =	smov.u32 s11;
	s11 =	sadd.s32 $0x1, s11  }
0x24e: {  	p2 =	sne.s32 s2, s11;
	v1 =	vld.msk @!p1 [tilespmem:s9+$0x0], $0x1;
	_ =	sdelay $0x4  }
0x24f: {  	(v2sf) =	vpush @!p1 v1, $0x0;
	_ =	sdelay $0xe  }
.Ltmp51:
0x250: {  	s13 =	spop @!p1 (v2sf);
	(pc) =	sbr.rel @p2 .LBB2_64-.Ltmp51, $4  }
0x251: {  	p3 =	seq.s32 @!p1 s0, s13  }
0x252: {  	p3 =	por !p3, p1  }
0x253: {  	s10 =	simm.s32 @p3 $0xFFFFFFFF  }
0x254: {  	s10 =	smov.u32 @p1 s12  }
.LBB2_65:
0x255: {  	p1 =	seq.s32 s10, $0xFFFFFFFF  }
.Ltmp52:
0x256: {  	_ = 	snop;
	(pc) =	sbr.rel @p1 .LBB2_69-.Ltmp52, $1  }
0x257: {  	_ =	sdelay $0x3  }
0x258: {  	s0 =	sshll.u32 s10, $0xB  }
0x259: {  	s0 =	sshra.s32 s0, $0x2  }
0x25a: {  	s9 =	simm.s32 $0x0;
	v0 =	vld [tilespmem:s3+$0x0];
	s10 =	smov.u32 s3;
	s0 =	sadd.s32 $0xC838, s0  }
.LBB2_67:
0x25b: {  	s9 =	sadd.s32 $0x10, s9  }
0x25c: {  	p1 =	slt.u32 s9, $0x1F0  }
.Ltmp53:
0x25d: {  	_ = 	snop;
	(pc) =	sbr.rel @p1 .LBB2_67-.Ltmp53, $3  }
0x25e: {  	_ =	sdelay $0x1  }
0x25f: {  	s10 =	sadd.s32 $0x10, s10;
	[tilespmem:s0+$0x0] =	vst.add.f32.msk $0xffff, v0;
	s0 =	sadd.s32 $0x10, s0  }
0x260: {  	v0 =	vld [tilespmem:s10+$0x0]  }
.Ltmp54:
0x261: {  	_ = 	snop;
	(pc) =	sbr.rel .LBB2_76-.Ltmp54, $2  }
0x262: {  	_ =	sdelay $0x2  }
0x263: {  	[tilespmem:s0+$0x0] =	vst.add.f32.msk $0xffff, v0  }
.LBB2_69:
0x264: {  	p1 =	sgt.u32 s0, $0xC3470  }
.Ltmp55:
0x265: {  	_ = 	snop;
	(pc) =	sbr.rel @p1 .LBB2_73-.Ltmp55, $1  }
0x266: {  	_ =	sdelay $0x3  }
0x267: {  	s9 =	sand.u32 $0xFFFF8, s0;
	s11 =	sand.u32 $0x7, s0  }
0x268: {  	s29 =	sadd.s32 $0x80, s0;
	s10 =	sadd.s32 s1, s9;
	s9 =	simm.s32 $0xC608  }
0x269: {  	[tilespmem:s9], [sflag:$0x8] =	stream.linear.gather [hbm4b:s10+s11], $0x80, $0x38;
	[tilespmem:$0x1C938] =	vst v63  }
0x26a: {  	s10 =	sand.u32 $0x1FFFF8, s29  }
0x26b: {  	s30 =	sadd.s32 $0x100, s0;
	s10 =	sadd.s32 s1, s10  }
0x26c: {  	[tilespmem:s5], [sflag:$0x8] =	stream.linear.gather [hbm4b:s10+s11], $0x80, $0x38;
	[tilespmem:$0x1C938] =	vst v63  }
0x26d: {  	s31 =	sadd.s32 $0x180, s0;
	s10 =	sand.u32 $0x1FFFF8, s30  }
0x26e: {  	s0 =	sand.u32 $0x1FFFF8, s31;
	s10 =	sadd.s32 s1, s10  }
0x26f: {  	[tilespmem:s6], [sflag:$0x8] =	stream.linear.gather [hbm4b:s10+s11], $0x80, $0x38;
	[tilespmem:$0x1C938] =	vst v63  }
0x270: {  	s0 =	sadd.s32 s1, s0  }
0x271: {  	[tilespmem:s7], [sflag:$0x8] =	stream.linear.gather [hbm4b:s0+s11], $0x80, $0x38;
	[tilespmem:$0x1C938] =	vst v63  }
0x272: {  	_ =	swait.ge [sflag:s4], $0x200  }
0x273: {  	[sflag:s4] =	ssyncset.done $0x0  }
0x274: {  	[sflag:s4] =	ssyncadd.s32 $0xFFFFFE00  }
0x275: {  	s10 =	smov.u32 s3;
	s0 =	simm.s32 $0x0;
	v1 =	vld [tilespmem:s9+$0x0]  }
.LBB2_71:
0x276: {  	s0 =	sadd.s32 $0x10, s0  }
0x277: {  	p1 =	slt.u32 s0, $0x1F0  }
.Ltmp56:
0x278: {  	_ = 	snop;
	(pc) =	sbr.rel @p1 .LBB2_71-.Ltmp56, $3  }
0x279: {  	_ =	sdelay $0x1  }
0x27a: {  	s9 =	sadd.s32 $0x10, s9;
	[tilespmem:s10+$0x0] =	vst.add.f32.msk $0xffff, v1;
	s10 =	sadd.s32 $0x10, s10  }
0x27b: {  	v1 =	vld [tilespmem:s9+$0x0]  }
0x27c: {  	_ =	sdelay $0x3  }
0x27d: {  	[tilespmem:s10+$0x0] =	vst.add.f32.msk $0xffff, v1  }
.LBB2_73:
0x27e: {  	s0 =	sshll.u32 s2, $0xB  }
0x27f: {  	[tilespmem:s2+$0xC818] =	vst.msk $0x1, v0;
	s0 =	sshra.s32 s0, $0x2  }
0x280: {  	s9 =	simm.s32 $0x0;
	s10 =	smov.u32 s3;
	v0 =	vld [tilespmem:s3+$0x0];
	s0 =	sadd.s32 $0xC838, s0  }
.LBB2_74:
0x281: {  	s9 =	sadd.s32 $0x10, s9  }
0x282: {  	p1 =	slt.u32 s9, $0x1F0  }
.Ltmp57:
0x283: {  	_ = 	snop;
	(pc) =	sbr.rel @p1 .LBB2_74-.Ltmp57, $3  }
0x284: {  	_ =	sdelay $0x1  }
0x285: {  	s10 =	sadd.s32 $0x10, s10;
	[tilespmem:s0+$0x0] =	vst v0;
	s0 =	sadd.s32 $0x10, s0  }
0x286: {  	v0 =	vld [tilespmem:s10+$0x0]  }
.Ltmp58:
0x287: {  	_ = 	snop;
	(pc) =	sbr.rel .LBB2_76-.Ltmp58, $2  }
0x288: {  	_ =	sdelay $0x2  }
0x289: {  	s2 =	sadd.s32 $0x1, s2;
	[tilespmem:s0+$0x0] =	vst v0  }
.LBB2_77:
0x28a: {  	p1 =	slt.s32 s2, $0x1  }
.Ltmp59:
0x28b: {  	_ = 	snop;
	(pc) =	sbr.rel @p1 .LBB2_81-.Ltmp59, $3  }
0x28c: {  	_ =	sdelay $0x1  }
0x28d: {  	s0 =	simm.s32 $0x8  }
0x28e: {  	[sflag:s0] =	ssyncpa.u1 $0x1;
	s0 =	simm.s32 $0x0  }
0x28f: {  	s3 =	simm.s32 $0xC818  }
0x290: {  	v0 =	vld.msk [tilespmem:s3+$0x0], $0x1;
	_ =	sdelay $0x4  }
0x291: {  	(v2sf) =	vpush v0, $0x0;
	_ =	sdelay $0xe  }
0x292: {  	s7 =	spop (v2sf)  }
0x293: {  	s2 =	sadd.s32 $0xFFFFFFFF, s2;
	p1 =	sgt.u32 s7, $0xC3470  }
0x294: {  	s3 =	simm.s32 $0xC838;
	s4 =	sand.u32 @!p1 $0xFFFF8, s7;
	s8 =	sadd.s32 @!p1 $0x80, s7  }
0x295: {  	s5 =	sand.u32 @!p1 $0x7, s7;
	s4 =	sadd.s32 @!p1 s1, s4;
	s8 =	sand.u32 @!p1 $0x1FFFF8, s8  }
0x296: {  	[hbm4b:s4+s5] =	stream.linear.scatter @!p1 [tilespmem:s3], [sflag:$0x7], $0x80, $0x38;
	[tilespmem:$0x1C938] =	vst v63  }
0x297: {  	p2 =	sne.s32 s2, $0x0;
	s3 =	simm.s32 @!p1 $0xC8B8;
	s4 =	sadd.s32 @!p1 s1, s8  }
0x298: {  	[hbm4b:s4+s5] =	stream.linear.scatter @!p1 [tilespmem:s3], [sflag:$0x7], $0x80, $0x38;
	[tilespmem:$0x1C938] =	vst v63  }
.Ltmp60:
0x299: {  	s6 =	simm.s32 $0x0;
	s9 =	sadd.s32 @!p1 $0x100, s7;
	(pc) =	sbr.rel @!p2 .LBB2_80-.Ltmp60, $4  }
0x29a: {  	s6 =	simm.s32 @!p1 $0x800;
	s8 =	sand.u32 @!p1 $0x1FFFF8, s9;
	s3 =	simm.s32 @!p1 $0xC938  }
0x29b: {  	s4 =	sadd.s32 @!p1 s1, s8;
	s8 =	sadd.s32 @!p1 $0x180, s7;
	s7 =	simm.s32 @!p1 $0xC9B8  }
0x29c: {  	[hbm4b:s4+s5] =	stream.linear.scatter @!p1 [tilespmem:s3], [sflag:$0x7], $0x80, $0x38;
	[tilespmem:$0x1C938] =	vst v63  }
0x29d: {  	s8 =	sand.u32 @!p1 $0x1FFFF8, s8;
	s3 =	simm.s32 $0xC819;
	s4 =	simm.s32 $0xCA38  }
.LBB2_79:
0x29e: {  	s2 =	sadd.s32 $0xFFFFFFFF, s2;
	s8 =	sadd.s32 @!p1 s1, s8;
	s0 =	sadd.s32 s0, s6  }
0x29f: {  	[hbm4b:s8+s5] =	stream.linear.scatter @!p1 [tilespmem:s7], [sflag:$0x7], $0x80, $0x38;
	[tilespmem:$0x1C938] =	vst v63  }
0x2a0: {  	p2 =	sne.s32 s2, $0x0;
	s7 =	smov.u32 s4;
	v0 =	vld.msk [tilespmem:s3+$0x0], $0x1;
	_ =	sdelay $0x4  }
0x2a1: {  	(v2sf) =	vpush v0, $0x0;
	_ =	sdelay $0xe  }
0x2a2: {  	s6 =	spop (v2sf)  }
0x2a3: {  	s4 =	sadd.s32 $0x200, s4;
	s3 =	sadd.s32 $0x1, s3;
	p1 =	sgt.u32 s6, $0xC3470  }
0x2a4: {  	s5 =	sand.u32 @!p1 $0xFFFF8, s6;
	s8 =	sadd.s32 @!p1 $0x80, s6;
	s9 =	sadd.s32 @!p1 $0x100, s6  }
0x2a5: {  	s10 =	sadd.s32 @!p1 s1, s5;
	s5 =	sand.u32 @!p1 $0x7, s6;
	s8 =	sand.u32 @!p1 $0x1FFFF8, s8  }
0x2a6: {  	[hbm4b:s10+s5] =	stream.linear.scatter @!p1 [tilespmem:s7], [sflag:$0x7], $0x80, $0x38;
	[tilespmem:$0x1C938] =	vst v63  }
0x2a7: {  	s9 =	sand.u32 @!p1 $0x1FFFF8, s9;
	s10 =	sadd.s32 @!p1 $0x80, s7  }
.Ltmp61:
0x2a8: {  	s8 =	sadd.s32 @!p1 s1, s8;
	s9 =	sadd.s32 @!p1 s1, s9;
	(pc) =	sbr.rel @p2 .LBB2_79-.Ltmp61, $4  }
0x2a9: {  	[hbm4b:s8+s5] =	stream.linear.scatter @!p1 [tilespmem:s10], [sflag:$0x7], $0x80, $0x38;
	[tilespmem:$0x1C938] =	vst v63  }
0x2aa: {  	s8 =	sadd.s32 @!p1 $0x100, s7;
	s10 =	sadd.s32 @!p1 $0x180, s6;
	s6 =	simm.s32 $0x0  }
0x2ab: {  	[hbm4b:s9+s5] =	stream.linear.scatter @!p1 [tilespmem:s8], [sflag:$0x7], $0x80, $0x38;
	[tilespmem:$0x1C938] =	vst v63  }
0x2ac: {  	s7 =	sadd.s32 @!p1 $0x180, s7;
	s6 =	simm.s32 @!p1 $0x800;
	s8 =	sand.u32 @!p1 $0x1FFFF8, s10  }
.LBB2_80:
0x2ad: {  	s1 =	sadd.s32 @!p1 s1, s8;
	s0 =	sadd.s32 s0, s6  }
0x2ae: {  	[hbm4b:s1+s5] =	stream.linear.scatter @!p1 [tilespmem:s7], [sflag:$0x7], $0x80, $0x38;
	[tilespmem:$0x1C938] =	vst v63  }
0x2af: {  	s0 =	sshrl.u32 s0, $0x2  }
.LBB2_81:
0x2b0: {  	s1 =	simm.s32 $0x7  }
0x2b1: {  	_ =	swait.ge [sflag:s1], s0  }
0x2b2: {  	s31 =	ssub.s32 $0x0, s0;
	[sflag:s1] =	ssyncset.done $0x0  }
0x2b3: {  	[sflag:s1] =	ssyncadd.s32 s31  }
0x2b4: {  	[sflag:s1] =	ssyncpa.u1 $0x1  }
.LBB2_82:
0x2b5: {  	_ =	sfence;
	s0 =	simm.s32 $0x1  }
0x2b6: {  	[sflag:s0] =	ssyncpa.u1 $0x1  }
0x2b7: {  	_ =	strace $0x90000062  }
0x2b8: {  	[bflag:$0x2] =	sbarrier.arrive $0xFFFF  }
0x2b9: {  	s0 =	rddreg [dreg:$0x3]  }
0x2ba: {  	s0 =	sadd.s32 @!p0 $0x100000, s0  }
0x2bb: {  	[sflag:s0] =	ssyncadd.tile.s32 @!p0 $0x1;
	_ =	shalt  }
.Lfunc_end2:
_tile_overlayer_lowered:
.L_overlay_start_2:
0x2bc: {  	(tag) =	ssettag $0x2  }
0x2bd: {  	s0 =	rddreg [dreg:$0x0];
	s2 =	stileid.u32  }
0x2be: {  	s1 =	rddreg [dreg:$0x1];
	p0 =	sne.s32 s2, $0x0  }
0x2bf: {  	s3 =	rddreg [dreg:$0x2];
	[bflag:$0x3] =	sbarrier.arrive $0xFFFF;
	s2 =	simm.s32 @!p0 $0x1C01  }
0x2c0: {  	[timem:s3], [sflag:s2] =	dma.local @!p0 [hbm:s0], s1  }
0x2c1: {  	s0 =	simm.s32 @!p0 $0x1  }
0x2c2: {  	_ =	swait.ge @!p0 [sflag:s0], s1  }
0x2c3: {  	s1 =	ssub.s32 @!p0 $0x0, s1;
	[sflag:s0] =	ssyncset.done @!p0 $0x0  }
0x2c4: {  	[sflag:s0] =	ssyncadd.s32 @!p0 s1  }
0x2c5: {  	[bflag:$0x3] =	sbarrier.arrive $0xFFFF  }
0x2c6: {  	_ =	shalt  }

// kernel: scatter_offload_async_start.3
scs
__scs_entry_jumppad:
0x0: {  	(pc) =	sbr.rel $0x88, $3  }
0x1: {  	(tag) =	ssettag $0x0;
	lr =	simm.s32 $0x1  }
0x2: {  	[smem:$0x3F8E] =	sst lr;
	_ =	strace $0xD0000000  }
0x3: {  	_ = 	snop  }
0x4: {  	_ = 	snop  }
0x5: {  	_ = 	snop  }
0x6: {  	_ = 	snop  }
0x7: {  	_ = 	snop  }
__scs_overlays_trampoline_lowered:
0x8: {  	[smem:$0x3F9D] =	sst s0  }
0x9: {  	[smem:$0x3F9E] =	sst s1  }
0xa: {  	[smem:$0x3F9F] =	sst s2  }
0xb: {  	[smem:$0x3FA0] =	sst s3  }
0xc: {  	[smem:$0x3FA1] =	sst s4  }
0xd: {  	[smem:$0x3FA2] =	sst s5  }
0xe: {  	[smem:$0x3FA3] =	sst s6  }
0xf: {  	[smem:$0x3FA4] =	sst s7  }
0x10: {  	[smem:$0x3FA5] =	sst s8  }
0x11: {  	[smem:$0x3FA6] =	sst s9;
	s0 =	simm.s32 @!p0 $0x0  }
0x12: {  	s1 =	sld [smem:$0x3F8C];
	s0 =	simm.s32 @p0 $0x1  }
0x13: {  	[smem:$0x3FA7] =	sst s0;
	s0 =	simm.s32 @!p1 $0x0  }
0x14: {  	s2 =	sld [smem:$0x3F8B];
	s0 =	simm.s32 @p1 $0x1  }
0x15: {  	[smem:$0x3FA8] =	sst s0;
	s0 =	simm.s32 @!p2 $0x0  }
0x16: {  	s3 =	sld [smem:$0x3FDB];
	s0 =	simm.s32 @p2 $0x1  }
0x17: {  	s4 =	simm.s32 $0x1BF5;
	[smem:$0x3FAA] =	sst s0  }
0x18: {  	s0 =	sld [smem:$0x3F8D];
	_ =	swait.ge [sflag:s4], $0x0  }
0x19: {  	s7 =	sld [smem:$0x3F8E]  }
0x1a: {  	s8 =	sadd.s32 $0xFFFFE003, lr  }
0x1b: {  	s9 =	sadd.s32 $0xFFFFFEF7, lr;
	s5 =	simm.s32 $0xFFFFFFFF;
	p2 =	slt.u32 s8, $0xFFFFF086  }
0x1c: {  	p1 =	slt.u32 s9, $0xF7A;
	s5 =	simm.s32 @!p2 $0x0  }
0x1d: {  	s5 =	simm.s32 @p1 $0x1;
	p0 =	seq.s32 s7, s2  }
0x1e: {  	s7 =	smul.u32 @!p0 $0xF7A, s2;
	p2 =	seq.s32 @!p0 s5, $0x0  }
0x1f: {  	s9 =	smul.u32 $0xF7A, s1;
	s8 =	simm.s32 @!p0 $0x1BF5;
	p2 =	por !p2, p0  }
0x20: {  	[sflag:s8] =	ssyncset.s32 @!p0 $0xFFFFF086;
	s6 =	sadd.s32 @!p0 s3, s7;
	s7 =	simm.s32 @!p0 $0x108  }
0x21: {  	s3 =	sadd.s32 s3, s9;
	s6 =	sadd.s32 @!p0 $0x88, s6;
	s7 =	simm.s32 @p2 $0x1082  }
0x22: {  	[simem:s7], [sflag:s8] =	dma.local @!p0 [hbm:s6], $0xF7A  }
0x23: {  	s9 =	sor.u32 $0xD0000000, s2;
	s6 =	simm.s32 $0x108;
	_ =	swait.ge @!p0 [sflag:s8], $0x0  }
0x24: {  	s3 =	sadd.s32 $0x88, s3;
	s6 =	simm.s32 @!p1 $0x1082;
	[sflag:s4] =	ssyncset.s32 $0xFFFFF086  }
0x25: {  	[simem:s6], [sflag:s4] =	dma.local [hbm:s3], $0xF7A  }
0x26: {  	[smem:$0x3F8E] =	sst s1;
	(tag) =	ssettag s2;
	_ =	strace s9  }
0x27: {  	s1 =	sld [smem:$0x3F9E]  }
0x28: {  	s2 =	sld [smem:$0x3F9F]  }
0x29: {  	s4 =	sld [smem:$0x3FA1]  }
0x2a: {  	p0 =	seq.s32 s5, $0x0;
	s5 =	sld [smem:$0x3FA2]  }
0x2b: {  	s6 =	sld [smem:$0x3FA3]  }
0x2c: {  	s7 =	sld [smem:$0x3FA4]  }
0x2d: {  	s3 =	simm.s32 $0x108;
	s8 =	sld [smem:$0x3FA5]  }
0x2e: {  	s3 =	simm.s32 @!p0 $0x1082;
	s9 =	sld [smem:$0x3FA6]  }
0x2f: {  	lr =	sadd.s32 s0, s3;
	s0 =	sld [smem:$0x3F9D]  }
0x30: {  	s3 =	sld [smem:$0x3FA0]  }
0x31: {  	[smem:$0x3FA9] =	sst s10  }
0x32: {  	s10 =	sld [smem:$0x3FA7];
	_ =	sdelay $0x3  }
0x33: {  	p0 =	seq.s32 s10, $0x1;
	s10 =	sld [smem:$0x3FA9];
	_ =	sdelay $0x3  }
0x34: {  	[smem:$0x3FA9] =	sst s10  }
0x35: {  	s10 =	sld [smem:$0x3FA8];
	_ =	sdelay $0x3  }
0x36: {  	p1 =	seq.s32 s10, $0x1;
	s10 =	sld [smem:$0x3FA9];
	_ =	sdelay $0x3  }
0x37: {  	[smem:$0x3FA9] =	sst s10  }
0x38: {  	s10 =	sld [smem:$0x3FAA]  }
0x39: {  	_ = 	snop;
	(pc) =	sbr.ind lr, $3  }
0x3a: {  	_ = 	snop  }
0x3b: {  	_ = 	snop  }
0x3c: {  	p2 =	seq.s32 s10, $0x1;
	s10 =	sld [smem:$0x3FA9]  }
0x3d: {  	_ =	shalt  }
0x3e: {  	_ =	shalt  }
0x3f: {  	_ =	shalt  }
0x40: {  	_ =	shalt  }
0x41: {  	_ =	shalt  }
0x42: {  	_ =	shalt  }
0x43: {  	_ =	shalt  }
0x44: {  	_ =	shalt  }
0x45: {  	_ =	shalt  }
0x46: {  	_ =	shalt  }
0x47: {  	_ =	shalt  }
0x48: {  	_ =	shalt  }
0x49: {  	_ =	shalt  }
0x4a: {  	_ =	shalt  }
0x4b: {  	_ =	shalt  }
0x4c: {  	_ =	shalt  }
0x4d: {  	_ =	shalt  }
0x4e: {  	_ =	shalt  }
0x4f: {  	_ =	shalt  }
0x50: {  	_ =	shalt  }
0x51: {  	_ =	shalt  }
0x52: {  	_ =	shalt  }
0x53: {  	_ =	shalt  }
0x54: {  	_ =	shalt  }
0x55: {  	_ =	shalt  }
0x56: {  	_ =	shalt  }
0x57: {  	_ =	shalt  }
0x58: {  	_ =	shalt  }
0x59: {  	_ =	shalt  }
0x5a: {  	_ =	shalt  }
0x5b: {  	_ =	shalt  }
0x5c: {  	_ =	shalt  }
0x5d: {  	_ =	shalt  }
0x5e: {  	_ =	shalt  }
0x5f: {  	_ =	shalt  }
0x60: {  	_ =	shalt  }
0x61: {  	_ =	shalt  }
0x62: {  	_ =	shalt  }
0x63: {  	_ =	shalt  }
0x64: {  	_ =	shalt  }
0x65: {  	_ =	shalt  }
0x66: {  	_ =	shalt  }
0x67: {  	_ =	shalt  }
0x68: {  	_ =	shalt  }
0x69: {  	_ =	shalt  }
0x6a: {  	_ =	shalt  }
0x6b: {  	_ =	shalt  }
0x6c: {  	_ =	shalt  }
0x6d: {  	_ =	shalt  }
0x6e: {  	_ =	shalt  }
0x6f: {  	_ =	shalt  }
0x70: {  	_ =	shalt  }
0x71: {  	_ =	shalt  }
0x72: {  	_ =	shalt  }
0x73: {  	_ =	shalt  }
0x74: {  	_ =	shalt  }
0x75: {  	_ =	shalt  }
0x76: {  	_ =	shalt  }
0x77: {  	_ =	shalt  }
0x78: {  	_ =	shalt  }
0x79: {  	_ =	shalt  }
0x7a: {  	_ =	shalt  }
0x7b: {  	_ =	shalt  }
0x7c: {  	_ =	shalt  }
0x7d: {  	_ =	shalt  }
0x7e: {  	_ =	shalt  }
0x7f: {  	_ =	shalt  }
0x80: {  	_ =	shalt  }
0x81: {  	_ =	shalt  }
0x82: {  	_ =	shalt  }
0x83: {  	_ =	shalt  }
0x84: {  	_ =	shalt  }
0x85: {  	_ =	shalt  }
0x86: {  	_ =	shalt  }
0x87: {  	_ =	shalt  }
.Lfunc_end0:
.L_simem_size_0:
called_computation.3_lowered:
.L_overlay_start_0:
0x88: {  	s2 =	sld [smem:$0x3FD9]  }
0x89: {  	s3 =	sld [smem:$0x3FFE];
	_ =	sdelay $0x1  }
0x8a: {  	s1 =	srdreg.scid  }
0x8b: {  	s0 =	sand.u32 $0x1, s1  }
0x8c: {  	s15 =	sshll.u32 s0, $0xA;
	s2 =	sadd.s32 s3, s2  }
0x8d: {  	s2 =	sadd.s32 s2, s15  }
0x8e: {  	[smem:$0x3FB5] =	sst s2  }
0x8f: {  	_ = 	snop  }
0x90: {  	(tm) =	ssettm $0x1  }
0x91: {  	s16 =	sld [smem:$0x3FFB];
	_ =	sdelay $0x3  }
0x92: {  	_ =	strace s16  }
0x93: {  	s2 =	sld [smem:$0x3FFC];
	_ =	sdelay $0x3  }
0x94: {  	_ =	strace s2  }
0x95: {  	s2 =	sld [smem:$0x3FFD];
	_ =	sdelay $0x3  }
0x96: {  	_ =	strace s2  }
0x97: {  	_ =	strace $0x8FFFFFFF  }
0x98: {  	s17 =	sld [smem:$0x3FDB];
	_ =	sdelay $0x1  }
0x99: {  	s18 =	simm.s32 $_scs_section_size  }
0x9a: {  	s4 =	simm.s32 $_size__tile_overlayer_lowered;
	s5 =	simm.s32 $_tile_overlayer_lowered  }
0x9b: {  	s21 =	simm.s32 $0x1BFF;
	s20 =	sshll.u32 s5, $0x1;
	s2 =	sadd.s32 s18, s17  }
0x9c: {  	s6 =	simm.s32 $0x0;
	s19 =	sshll.u32 s4, $0x1;
	s4 =	sadd.s32 s20, s2  }
0x9d: {  	[timem:s6], [sflag:s21] =	dma.local [hbm:s4], s19  }
0x9e: {  	_ =	swait.ge [sflag:s21], s19  }
0x9f: {  	s3 =	ssub.s32 $0x0, s19;
	[sflag:s21] =	ssyncset.done $0x0  }
0xa0: {  	[sflag:s21] =	ssyncadd.s32 s3;
	_ =	sdelay $0x1  }
0xa1: {  	s22 =	simm.s32 $0x1B8B  }
0xa2: {  	_ =	swait.ge [sflag:s22], $0x1  }
0xa3: {  	[sflag:s22] =	ssyncset.done $0x0  }
0xa4: {  	s23 =	sld [smem:$0x3FFE];
	[sflag:s22] =	ssyncadd.s32 $0xFFFFFFFF  }
0xa5: {  	s25 =	simm.s32 $0x1B8E;
	s24 =	sld [smem:$0x0]  }
0xa6: {  	s26 =	simm.s32 $execute0_lowered;
	[smem:$0x3FD2] =	sst s25  }
0xa7: {  	s5 =	sshll.u32 s26, $0x1;
	_ =	strace $0x8000005E;
	[dreg:$0x1] =	wrdreg $0xFFFFFFFF  }
0xa8: {  	s28 =	simm.s32 $_size_execute0_lowered;
	s2 =	sadd.s32 s2, s5;
	[dreg:$0x0] =	wrdreg $0x0  }
0xa9: {  	s5 =	sshll.u32 s28, $0x1;
	[dreg:$0x2] =	wrdreg s2  }
0xaa: {  	[dreg:$0x3] =	wrdreg s5  }
0xab: {  	[dreg:$0x4] =	wrdreg $0xC0  }
0xac: {  	_ =	task [dreg:s6], $0x5FFFF  }
0xad: {  	[dreg:$0x1] =	wrdreg $0xFFFFFFFF  }
0xae: {  	[dreg:$0x0] =	wrdreg $0x60  }
0xaf: {  	[dreg:$0x2] =	wrdreg s23  }
0xb0: {  	[dreg:$0x3] =	wrdreg s1  }
0xb1: {  	[dreg:$0x4] =	wrdreg s24  }
0xb2: {  	[dreg:$0x5] =	wrdreg $0xA  }
0xb3: {  	_ =	task.clear_ibuf [dreg:s6], $0x6FFFF;
	_ =	strace $0x9000005E  }
0xb4: {  	s29 =	simm.s32 $0xA;
	_ =	strace $0x80000060  }
0xb5: {  	_ =	swait.ge [sflag:s29], $0x1  }
0xb6: {  	[sflag:s29] =	ssyncadd.s32 $0xFFFFFFFF  }
0xb7: {  	_ =	strace $0x90000060  }
0xb8: {  	_ =	sfence  }
0xb9: {  	s30 =	sld [smem:$0x0];
	_ =	sdelay $0x2  }
0xba: {  	s31 =	sshll.u32 s1, $0xD;
	s1 =	sshrl.u32 s1, $0x2  }
0xbb: {  	s3 =	sand.u32 $0x4000, s31;
	s1 =	sadd.s32 s1, s30  }
0xbc: {  	s0 =	sor.u32 s3, s0;
	s1 =	sshll.u32 s1, $0x11  }
0xbd: {  	s0 =	sor.u32 s1, s0  }
0xbe: {  	s0 =	sadd.s32 $0x8F2B, s0  }
0xbf: {  	[sflag:s0] =	ssyncadd.remote.s32 $0x1  }
0xc0: {  	_ =	sfence.sel $0xFFFF  }
0xc1: {  	[dreg:$0x0] =	wrdreg $0xFFFFFFFF;
	(pc) =	sbr.abs _section_cstart, $3  }
0xc2: {  	[dreg:$0x1] =	wrdreg $0xFFFFFFFF  }
0xc3: {  	_ =	task.clear_ibuf [dreg:s6], $0x2FFFF;
	_ =	strace $0x9FFFFFFF  }
0xc4: {  	(tm) =	ssettm $0x7FFFFFFF  }
0xc5: {  	_ =	shalt  }
tec
execute0_lowered:
.L_overlay_start_1:
0x0: {  	(tag) =	ssettag $0x1  }
0x1: {  	s2 =	rddreg [dreg:$0x0]  }
0x2: {  	s3 =	rddreg [dreg:$0x1];
	_ =	strace $0x8000005F;
	s0 =	simm.s32 $0x1  }
0x3: {  	s4 =	simm.s32 $0x88;
	v0 =	vimm.s32 $0x0;
	[sflag:s0] =	ssyncpa.u1 $0x0  }
0x4: {  	s1 =	sadd.s32 $0x2B0B400, s2;
	[tilespmem:s4+$0x30] =	vst v0  }
0x5: {  	s0 =	sadd.s32 $0x15D800, s2;
	s6 =	sadd.s32 $0x14EA200, s2;
	[tilespmem:s4+$0x20] =	vst v0  }
0x6: {  	s14 =	sadd.s32 $0x5600, s2;
	s9 =	sand.u32 $0x1, s3;
	s2 =	simm.s32 $0x40;
	[tilespmem:s4+$0x10] =	vst v0  }
.LBB2_1:
0x7: {  	s2 =	sadd.s32 $0x40, s2  }
0x8: {  	[tilespmem:s4+$0x0] =	vst v0;
	s4 =	sadd.s32 $0x40, s4;
	p0 =	slt.u32 s2, $0x5040  }
.Ltmp0:
0x9: {  	(pc) =	sbr.rel @p0 .LBB2_1-.Ltmp0, $4  }
0xa: {  	_ = 	snop  }
0xb: {  	[tilespmem:s4+$0x30] =	vst v0  }
0xc: {  	[tilespmem:s4+$0x20] =	vst v0  }
0xd: {  	[tilespmem:s4+$0x10] =	vst v0  }
0xe: {  	s10 =	stileid.u32  }
0xf: {  	s2 =	smul.u32 $0x13, s10  }
0x10: {  	s3 =	smin.u32 s10, $0x9  }
0x11: {  	s2 =	sadd.s32 s3, s2  }
0x12: {  	p0 =	slt.u32 s10, $0x9;
	s7 =	smul.u32 $0x140, s2;
	s2 =	simm.s32 $0x1900  }
0x13: {  	s2 =	simm.s32 @!p0 $0x17C0  }
0x14: {  	s2 =	sadd.s32 s2, s7  }
0x15: {  	s8 =	smin.u32 s2, $0x186A0  }
0x16: {  	s2 =	ssub.s32 s8, s7  }
0x17: {  	s26 =	simm.s32 $0x2;
	s29 =	simm.s32 $0x9;
	p0 =	sgt.s32 s2, $0x0  }
0x18: {  	s30 =	simm.s32 $0xA;
	s31 =	smul.u32 $0x30D4, s9;
	s2 =	simm.s32 @!p0 $0x0  }
0x19: {  	s11 =	simm.s32 $0xB;
	[dreg:$0x4] =	wrdreg s9;
	s28 =	smulhi.u32 $0x66666667, s2  }
0x1a: {  	s12 =	simm.s32 $0x1;
	s18 =	simm.s32 $0x0;
	p1 =	por $0x0, $0x0  }
0x1b: {  	s19 =	simm.s32 $0xC;
	s23 =	simm.s32 $0x0;
	s3 =	sshrl.u32 s28, $0x7  }
0x1c: {  	s20 =	simm.s32 $0x0;
	s22 =	simm.s32 $0x0;
	s5 =	smul.u32 $0x140, s3  }
.Ltmp1:
0x1d: {  	[tilespmem:s4+$0x0] =	vst v0;
	v0 =	vimm.s32 $0xFFFFFFFF;
	[sflag:s26] =	ssyncpa.u1 $0x0;
	s16 =	sshll.u32 s10, $0x7;
	(pc) =	sbr.rel .LBB2_3-.Ltmp1, $4  }
0x1e: {  	[tilespmem:$0xA108] =	vst v0;
	[sflag:s29] =	ssyncpa.u1 $0x0;
	p0 =	sne.s32 s2, s5;
	s2 =	simm.s32 $0x1  }
0x1f: {  	s14 =	sadd.s32 s31, s14;
	[sflag:s30] =	ssyncpa.u1 $0x0;
	s2 =	simm.s32 @!p0 $0x0  }
0x20: {  	s15 =	sadd.s32 s31, s0;
	[sflag:s11] =	ssyncpa.u1 $0x0;
	s13 =	sadd.s32 s2, s3  }
0x21: {  	v0 =	vlaneseq.u32;
	s21 =	smov.u32 s7;
	p0 =	por $0x1, $0x1;
	s17 =	sadd.s32 $0x1, s13  }
.LBB2_24:
0x22: {  	s0 =	sshrl.u32 s0, $0x2  }
.LBB2_26:
0x23: {  	_ =	swait.ge [sflag:s19], s0  }
0x24: {  	s30 =	ssub.s32 $0x0, s0;
	v1 =	vmov s25;
	vm0 =	veq.s32 v0, $0x0;
	[sflag:s19] =	ssyncset.done $0x0  }
0x25: {  	vm15 =	veq.s32 v0, $0x2;
	v1 =	vsel vm0, s31, v1;
	[sflag:s19] =	ssyncadd.s32 s30  }
0x26: {  	v1 =	vsel vm15, s23, v1;
	[sflag:s19] =	ssyncpa.u1 $0x1  }
0x27: {  	[tilespmem:$0xA108] =	vst v1  }
.LBB2_27:
0x28: {  	s0 =	sadd.s32 $0x140, s21  }
0x29: {  	s2 =	smov.u32 s7;
	p2 =	slt.s32 s0, s8  }
0x2a: {  	s2 =	smov.u32 @p2 s0;
	p2 =	sne.s32 s22, s17  }
.Ltmp2:
0x2b: {  	_ = 	snop;
	(pc) =	sbr.rel @!p2 .LBB2_28-.Ltmp2, $4  }
0x2c: {  	_ = 	snop  }
0x2d: {  	s23 =	smov.u32 s20  }
0x2e: {  	s31 =	sadd.s32 $0x1, s22;
	s20 =	smov.u32 s21;
	p0 =	por !p0, !p0  }
0x2f: {  	p1 =	por !p1, !p1;
	s22 =	smov.u32 s31;
	s21 =	smov.u32 s2  }
.LBB2_3:
0x30: {  	p2 =	sge.u32 s22, s13  }
0x31: {  	s0 =	smulhi.u32 @!p2 $0xAAAAAAAB, s22  }
0x32: {  	s2 =	smov.u32 s21;
	p3 =	sgt.s32 @!p2 s21, $0x18560  }
0x33: {  	s3 =	sshra.s32 @!p2 s21, $0x1F;
	p3 =	por !p3, p2;
	s0 =	sshrl.u32 @!p2 s0, $0x1  }
0x34: {  	s3 =	sand.u32 @!p2 s3, s21;
	s2 =	simm.s32 @p3 $0x18560;
	s0 =	smul.u32 @!p2 $0x3, s0  }
0x35: {  	s2 =	ssub.s32 @!p2 s2, s3  }
0x36: {  	s2 =	sadd.s32 @!p2 $0xFFFE7AA0, s2;
	s0 =	ssub.s32 @!p2 s22, s0  }
0x37: {  	s3 =	sshll.u32 @!p2 s2, $0x2;
	p3 =	sgt.s32 @!p2 s2, $0x13F;
	s0 =	smul.u32 @!p2 $0x500, s0  }
0x38: {  	s4 =	sand.u32 @!p2 $0x7, s21;
	s2 =	ssub.s32 @!p2 $0x500, s3;
	p3 =	por !p3, p2  }
0x39: {  	s3 =	sshrl.u32 @!p2 s21, $0x3;
	s2 =	sshrl.u32 @!p2 s2, $0x2;
	s0 =	sshrl.u32 @!p2 s0, $0x2  }
0x3a: {  	s3 =	sadd.s32 @!p2 s3, s14;
	s2 =	simm.s32 @!p3 $0x0;
	s0 =	sadd.s32 @!p2 $0xA948, s0  }
0x3b: {  	[tilespmem:s0], [sflag:$0xA] =	stream.linear.gather @!p2 [hbm4b:s3+s4], s2, $0x38;
	[tilespmem:$0x1EF88] =	vst v63  }
0x3c: {  	s4 =	sadd.s32 $0xFFFFFFFF, s22  }
0x3d: {  	p2 =	sge.u32 s4, s13  }
0x3e: {  	p3 =	sgt.s32 @!p2 s20, $0x18560  }
0x3f: {  	s0 =	smov.u32 s20;
	s2 =	sshra.s32 @!p2 s20, $0x1F;
	p3 =	por !p3, p2  }
0x40: {  	s2 =	sand.u32 @!p2 s2, s20;
	s0 =	simm.s32 @p3 $0x18560  }
0x41: {  	s0 =	ssub.s32 @!p2 s0, s2  }
0x42: {  	s0 =	sadd.s32 @!p2 $0xFFFE7AA0, s0  }
0x43: {  	s2 =	sshll.u32 @!p2 s0, $0x2  }
0x44: {  	p3 =	sgt.s32 @!p2 s0, $0x13F;
	s0 =	ssub.s32 @!p2 $0x500, s2  }
0x45: {  	p3 =	por !p3, p2;
	s0 =	sshrl.u32 @!p2 s0, $0x2  }
0x46: {  	s3 =	simm.s32 @!p2 $0xA;
	s2 =	sand.u32 @!p2 $0x1, s4;
	s0 =	simm.s32 @!p3 $0x0  }
0x47: {  	s2 =	smul.u32 @!p2 $0x500, s2;
	_ =	swait.ge @!p2 [sflag:s3], s0  }
0x48: {  	s5 =	ssub.s32 @!p2 $0x0, s0;
	[sflag:s3] =	ssyncset.done @!p2 $0x0  }
0x49: {  	s2 =	sshrl.u32 @!p2 s2, $0x2;
	[sflag:s3] =	ssyncadd.s32 @!p2 s5;
	s3 =	sshrl.u32 @!p2 s20, $0x3  }
0x4a: {  	s2 =	sadd.s32 @!p2 $0xAD08, s2;
	s5 =	sand.u32 @!p2 $0x7, s20;
	s3 =	sadd.s32 @!p2 s3, s15  }
0x4b: {  	[tilespmem:s2], [sflag:$0xB] =	stream.linear.gather @!p2 [hbm4b:s3+s5], s0, $0x38;
	[tilespmem:$0x1EF88] =	vst v63  }
0x4c: {  	s0 =	ssub.s32 @!p2 $0x186A0, s20  }
0x4d: {  	p3 =	slt.s32 @!p2 s0, $0x1  }
0x4e: {  	p3 =	por p2, p3  }
.Ltmp3:
0x4f: {  	_ = 	snop;
	(pc) =	sbr.rel @p3 .LBB2_9-.Ltmp3, $1  }
0x50: {  	_ =	sdelay $0x3  }
0x51: {  	s2 =	smulhi.u32 $0xAAAAAAAB, s4;
	_ =	sdelay $0x1  }
0x52: {  	s2 =	sshrl.u32 s2, $0x1  }
0x53: {  	s2 =	smul.u32 $0x3, s2;
	_ =	sdelay $0x1  }
0x54: {  	s2 =	ssub.s32 s4, s2  }
0x55: {  	s3 =	simm.s32 $0x1;
	s2 =	smul.u32 $0x500, s2  }
.Ltmp4:
0x56: {  	s3 =	simm.s32 @!p0 $0x0;
	(pc) =	sbr.rel .LBB2_6-.Ltmp4, $4  }
0x57: {  	s3 =	smul.u32 $0x28000, s3  }
0x58: {  	p3 =	slt.s32 @!p2 s0, $0x140;
	s2 =	sshrl.u32 s2, $0x2  }
0x59: {  	p2 =	por !p3, p2;
	s3 =	sshrl.u32 s3, $0x2;
	s2 =	sadd.s32 $0xA948, s2  }
0x5a: {  	s24 =	simm.s32 $0x0;
	s0 =	simm.s32 @p2 $0x140;
	s4 =	sadd.s32 $0xAF88, s3;
	v1 =	vmov s2  }
.LBB2_5:
0x5b: {  	p2 =	sge.s32 s24, s0  }
.Ltmp5:
0x5c: {  	_ = 	snop;
	(pc) =	sbr.rel @p2 .LBB2_9-.Ltmp5, $2  }
0x5d: {  	_ =	sdelay $0x2  }
0x5e: {  	s4 =	sadd.s32 $0x800, s4  }
.LBB2_6:
0x5f: {  	p2 =	sle.s32 s0, s24  }
.Ltmp6:
0x60: {  	_ = 	snop;
	(pc) =	sbr.rel @p2 .LBB2_5-.Ltmp6, $2  }
0x61: {  	_ =	sdelay $0x2  }
0x62: {  	s5 =	smov.u32 s24;
	s24 =	sadd.s32 $0x10, s24  }
0x63: {  	s2 =	ssub.s32 s0, s5  }
0x64: {  	p2 =	slt.s32 s2, $0x10  }
0x65: {  	s2 =	simm.s32 @!p2 $0x10  }
0x66: {  	v2 =	vmov s2  }
0x67: {  	vm0 =	vgt.s32 v2, v0;
	_ =	sdelay $0x5  }
0x68: {  	v2 =	vld.idx.msk [tilespmem:v1+s5+$0x0 ss:$0x1], vm0;
	_ =	sdelay $0x2  }
0x69: {  	p2 =	slt.s32 s24, s0;
	s2 =	smov.u32 s0  }
0x6a: {  	s3 =	smov.u32 s4;
	s25 =	simm.s32 $0x0;
	s2 =	smov.u32 @p2 s24  }
.LBB2_8:
0x6b: {  	(v2sf) =	vpush v2, s25;
	_ =	sdelay $0xc  }
0x6c: {  	s25 =	sadd.s32 $0x1, s25  }
0x6d: {  	s31 =	sadd.s32 s25, s5  }
0x6e: {  	p2 =	slt.s32 s31, s2;
	s9 =	spop (v2sf)  }
.Ltmp7:
0x6f: {  	s9 =	sshll.u32 s9, $0x4;
	(pc) =	sbr.rel @p2 .LBB2_8-.Ltmp7, $4  }
0x70: {  	s9 =	sand.u32 $0x1FFFFFF0, s9  }
0x71: {  	s9 =	sadd.s32 s6, s9  }
0x72: {  	[tilespmem:s3], [sflag:$0x9] =	stream.linear.gather [hbm4b:s9+s18], $0x40, $0x38;
	[tilespmem:$0x1EF88] =	vst v63  }
0x73: {  	s3 =	sadd.s32 $0x80, s3  }
.Ltmp8:
0x74: {  	_ = 	snop;
	(pc) =	sbr.rel .LBB2_5-.Ltmp8, $1  }
0x75: {  	_ =	sdelay $0x3  }
.LBB2_9:
0x76: {  	p2 =	slt.u32 s22, $0x2  }
.Ltmp9:
0x77: {  	_ = 	snop;
	(pc) =	sbr.rel @p2 .LBB2_27-.Ltmp9, $1  }
0x78: {  	_ =	sdelay $0x3  }
0x79: {  	p2 =	sgt.s32 s23, $0x18560  }
0x7a: {  	s0 =	smov.u32 s23;
	s2 =	sshra.s32 s23, $0x1F;
	s3 =	ssub.s32 $0x186A0, s23  }
0x7b: {  	s0 =	simm.s32 @!p2 $0x18560;
	s2 =	sand.u32 s2, s23;
	p2 =	slt.s32 s3, $0x140  }
0x7c: {  	s0 =	ssub.s32 s0, s2;
	s3 =	simm.s32 @!p2 $0x140  }
0x7d: {  	s0 =	sadd.s32 $0xFFFE7AA0, s0;
	s10 =	sshll.u32 s3, $0x6  }
0x7e: {  	s26 =	simm.s32 $0x9;
	s24 =	sshll.u32 s0, $0x2;
	s2 =	sand.u32 $0x3FFFFFC0, s10  }
0x7f: {  	p2 =	sgt.s32 s0, $0x13F;
	s25 =	ssub.s32 $0x500, s24;
	_ =	swait.ge [sflag:s26], s2  }
0x80: {  	s2 =	ssub.s32 $0x0, s2;
	[sflag:s26] =	ssyncset.done $0x0;
	s0 =	sshrl.u32 s25, $0x2  }
0x81: {  	[sflag:s26] =	ssyncadd.s32 s2;
	s0 =	simm.s32 @p2 $0x0  }
0x82: {  	_ =	swait.ge [sflag:s11], s0  }
0x83: {  	s0 =	ssub.s32 $0x0, s0;
	[sflag:s11] =	ssyncset.done $0x0  }
0x84: {  	[sflag:s11] =	ssyncadd.s32 s0  }
0x85: {  	v1 =	vld [tilespmem:$0xA108];
	_ =	sdelay $0x4  }
0x86: {  	(v2sf) =	vpush v1, $0x0  }
0x87: {  	(v2sf) =	vpush v1, $0x1  }
0x88: {  	(v2sf) =	vpush v1, $0x2;
	_ =	sdelay $0x3  }
0x89: {  	s0 =	sadd.s32 $0x140, s23  }
0x8a: {  	s2 =	ssub.s32 $0x30D40, s23;
	p2 =	slt.s32 s8, s0  }
0x8b: {  	s0 =	smov.u32 @p2 s8;
	p2 =	sgt.s32 s2, $0x0  }
0x8c: {  	s0 =	ssub.s32 s0, s23;
	s2 =	simm.s32 @!p2 $0x0  }
0x8d: {  	p2 =	slt.s32 s2, s0  }
0x8e: {  	s0 =	smov.u32 @p2 s2  }
0x8f: {  	s26 =	simm.s32 $0x1;
	p2 =	slt.s32 s0, $0x1  }
.Ltmp10:
0x90: {  	s26 =	simm.s32 @!p1 $0x0;
	(pc) =	sbr.rel @p2 .LBB2_14-.Ltmp10, $4  }
0x91: {  	s30 =	smul.u32 $0x500, s26  }
0x92: {  	s28 =	spop (v2sf)  }
0x93: {  	s31 =	sshrl.u32 s30, $0x2;
	s29 =	spop (v2sf)  }
0x94: {  	s24 =	sadd.s32 $0xAD08, s31;
	s23 =	spop (v2sf)  }
0x95: {  	s2 =	smin.u32 s0, $0x10  }
0x96: {  	v1 =	vmov s2  }
0x97: {  	p3 =	sgt.s32 s0, $0x10;
	vm1 =	vgt.u32 v1, v0  }
.Ltmp11:
0x98: {  	_ = 	snop;
	(pc) =	sbr.rel @!p3 .LBB2_13-.Ltmp11, $2  }
0x99: {  	_ =	sdelay $0x2  }
0x9a: {  	s5 =	simm.s32 $0x10;
	s25 =	sadd.s32 $0xFFFFFFF0, s0;
	s4 =	smov.u32 s24;
	vm0 =	vmmov vm1  }
.LBB2_12:
0x9b: {  	s2 =	smin.u32 s25, $0x10;
	s5 =	sadd.s32 $0x10, s5;
	v1 =	vld.msk [tilespmem:s4+$0x0 ss:$0x1], vm1  }
0x9c: {  	v2 =	vmov s2;
	p3 =	slt.s32 s5, s0  }
0x9d: {  	vm1 =	vgt.u32 v2, v0  }
.Ltmp12:
0x9e: {  	(pc) =	sbr.rel @p3 .LBB2_12-.Ltmp12, $3  }
0x9f: {  	_ =	sdelay $0x1  }
0xa0: {  	v1 =	vshll.u32 v1, $0x4  }
0xa1: {  	s25 =	sadd.s32 $0xFFFFFFF0, s25;
	[tilespmem:s4+$0x0] =	vst.msk vm0, v1;
	s4 =	sadd.s32 $0x10, s4;
	vm0 =	vmmov vm1  }
.LBB2_13:
0xa2: {  	_ =	sdelay $0x4  }
0xa3: {  	v1 =	vld.msk [tilespmem:s4+$0x0 ss:$0x1], vm1;
	_ =	sdelay $0x4  }
0xa4: {  	v1 =	vshll.u32 v1, $0x4  }
0xa5: {  	[tilespmem:s4+$0x0] =	vst.msk vm0, v1  }
.LBB2_14:
0xa6: {  	s2 =	sand.u32 $0x1, s22  }
0xa7: {  	s2 =	smul.u32 $0x140, s2  }
0xa8: {  	p3 =	sne.s32 s29, $0xFFFFFFFF  }
0xa9: {  	v1 =	vld.msk @!p3 [tilespmem:s2+$0xAD08], $0x1;
	_ =	sdelay $0x4  }
0xaa: {  	(v2sf) =	vpush @!p3 v1, $0x0;
	_ =	sdelay $0xc  }
.Ltmp13:
0xab: {  	_ = 	snop;
	(pc) =	sbr.rel @p2 .LBB2_25-.Ltmp13, $4  }
0xac: {  	_ = 	snop  }
0xad: {  	s30 =	spop @!p3 (v2sf)  }
0xae: {  	s23 =	simm.s32 @!p3 $0x0;
	s25 =	smov.u32 s30  }
0xaf: {  	[sflag:s19] =	ssyncpa.u1 $0x0;
	s30 =	smov.u32 @p3 s28;
	s25 =	smov.u32 @p3 s29  }
0xb0: {  	v1 =	vld.msk [tilespmem:s24+$0x0], $0x1;
	_ =	sdelay $0x4  }
0xb1: {  	(v2sf) =	vpush v1, $0x0;
	_ =	sdelay $0xe  }
0xb2: {  	s2 =	smul.u32 $0x28000, s26;
	s4 =	spop (v2sf)  }
0xb3: {  	s28 =	ssub.s32 $0x0, s0;
	p2 =	seq.s32 s30, s4  }
0xb4: {  	s0 =	sadd.s32 $0x1, s28;
	s2 =	sshrl.u32 s2, $0x2;
	p3 =	sgt.s32 @!p2 s30, $0x0  }
0xb5: {  	s26 =	sadd.s32 $0xAFA8, s2;
	s2 =	smov.u32 s30;
	p3 =	por !p3, p2  }
0xb6: {  	s2 =	simm.s32 @p3 $0x0;
	p3 =	seq.s32 s0, $0x0  }
.Ltmp14:
0xb7: {  	_ = 	snop;
	(pc) =	sbr.rel @p3 .LBB2_17-.Ltmp14, $4  }
0xb8: {  	_ = 	snop  }
0xb9: {  	s29 =	simm.s32 $0x0;
	s5 =	simm.s32 @!p2 $0x1;
	s3 =	smin.u32 @!p2 s2, $0x30D78  }
0xba: {  	s31 =	sadd.s32 $0x1, s24;
	s5 =	smov.u32 @p2 s29;
	s9 =	sand.u32 @!p2 $0x3FFF8, s3  }
0xbb: {  	s2 =	simm.s32 @!p2 $0x50C8;
	s3 =	sand.u32 @!p2 $0x7, s3;
	s9 =	sadd.s32 @!p2 s1, s9  }
.LBB2_16:
0xbc: {  	s10 =	smov.u32 s5  }
0xbd: {  	[tilespmem:s2], [sflag:$0x2] =	stream.linear.gather @!p2 [hbm4b:s9+s3], $0x40, $0x38;
	[tilespmem:$0x1EF88] =	vst v63  }
0xbe: {  	s0 =	sadd.s32 $0x1, s0;
	s3 =	smov.u32 s4;
	v1 =	vld.msk [tilespmem:s31+$0x0], $0x1  }
0xbf: {  	p3 =	seq.s32 s0, $0x0;
	_ =	sdelay $0x3  }
0xc0: {  	(v2sf) =	vpush v1, $0x0;
	_ =	sdelay $0xe  }
0xc1: {  	s4 =	spop (v2sf)  }
0xc2: {  	p2 =	seq.s32 s3, s4  }
0xc3: {  	p4 =	sgt.s32 @!p2 s3, $0x0;
	s2 =	sshll.u32 @!p2 s5, $0x8;
	s5 =	sadd.s32 @!p2 $0x1, s5  }
.Ltmp15:
0xc4: {  	p4 =	por !p4, p2;
	s2 =	sshra.s32 @!p2 s2, $0x2;
	(pc) =	sbr.rel @!p3 .LBB2_16-.Ltmp15, $4  }
0xc5: {  	s5 =	smov.u32 @p2 s10;
	s3 =	simm.s32 @p4 $0x0;
	s2 =	sadd.s32 @!p2 $0x50C8, s2  }
0xc6: {  	s3 =	smin.u32 @!p2 s3, $0x30D78  }
0xc7: {  	s9 =	sand.u32 @!p2 $0x3FFF8, s3;
	s3 =	sand.u32 @!p2 $0x7, s3  }
0xc8: {  	s31 =	sadd.s32 $0x1, s31;
	s9 =	sadd.s32 @!p2 s1, s9  }
.LBB2_17:
0xc9: {  	[tilespmem:s2], [sflag:$0x2] =	stream.linear.gather @!p2 [hbm4b:s9+s3], $0x40, $0x38;
	[tilespmem:$0x1EF88] =	vst v63  }
.Ltmp16:
0xca: {  	s0 =	sshll.u32 s5, $0x6;
	(pc) =	sbr.rel .LBB2_18-.Ltmp16, $4  }
0xcb: {  	s31 =	simm.s32 $0x2;
	s0 =	sand.u32 $0x3FFFFFC0, s0  }
0xcc: {  	_ =	swait.ge [sflag:s31], s0  }
0xcd: {  	s0 =	ssub.s32 $0x0, s0;
	[sflag:s31] =	ssyncset.done $0x0  }
0xce: {  	[sflag:s31] =	ssyncadd.s32 s0;
	s0 =	simm.s32 $0x0  }
.LBB2_19:
0xcf: {  	v1 =	vld [tilespmem:s26+$0xFFFFFFE0];
	_ =	sdelay $0x4  }
0xd0: {  	[tilespmem:s4+$0x88] =	vst.add.f32.msk $0xffff, v1  }
0xd1: {  	v1 =	vld [tilespmem:s26+$0xFFFFFFF0];
	_ =	sdelay $0x4  }
0xd2: {  	[tilespmem:s4+$0x98] =	vst.add.f32.msk $0xffff, v1  }
0xd3: {  	v1 =	vld [tilespmem:s26+$0x0];
	_ =	sdelay $0x4  }
0xd4: {  	[tilespmem:s4+$0xA8] =	vst.add.f32.msk $0xffff, v1  }
0xd5: {  	v1 =	vld [tilespmem:s26+$0x10];
	_ =	sdelay $0x4  }
0xd6: {  	[tilespmem:s4+$0xB8] =	vst.add.f32.msk $0xffff, v1  }
.LBB2_23:
0xd7: {  	s28 =	sadd.s32 $0x1, s28  }
0xd8: {  	p2 =	seq.s32 s28, $0x0  }
.Ltmp17:
0xd9: {  	_ = 	snop;
	(pc) =	sbr.rel @p2 .LBB2_24-.Ltmp17, $2  }
0xda: {  	_ =	sdelay $0x2  }
0xdb: {  	s26 =	sadd.s32 $0x80, s26;
	s24 =	sadd.s32 $0x1, s24;
	s30 =	smov.u32 s31  }
.LBB2_18:
0xdc: {  	v1 =	vld.msk [tilespmem:s24+$0x0], $0x1;
	_ =	sdelay $0x4  }
0xdd: {  	(v2sf) =	vpush v1, $0x0;
	_ =	sdelay $0xe  }
0xde: {  	s31 =	spop (v2sf)  }
0xdf: {  	p2 =	sne.s32 s30, s31  }
.Ltmp18:
0xe0: {  	_ = 	snop;
	(pc) =	sbr.rel @!p2 .LBB2_19-.Ltmp18, $3  }
0xe1: {  	_ =	sdelay $0x1  }
0xe2: {  	s2 =	sshll.u32 s23, $0x8  }
0xe3: {  	s4 =	sshra.s32 s2, $0x2  }
0xe4: {  	p2 =	seq.s32 s30, s25  }
.Ltmp19:
0xe5: {  	_ = 	snop;
	(pc) =	sbr.rel @!p2 .LBB2_21-.Ltmp19, $1  }
0xe6: {  	_ =	sdelay $0x3  }
.Ltmp20:
0xe7: {  	s2 =	sadd.s32 $0x88, s4;
	(pc) =	sbr.rel .LBB2_22-.Ltmp20, $4  }
0xe8: {  	[spmem:s16] =	stream.linear.scatter [tilespmem:s2], [sflag:$0x1], $0x40, $0x38;
	[tilespmem:$0x1EF88] =	vst v63  }
0xe9: {  	_ =	swait.ge [sflag:s12], $0x40  }
0xea: {  	[sflag:s12] =	ssyncset.done $0x0  }
0xeb: {  	[sflag:s12] =	ssyncadd.s32 $0xFFFFFFC0  }
.LBB2_21:
0xec: {  	s2 =	sshll.u32 s29, $0x8  }
0xed: {  	s2 =	sshra.s32 s2, $0x2  }
0xee: {  	v1 =	vld [tilespmem:s2+$0x50C8];
	_ =	sdelay $0x4  }
0xef: {  	[tilespmem:s4+$0x88] =	vst.add.f32.msk $0xffff, v1  }
0xf0: {  	v1 =	vld [tilespmem:s2+$0x50D8];
	_ =	sdelay $0x4  }
0xf1: {  	[tilespmem:s4+$0x98] =	vst.add.f32.msk $0xffff, v1  }
0xf2: {  	v1 =	vld [tilespmem:s2+$0x50E8];
	_ =	sdelay $0x4  }
0xf3: {  	[tilespmem:s4+$0xA8] =	vst.add.f32.msk $0xffff, v1  }
0xf4: {  	v1 =	vld [tilespmem:s2+$0x50F8];
	_ =	sdelay $0x2  }
0xf5: {  	p2 =	sgt.u32 s30, $0x30D78  }
0xf6: {  	s2 =	sand.u32 @!p2 $0x3FFF8, s30  }
0xf7: {  	s3 =	sadd.s32 $0x88, s4;
	s2 =	sadd.s32 @!p2 s1, s2;
	[tilespmem:s4+$0xB8] =	vst.add.f32.msk $0xffff, v1;
	s4 =	sand.u32 @!p2 $0x7, s30  }
0xf8: {  	[hbm4b:s2+s4] =	stream.linear.scatter @!p2 [tilespmem:s3], [sflag:$0xC], $0x40, $0x38;
	[tilespmem:$0x1EF88] =	vst v63  }
0xf9: {  	s2 =	simm.s32 $0x0  }
0xfa: {  	s2 =	simm.s32 @!p2 $0x100  }
0xfb: {  	s0 =	sadd.s32 s2, s0  }
.LBB2_22:
0xfc: {  	s2 =	sadd.s32 $0x1, s23  }
0xfd: {  	s3 =	smulhi.u32 $0xCCCCCCCD, s2;
	_ =	sdelay $0x1  }
0xfe: {  	v1 =	vld [tilespmem:s26+$0xFFFFFFE0];
	s3 =	sshrl.u32 s3, $0x8  }
0xff: {  	s3 =	smul.u32 $0x140, s3;
	_ =	sdelay $0x1  }
0x100: {  	s23 =	ssub.s32 s2, s3  }
0x101: {  	s2 =	sshll.u32 s23, $0x6  }
0x102: {  	[tilespmem:s2+$0x88] =	vst v1  }
0x103: {  	v1 =	vld [tilespmem:s26+$0xFFFFFFF0];
	_ =	sdelay $0x4  }
0x104: {  	[tilespmem:s2+$0x98] =	vst v1  }
0x105: {  	v1 =	vld [tilespmem:s26+$0x0];
	_ =	sdelay $0x4  }
0x106: {  	[tilespmem:s2+$0xA8] =	vst v1  }
0x107: {  	v1 =	vld [tilespmem:s26+$0x10]  }
.Ltmp21:
0x108: {  	_ = 	snop;
	(pc) =	sbr.rel .LBB2_23-.Ltmp21, $2  }
0x109: {  	_ =	sdelay $0x2  }
0x10a: {  	s29 =	sadd.s32 $0x1, s29;
	[tilespmem:s2+$0xB8] =	vst v1  }
.LBB2_25:
.Ltmp22:
0x10b: {  	(pc) =	sbr.rel .LBB2_26-.Ltmp22, $4  }
0x10c: {  	_ = 	snop  }
0x10d: {  	s0 =	simm.s32 $0x2  }
0x10e: {  	_ =	swait.ge [sflag:s0], $0x0  }
0x10f: {  	s31 =	smov.u32 s30;
	[sflag:s0] =	ssyncset.done $0x0;
	s0 =	simm.s32 $0x0  }
.LBB2_28:
0x110: {  	_ =	sfence.sel $0x180000  }
0x111: {  	s0 =	simm.s32 $0x9;
	[bflag:$0x0] =	sbarrier.arrive $0xFFFF  }
0x112: {  	s24 =	simm.s32 $0xA;
	[sflag:s0] =	ssyncpa.u1 $0x1  }
0x113: {  	s25 =	simm.s32 $0xB;
	[sflag:s24] =	ssyncpa.u1 $0x1  }
0x114: {  	s26 =	simm.s32 $0x2;
	[sflag:s25] =	ssyncpa.u1 $0x1  }
0x115: {  	[sflag:s26] =	ssyncpa.u1 $0x1  }
0x116: {  	v0 =	vld [tilespmem:$0xA108];
	_ =	sdelay $0x4  }
0x117: {  	(v2sf) =	vpush v0, $0x0  }
0x118: {  	(v2sf) =	vpush v0, $0x1;
	_ =	sdelay $0x1  }
0x119: {  	(v2sf) =	vpush v0, $0x2;
	_ =	sdelay $0xb  }
0x11a: {  	s0 =	spop (v2sf)  }
0x11b: {  	s2 =	spop (v2sf)  }
0x11c: {  	s3 =	smov.u32 s0;
	p0 =	sne.s32 s0, s2  }
0x11d: {  	s4 =	spop (v2sf);
	s3 =	simm.s32 @!p0 $0xFFFFFFFF  }
0x11e: {  	v2 =	vimm.s32 $0x1;
	v3 =	vlaneseq.u32;
	p0 =	seq.s32 s4, $0xFFFFFFFF;
	v1 =	vmov s3  }
0x11f: {  	s15 =	stileid.u32;
	v0 =	vperm.xlane v0, v2;
	p1 =	sne.s32 @!p0 s0, s2;
	v1 =	vperm.xlane v1, v3  }
0x120: {  	vm0 =	vcmask $0x3F04;
	s6 =	simm.s32 $0xA108;
	s0 =	simm.s32 @!p0 $0x1;
	p1 =	por !p1, p0  }
0x121: {  	s3 =	sshll.u32 s15, $0x1;
	s2 =	sshll.u32 @!p0 s4, $0x8;
	s0 =	simm.s32 @p1 $0x0;
	v0 =	vsel vm0, v1, v0  }
0x122: {  	s5 =	sor.u32 $0x800, s3;
	s2 =	sshra.s32 @!p0 s2, $0x2;
	s0 =	sor.u32 @!p0 s0, s3;
	[tilespmem:$0xA108] =	vst v0  }
0x123: {  	[spmem:s5] =	stream.linear.scatter [tilespmem:s6], [sflag:$0x1], $0x2, $0x38;
	[tilespmem:$0x1EF88] =	vst v63  }
0x124: {  	s2 =	sadd.s32 @!p0 $0x88, s2;
	s0 =	sshll.u32 @!p0 s0, $0x6  }
0x125: {  	[spmem:s0] =	stream.linear.scatter @!p0 [tilespmem:s2], [sflag:$0x1], $0x40, $0x38;
	[tilespmem:$0x1EF88] =	vst v63  }
0x126: {  	s0 =	simm.s32 @!p0 $0x42  }
0x127: {  	s28 =	simm.s32 $0x1;
	s0 =	simm.s32 @p0 $0x2  }
0x128: {  	_ =	swait.ge [sflag:s28], s0  }
0x129: {  	s0 =	ssub.s32 $0x0, s0;
	[sflag:s28] =	ssyncset.done $0x0  }
0x12a: {  	p0 =	sne.s32 s15, $0x0;
	[sflag:s28] =	ssyncadd.s32 s0  }
.Ltmp23:
0x12b: {  	_ =	sfence.stream.spmem;
	(pc) =	sbr.rel @p0 .LBB2_45-.Ltmp23, $4  }
0x12c: {  	s29 =	simm.s32 $0x3;
	[bflag:$0x0] =	sbarrier.arrive $0xFFFF  }
0x12d: {  	s30 =	simm.s32 $0x4;
	[sflag:s29] =	ssyncpa.u1 $0x1  }
0x12e: {  	s31 =	simm.s32 $0x3C;
	[sflag:s30] =	ssyncpa.u1 $0x1  }
0x12f: {  	s14 =	rddreg [dreg:$0x4];
	[sflag:s31] =	ssyncpa.u1 $0x1  }
0x130: {  	_ =	sfence.stream.spmem;
	s0 =	simm.s32 $0x5  }
0x131: {  	s2 =	simm.s32 $0x800;
	s3 =	simm.s32 $0xA118;
	[sflag:s0] =	ssyncpa.u1 $0x0  }
0x132: {  	[tilespmem:s3], [sflag:$0x5] =	stream.linear.gather [spmem:s2], $0x20, $0x38;
	[tilespmem:$0x1EF88] =	vst v63  }
0x133: {  	s26 =	simm.s32 $0x0;
	s28 =	simm.s32 $0xA138  }
0x134: {  	[tilespmem:s28], [sflag:$0x5] =	stream.linear.gather [spmem:s26], $0x800, $0x38;
	[tilespmem:$0x1EF88] =	vst v63  }
0x135: {  	_ =	swait.ge [sflag:s0], $0x820  }
0x136: {  	[sflag:s0] =	ssyncset.done $0x0  }
0x137: {  	s29 =	simm.s32 $0x0;
	[sflag:s0] =	ssyncadd.s32 $0xFFFFF7E0  }
0x138: {  	v0 =	vld.msk [tilespmem:s29+$0xA118], $0x1;
	_ =	sdelay $0x1  }
0x139: {  	s30 =	simm.s32 $0x1  }
0x13a: {  	v1 =	vld.msk [tilespmem:s30+$0xA118], $0x1;
	_ =	sdelay $0x1  }
0x13b: {  	(v2sf) =	vpush v0, $0x0;
	_ =	sdelay $0x2  }
0x13c: {  	(v2sf) =	vpush v1, $0x0;
	_ =	sdelay $0x2  }
0x13d: {  	s31 =	simm.s32 $0x2  }
0x13e: {  	v0 =	vld.msk [tilespmem:s31+$0xA118], $0x1;
	_ =	sdelay $0x2  }
0x13f: {  	s4 =	simm.s32 $0xFFFFFFFF;
	s2 =	simm.s32 $0xFFFFFFFF;
	s0 =	simm.s32 $0xC  }
.LBB2_30:
0x140: {  	s3 =	smov.u32 s4;
	s5 =	smov.u32 s2  }
0x141: {  	s2 =	sshra.s32 s0, $0x2;
	p1 =	sne.s32 s0, $0x7C;
	s0 =	sadd.s32 $0x4, s0;
	(v2sf) =	vpush v0, $0x0  }
0x142: {  	v0 =	vld.msk [tilespmem:s2+$0xA118], $0x1  }
.Ltmp24:
0x143: {  	(pc) =	sbr.rel @p1 .LBB2_30-.Ltmp24, $4  }
0x144: {  	s4 =	spop (v2sf)  }
0x145: {  	p2 =	sne.s32 s5, $0xFFFFFFFF;
	s2 =	smov.u32 s4  }
0x146: {  	p3 =	seq.s32 s4, $0xFFFFFFFF;
	s2 =	smov.u32 @p2 s5  }
0x147: {  	s4 =	smov.u32 @p3 s3;
	s2 =	smov.u32 @p3 s5  }
0x148: {  	(v2sf) =	vpush v0, $0x0;
	_ =	sdelay $0x8  }
0x149: {  	s0 =	spop (v2sf)  }
0x14a: {  	p1 =	sne.s32 s2, $0xFFFFFFFF;
	s3 =	smov.u32 s0  }
0x14b: {  	s9 =	simm.s32 $0x6;
	p2 =	seq.s32 s0, $0xFFFFFFFF;
	s3 =	smov.u32 @p1 s2  }
0x14c: {  	s6 =	simm.s32 $0x0;
	s3 =	smov.u32 @p2 s2;
	s2 =	spop (v2sf)  }
0x14d: {  	s0 =	smov.u32 @p2 s4;
	p1 =	sne.s32 s3, $0xFFFFFFFF;
	s5 =	smov.u32 s2  }
.Ltmp25:
0x14e: {  	p2 =	seq.s32 s2, $0xFFFFFFFF;
	s5 =	smov.u32 @p1 s3;
	(pc) =	sbr.rel .LBB2_32-.Ltmp25, $4  }
0x14f: {  	s10 =	simm.s32 $0xA0C8;
	s5 =	smov.u32 @p2 s3;
	s7 =	spop (v2sf)  }
0x150: {  	s11 =	simm.s32 $0x0;
	p1 =	sne.s32 s5, $0xFFFFFFFF;
	s8 =	smov.u32 s7  }
0x151: {  	s2 =	smov.u32 @p2 s0;
	p2 =	seq.s32 s7, $0xFFFFFFFF;
	s8 =	smov.u32 @p1 s5  }
0x152: {  	[sflag:s9] =	ssyncpa.u1 $0x0;
	s7 =	smov.u32 @p2 s2;
	s8 =	smov.u32 @p2 s5  }
.LBB2_38:
0x153: {  	p1 =	sgt.u32 s12, $0x30D78  }
0x154: {  	p2 =	seq.s32 @!p1 s12, s8  }
0x155: {  	p1 =	por p1, p2  }
0x156: {  	p2 =	sne.s32 @!p1 s12, s7  }
0x157: {  	p1 =	por p1, !p2  }
0x158: {  	s0 =	sshll.u32 @p1 s11, $0x8  }
0x159: {  	s0 =	sand.u32 @!p1 $0x3FFF8, s12  }
0x15a: {  	s2 =	sand.u32 @!p1 $0x7, s12;
	s0 =	sadd.s32 @!p1 s1, s0  }
0x15b: {  	[tilespmem:s10], [sflag:$0x6] =	stream.linear.gather @!p1 [hbm4b:s0+s2], $0x40, $0x38;
	[tilespmem:$0x1EF88] =	vst v63  }
0x15c: {  	_ =	swait.ge @!p1 [sflag:s9], $0x40  }
0x15d: {  	[sflag:s9] =	ssyncset.done @!p1 $0x0  }
0x15e: {  	[sflag:s9] =	ssyncadd.s32 @!p1 $0xFFFFFFC0  }
0x15f: {  	v1 =	vld @!p1 [tilespmem:$0xA0C8];
	_ =	sdelay $0x2  }
0x160: {  	s0 =	sshll.u32 @!p1 s11, $0x8  }
0x161: {  	s2 =	sshrl.u32 @!p1 s0, $0x2  }
0x162: {  	[tilespmem:s2+$0xA138] =	vst.add.f32.msk @!p1 $0xffff, v1  }
0x163: {  	v1 =	vld @!p1 [tilespmem:$0xA0D8];
	_ =	sdelay $0x4  }
0x164: {  	[tilespmem:s2+$0xA148] =	vst.add.f32.msk @!p1 $0xffff, v1  }
0x165: {  	v1 =	vld @!p1 [tilespmem:$0xA0E8];
	_ =	sdelay $0x4  }
0x166: {  	[tilespmem:s2+$0xA158] =	vst.add.f32.msk @!p1 $0xffff, v1  }
0x167: {  	v1 =	vld @!p1 [tilespmem:$0xA0F8];
	_ =	sdelay $0x4  }
0x168: {  	[tilespmem:s2+$0xA168] =	vst.add.f32.msk @!p1 $0xffff, v1  }
0x169: {  	s0 =	sshrl.u32 s0, $0x2;
	[tilespmem:s6+$0xA118] =	vst.msk $0x1, v0  }
0x16a: {  	v0 =	vld [tilespmem:s0+$0xA138];
	_ =	sdelay $0x2  }
0x16b: {  	s31 =	sshll.u32 s6, $0x8  }
0x16c: {  	s2 =	sshra.s32 s31, $0x2  }
0x16d: {  	[tilespmem:s2+$0xA138] =	vst v0  }
0x16e: {  	v0 =	vld [tilespmem:s0+$0xA148];
	_ =	sdelay $0x4  }
0x16f: {  	[tilespmem:s2+$0xA148] =	vst v0  }
0x170: {  	v0 =	vld [tilespmem:s0+$0xA158];
	_ =	sdelay $0x4  }
0x171: {  	[tilespmem:s2+$0xA158] =	vst v0  }
0x172: {  	v0 =	vld [tilespmem:s0+$0xA168];
	_ =	sdelay $0x4  }
0x173: {  	s6 =	sadd.s32 $0x1, s6;
	[tilespmem:s2+$0xA168] =	vst v0  }
.LBB2_39:
0x174: {  	s11 =	sadd.s32 $0x1, s11  }
0x175: {  	p1 =	sne.s32 s11, $0x20  }
.Ltmp26:
0x176: {  	_ = 	snop;
	(pc) =	sbr.rel @!p1 .LBB2_40-.Ltmp26, $1  }
0x177: {  	_ =	sdelay $0x3  }
.LBB2_32:
0x178: {  	v0 =	vld.msk [tilespmem:s11+$0xA118], $0x1;
	_ =	sdelay $0x4  }
0x179: {  	(v2sf) =	vpush v0, $0x0;
	_ =	sdelay $0xe  }
0x17a: {  	s12 =	spop (v2sf)  }
0x17b: {  	p1 =	seq.s32 s12, $0xFFFFFFFF  }
.Ltmp27:
0x17c: {  	_ = 	snop;
	(pc) =	sbr.rel @p1 .LBB2_39-.Ltmp27, $1  }
0x17d: {  	_ =	sdelay $0x3  }
0x17e: {  	p1 =	slt.s32 s6, $0x1  }
.Ltmp28:
0x17f: {  	_ = 	snop;
	(pc) =	sbr.rel @p1 .LBB2_38-.Ltmp28, $1  }
0x180: {  	_ =	sdelay $0x3  }
0x181: {  	s0 =	simm.s32 $0xA118;
	p1 =	por $0x0, $0x0  }
0x182: {  	v1 =	vld.msk @!p1 [tilespmem:s0+$0x0], $0x1;
	_ =	sdelay $0x4  }
0x183: {  	(v2sf) =	vpush @!p1 v1, $0x0;
	_ =	sdelay $0xd  }
0x184: {  	p3 =	sne.s32 s6, $0x1  }
.Ltmp29:
0x185: {  	s2 =	spop @!p1 (v2sf);
	(pc) =	sbr.rel @!p3 .LBB2_36-.Ltmp29, $4  }
0x186: {  	p2 =	seq.s32 @!p1 s12, s2  }
0x187: {  	s13 =	simm.s32 $0x0;
	p2 =	por !p2, p1  }
0x188: {  	s2 =	simm.s32 $0xFFFFFFFF;
	s13 =	simm.s32 @p2 $0xFFFFFFFF  }
0x189: {  	s4 =	simm.s32 $0x1;
	s13 =	smov.u32 @p1 s2  }
.LBB2_35:
0x18a: {  	s2 =	smov.u32 s13;
	p1 =	sne.s32 s13, $0xFFFFFFFF  }
0x18b: {  	s0 =	sadd.s32 $0x1, s0;
	s13 =	smov.u32 s4;
	s4 =	sadd.s32 $0x1, s4  }
0x18c: {  	p2 =	sne.s32 s6, s4;
	v1 =	vld.msk @!p1 [tilespmem:s0+$0x0], $0x1;
	_ =	sdelay $0x4  }
0x18d: {  	(v2sf) =	vpush @!p1 v1, $0x0;
	_ =	sdelay $0xe  }
.Ltmp30:
0x18e: {  	s3 =	spop @!p1 (v2sf);
	(pc) =	sbr.rel @p2 .LBB2_35-.Ltmp30, $4  }
0x18f: {  	p3 =	seq.s32 @!p1 s12, s3  }
0x190: {  	p3 =	por !p3, p1  }
0x191: {  	s13 =	simm.s32 @p3 $0xFFFFFFFF  }
0x192: {  	s13 =	smov.u32 @p1 s2  }
.LBB2_36:
0x193: {  	p1 =	seq.s32 s13, $0xFFFFFFFF  }
.Ltmp31:
0x194: {  	_ = 	snop;
	(pc) =	sbr.rel @p1 .LBB2_38-.Ltmp31, $1  }
0x195: {  	_ =	sdelay $0x3  }
0x196: {  	s0 =	sshll.u32 s11, $0x6  }
0x197: {  	s0 =	sand.u32 $0x3FFFFFC0, s0  }
0x198: {  	v0 =	vld [tilespmem:s0+$0xA138];
	_ =	sdelay $0x2  }
0x199: {  	s2 =	sshll.u32 s13, $0x8  }
0x19a: {  	s2 =	sshra.s32 s2, $0x2  }
0x19b: {  	[tilespmem:s2+$0xA138] =	vst.add.f32.msk $0xffff, v0  }
0x19c: {  	v0 =	vld [tilespmem:s0+$0xA148];
	_ =	sdelay $0x4  }
0x19d: {  	[tilespmem:s2+$0xA148] =	vst.add.f32.msk $0xffff, v0  }
0x19e: {  	v0 =	vld [tilespmem:s0+$0xA158];
	_ =	sdelay $0x4  }
0x19f: {  	[tilespmem:s2+$0xA158] =	vst.add.f32.msk $0xffff, v0  }
0x1a0: {  	v0 =	vld [tilespmem:s0+$0xA168]  }
.Ltmp32:
0x1a1: {  	_ = 	snop;
	(pc) =	sbr.rel .LBB2_39-.Ltmp32, $2  }
0x1a2: {  	_ =	sdelay $0x2  }
0x1a3: {  	[tilespmem:s2+$0xA168] =	vst.add.f32.msk $0xffff, v0  }
.LBB2_40:
0x1a4: {  	s0 =	simm.s32 $0x6;
	p1 =	seq.s32 s6, $0x0  }
0x1a5: {  	[sflag:s0] =	ssyncpa.u1 $0x1;
	v0 =	vimm.s32 @p1 $0xFFFFFFFF  }
0x1a6: {  	s0 =	sadd.s32 $0xFFFFFFFF, s6;
	[tilespmem:$0xA938] =	vst @p1 v0  }
0x1a7: {  	v0 =	vld.msk @!p1 [tilespmem:s0+$0xA118], $0x1;
	_ =	sdelay $0x1  }
0x1a8: {  	v1 =	vld.msk @!p1 [tilespmem:$0xA118], $0x1;
	_ =	sdelay $0x2  }
0x1a9: {  	p2 =	seq.s32 @!p1 s0, $0x0;
	v0 =	vbroadcast @!p1 v0, $0x0  }
0x1aa: {  	vm0 =	vmmov @!p1 $0x1;
	p2 =	por !p2, p1  }
0x1ab: {  	v1 =	vnsel @!p1 vm0, $0xFFFFFFFF, v1;
	vm0 =	vcmask @!p1 $0x308;
	v0 =	vpsel !p2, $0xFFFFFFFF, v0  }
0x1ac: {  	p2 =	sne.s32 @!p1 s8, s7;
	v0 =	vsel @!p1 vm0, v1, v0  }
0x1ad: {  	s2 =	simm.s32 @!p1 $0xA138;
	s3 =	simm.s32 @!p1 $0x0;
	p3 =	por !p2, p1;
	[tilespmem:$0xA938] =	vst @!p1 v0  }
0x1ae: {  	[spmem:s3] =	stream.linear.scatter @!p1 [tilespmem:s2], [sflag:$0x1], $0x40, $0x38;
	[tilespmem:$0x1EF88] =	vst v63  }
0x1af: {  	s2 =	sshll.u32 @!p3 s0, $0x8  }
0x1b0: {  	s2 =	sshra.s32 @!p3 s2, $0x2  }
0x1b1: {  	s3 =	simm.s32 @!p3 $0x40;
	s2 =	sadd.s32 @!p3 $0xA138, s2  }
0x1b2: {  	[spmem:s3] =	stream.linear.scatter @!p3 [tilespmem:s2], [sflag:$0x1], $0x40, $0x38;
	[tilespmem:$0x1EF88] =	vst v63  }
0x1b3: {  	s2 =	simm.s32 @!p3 $0x1  }
0x1b4: {  	_ =	swait.ge @!p3 [sflag:s2], $0x80  }
0x1b5: {  	p1 =	por p2, p1;
	[sflag:s2] =	ssyncset.done @!p3 $0x0  }
0x1b6: {  	[sflag:s2] =	ssyncadd.s32 @!p3 $0xFFFFFF80;
	s2 =	simm.s32 @!p1 $0x1  }
0x1b7: {  	_ =	swait.ge @!p1 [sflag:s2], $0x40  }
0x1b8: {  	s29 =	simm.s32 $0xA938;
	[sflag:s2] =	ssyncset.done @!p1 $0x0  }
0x1b9: {  	s30 =	simm.s32 $0x800;
	s31 =	simm.s32 $0x1;
	[sflag:s2] =	ssyncadd.s32 @!p1 $0xFFFFFFC0  }
0x1ba: {  	[spmem:s30] =	stream.linear.scatter [tilespmem:s29], [sflag:$0x1], $0x10, $0x38;
	[tilespmem:$0x1EF88] =	vst v63  }
0x1bb: {  	_ =	swait.ge [sflag:s31], $0x10  }
0x1bc: {  	[sflag:s31] =	ssyncset.done $0x0  }
0x1bd: {  	p1 =	seq.s32 s14, $0x0;
	s9 =	rddreg [dreg:$0x1];
	[sflag:s31] =	ssyncadd.s32 $0xFFFFFFF0  }
0x1be: {  	s3 =	sshll.u32 @p1 s9, $0xE;
	s8 =	rddreg [dreg:$0x2]  }
0x1bf: {  	s2 =	sadd.s32 @p1 $0x15C3C, s3;
	s3 =	sshll.u32 @p1 s8, $0x11  }
0x1c0: {  	_ =	sfence.stream.spmem;
	s2 =	sor.u32 @p1 s3, s2  }
0x1c1: {  	[sflag:s2] =	ssyncadd.remote.s32 @p1 $0x1;
	s2 =	simm.s32 @p1 $0x4  }
0x1c2: {  	s4 =	simm.s32 @!p1 $0x3C;
	s3 =	sand.u32 $0xFFFFFFFE, s9;
	_ =	swait.ge @p1 [sflag:s2], $0x12  }
0x1c3: {  	s5 =	simm.s32 @!p1 $0x0;
	s3 =	sadd.s32 @!p1 $0x4, s3;
	[sflag:s2] =	ssyncset.done @p1 $0x0  }
0x1c4: {  	s7 =	simm.s32 @!p1 $0x80;
	[sflag:s2] =	ssyncadd.s32 @p1 $0xFFFFFFEE;
	s2 =	sshll.u32 @!p1 s3, $0x1A  }
0x1c5: {  	s3 =	sshll.u32 @!p1 s3, $0xD;
	s2 =	sor.u32 @!p1 s2, s8;
	_ =	swait.eq @!p1 [sflag:s4], $0x1  }
0x1c6: {  	s3 =	sor.u32 @!p1 $0x1C04, s3;
	s4 =	simm.s32 @!p1 $0x1C03;
	s2 =	sor.u32 @!p1 $0x80004000, s2  }
0x1c7: {  	[spmem:s7], [sflag:s3] =	dma.general @!p1 [spmem:s5], [sflag:s4], length:$0x10, [dreg:$0x0], stride_count:$0x0, ici_dest:s2, dma_misc:DstOpCode:WRITE  }
0x1c8: {  	p2 =	slt.s32 s0, $0x2;
	s5 =	simm.s32 @!p1 $0x100;
	s7 =	simm.s32 @!p1 $0x102  }
0x1c9: {  	[spmem:s7], [sflag:s3] =	dma.general @!p1 [spmem:s5], [sflag:s4], length:$0x2, [dreg:$0x0], stride_count:$0x0, ici_dest:s2, dma_misc:DstOpCode:WRITE  }
.Ltmp33:
0x1ca: {  	s2 =	simm.s32 @!p1 $0x3;
	(pc) =	sbr.rel @p2 .LBB2_44-.Ltmp33, $4  }
0x1cb: {  	s3 =	sshll.u32 @!p1 s9, $0xE;
	_ =	swait.ge @!p1 [sflag:s2], $0x12  }
0x1cc: {  	s4 =	sshll.u32 @!p1 s8, $0x11;
	s3 =	sadd.s32 @!p1 $0x11C3C, s3;
	[sflag:s2] =	ssyncset.done @!p1 $0x0  }
0x1cd: {  	[sflag:s2] =	ssyncadd.s32 @!p1 $0xFFFFFFEE;
	s2 =	sor.u32 @!p1 s4, s3  }
0x1ce: {  	s0 =	simm.s32 $0x0;
	[sflag:s2] =	ssyncadd.remote.s32 @!p1 $0xFFFFFFFF  }
0x1cf: {  	s0 =	simm.s32 $0xA119  }
0x1d0: {  	v0 =	vld.msk [tilespmem:s0+$0x0], $0x1;
	_ =	sdelay $0x4  }
0x1d1: {  	(v2sf) =	vpush v0, $0x0;
	_ =	sdelay $0xd  }
0x1d2: {  	s3 =	sadd.s32 $0xFFFFFFFE, s6  }
0x1d3: {  	s4 =	sadd.s32 $0xFFFFFFFF, s3;
	s2 =	spop (v2sf)  }
0x1d4: {  	p2 =	sne.s32 s4, $0x0;
	p1 =	sgt.u32 s2, $0x30D78  }
.Ltmp34:
0x1d5: {  	s5 =	sand.u32 @!p1 $0x3FFF8, s2;
	(pc) =	sbr.rel @!p2 .LBB2_43-.Ltmp34, $4  }
0x1d6: {  	s0 =	simm.s32 $0xA178;
	s2 =	sand.u32 @!p1 $0x7, s2;
	s3 =	sadd.s32 @!p1 s1, s5  }
0x1d7: {  	[hbm4b:s3+s2] =	stream.linear.scatter @!p1 [tilespmem:s0], [sflag:$0x5], $0x40, $0x38;
	[tilespmem:$0x1EF88] =	vst v63  }
0x1d8: {  	s2 =	simm.s32 $0x0  }
0x1d9: {  	s6 =	simm.s32 $0xA11A;
	s5 =	simm.s32 $0x0;
	s2 =	simm.s32 @!p1 $0x100  }
.LBB2_42:
0x1da: {  	v0 =	vld.msk [tilespmem:s6+$0x0], $0x1;
	s4 =	sadd.s32 $0xFFFFFFFF, s4;
	s5 =	sadd.s32 s5, s2  }
0x1db: {  	p1 =	sne.s32 s4, $0x0;
	_ =	sdelay $0x3  }
0x1dc: {  	(v2sf) =	vpush v0, $0x0;
	_ =	sdelay $0xe  }
.Ltmp35:
0x1dd: {  	s3 =	spop (v2sf);
	(pc) =	sbr.rel @p1 .LBB2_42-.Ltmp35, $4  }
0x1de: {  	s2 =	simm.s32 $0x0;
	p2 =	sgt.u32 s3, $0x30D78  }
0x1df: {  	s0 =	sadd.s32 $0x40, s0;
	s2 =	simm.s32 @!p2 $0x100;
	s7 =	sand.u32 @!p2 $0x3FFF8, s3  }
0x1e0: {  	s6 =	sadd.s32 $0x1, s6;
	s3 =	sand.u32 @!p2 $0x7, s3;
	s7 =	sadd.s32 @!p2 s1, s7  }
0x1e1: {  	[hbm4b:s7+s3] =	stream.linear.scatter @!p2 [tilespmem:s0], [sflag:$0x5], $0x40, $0x38;
	[tilespmem:$0x1EF88] =	vst v63  }
.LBB2_43:
0x1e2: {  	s0 =	sadd.s32 s5, s2  }
0x1e3: {  	s0 =	sshrl.u32 s0, $0x2  }
.LBB2_44:
0x1e4: {  	s2 =	simm.s32 $0x5  }
0x1e5: {  	_ =	swait.ge [sflag:s2], s0  }
0x1e6: {  	s31 =	ssub.s32 $0x0, s0;
	[sflag:s2] =	ssyncset.done $0x0  }
0x1e7: {  	[sflag:s2] =	ssyncadd.s32 s31  }
0x1e8: {  	[sflag:s2] =	ssyncpa.u1 $0x1  }
.LBB2_45:
0x1e9: {  	s0 =	sor.u32 s14, s15  }
0x1ea: {  	p1 =	sne.s32 s0, $0x0  }
.Ltmp36:
0x1eb: {  	_ = 	snop;
	(pc) =	sbr.rel @p1 .LBB2_60-.Ltmp36, $3  }
0x1ec: {  	_ =	sdelay $0x1  }
0x1ed: {  	[bflag:$0x0] =	sbarrier.arrive $0xFFFF  }
0x1ee: {  	_ =	sfence  }
0x1ef: {  	s0 =	simm.s32 $0x7  }
0x1f0: {  	s2 =	simm.s32 $0x800;
	s3 =	simm.s32 $0xA118;
	[sflag:s0] =	ssyncpa.u1 $0x0  }
0x1f1: {  	[tilespmem:s3], [sflag:$0x7] =	stream.linear.gather [spmem:s2], $0x20, $0x38;
	[tilespmem:$0x1EF88] =	vst v63  }
0x1f2: {  	s30 =	simm.s32 $0xA138;
	s2 =	simm.s32 $0x0  }
0x1f3: {  	[tilespmem:s30], [sflag:$0x7] =	stream.linear.gather [spmem:s2], $0x800, $0x38;
	[tilespmem:$0x1EF88] =	vst v63  }
.Ltmp37:
0x1f4: {  	_ = 	snop;
	(pc) =	sbr.rel .LBB2_47-.Ltmp37, $4  }
0x1f5: {  	_ =	swait.ge [sflag:s0], $0x820  }
0x1f6: {  	[sflag:s0] =	ssyncset.done $0x0  }
0x1f7: {  	s31 =	simm.s32 $0x8;
	[sflag:s0] =	ssyncadd.s32 $0xFFFFF7E0  }
0x1f8: {  	s3 =	simm.s32 $0x0;
	[sflag:s31] =	ssyncpa.u1 $0x0  }
.LBB2_53:
0x1f9: {  	p1 =	slt.u32 s0, $0x30D79  }
0x1fa: {  	s4 =	sand.u32 @p1 $0x3FFF8, s0  }
0x1fb: {  	s0 =	sand.u32 @p1 $0x7, s0;
	s5 =	simm.s32 @p1 $0xA0C8;
	s4 =	sadd.s32 @p1 s1, s4  }
0x1fc: {  	[tilespmem:s5], [sflag:$0x8] =	stream.linear.gather @p1 [hbm4b:s4+s0], $0x40, $0x38;
	[tilespmem:$0x1EF88] =	vst v63  }
0x1fd: {  	s0 =	simm.s32 @p1 $0x8  }
0x1fe: {  	_ =	swait.ge @p1 [sflag:s0], $0x40  }
0x1ff: {  	[sflag:s0] =	ssyncset.done @p1 $0x0  }
0x200: {  	[sflag:s0] =	ssyncadd.s32 @p1 $0xFFFFFFC0  }
0x201: {  	v1 =	vld @p1 [tilespmem:$0xA0C8];
	_ =	sdelay $0x2  }
0x202: {  	s0 =	sshll.u32 @p1 s3, $0x8  }
0x203: {  	s4 =	sshrl.u32 @p1 s0, $0x2  }
0x204: {  	[tilespmem:s4+$0xA138] =	vst.add.f32.msk @p1 $0xffff, v1  }
0x205: {  	v1 =	vld @p1 [tilespmem:$0xA0D8];
	_ =	sdelay $0x4  }
0x206: {  	[tilespmem:s4+$0xA148] =	vst.add.f32.msk @p1 $0xffff, v1  }
0x207: {  	v1 =	vld @p1 [tilespmem:$0xA0E8];
	_ =	sdelay $0x4  }
0x208: {  	[tilespmem:s4+$0xA158] =	vst.add.f32.msk @p1 $0xffff, v1  }
0x209: {  	v1 =	vld @p1 [tilespmem:$0xA0F8];
	_ =	sdelay $0x3  }
0x20a: {  	s5 =	sshll.u32 @!p1 s3, $0x8  }
0x20b: {  	s5 =	smov.u32 @p1 s0;
	[tilespmem:s4+$0xA168] =	vst.add.f32.msk @p1 $0xffff, v1  }
0x20c: {  	s0 =	sshrl.u32 s5, $0x2;
	[tilespmem:s2+$0xA118] =	vst.msk $0x1, v0  }
0x20d: {  	v0 =	vld [tilespmem:s0+$0xA138];
	_ =	sdelay $0x2  }
0x20e: {  	s31 =	sshll.u32 s2, $0x8  }
0x20f: {  	s4 =	sshra.s32 s31, $0x2  }
0x210: {  	[tilespmem:s4+$0xA138] =	vst v0  }
0x211: {  	v0 =	vld [tilespmem:s0+$0xA148];
	_ =	sdelay $0x4  }
0x212: {  	[tilespmem:s4+$0xA148] =	vst v0  }
0x213: {  	v0 =	vld [tilespmem:s0+$0xA158];
	_ =	sdelay $0x4  }
0x214: {  	[tilespmem:s4+$0xA158] =	vst v0  }
0x215: {  	v0 =	vld [tilespmem:s0+$0xA168];
	_ =	sdelay $0x4  }
0x216: {  	s2 =	sadd.s32 $0x1, s2;
	[tilespmem:s4+$0xA168] =	vst v0  }
.LBB2_54:
0x217: {  	s3 =	sadd.s32 $0x1, s3  }
0x218: {  	p1 =	sne.s32 s3, $0x20  }
.Ltmp38:
0x219: {  	_ = 	snop;
	(pc) =	sbr.rel @!p1 .LBB2_55-.Ltmp38, $1  }
0x21a: {  	_ =	sdelay $0x3  }
.LBB2_47:
0x21b: {  	v0 =	vld.msk [tilespmem:s3+$0xA118], $0x1;
	_ =	sdelay $0x4  }
0x21c: {  	(v2sf) =	vpush v0, $0x0;
	_ =	sdelay $0xe  }
0x21d: {  	s0 =	spop (v2sf)  }
0x21e: {  	p1 =	seq.s32 s0, $0xFFFFFFFF  }
.Ltmp39:
0x21f: {  	_ = 	snop;
	(pc) =	sbr.rel @p1 .LBB2_54-.Ltmp39, $1  }
0x220: {  	_ =	sdelay $0x3  }
0x221: {  	p1 =	slt.s32 s2, $0x1  }
.Ltmp40:
0x222: {  	_ = 	snop;
	(pc) =	sbr.rel @p1 .LBB2_53-.Ltmp40, $1  }
0x223: {  	_ =	sdelay $0x3  }
0x224: {  	s4 =	simm.s32 $0xA118;
	p1 =	por $0x0, $0x0  }
0x225: {  	v1 =	vld.msk @!p1 [tilespmem:s4+$0x0], $0x1;
	_ =	sdelay $0x4  }
0x226: {  	(v2sf) =	vpush @!p1 v1, $0x0;
	_ =	sdelay $0xd  }
0x227: {  	p3 =	sne.s32 s2, $0x1  }
.Ltmp41:
0x228: {  	s5 =	spop @!p1 (v2sf);
	(pc) =	sbr.rel @!p3 .LBB2_51-.Ltmp41, $4  }
0x229: {  	p2 =	seq.s32 @!p1 s0, s5  }
0x22a: {  	s5 =	simm.s32 $0x0;
	p2 =	por !p2, p1  }
0x22b: {  	s7 =	simm.s32 $0xFFFFFFFF;
	s5 =	simm.s32 @p2 $0xFFFFFFFF  }
0x22c: {  	s6 =	simm.s32 $0x1;
	s5 =	smov.u32 @p1 s7  }
.LBB2_50:
0x22d: {  	s7 =	smov.u32 s5;
	p1 =	sne.s32 s5, $0xFFFFFFFF  }
0x22e: {  	s4 =	sadd.s32 $0x1, s4;
	s5 =	smov.u32 s6;
	s6 =	sadd.s32 $0x1, s6  }
0x22f: {  	p2 =	sne.s32 s2, s6;
	v1 =	vld.msk @!p1 [tilespmem:s4+$0x0], $0x1;
	_ =	sdelay $0x4  }
0x230: {  	(v2sf) =	vpush @!p1 v1, $0x0;
	_ =	sdelay $0xe  }
.Ltmp42:
0x231: {  	s8 =	spop @!p1 (v2sf);
	(pc) =	sbr.rel @p2 .LBB2_50-.Ltmp42, $4  }
0x232: {  	p3 =	seq.s32 @!p1 s0, s8  }
0x233: {  	p3 =	por !p3, p1  }
0x234: {  	s5 =	simm.s32 @p3 $0xFFFFFFFF  }
0x235: {  	s5 =	smov.u32 @p1 s7  }
.LBB2_51:
0x236: {  	p1 =	seq.s32 s5, $0xFFFFFFFF  }
.Ltmp43:
0x237: {  	_ = 	snop;
	(pc) =	sbr.rel @p1 .LBB2_53-.Ltmp43, $1  }
0x238: {  	_ =	sdelay $0x3  }
0x239: {  	s0 =	sshll.u32 s3, $0x6  }
0x23a: {  	s0 =	sand.u32 $0x3FFFFFC0, s0  }
0x23b: {  	v0 =	vld [tilespmem:s0+$0xA138];
	_ =	sdelay $0x2  }
0x23c: {  	s4 =	sshll.u32 s5, $0x8  }
0x23d: {  	s4 =	sshra.s32 s4, $0x2  }
0x23e: {  	[tilespmem:s4+$0xA138] =	vst.add.f32.msk $0xffff, v0  }
0x23f: {  	v0 =	vld [tilespmem:s0+$0xA148];
	_ =	sdelay $0x4  }
0x240: {  	[tilespmem:s4+$0xA148] =	vst.add.f32.msk $0xffff, v0  }
0x241: {  	v0 =	vld [tilespmem:s0+$0xA158];
	_ =	sdelay $0x4  }
0x242: {  	[tilespmem:s4+$0xA158] =	vst.add.f32.msk $0xffff, v0  }
0x243: {  	v0 =	vld [tilespmem:s0+$0xA168]  }
.Ltmp44:
0x244: {  	_ = 	snop;
	(pc) =	sbr.rel .LBB2_54-.Ltmp44, $2  }
0x245: {  	_ =	sdelay $0x2  }
0x246: {  	[tilespmem:s4+$0xA168] =	vst.add.f32.msk $0xffff, v0  }
.LBB2_55:
0x247: {  	p1 =	slt.s32 s2, $0x1  }
.Ltmp45:
0x248: {  	_ = 	snop;
	(pc) =	sbr.rel @p1 .LBB2_59-.Ltmp45, $3  }
0x249: {  	_ =	sdelay $0x1  }
0x24a: {  	s0 =	simm.s32 $0x8  }
0x24b: {  	[sflag:s0] =	ssyncpa.u1 $0x1;
	s0 =	simm.s32 $0x0  }
0x24c: {  	s3 =	simm.s32 $0xA118  }
0x24d: {  	v0 =	vld.msk [tilespmem:s3+$0x0], $0x1;
	_ =	sdelay $0x4  }
0x24e: {  	(v2sf) =	vpush v0, $0x0;
	_ =	sdelay $0xe  }
0x24f: {  	s2 =	sadd.s32 $0xFFFFFFFF, s2;
	s4 =	spop (v2sf)  }
0x250: {  	p2 =	sne.s32 s2, $0x0;
	p1 =	sgt.u32 s4, $0x30D78  }
.Ltmp46:
0x251: {  	s5 =	sand.u32 @!p1 $0x3FFF8, s4;
	(pc) =	sbr.rel @!p2 .LBB2_58-.Ltmp46, $4  }
0x252: {  	s3 =	simm.s32 $0xA138;
	s4 =	sand.u32 @!p1 $0x7, s4;
	s5 =	sadd.s32 @!p1 s1, s5  }
0x253: {  	[hbm4b:s5+s4] =	stream.linear.scatter @!p1 [tilespmem:s3], [sflag:$0x7], $0x40, $0x38;
	[tilespmem:$0x1EF88] =	vst v63  }
0x254: {  	s5 =	simm.s32 $0x0  }
0x255: {  	s4 =	simm.s32 $0xA119;
	s5 =	simm.s32 @!p1 $0x100  }
.LBB2_57:
0x256: {  	v0 =	vld.msk [tilespmem:s4+$0x0], $0x1;
	s2 =	sadd.s32 $0xFFFFFFFF, s2;
	s0 =	sadd.s32 s0, s5  }
0x257: {  	p1 =	sne.s32 s2, $0x0;
	_ =	sdelay $0x3  }
0x258: {  	(v2sf) =	vpush v0, $0x0;
	_ =	sdelay $0xe  }
.Ltmp47:
0x259: {  	s6 =	spop (v2sf);
	(pc) =	sbr.rel @p1 .LBB2_57-.Ltmp47, $4  }
0x25a: {  	s5 =	simm.s32 $0x0;
	p2 =	sgt.u32 s6, $0x30D78  }
0x25b: {  	s3 =	sadd.s32 $0x40, s3;
	s5 =	simm.s32 @!p2 $0x100;
	s7 =	sand.u32 @!p2 $0x3FFF8, s6  }
0x25c: {  	s4 =	sadd.s32 $0x1, s4;
	s6 =	sand.u32 @!p2 $0x7, s6;
	s7 =	sadd.s32 @!p2 s1, s7  }
0x25d: {  	[hbm4b:s7+s6] =	stream.linear.scatter @!p2 [tilespmem:s3], [sflag:$0x7], $0x40, $0x38;
	[tilespmem:$0x1EF88] =	vst v63  }
.LBB2_58:
0x25e: {  	s0 =	sadd.s32 s0, s5  }
0x25f: {  	s0 =	sshrl.u32 s0, $0x2  }
.LBB2_59:
0x260: {  	s1 =	simm.s32 $0x7  }
0x261: {  	_ =	swait.ge [sflag:s1], s0  }
0x262: {  	s31 =	ssub.s32 $0x0, s0;
	[sflag:s1] =	ssyncset.done $0x0  }
0x263: {  	[sflag:s1] =	ssyncadd.s32 s31  }
0x264: {  	[sflag:s1] =	ssyncpa.u1 $0x1  }
.LBB2_60:
0x265: {  	_ =	sfence;
	s0 =	simm.s32 $0x1  }
0x266: {  	[sflag:s0] =	ssyncpa.u1 $0x1  }
0x267: {  	_ =	strace $0x9000005F  }
0x268: {  	[bflag:$0x2] =	sbarrier.arrive $0xFFFF  }
0x269: {  	s0 =	rddreg [dreg:$0x3]  }
0x26a: {  	s0 =	sadd.s32 @!p0 $0x100000, s0  }
0x26b: {  	[sflag:s0] =	ssyncadd.tile.s32 @!p0 $0x1;
	_ =	shalt  }
.Lfunc_end2:
_tile_overlayer_lowered:
.L_overlay_start_2:
0x26c: {  	(tag) =	ssettag $0x2  }
0x26d: {  	s0 =	rddreg [dreg:$0x0];
	s2 =	stileid.u32  }
0x26e: {  	s1 =	rddreg [dreg:$0x1];
	p0 =	sne.s32 s2, $0x0  }
0x26f: {  	s3 =	rddreg [dreg:$0x2];
	[bflag:$0x3] =	sbarrier.arrive $0xFFFF;
	s2 =	simm.s32 @!p0 $0x1C01  }
0x270: {  	[timem:s3], [sflag:s2] =	dma.local @!p0 [hbm:s0], s1  }
0x271: {  	s0 =	simm.s32 @!p0 $0x1  }
0x272: {  	_ =	swait.ge @!p0 [sflag:s0], s1  }
0x273: {  	s1 =	ssub.s32 @!p0 $0x0, s1;
	[sflag:s0] =	ssyncset.done @!p0 $0x0  }
0x274: {  	[sflag:s0] =	ssyncadd.s32 @!p0 s1  }
0x275: {  	[bflag:$0x3] =	sbarrier.arrive $0xFFFF  }
0x276: {  	_ =	shalt  }

// kernel: scatter_offload_async_start
scs
__scs_entry_jumppad:
0x0: {  	(pc) =	sbr.rel $0x88, $3  }
0x1: {  	(tag) =	ssettag $0x0;
	lr =	simm.s32 $0x1  }
0x2: {  	[smem:$0x3F8E] =	sst lr;
	_ =	strace $0xD0000000  }
0x3: {  	_ = 	snop  }
0x4: {  	_ = 	snop  }
0x5: {  	_ = 	snop  }
0x6: {  	_ = 	snop  }
0x7: {  	_ = 	snop  }
__scs_overlays_trampoline_lowered:
0x8: {  	[smem:$0x3F9D] =	sst s0  }
0x9: {  	[smem:$0x3F9E] =	sst s1  }
0xa: {  	[smem:$0x3F9F] =	sst s2  }
0xb: {  	[smem:$0x3FA0] =	sst s3  }
0xc: {  	[smem:$0x3FA1] =	sst s4  }
0xd: {  	[smem:$0x3FA2] =	sst s5  }
0xe: {  	[smem:$0x3FA3] =	sst s6  }
0xf: {  	[smem:$0x3FA4] =	sst s7  }
0x10: {  	[smem:$0x3FA5] =	sst s8  }
0x11: {  	[smem:$0x3FA6] =	sst s9;
	s0 =	simm.s32 @!p0 $0x0  }
0x12: {  	s1 =	sld [smem:$0x3F8C];
	s0 =	simm.s32 @p0 $0x1  }
0x13: {  	[smem:$0x3FA7] =	sst s0;
	s0 =	simm.s32 @!p1 $0x0  }
0x14: {  	s2 =	sld [smem:$0x3F8B];
	s0 =	simm.s32 @p1 $0x1  }
0x15: {  	[smem:$0x3FA8] =	sst s0;
	s0 =	simm.s32 @!p2 $0x0  }
0x16: {  	s3 =	sld [smem:$0x3FDB];
	s0 =	simm.s32 @p2 $0x1  }
0x17: {  	s4 =	simm.s32 $0x1BF5;
	[smem:$0x3FAA] =	sst s0  }
0x18: {  	s0 =	sld [smem:$0x3F8D];
	_ =	swait.ge [sflag:s4], $0x0  }
0x19: {  	s7 =	sld [smem:$0x3F8E]  }
0x1a: {  	s8 =	sadd.s32 $0xFFFFE003, lr  }
0x1b: {  	s9 =	sadd.s32 $0xFFFFFEF7, lr;
	s5 =	simm.s32 $0xFFFFFFFF;
	p2 =	slt.u32 s8, $0xFFFFF086  }
0x1c: {  	p1 =	slt.u32 s9, $0xF7A;
	s5 =	simm.s32 @!p2 $0x0  }
0x1d: {  	s5 =	simm.s32 @p1 $0x1;
	p0 =	seq.s32 s7, s2  }
0x1e: {  	s7 =	smul.u32 @!p0 $0xF7A, s2;
	p2 =	seq.s32 @!p0 s5, $0x0  }
0x1f: {  	s9 =	smul.u32 $0xF7A, s1;
	s8 =	simm.s32 @!p0 $0x1BF5;
	p2 =	por !p2, p0  }
0x20: {  	[sflag:s8] =	ssyncset.s32 @!p0 $0xFFFFF086;
	s6 =	sadd.s32 @!p0 s3, s7;
	s7 =	simm.s32 @!p0 $0x108  }
0x21: {  	s3 =	sadd.s32 s3, s9;
	s6 =	sadd.s32 @!p0 $0x88, s6;
	s7 =	simm.s32 @p2 $0x1082  }
0x22: {  	[simem:s7], [sflag:s8] =	dma.local @!p0 [hbm:s6], $0xF7A  }
0x23: {  	s9 =	sor.u32 $0xD0000000, s2;
	s6 =	simm.s32 $0x108;
	_ =	swait.ge @!p0 [sflag:s8], $0x0  }
0x24: {  	s3 =	sadd.s32 $0x88, s3;
	s6 =	simm.s32 @!p1 $0x1082;
	[sflag:s4] =	ssyncset.s32 $0xFFFFF086  }
0x25: {  	[simem:s6], [sflag:s4] =	dma.local [hbm:s3], $0xF7A  }
0x26: {  	[smem:$0x3F8E] =	sst s1;
	(tag) =	ssettag s2;
	_ =	strace s9  }
0x27: {  	s1 =	sld [smem:$0x3F9E]  }
0x28: {  	s2 =	sld [smem:$0x3F9F]  }
0x29: {  	s4 =	sld [smem:$0x3FA1]  }
0x2a: {  	p0 =	seq.s32 s5, $0x0;
	s5 =	sld [smem:$0x3FA2]  }
0x2b: {  	s6 =	sld [smem:$0x3FA3]  }
0x2c: {  	s7 =	sld [smem:$0x3FA4]  }
0x2d: {  	s3 =	simm.s32 $0x108;
	s8 =	sld [smem:$0x3FA5]  }
0x2e: {  	s3 =	simm.s32 @!p0 $0x1082;
	s9 =	sld [smem:$0x3FA6]  }
0x2f: {  	lr =	sadd.s32 s0, s3;
	s0 =	sld [smem:$0x3F9D]  }
0x30: {  	s3 =	sld [smem:$0x3FA0]  }
0x31: {  	[smem:$0x3FA9] =	sst s10  }
0x32: {  	s10 =	sld [smem:$0x3FA7];
	_ =	sdelay $0x3  }
0x33: {  	p0 =	seq.s32 s10, $0x1;
	s10 =	sld [smem:$0x3FA9];
	_ =	sdelay $0x3  }
0x34: {  	[smem:$0x3FA9] =	sst s10  }
0x35: {  	s10 =	sld [smem:$0x3FA8];
	_ =	sdelay $0x3  }
0x36: {  	p1 =	seq.s32 s10, $0x1;
	s10 =	sld [smem:$0x3FA9];
	_ =	sdelay $0x3  }
0x37: {  	[smem:$0x3FA9] =	sst s10  }
0x38: {  	s10 =	sld [smem:$0x3FAA]  }
0x39: {  	_ = 	snop;
	(pc) =	sbr.ind lr, $3  }
0x3a: {  	_ = 	snop  }
0x3b: {  	_ = 	snop  }
0x3c: {  	p2 =	seq.s32 s10, $0x1;
	s10 =	sld [smem:$0x3FA9]  }
0x3d: {  	_ =	shalt  }
0x3e: {  	_ =	shalt  }
0x3f: {  	_ =	shalt  }
0x40: {  	_ =	shalt  }
0x41: {  	_ =	shalt  }
0x42: {  	_ =	shalt  }
0x43: {  	_ =	shalt  }
0x44: {  	_ =	shalt  }
0x45: {  	_ =	shalt  }
0x46: {  	_ =	shalt  }
0x47: {  	_ =	shalt  }
0x48: {  	_ =	shalt  }
0x49: {  	_ =	shalt  }
0x4a: {  	_ =	shalt  }
0x4b: {  	_ =	shalt  }
0x4c: {  	_ =	shalt  }
0x4d: {  	_ =	shalt  }
0x4e: {  	_ =	shalt  }
0x4f: {  	_ =	shalt  }
0x50: {  	_ =	shalt  }
0x51: {  	_ =	shalt  }
0x52: {  	_ =	shalt  }
0x53: {  	_ =	shalt  }
0x54: {  	_ =	shalt  }
0x55: {  	_ =	shalt  }
0x56: {  	_ =	shalt  }
0x57: {  	_ =	shalt  }
0x58: {  	_ =	shalt  }
0x59: {  	_ =	shalt  }
0x5a: {  	_ =	shalt  }
0x5b: {  	_ =	shalt  }
0x5c: {  	_ =	shalt  }
0x5d: {  	_ =	shalt  }
0x5e: {  	_ =	shalt  }
0x5f: {  	_ =	shalt  }
0x60: {  	_ =	shalt  }
0x61: {  	_ =	shalt  }
0x62: {  	_ =	shalt  }
0x63: {  	_ =	shalt  }
0x64: {  	_ =	shalt  }
0x65: {  	_ =	shalt  }
0x66: {  	_ =	shalt  }
0x67: {  	_ =	shalt  }
0x68: {  	_ =	shalt  }
0x69: {  	_ =	shalt  }
0x6a: {  	_ =	shalt  }
0x6b: {  	_ =	shalt  }
0x6c: {  	_ =	shalt  }
0x6d: {  	_ =	shalt  }
0x6e: {  	_ =	shalt  }
0x6f: {  	_ =	shalt  }
0x70: {  	_ =	shalt  }
0x71: {  	_ =	shalt  }
0x72: {  	_ =	shalt  }
0x73: {  	_ =	shalt  }
0x74: {  	_ =	shalt  }
0x75: {  	_ =	shalt  }
0x76: {  	_ =	shalt  }
0x77: {  	_ =	shalt  }
0x78: {  	_ =	shalt  }
0x79: {  	_ =	shalt  }
0x7a: {  	_ =	shalt  }
0x7b: {  	_ =	shalt  }
0x7c: {  	_ =	shalt  }
0x7d: {  	_ =	shalt  }
0x7e: {  	_ =	shalt  }
0x7f: {  	_ =	shalt  }
0x80: {  	_ =	shalt  }
0x81: {  	_ =	shalt  }
0x82: {  	_ =	shalt  }
0x83: {  	_ =	shalt  }
0x84: {  	_ =	shalt  }
0x85: {  	_ =	shalt  }
0x86: {  	_ =	shalt  }
0x87: {  	_ =	shalt  }
.Lfunc_end0:
.L_simem_size_0:
called_computation_lowered:
.L_overlay_start_0:
0x88: {  	s2 =	sld [smem:$0x3FD9]  }
0x89: {  	s3 =	sld [smem:$0x3FFE];
	_ =	sdelay $0x1  }
0x8a: {  	s1 =	srdreg.scid  }
0x8b: {  	s0 =	sand.u32 $0x1, s1  }
0x8c: {  	s12 =	sshll.u32 s0, $0xA;
	s2 =	sadd.s32 s3, s2  }
0x8d: {  	s2 =	sadd.s32 s2, s12  }
0x8e: {  	[smem:$0x3FB5] =	sst s2  }
0x8f: {  	_ = 	snop  }
0x90: {  	(tm) =	ssettm $0x1  }
0x91: {  	s13 =	sld [smem:$0x3FFB];
	_ =	sdelay $0x3  }
0x92: {  	_ =	strace s13  }
0x93: {  	s2 =	sld [smem:$0x3FFC];
	_ =	sdelay $0x3  }
0x94: {  	_ =	strace s2  }
0x95: {  	s2 =	sld [smem:$0x3FFD];
	_ =	sdelay $0x3  }
0x96: {  	_ =	strace s2  }
0x97: {  	_ =	strace $0x8FFFFFFF  }
0x98: {  	s14 =	sld [smem:$0x3FDB];
	_ =	sdelay $0x1  }
0x99: {  	s15 =	simm.s32 $_scs_section_size  }
0x9a: {  	s4 =	simm.s32 $_size__tile_overlayer_lowered;
	s5 =	simm.s32 $_tile_overlayer_lowered  }
0x9b: {  	s19 =	simm.s32 $0x1BFF;
	s17 =	sshll.u32 s5, $0x1;
	s6 =	sadd.s32 s15, s14  }
0x9c: {  	s20 =	simm.s32 $0x0;
	s16 =	sshll.u32 s4, $0x1;
	s18 =	sadd.s32 s17, s6  }
0x9d: {  	[timem:s20], [sflag:s19] =	dma.local [hbm:s18], s16  }
0x9e: {  	_ =	swait.ge [sflag:s19], s16  }
0x9f: {  	s3 =	ssub.s32 $0x0, s16;
	[sflag:s19] =	ssyncset.done $0x0  }
0xa0: {  	[sflag:s19] =	ssyncadd.s32 s3;
	_ =	sdelay $0x1  }
0xa1: {  	s21 =	simm.s32 $0x1B8B  }
0xa2: {  	_ =	swait.ge [sflag:s21], $0x1  }
0xa3: {  	[sflag:s21] =	ssyncset.done $0x0  }
0xa4: {  	[sflag:s21] =	ssyncadd.s32 $0xFFFFFFFF  }
0xa5: {  	s3 =	sld [smem:$0x0]  }
0xa6: {  	s4 =	sand.u32 $0xFFFFFFFE, s1  }
0xa7: {  	p0 =	sne.s32 s1, s4  }
0xa8: {  	s4 =	sshll.u32 @p0 s4, $0xE  }
0xa9: {  	s5 =	sadd.s32 @p0 $0x11B8D, s4;
	s7 =	sshll.u32 @p0 s3, $0x11  }
0xaa: {  	s5 =	sor.u32 @p0 s7, s5  }
0xab: {  	[sflag:s5] =	ssyncadd.remote.s32 @p0 $0x1;
	_ =	sdelay $0x1  }
0xac: {  	s5 =	simm.s32 @p0 $0x1B8D  }
0xad: {  	_ =	swait.eq @p0 [sflag:s5], $0x1  }
0xae: {  	[sflag:s5] =	ssyncadd.s32 @p0 $0xFFFFFFFF  }
0xaf: {  	s7 =	sshll.u32 @!p0 s1, $0xE  }
0xb0: {  	s7 =	sor.u32 @!p0 $0x4000, s7;
	s5 =	simm.s32 @!p0 $0x1B8D  }
0xb1: {  	s9 =	sshll.u32 @!p0 s3, $0x11;
	s8 =	sadd.s32 @!p0 $0x11B8D, s7;
	_ =	swait.eq @!p0 [sflag:s5], $0x1  }
0xb2: {  	[sflag:s5] =	ssyncadd.s32 @!p0 $0xFFFFFFFF;
	s5 =	sor.u32 @!p0 s9, s8  }
0xb3: {  	s23 =	simm.s32 $0x1B8E;
	s22 =	sld [smem:$0x3FFE];
	[sflag:s5] =	ssyncadd.remote.s32 @!p0 $0x1  }
0xb4: {  	s24 =	simm.s32 $execute0_lowered;
	[smem:$0x3FD2] =	sst s23  }
0xb5: {  	s8 =	sshll.u32 s24, $0x1;
	_ =	strace $0x80000052;
	[dreg:$0x1] =	wrdreg $0xFFFFFFFF  }
0xb6: {  	s25 =	simm.s32 $_size_execute0_lowered;
	s8 =	sadd.s32 s6, s8;
	[dreg:$0x0] =	wrdreg $0x0  }
0xb7: {  	s9 =	sshll.u32 s25, $0x1;
	[dreg:$0x2] =	wrdreg s8  }
0xb8: {  	[dreg:$0x3] =	wrdreg s9  }
0xb9: {  	[dreg:$0x4] =	wrdreg $0xC0  }
0xba: {  	s26 =	simm.s32 $execute1_lowered;
	_ =	task [dreg:s20], $0x5FFFF  }
0xbb: {  	s8 =	sshll.u32 s26, $0x1;
	[dreg:$0x1] =	wrdreg $0xFFFFFFFF  }
0xbc: {  	s6 =	sadd.s32 s6, s8;
	[dreg:$0x0] =	wrdreg $0x60  }
0xbd: {  	[dreg:$0x2] =	wrdreg s6  }
0xbe: {  	[dreg:$0x3] =	wrdreg s22  }
0xbf: {  	[dreg:$0x4] =	wrdreg $0x9  }
0xc0: {  	_ =	task.clear_ibuf [dreg:s20], $0x5FFFF;
	_ =	strace $0x90000052  }
0xc1: {  	s28 =	simm.s32 $0x9;
	_ =	strace $0x80000054  }
0xc2: {  	_ =	swait.ge [sflag:s28], $0x1  }
0xc3: {  	[sflag:s28] =	ssyncadd.s32 $0xFFFFFFFF  }
0xc4: {  	_ =	strace $0x90000054  }
0xc5: {  	s6 =	sld [smem:$0x0];
	_ =	sdelay $0x3  }
0xc6: {  	s4 =	sadd.s32 @p0 $0x11BF3, s4;
	s8 =	sshll.u32 @p0 s6, $0x11  }
0xc7: {  	s4 =	sor.u32 @p0 s8, s4  }
0xc8: {  	[sflag:s4] =	ssyncadd.remote.s32 @p0 $0x1;
	_ =	sdelay $0x1  }
0xc9: {  	s4 =	simm.s32 @p0 $0x1BF3  }
0xca: {  	_ =	swait.eq @p0 [sflag:s4], $0x1  }
0xcb: {  	[sflag:s4] =	ssyncadd.s32 @p0 $0xFFFFFFFF;
	_ =	sdelay $0x1  }
0xcc: {  	s4 =	simm.s32 @!p0 $0x1BF3  }
0xcd: {  	s7 =	sadd.s32 @!p0 $0x11BF3, s7;
	s6 =	sshll.u32 @!p0 s6, $0x11;
	_ =	swait.eq @!p0 [sflag:s4], $0x1  }
0xce: {  	[sflag:s4] =	ssyncadd.s32 @!p0 $0xFFFFFFFF;
	s4 =	sor.u32 @!p0 s6, s7  }
0xcf: {  	[sflag:s4] =	ssyncadd.remote.s32 @!p0 $0x1  }
0xd0: {  	_ =	strace $0x80000055;
	[dreg:$0x1] =	wrdreg $0xFFFFFFFF  }
0xd1: {  	[dreg:$0x0] =	wrdreg $0x2030  }
0xd2: {  	[dreg:$0x2] =	wrdreg s22  }
0xd3: {  	[dreg:$0x3] =	wrdreg s1  }
0xd4: {  	[dreg:$0x4] =	wrdreg s3  }
0xd5: {  	[dreg:$0x5] =	wrdreg $0xA  }
0xd6: {  	_ =	task.clear_ibuf [dreg:s20], $0x6FFFF;
	_ =	strace $0x90000055  }
0xd7: {  	s29 =	simm.s32 $0xA;
	_ =	strace $0x80000057  }
0xd8: {  	_ =	swait.ge [sflag:s29], $0x1  }
0xd9: {  	[sflag:s29] =	ssyncadd.s32 $0xFFFFFFFF  }
0xda: {  	_ =	strace $0x90000057  }
0xdb: {  	_ =	sfence  }
0xdc: {  	s30 =	sld [smem:$0x0];
	_ =	sdelay $0x2  }
0xdd: {  	s31 =	sshll.u32 s1, $0xD;
	s1 =	sshrl.u32 s1, $0x2  }
0xde: {  	s4 =	sand.u32 $0x4000, s31;
	s1 =	sadd.s32 s1, s30  }
0xdf: {  	s0 =	sor.u32 s4, s0;
	s1 =	sshll.u32 s1, $0x11  }
0xe0: {  	s0 =	sor.u32 s1, s0  }
0xe1: {  	s0 =	sadd.s32 $0x8F2B, s0  }
0xe2: {  	[sflag:s0] =	ssyncadd.remote.s32 $0x1  }
0xe3: {  	_ =	sfence.sel $0xFFFF  }
0xe4: {  	[dreg:$0x0] =	wrdreg $0xFFFFFFFF;
	(pc) =	sbr.abs _section_cstart, $3  }
0xe5: {  	[dreg:$0x1] =	wrdreg $0xFFFFFFFF  }
0xe6: {  	_ =	task.clear_ibuf [dreg:s20], $0x2FFFF;
	_ =	strace $0x9FFFFFFF  }
0xe7: {  	(tm) =	ssettm $0x7FFFFFFF  }
tec
execute0_lowered:
.L_overlay_start_1:
0x0: {  	(tag) =	ssettag $0x1  }
0x1: {  	s0 =	rddreg [dreg:$0x0]  }
0x2: {  	s1 =	rddreg [dreg:$0x1]  }
0x3: {  	s2 =	stileid.u32;
	[bflag:$0x3] =	sbarrier.arrive $0xFFFF;
	s3 =	simm.s32 $_size_execute1_lowered  }
0x4: {  	s26 =	srdreg.scid;
	s29 =	simm.s32 $0x1;
	s31 =	simm.s32 $0x2  }
0x5: {  	s14 =	simm.s32 $0x0;
	p0 =	sne.s32 s2, $0x0;
	s5 =	sshll.u32 s3, $0x1  }
0x6: {  	s3 =	simm.s32 @!p0 $0x1C3F;
	s4 =	simm.s32 @!p0 $0x4060;
	[dreg:$0x4] =	wrdreg s5  }
0x7: {  	[timem:s4], [sflag:s3] =	dma.local @!p0 [hbm:s0], s5  }
0x8: {  	s2 =	sshll.u32 s2, $0x6;
	s7 =	sadd.s32 $0x2B6D000, s1;
	s0 =	sshll.u32 s26, $0x5  }
0x9: {  	s28 =	sadd.s32 $0x2C30600, s1;
	s0 =	sand.u32 $0x20, s0;
	_ =	strace $0x80000053  }
.Ltmp0:
0xa: {  	[dreg:$0x7] =	wrdreg s28;
	s8 =	sor.u32 s2, s0;
	(pc) =	sbr.rel .LBB2_1-.Ltmp0, $4  }
0xb: {  	s12 =	simm.s32 $0x0;
	[dreg:$0x5] =	wrdreg s7;
	s30 =	ssub.s32 $0x30C0, s8  }
0xc: {  	s13 =	simm.s32 $0x0;
	[dreg:$0x6] =	wrdreg s8;
	s9 =	sshrl.u32 s30, $0xA  }
0xd: {  	[sflag:s29] =	ssyncpa.u1 $0x0;
	s10 =	sadd.s32 $0x2, s9;
	[dreg:$0x8] =	wrdreg s9  }
0xe: {  	[sflag:s31] =	ssyncpa.u1 $0x0;
	s11 =	smov.u32 s8;
	[dreg:$0x9] =	wrdreg s10  }
.LBB2_4:
0xf: {  	_ = 	snop  }
.LBB2_9:
0x10: {  	_ =	sdelay $0x3  }
0x11: {  	[tilespmem:v0+s24+$0x0 ss:$0x1] =	vst.idx.msk @p1 $0xffff, v2  }
0x12: {  	s0 =	sor.u32 s1, s0;
	v2 =	vld.idx.msk @p1 [tilespmem:v1+s30+$0x0 ss:$0x1], $0xffff;
	[tilespmem:v0+s25+$0x0 ss:$0x1] =	vst.idx.msk @p1 $0xffff, v3  }
0x13: {  	s15 =	sand.u32 $0x180, s15;
	v3 =	vld.idx.msk @p1 [tilespmem:v1+s4+$0x0 ss:$0x1], $0xffff;
	[tilespmem:v0+s20+$0x0 ss:$0x1] =	vst.idx.msk @p1 $0xffff, v7;
	s2 =	sand.u32 $0x3200, s0  }
0x14: {  	[tilespmem:v0+s26+$0x0 ss:$0x1] =	vst.idx.msk @p1 $0xffff, v4;
	v4 =	vld.idx.msk @p1 [tilespmem:v1+s3+$0x0 ss:$0x1], $0xffff;
	s0 =	sand.u32 $0x3380, s0;
	s1 =	sor.u32 s15, s2  }
0x15: {  	[tilespmem:v0+s23+$0x0 ss:$0x1] =	vst.idx.msk @p1 $0xffff, v5;
	s25 =	sor.u32 $0x410, s0;
	v36 =	vld.idx.msk [tilespmem:v1+s1+$0x0 ss:$0x1], $0xffff  }
0x16: {  	s26 =	sor.u32 $0x420, s0;
	[tilespmem:v0+s22+$0x0 ss:$0x1] =	vst.idx.msk @p1 $0xffff, v6;
	v43 =	vld.idx.msk [tilespmem:v1+s25+$0x0 ss:$0x1], $0xffff  }
0x17: {  	s15 =	smov.u32 s4;
	s28 =	sor.u32 $0x430, s0;
	v44 =	vld.idx.msk [tilespmem:v1+s26+$0x0 ss:$0x1], $0xffff;
	[tilespmem:v0+s30+$0x0 ss:$0x1] =	vst.idx.msk @p1 $0xffff, v2  }
0x18: {  	s6 =	smov.u32 s3;
	s29 =	sor.u32 $0x440, s0;
	v45 =	vld.idx.msk [tilespmem:v1+s28+$0x0 ss:$0x1], $0xffff;
	[tilespmem:v0+s15+$0x0 ss:$0x1] =	vst.idx.msk @p1 $0xffff, v3  }
0x19: {  	s31 =	sor.u32 $0x460, s0;
	v46 =	vld.idx.msk [tilespmem:v1+s29+$0x0 ss:$0x1], $0xffff;
	[tilespmem:v0+s6+$0x0 ss:$0x1] =	vst.idx.msk @p1 $0xffff, v4  }
0x1a: {  	s2 =	sor.u32 $0xC00, s1;
	v48 =	vld.idx.msk [tilespmem:v1+s31+$0x0 ss:$0x1], $0xffff;
	[tilespmem:v0+s1+$0x0 ss:$0x1] =	vst.idx.msk $0xffff, v36  }
0x1b: {  	s18 =	sor.u32 $0x10, s1;
	v32 =	vld.idx.msk [tilespmem:v1+s2+$0x0 ss:$0x1], $0xffff;
	[tilespmem:v0+s25+$0x0 ss:$0x1] =	vst.idx.msk $0xffff, v43  }
0x1c: {  	s19 =	sor.u32 $0x20, s1;
	v33 =	vld.idx.msk [tilespmem:v1+s18+$0x0 ss:$0x1], $0xffff;
	[tilespmem:v0+s26+$0x0 ss:$0x1] =	vst.idx.msk $0xffff, v44  }
0x1d: {  	s5 =	sor.u32 $0x30, s1;
	v34 =	vld.idx.msk [tilespmem:v1+s19+$0x0 ss:$0x1], $0xffff;
	[tilespmem:v0+s28+$0x0 ss:$0x1] =	vst.idx.msk $0xffff, v45  }
0x1e: {  	s20 =	sor.u32 $0x40, s1;
	v35 =	vld.idx.msk [tilespmem:v1+s5+$0x0 ss:$0x1], $0xffff;
	[tilespmem:v0+s29+$0x0 ss:$0x1] =	vst.idx.msk $0xffff, v46  }
0x1f: {  	s21 =	sor.u32 $0x50, s1;
	v37 =	vld.idx.msk [tilespmem:v1+s20+$0x0 ss:$0x1], $0xffff;
	[tilespmem:v0+s31+$0x0 ss:$0x1] =	vst.idx.msk $0xffff, v48  }
0x20: {  	s22 =	sor.u32 $0x60, s1;
	v38 =	vld.idx.msk [tilespmem:v1+s21+$0x0 ss:$0x1], $0xffff;
	[tilespmem:v0+s2+$0x0 ss:$0x1] =	vst.idx.msk $0xffff, v32  }
0x21: {  	s23 =	sor.u32 $0x70, s1;
	v39 =	vld.idx.msk [tilespmem:v1+s22+$0x0 ss:$0x1], $0xffff;
	[tilespmem:v0+s18+$0x0 ss:$0x1] =	vst.idx.msk $0xffff, v33  }
0x22: {  	s24 =	sor.u32 $0x400, s1;
	v40 =	vld.idx.msk [tilespmem:v1+s23+$0x0 ss:$0x1], $0xffff;
	[tilespmem:v0+s19+$0x0 ss:$0x1] =	vst.idx.msk $0xffff, v34  }
0x23: {  	v41 =	vld.idx.msk [tilespmem:v1+s24+$0x0 ss:$0x1], $0xffff;
	s30 =	sor.u32 $0x450, s0;
	[tilespmem:v0+s5+$0x0 ss:$0x1] =	vst.idx.msk $0xffff, v35  }
0x24: {  	s15 =	sor.u32 $0x470, s0;
	v47 =	vld.idx.msk [tilespmem:v1+s30+$0x0 ss:$0x1], $0xffff;
	[tilespmem:v0+s20+$0x0 ss:$0x1] =	vst.idx.msk $0xffff, v37  }
0x25: {  	v49 =	vld.idx.msk [tilespmem:v1+s15+$0x0 ss:$0x1], $0xffff;
	s1 =	sor.u32 $0x800, s1;
	[tilespmem:v0+s21+$0x0 ss:$0x1] =	vst.idx.msk $0xffff, v38  }
0x26: {  	s25 =	sor.u32 $0xC10, s0;
	v42 =	vld.idx.msk [tilespmem:v1+s1+$0x0 ss:$0x1], $0xffff;
	[tilespmem:v0+s22+$0x0 ss:$0x1] =	vst.idx.msk $0xffff, v39  }
0x27: {  	s26 =	sor.u32 $0xC20, s0;
	[tilespmem:v0+s23+$0x0 ss:$0x1] =	vst.idx.msk $0xffff, v40;
	v57 =	vld.idx.msk [tilespmem:v1+s25+$0x0 ss:$0x1], $0xffff  }
0x28: {  	s28 =	sor.u32 $0xC30, s0;
	[tilespmem:v0+s24+$0x0 ss:$0x1] =	vst.idx.msk $0xffff, v41;
	v58 =	vld.idx.msk [tilespmem:v1+s26+$0x0 ss:$0x1], $0xffff  }
0x29: {  	s29 =	sor.u32 $0xC40, s0;
	v59 =	vld.idx.msk [tilespmem:v1+s28+$0x0 ss:$0x1], $0xffff;
	[tilespmem:v0+s30+$0x0 ss:$0x1] =	vst.idx.msk $0xffff, v47  }
0x2a: {  	s31 =	sor.u32 $0xC60, s0;
	v60 =	vld.idx.msk [tilespmem:v1+s29+$0x0 ss:$0x1], $0xffff;
	[tilespmem:v0+s15+$0x0 ss:$0x1] =	vst.idx.msk $0xffff, v49  }
0x2b: {  	s18 =	sor.u32 $0x810, s0;
	v62 =	vld.idx.msk [tilespmem:v1+s31+$0x0 ss:$0x1], $0xffff;
	[tilespmem:v0+s1+$0x0 ss:$0x1] =	vst.idx.msk $0xffff, v42  }
0x2c: {  	s19 =	sor.u32 $0x820, s0;
	v50 =	vld.idx.msk [tilespmem:v1+s18+$0x0 ss:$0x1], $0xffff;
	[tilespmem:v0+s25+$0x0 ss:$0x1] =	vst.idx.msk $0xffff, v57  }
0x2d: {  	s20 =	sor.u32 $0x830, s0;
	v51 =	vld.idx.msk [tilespmem:v1+s19+$0x0 ss:$0x1], $0xffff;
	[tilespmem:v0+s26+$0x0 ss:$0x1] =	vst.idx.msk $0xffff, v58  }
0x2e: {  	s21 =	sor.u32 $0x840, s0;
	v52 =	vld.idx.msk [tilespmem:v1+s20+$0x0 ss:$0x1], $0xffff;
	[tilespmem:v0+s28+$0x0 ss:$0x1] =	vst.idx.msk $0xffff, v59  }
0x2f: {  	s22 =	sor.u32 $0x850, s0;
	v53 =	vld.idx.msk [tilespmem:v1+s21+$0x0 ss:$0x1], $0xffff;
	[tilespmem:v0+s29+$0x0 ss:$0x1] =	vst.idx.msk $0xffff, v60  }
0x30: {  	s23 =	sor.u32 $0x860, s0;
	v54 =	vld.idx.msk [tilespmem:v1+s22+$0x0 ss:$0x1], $0xffff;
	[tilespmem:v0+s31+$0x0 ss:$0x1] =	vst.idx.msk $0xffff, v62  }
0x31: {  	s24 =	sor.u32 $0x870, s0;
	v55 =	vld.idx.msk [tilespmem:v1+s23+$0x0 ss:$0x1], $0xffff;
	[tilespmem:v0+s18+$0x0 ss:$0x1] =	vst.idx.msk $0xffff, v50  }
0x32: {  	v56 =	vld.idx.msk [tilespmem:v1+s24+$0x0 ss:$0x1], $0xffff;
	s30 =	sor.u32 $0xC50, s0;
	[tilespmem:v0+s19+$0x0 ss:$0x1] =	vst.idx.msk $0xffff, v51  }
0x33: {  	s0 =	sor.u32 $0xC70, s0;
	v61 =	vld.idx.msk [tilespmem:v1+s30+$0x0 ss:$0x1], $0xffff;
	[tilespmem:v0+s20+$0x0 ss:$0x1] =	vst.idx.msk $0xffff, v52  }
0x34: {  	v63 =	vld.idx.msk [tilespmem:v1+s0+$0x0 ss:$0x1], $0xffff;
	[tilespmem:v0+s21+$0x0 ss:$0x1] =	vst.idx.msk $0xffff, v53  }
0x35: {  	[tilespmem:v0+s22+$0x0 ss:$0x1] =	vst.idx.msk $0xffff, v54  }
0x36: {  	[tilespmem:v0+s23+$0x0 ss:$0x1] =	vst.idx.msk $0xffff, v55  }
0x37: {  	[tilespmem:v0+s24+$0x0 ss:$0x1] =	vst.idx.msk $0xffff, v56  }
0x38: {  	[tilespmem:v0+s30+$0x0 ss:$0x1] =	vst.idx.msk $0xffff, v61  }
0x39: {  	[tilespmem:v0+s0+$0x0 ss:$0x1] =	vst.idx.msk $0xffff, v63  }
.LBB2_10:
0x3a: {  	s0 =	sshll.u32 s12, $0x9;
	s1 =	sshll.u32 s12, $0x7  }
0x3b: {  	s0 =	sand.u32 $0xFFFFF000, s0;
	s1 =	sand.u32 $0x200, s1  }
0x3c: {  	s0 =	sor.u32 s1, s0  }
0x3d: {  	s0 =	sshrl.u32 s0, $0x9  }
0x3e: {  	s28 =	smulhi.u32 $0xA7B7F, s0;
	_ =	sdelay $0x1  }
0x3f: {  	s1 =	sshrl.u32 s28, $0x1  }
0x40: {  	s1 =	smul.u32 $0x30D8, s1  }
0x41: {  	s2 =	sshll.u32 s12, $0x4  }
0x42: {  	s30 =	rddreg [dreg:$0x7];
	s29 =	sand.u32 $0x30, s2;
	s0 =	ssub.s32 s0, s1  }
0x43: {  	s1 =	sadd.s32 s30, s29;
	s0 =	sshll.u32 s0, $0x6  }
0x44: {  	s31 =	simm.s32 $0x0;
	s0 =	sadd.s32 s0, s1  }
0x45: {  	[hbm4b:s0+s31] =	stream.linear.scatter [tilespmem:s17], [sflag:$0x2], s16, $0x38;
	[tilespmem:$0x10000] =	vst v63  }
.LBB2_11:
0x46: {  	p1 =	slt.u32 s13, $0x2  }
0x47: {  	p2 =	sgt.s32 @!p1 s14, $0x30B8  }
0x48: {  	s0 =	smov.u32 s14;
	s1 =	sshra.s32 @!p1 s14, $0x1F;
	p2 =	por !p2, p1  }
0x49: {  	s1 =	sand.u32 @!p1 s1, s14;
	s0 =	simm.s32 @p2 $0x30B8  }
0x4a: {  	s0 =	ssub.s32 @!p1 s0, s1  }
0x4b: {  	s0 =	sadd.s32 @!p1 $0xFFFFCF48, s0  }
0x4c: {  	s1 =	sshll.u32 @!p1 s0, $0xB  }
0x4d: {  	p2 =	sgt.s32 @!p1 s0, $0x1F;
	s0 =	ssub.s32 @!p1 $0x10000, s1  }
0x4e: {  	s2 =	sadd.s32 $0x400, s11;
	p2 =	por !p2, p1;
	s0 =	sshrl.u32 @!p1 s0, $0x2  }
0x4f: {  	s0 =	simm.s32 @!p2 $0x0;
	p2 =	sgt.s32 s2, $0x30D3  }
0x50: {  	s2 =	smov.u32 @p2 s8;
	p2 =	sne.s32 s13, s10  }
.Ltmp1:
0x51: {  	_ = 	snop;
	(pc) =	sbr.rel @!p2 .LBB2_12-.Ltmp1, $4  }
0x52: {  	s1 =	simm.s32 @!p1 $0x2  }
0x53: {  	s14 =	smov.u32 s12;
	_ =	swait.ge @!p1 [sflag:s1], s0  }
0x54: {  	s12 =	smov.u32 s11;
	s0 =	ssub.s32 @!p1 $0x0, s0;
	[sflag:s1] =	ssyncset.done @!p1 $0x0  }
0x55: {  	s13 =	sadd.s32 $0x1, s13;
	s11 =	smov.u32 s2;
	[sflag:s1] =	ssyncadd.s32 @!p1 s0  }
.LBB2_1:
0x56: {  	p1 =	sgt.u32 s13, s9  }
0x57: {  	s0 =	sshll.u32 @!p1 s11, $0x9;
	s1 =	sshll.u32 @!p1 s11, $0x7  }
0x58: {  	s0 =	sand.u32 @!p1 $0xFFFFF000, s0;
	s1 =	sand.u32 @!p1 $0x200, s1  }
0x59: {  	s0 =	sor.u32 @!p1 s1, s0  }
0x5a: {  	s2 =	smov.u32 s11;
	p2 =	sgt.s32 @!p1 s11, $0x30B8;
	s0 =	sshrl.u32 @!p1 s0, $0x9  }
0x5b: {  	s3 =	sshra.s32 @!p1 s11, $0x1F;
	p2 =	por !p2, p1;
	s1 =	smulhi.u32 @!p1 $0xA7B7F, s0  }
0x5c: {  	s3 =	sand.u32 @!p1 s3, s11;
	s2 =	simm.s32 @p2 $0x30B8  }
0x5d: {  	s2 =	ssub.s32 @!p1 s2, s3;
	s3 =	sxor.u32 @!p1 $0xFFFFFFFF, s13;
	s1 =	sshrl.u32 @!p1 s1, $0x1  }
0x5e: {  	s2 =	sadd.s32 @!p1 $0xFFFFCF48, s2;
	s3 =	sshll.u32 @!p1 s3, $0xE;
	s1 =	smul.u32 @!p1 $0x30D8, s1  }
0x5f: {  	p2 =	sgt.s32 @!p1 s2, $0x1F;
	s3 =	sand.u32 @!p1 $0x4000, s3  }
0x60: {  	s0 =	ssub.s32 @!p1 s0, s1;
	s1 =	sshll.u32 @!p1 s2, $0xB;
	s2 =	sshll.u32 @!p1 s11, $0x4  }
0x61: {  	p2 =	por !p2, p1;
	s1 =	ssub.s32 @!p1 $0x10000, s1;
	s2 =	sand.u32 @!p1 $0x30, s2  }
0x62: {  	s0 =	sshll.u32 @!p1 s0, $0x6;
	s1 =	sshrl.u32 @!p1 s1, $0x2;
	s2 =	sadd.s32 @!p1 s7, s2  }
0x63: {  	s1 =	simm.s32 @!p2 $0x0;
	s0 =	sadd.s32 @!p1 s0, s2;
	s2 =	simm.s32 @!p1 $0x0  }
0x64: {  	[tilespmem:s3], [sflag:$0x1] =	stream.linear.gather @!p1 [hbm4b:s0+s2], s1, $0x38;
	[tilespmem:$0x10000] =	vst v63  }
0x65: {  	p1 =	seq.s32 s13, $0x0  }
0x66: {  	p2 =	sge.u32 @!p1 s13, s10  }
0x67: {  	p1 =	por p1, p2  }
.Ltmp2:
0x68: {  	_ = 	snop;
	(pc) =	sbr.rel @p1 .LBB2_11-.Ltmp2, $1  }
0x69: {  	_ =	sdelay $0x3  }
0x6a: {  	p1 =	sgt.s32 s12, $0x30B8;
	s0 =	smov.u32 s12;
	s1 =	sshra.s32 s12, $0x1F  }
0x6b: {  	s0 =	simm.s32 @!p1 $0x30B8;
	s1 =	sand.u32 s1, s12  }
0x6c: {  	s0 =	ssub.s32 s0, s1  }
0x6d: {  	s0 =	sadd.s32 $0xFFFFCF48, s0  }
0x6e: {  	s30 =	sshll.u32 s0, $0xB  }
0x6f: {  	s1 =	ssub.s32 $0x10000, s30  }
0x70: {  	p1 =	sgt.s32 s0, $0x1F;
	s0 =	sadd.s32 $0x20, s12;
	s16 =	sshrl.u32 s1, $0x2  }
0x71: {  	s16 =	simm.s32 @p1 $0x0;
	p1 =	slt.s32 s0, $0x30D4  }
0x72: {  	s0 =	simm.s32 @!p1 $0x30D4  }
0x73: {  	s2 =	ssub.s32 s0, s12  }
0x74: {  	p1 =	slt.s32 s2, $0x1  }
.Ltmp3:
0x75: {  	_ = 	snop;
	(pc) =	sbr.rel @p1 .LBB2_10-.Ltmp3, $4  }
0x76: {  	s4 =	simm.s32 $0x1  }
0x77: {  	s31 =	sshll.u32 s13, $0xE;
	_ =	swait.ge [sflag:s4], s16  }
0x78: {  	s1 =	sand.u32 $0x4000, s31;
	s3 =	ssub.s32 $0x0, s16;
	[sflag:s4] =	ssyncset.done $0x0  }
0x79: {  	s17 =	sor.u32 $0x8000, s1;
	[sflag:s4] =	ssyncadd.s32 s3  }
0x7a: {  	p2 =	sne.s32 s2, $0x1  }
.Ltmp4:
0x7b: {  	_ = 	snop;
	(pc) =	sbr.rel @!p2 .LBB2_4-.Ltmp4, $3  }
0x7c: {  	_ =	sdelay $0x1  }
0x7d: {  	s15 =	simm.s32 $0x0;
	v1 =	vmov s1;
	v0 =	vmov s17;
	s21 =	sadd.s32 $0xFFFFFFFF, s2  }
0x7e: {  	p1 =	por $0x0, $0x0;
	s0 =	sand.u32 $0xFFFFF000, s15;
	s1 =	sand.u32 $0x380, s15  }
0x7f: {  	[dreg:$0xf] =	wrdreg s17  }
0x80: {  	[dreg:$0xe] =	wrdreg s16  }
0x81: {  	[dreg:$0xd] =	wrdreg s14  }
0x82: {  	[dreg:$0xc] =	wrdreg s13;
	s0 =	sor.u32 s1, s0  }
0x83: {  	[dreg:$0xb] =	wrdreg s12;
	s29 =	sand.u32 $0x180, s15;
	s2 =	sand.u32 $0x3200, s0  }
0x84: {  	[dreg:$0xa] =	wrdreg s11;
	s0 =	sand.u32 $0x3380, s0;
	s1 =	sor.u32 s29, s2  }
0x85: {  	s28 =	sor.u32 $0x830, s0;
	v2 =	vld.idx.msk [tilespmem:v1+s1+$0x0 ss:$0x1], $0xffff  }
0x86: {  	s29 =	sor.u32 $0x840, s0;
	v9 =	vld.idx.msk [tilespmem:v1+s28+$0x0 ss:$0x1], $0xffff  }
0x87: {  	s2 =	sor.u32 $0xC00, s1;
	v10 =	vld.idx.msk [tilespmem:v1+s29+$0x0 ss:$0x1], $0xffff  }
0x88: {  	s3 =	sor.u32 $0x10, s1;
	v3 =	vld.idx.msk [tilespmem:v1+s2+$0x0 ss:$0x1], $0xffff  }
0x89: {  	s4 =	sor.u32 $0x20, s1;
	v4 =	vld.idx.msk [tilespmem:v1+s3+$0x0 ss:$0x1], $0xffff  }
0x8a: {  	s5 =	sor.u32 $0x30, s1;
	v5 =	vld.idx.msk [tilespmem:v1+s4+$0x0 ss:$0x1], $0xffff  }
0x8b: {  	s6 =	sor.u32 $0x40, s1;
	v6 =	vld.idx.msk [tilespmem:v1+s5+$0x0 ss:$0x1], $0xffff;
	[tilespmem:v0+s1+$0x0 ss:$0x1] =	vst.idx.msk $0xffff, v2  }
0x8c: {  	s8 =	sor.u32 $0x60, s1;
	v7 =	vld.idx.msk [tilespmem:v1+s6+$0x0 ss:$0x1], $0xffff;
	[tilespmem:v0+s28+$0x0 ss:$0x1] =	vst.idx.msk $0xffff, v9  }
0x8d: {  	s7 =	sor.u32 $0x50, s1;
	v8 =	vld.idx.msk [tilespmem:v1+s8+$0x0 ss:$0x1], $0xffff;
	[tilespmem:v0+s29+$0x0 ss:$0x1] =	vst.idx.msk $0xffff, v10  }
0x8e: {  	s31 =	sor.u32 $0x70, s1;
	v2 =	vld.idx.msk [tilespmem:v1+s7+$0x0 ss:$0x1], $0xffff;
	[tilespmem:v0+s2+$0x0 ss:$0x1] =	vst.idx.msk $0xffff, v3  }
0x8f: {  	s9 =	sor.u32 $0x400, s1;
	[tilespmem:v0+s3+$0x0 ss:$0x1] =	vst.idx.msk $0xffff, v4;
	v3 =	vld.idx.msk [tilespmem:v1+s31+$0x0 ss:$0x1], $0xffff  }
0x90: {  	s1 =	sor.u32 $0x800, s1;
	[tilespmem:v0+s4+$0x0 ss:$0x1] =	vst.idx.msk $0xffff, v5;
	v4 =	vld.idx.msk [tilespmem:v1+s9+$0x0 ss:$0x1], $0xffff  }
0x91: {  	s10 =	sor.u32 $0x410, s0;
	[tilespmem:v0+s5+$0x0 ss:$0x1] =	vst.idx.msk $0xffff, v6;
	v5 =	vld.idx.msk [tilespmem:v1+s1+$0x0 ss:$0x1], $0xffff  }
0x92: {  	s12 =	sor.u32 $0x430, s0;
	[tilespmem:v0+s6+$0x0 ss:$0x1] =	vst.idx.msk $0xffff, v7;
	v6 =	vld.idx.msk [tilespmem:v1+s10+$0x0 ss:$0x1], $0xffff  }
0x93: {  	s16 =	sor.u32 $0x460, s0;
	[tilespmem:v0+s8+$0x0 ss:$0x1] =	vst.idx.msk $0xffff, v8;
	v7 =	vld.idx.msk [tilespmem:v1+s12+$0x0 ss:$0x1], $0xffff  }
0x94: {  	s11 =	sor.u32 $0x420, s0;
	v8 =	vld.idx.msk [tilespmem:v1+s16+$0x0 ss:$0x1], $0xffff;
	[tilespmem:v0+s7+$0x0 ss:$0x1] =	vst.idx.msk $0xffff, v2  }
0x95: {  	s13 =	sor.u32 $0x440, s0;
	v2 =	vld.idx.msk [tilespmem:v1+s11+$0x0 ss:$0x1], $0xffff;
	[tilespmem:v0+s31+$0x0 ss:$0x1] =	vst.idx.msk $0xffff, v3  }
0x96: {  	s14 =	sor.u32 $0x450, s0;
	v3 =	vld.idx.msk [tilespmem:v1+s13+$0x0 ss:$0x1], $0xffff;
	[tilespmem:v0+s9+$0x0 ss:$0x1] =	vst.idx.msk $0xffff, v4  }
0x97: {  	s17 =	sor.u32 $0x470, s0;
	v4 =	vld.idx.msk [tilespmem:v1+s14+$0x0 ss:$0x1], $0xffff;
	[tilespmem:v0+s1+$0x0 ss:$0x1] =	vst.idx.msk $0xffff, v5  }
0x98: {  	s18 =	sor.u32 $0x810, s0;
	[tilespmem:v0+s10+$0x0 ss:$0x1] =	vst.idx.msk $0xffff, v6;
	v5 =	vld.idx.msk [tilespmem:v1+s17+$0x0 ss:$0x1], $0xffff  }
0x99: {  	s19 =	sor.u32 $0x820, s0;
	v6 =	vld.idx.msk [tilespmem:v1+s18+$0x0 ss:$0x1], $0xffff;
	[tilespmem:v0+s12+$0x0 ss:$0x1] =	vst.idx.msk $0xffff, v7  }
0x9a: {  	v7 =	vld.idx.msk [tilespmem:v1+s19+$0x0 ss:$0x1], $0xffff;
	s31 =	sor.u32 $0x850, s0;
	[tilespmem:v0+s16+$0x0 ss:$0x1] =	vst.idx.msk $0xffff, v8  }
0x9b: {  	s24 =	sor.u32 $0x860, s0;
	v8 =	vld.idx.msk [tilespmem:v1+s31+$0x0 ss:$0x1], $0xffff;
	[tilespmem:v0+s11+$0x0 ss:$0x1] =	vst.idx.msk $0xffff, v2  }
0x9c: {  	p2 =	sne.s32 s21, $0x1;
	s25 =	sor.u32 $0x870, s0;
	v2 =	vld.idx.msk [tilespmem:v1+s24+$0x0 ss:$0x1], $0xffff;
	[tilespmem:v0+s13+$0x0 ss:$0x1] =	vst.idx.msk $0xffff, v3  }
.Ltmp5:
0x9d: {  	s26 =	sor.u32 $0xC10, s0;
	[tilespmem:v0+s14+$0x0 ss:$0x1] =	vst.idx.msk $0xffff, v4;
	v3 =	vld.idx.msk [tilespmem:v1+s25+$0x0 ss:$0x1], $0xffff;
	(pc) =	sbr.rel @!p2 .LBB2_6-.Ltmp5, $4  }
0x9e: {  	s15 =	simm.s32 $0x80;
	s21 =	sadd.s32 $0xFFFFFFFF, s21;
	s23 =	sor.u32 $0xC20, s0;
	[tilespmem:v0+s17+$0x0 ss:$0x1] =	vst.idx.msk $0xffff, v5;
	v4 =	vld.idx.msk [tilespmem:v1+s26+$0x0 ss:$0x1], $0xffff  }
0x9f: {  	p1 =	por $0x1, $0x1;
	s22 =	sor.u32 $0xC30, s0;
	s20 =	sor.u32 $0xC40, s0;
	[tilespmem:v0+s18+$0x0 ss:$0x1] =	vst.idx.msk $0xffff, v6;
	v5 =	vld.idx.msk [tilespmem:v1+s23+$0x0 ss:$0x1], $0xffff  }
0xa0: {  	s30 =	sor.u32 $0xC50, s0;
	s1 =	sand.u32 $0x380, s15;
	[tilespmem:v0+s19+$0x0 ss:$0x1] =	vst.idx.msk $0xffff, v7;
	s19 =	simm.s32 $0x200;
	v6 =	vld.idx.msk [tilespmem:v1+s22+$0x0 ss:$0x1], $0xffff  }
0xa1: {  	s14 =	sor.u32 $0xC60, s0;
	s13 =	sor.u32 $0xC70, s0;
	v7 =	vld.idx.msk [tilespmem:v1+s20+$0x0 ss:$0x1], $0xffff;
	s0 =	sand.u32 $0xFFFFF000, s19;
	[tilespmem:v0+s31+$0x0 ss:$0x1] =	vst.idx.msk $0xffff, v8  }
.LBB2_7:
0xa2: {  	s0 =	sor.u32 s1, s0  }
0xa3: {  	s18 =	sand.u32 $0x180, s15;
	s2 =	sand.u32 $0x3200, s0  }
0xa4: {  	s1 =	sor.u32 s18, s2  }
0xa5: {  	v8 =	vld.idx.msk [tilespmem:v1+s1+$0x0 ss:$0x1], $0xffff;
	[tilespmem:v0+s24+$0x0 ss:$0x1] =	vst.idx.msk $0xffff, v2  }
0xa6: {  	v2 =	vld.idx.msk [tilespmem:v1+s30+$0x0 ss:$0x1], $0xffff;
	[tilespmem:v0+s25+$0x0 ss:$0x1] =	vst.idx.msk $0xffff, v3  }
0xa7: {  	v3 =	vld.idx.msk [tilespmem:v1+s14+$0x0 ss:$0x1], $0xffff;
	[tilespmem:v0+s26+$0x0 ss:$0x1] =	vst.idx.msk $0xffff, v4  }
0xa8: {  	v4 =	vld.idx.msk [tilespmem:v1+s13+$0x0 ss:$0x1], $0xffff;
	s26 =	sor.u32 $0xC00, s1;
	[tilespmem:v0+s23+$0x0 ss:$0x1] =	vst.idx.msk $0xffff, v5  }
0xa9: {  	s24 =	smov.u32 s14;
	s14 =	sor.u32 $0x10, s1;
	[tilespmem:v0+s22+$0x0 ss:$0x1] =	vst.idx.msk $0xffff, v6;
	v5 =	vld.idx.msk [tilespmem:v1+s26+$0x0 ss:$0x1], $0xffff  }
0xaa: {  	s25 =	smov.u32 s13;
	s13 =	sor.u32 $0x20, s1;
	[tilespmem:v0+s20+$0x0 ss:$0x1] =	vst.idx.msk $0xffff, v7;
	v6 =	vld.idx.msk [tilespmem:v1+s14+$0x0 ss:$0x1], $0xffff  }
0xab: {  	s9 =	sor.u32 $0x60, s1;
	v7 =	vld.idx.msk [tilespmem:v1+s13+$0x0 ss:$0x1], $0xffff;
	[tilespmem:v0+s1+$0x0 ss:$0x1] =	vst.idx.msk $0xffff, v8  }
0xac: {  	s12 =	sor.u32 $0x30, s1;
	v8 =	vld.idx.msk [tilespmem:v1+s9+$0x0 ss:$0x1], $0xffff;
	[tilespmem:v0+s30+$0x0 ss:$0x1] =	vst.idx.msk $0xffff, v2  }
0xad: {  	s10 =	sor.u32 $0x40, s1;
	v2 =	vld.idx.msk [tilespmem:v1+s12+$0x0 ss:$0x1], $0xffff;
	[tilespmem:v0+s24+$0x0 ss:$0x1] =	vst.idx.msk $0xffff, v3  }
0xae: {  	s11 =	sor.u32 $0x50, s1;
	v3 =	vld.idx.msk [tilespmem:v1+s10+$0x0 ss:$0x1], $0xffff;
	[tilespmem:v0+s25+$0x0 ss:$0x1] =	vst.idx.msk $0xffff, v4  }
0xaf: {  	s16 =	sor.u32 $0x70, s1;
	v4 =	vld.idx.msk [tilespmem:v1+s11+$0x0 ss:$0x1], $0xffff;
	[tilespmem:v0+s26+$0x0 ss:$0x1] =	vst.idx.msk $0xffff, v5  }
0xb0: {  	s6 =	sand.u32 $0x3380, s0;
	s17 =	sor.u32 $0x400, s1;
	[tilespmem:v0+s14+$0x0 ss:$0x1] =	vst.idx.msk $0xffff, v6;
	v5 =	vld.idx.msk [tilespmem:v1+s16+$0x0 ss:$0x1], $0xffff  }
0xb1: {  	s3 =	sor.u32 $0x430, s6;
	[tilespmem:v0+s13+$0x0 ss:$0x1] =	vst.idx.msk $0xffff, v7;
	v6 =	vld.idx.msk [tilespmem:v1+s17+$0x0 ss:$0x1], $0xffff  }
0xb2: {  	s5 =	sor.u32 $0x460, s6;
	v7 =	vld.idx.msk [tilespmem:v1+s3+$0x0 ss:$0x1], $0xffff;
	[tilespmem:v0+s9+$0x0 ss:$0x1] =	vst.idx.msk $0xffff, v8  }
0xb3: {  	s18 =	sor.u32 $0x800, s1;
	v8 =	vld.idx.msk [tilespmem:v1+s5+$0x0 ss:$0x1], $0xffff;
	[tilespmem:v0+s12+$0x0 ss:$0x1] =	vst.idx.msk $0xffff, v2  }
0xb4: {  	s29 =	sor.u32 $0x410, s6;
	v2 =	vld.idx.msk [tilespmem:v1+s18+$0x0 ss:$0x1], $0xffff;
	[tilespmem:v0+s10+$0x0 ss:$0x1] =	vst.idx.msk $0xffff, v3  }
0xb5: {  	s28 =	sor.u32 $0x420, s6;
	v3 =	vld.idx.msk [tilespmem:v1+s29+$0x0 ss:$0x1], $0xffff;
	[tilespmem:v0+s11+$0x0 ss:$0x1] =	vst.idx.msk $0xffff, v4  }
0xb6: {  	s2 =	sor.u32 $0x440, s6;
	v4 =	vld.idx.msk [tilespmem:v1+s28+$0x0 ss:$0x1], $0xffff;
	[tilespmem:v0+s16+$0x0 ss:$0x1] =	vst.idx.msk $0xffff, v5  }
0xb7: {  	s7 =	sor.u32 $0x450, s6;
	v5 =	vld.idx.msk [tilespmem:v1+s2+$0x0 ss:$0x1], $0xffff;
	[tilespmem:v0+s17+$0x0 ss:$0x1] =	vst.idx.msk $0xffff, v6  }
0xb8: {  	s30 =	sor.u32 $0x850, s6;
	v6 =	vld.idx.msk [tilespmem:v1+s7+$0x0 ss:$0x1], $0xffff;
	[tilespmem:v0+s3+$0x0 ss:$0x1] =	vst.idx.msk $0xffff, v7  }
0xb9: {  	s8 =	sor.u32 $0x470, s6;
	v7 =	vld.idx.msk [tilespmem:v1+s30+$0x0 ss:$0x1], $0xffff;
	[tilespmem:v0+s5+$0x0 ss:$0x1] =	vst.idx.msk $0xffff, v8  }
0xba: {  	s4 =	sor.u32 $0x810, s6;
	[tilespmem:v0+s18+$0x0 ss:$0x1] =	vst.idx.msk $0xffff, v2;
	v2 =	vld.idx.msk [tilespmem:v1+s8+$0x0 ss:$0x1], $0xffff  }
0xbb: {  	s0 =	sor.u32 $0x820, s6;
	[tilespmem:v0+s29+$0x0 ss:$0x1] =	vst.idx.msk $0xffff, v3;
	v3 =	vld.idx.msk [tilespmem:v1+s4+$0x0 ss:$0x1], $0xffff  }
0xbc: {  	s31 =	sor.u32 $0x830, s6;
	[tilespmem:v0+s28+$0x0 ss:$0x1] =	vst.idx.msk $0xffff, v4;
	v4 =	vld.idx.msk [tilespmem:v1+s0+$0x0 ss:$0x1], $0xffff  }
0xbd: {  	s1 =	sor.u32 $0x840, s6;
	[tilespmem:v0+s2+$0x0 ss:$0x1] =	vst.idx.msk $0xffff, v5;
	v5 =	vld.idx.msk [tilespmem:v1+s31+$0x0 ss:$0x1], $0xffff  }
0xbe: {  	s20 =	sor.u32 $0xC40, s6;
	[tilespmem:v0+s7+$0x0 ss:$0x1] =	vst.idx.msk $0xffff, v6;
	v6 =	vld.idx.msk [tilespmem:v1+s1+$0x0 ss:$0x1], $0xffff  }
0xbf: {  	p2 =	sne.s32 s21, $0x1;
	s24 =	sor.u32 $0x860, s6;
	[tilespmem:v0+s30+$0x0 ss:$0x1] =	vst.idx.msk $0xffff, v7;
	v7 =	vld.idx.msk [tilespmem:v1+s20+$0x0 ss:$0x1], $0xffff  }
.Ltmp6:
0xc0: {  	s15 =	sadd.s32 $0x80, s15;
	s25 =	sor.u32 $0x870, s6;
	[tilespmem:v0+s8+$0x0 ss:$0x1] =	vst.idx.msk $0xffff, v2;
	v2 =	vld.idx.msk [tilespmem:v1+s24+$0x0 ss:$0x1], $0xffff;
	(pc) =	sbr.rel @p2 .LBB2_7-.Ltmp6, $4  }
0xc1: {  	s19 =	sadd.s32 $0x200, s19;
	s21 =	sadd.s32 $0xFFFFFFFF, s21;
	s26 =	sor.u32 $0xC10, s6;
	[tilespmem:v0+s4+$0x0 ss:$0x1] =	vst.idx.msk $0xffff, v3;
	v3 =	vld.idx.msk [tilespmem:v1+s25+$0x0 ss:$0x1], $0xffff  }
0xc2: {  	s23 =	sor.u32 $0xC20, s6;
	s22 =	sor.u32 $0xC30, s6;
	s14 =	sor.u32 $0xC50, s6;
	[tilespmem:v0+s0+$0x0 ss:$0x1] =	vst.idx.msk $0xffff, v4;
	v4 =	vld.idx.msk [tilespmem:v1+s26+$0x0 ss:$0x1], $0xffff  }
0xc3: {  	s13 =	sor.u32 $0xC70, s6;
	[dreg:$0x3] =	wrdreg s14;
	s14 =	sor.u32 $0xC60, s6;
	[tilespmem:v0+s31+$0x0 ss:$0x1] =	vst.idx.msk $0xffff, v5;
	v5 =	vld.idx.msk [tilespmem:v1+s23+$0x0 ss:$0x1], $0xffff  }
0xc4: {  	s30 =	rddreg [dreg:$0x3];
	s0 =	sand.u32 $0xFFFFF000, s19;
	[tilespmem:v0+s1+$0x0 ss:$0x1] =	vst.idx.msk $0xffff, v6;
	v6 =	vld.idx.msk [tilespmem:v1+s22+$0x0 ss:$0x1], $0xffff;
	s1 =	sand.u32 $0x380, s15  }
0xc5: {  	s7 =	rddreg [dreg:$0x5]  }
0xc6: {  	s8 =	rddreg [dreg:$0x6]  }
0xc7: {  	s9 =	rddreg [dreg:$0x8]  }
0xc8: {  	s10 =	rddreg [dreg:$0x9]  }
0xc9: {  	s11 =	rddreg [dreg:$0xa]  }
.Ltmp7:
0xca: {  	s12 =	rddreg [dreg:$0xb];
	(pc) =	sbr.rel .LBB2_9-.Ltmp7, $4  }
0xcb: {  	s3 =	smov.u32 s13;
	s13 =	rddreg [dreg:$0xc]  }
0xcc: {  	s4 =	smov.u32 s14;
	s14 =	rddreg [dreg:$0xd]  }
0xcd: {  	s16 =	rddreg [dreg:$0xe]  }
0xce: {  	s17 =	rddreg [dreg:$0xf]  }
.LBB2_6:
0xcf: {  	s7 =	rddreg [dreg:$0x5]  }
0xd0: {  	s8 =	rddreg [dreg:$0x6]  }
0xd1: {  	s9 =	rddreg [dreg:$0x8]  }
0xd2: {  	s10 =	rddreg [dreg:$0x9]  }
0xd3: {  	s11 =	rddreg [dreg:$0xa]  }
.Ltmp8:
0xd4: {  	s12 =	rddreg [dreg:$0xb];
	(pc) =	sbr.rel .LBB2_9-.Ltmp8, $4  }
0xd5: {  	s3 =	smov.u32 s13;
	s13 =	rddreg [dreg:$0xc]  }
0xd6: {  	s4 =	smov.u32 s14;
	s14 =	rddreg [dreg:$0xd]  }
0xd7: {  	s16 =	rddreg [dreg:$0xe]  }
0xd8: {  	s17 =	rddreg [dreg:$0xf]  }
.LBB2_12:
0xd9: {  	_ =	sfence.sel $0x180000  }
0xda: {  	s0 =	simm.s32 $0x1;
	[bflag:$0x0] =	sbarrier.arrive $0xFFFF  }
0xdb: {  	s31 =	simm.s32 $0x2;
	[sflag:s0] =	ssyncpa.u1 $0x1  }
0xdc: {  	[sflag:s31] =	ssyncpa.u1 $0x1  }
0xdd: {  	_ =	strace $0x90000053  }
0xde: {  	[bflag:$0x2] =	sbarrier.arrive $0xFFFF  }
0xdf: {  	s0 =	rddreg [dreg:$0x2]  }
0xe0: {  	s0 =	sadd.s32 @!p0 $0x100000, s0  }
0xe1: {  	s1 =	rddreg [dreg:$0x4];
	[sflag:s0] =	ssyncadd.tile.s32 @!p0 $0x1;
	s0 =	simm.s32 @!p0 $0x3F  }
0xe2: {  	_ =	swait.ge @!p0 [sflag:s0], s1  }
0xe3: {  	s1 =	ssub.s32 @!p0 $0x0, s1;
	[sflag:s0] =	ssyncset.done @!p0 $0x0  }
0xe4: {  	[sflag:s0] =	ssyncadd.s32 @!p0 s1  }
0xe5: {  	[bflag:$0x3] =	sbarrier.arrive $0xFFFF  }
0xe6: {  	_ =	shalt  }
.Lfunc_end2:
execute1_lowered:
.L_overlay_start_2:
0xe7: {  	(tag) =	ssettag $0x2  }
0xe8: {  	s2 =	rddreg [dreg:$0x0]  }
0xe9: {  	s3 =	rddreg [dreg:$0x1];
	_ =	strace $0x80000056;
	s0 =	simm.s32 $0x1  }
0xea: {  	s4 =	simm.s32 $0x408;
	v0 =	vimm.s32 $0x0;
	[sflag:s0] =	ssyncpa.u1 $0x0  }
0xeb: {  	[tilespmem:s4+$0x70] =	vst v0  }
0xec: {  	[tilespmem:s4+$0x60] =	vst v0  }
0xed: {  	[tilespmem:s4+$0x50] =	vst v0  }
0xee: {  	[tilespmem:s4+$0x40] =	vst v0  }
0xef: {  	s1 =	sadd.s32 $0x2C30600, s2;
	[tilespmem:s4+$0x30] =	vst v0  }
0xf0: {  	s0 =	sadd.s32 $0x15D800, s2;
	s6 =	sadd.s32 $0x18BBC00, s2;
	[tilespmem:s4+$0x20] =	vst v0  }
0xf1: {  	s2 =	sadd.s32 $0x5600, s2;
	s7 =	sand.u32 $0x1, s3;
	s3 =	simm.s32 $0x40;
	[tilespmem:s4+$0x10] =	vst v0  }
.LBB3_1:
0xf2: {  	s3 =	sadd.s32 $0x40, s3;
	[tilespmem:s4+$0x0] =	vst v0;
	s4 =	sadd.s32 $0x80, s4  }
0xf3: {  	p0 =	slt.u32 s3, $0x3100;
	[tilespmem:s4+$0x70] =	vst v0  }
0xf4: {  	[tilespmem:s4+$0x60] =	vst v0  }
.Ltmp9:
0xf5: {  	[tilespmem:s4+$0x50] =	vst v0;
	(pc) =	sbr.rel @p0 .LBB3_1-.Ltmp9, $4  }
0xf6: {  	[tilespmem:s4+$0x40] =	vst v0  }
0xf7: {  	[tilespmem:s4+$0x30] =	vst v0  }
0xf8: {  	[tilespmem:s4+$0x20] =	vst v0  }
0xf9: {  	[tilespmem:s4+$0x10] =	vst v0  }
0xfa: {  	s10 =	stileid.u32  }
0xfb: {  	s3 =	smul.u32 $0x82, s10  }
0xfc: {  	s5 =	smin.u32 s10, $0x4  }
0xfd: {  	s3 =	sadd.s32 s5, s3  }
0xfe: {  	p0 =	slt.u32 s10, $0x4;
	s11 =	smul.u32 $0x30, s3;
	s3 =	simm.s32 $0x1890  }
0xff: {  	s3 =	simm.s32 @!p0 $0x1860  }
0x100: {  	s3 =	sadd.s32 s3, s11  }
0x101: {  	s8 =	smin.u32 s3, $0x186A0  }
0x102: {  	s26 =	simm.s32 $0x2;
	s9 =	simm.s32 $0x9;
	s3 =	ssub.s32 s8, s11  }
0x103: {  	s29 =	simm.s32 $0xA;
	s30 =	simm.s32 $0xB;
	p0 =	sgt.s32 s3, $0x0  }
0x104: {  	[dreg:$0x4] =	wrdreg s7;
	s31 =	smul.u32 $0x30D4, s7;
	s3 =	simm.s32 @!p0 $0x0  }
0x105: {  	s12 =	simm.s32 $0x1;
	s24 =	simm.s32 $0x0;
	s25 =	smulhi.u32 $0x2AAAAAAB, s3  }
0x106: {  	p1 =	por $0x0, $0x0;
	s18 =	simm.s32 $0x80;
	s19 =	simm.s32 $0x400  }
0x107: {  	s20 =	simm.s32 $0xC;
	s21 =	simm.s32 $0x0;
	s28 =	sshrl.u32 s25, $0x3  }
0x108: {  	[tilespmem:s4+$0x0] =	vst v0;
	v0 =	vimm.s32 $0xFFFFFFFF;
	s23 =	simm.s32 $0x0;
	[sflag:s26] =	ssyncpa.u1 $0x0;
	s5 =	smul.u32 $0x30, s28  }
0x109: {  	s16 =	sshll.u32 s10, $0xA;
	[tilespmem:$0xC808] =	vst v0;
	[sflag:s9] =	ssyncpa.u1 $0x0;
	s14 =	sadd.s32 s31, s2  }
.Ltmp10:
0x10a: {  	p0 =	sne.s32 s3, s5;
	s3 =	simm.s32 $0x1;
	(pc) =	sbr.rel .LBB3_3-.Ltmp10, $4  }
0x10b: {  	s15 =	sadd.s32 s31, s0;
	[dreg:$0x6] =	wrdreg s14;
	s3 =	simm.s32 @!p0 $0x0  }
0x10c: {  	[sflag:s29] =	ssyncpa.u1 $0x0;
	[dreg:$0x7] =	wrdreg s15;
	s13 =	sadd.s32 s3, s28  }
0x10d: {  	[sflag:s30] =	ssyncpa.u1 $0x0;
	s17 =	sadd.s32 $0x1, s13;
	[dreg:$0x5] =	wrdreg s13  }
0x10e: {  	v0 =	vlaneseq.u32;
	s22 =	smov.u32 s11;
	p0 =	por $0x1, $0x1;
	[dreg:$0x8] =	wrdreg s17  }
.LBB3_30:
0x10f: {  	s0 =	sshrl.u32 s0, $0x2  }
.LBB3_32:
0x110: {  	_ =	swait.ge [sflag:s20], s0  }
0x111: {  	s30 =	ssub.s32 $0x0, s0;
	v1 =	vmov s26;
	vm0 =	veq.s32 v0, $0x0;
	[sflag:s20] =	ssyncset.done $0x0  }
0x112: {  	vm15 =	veq.s32 v0, $0x2;
	v1 =	vsel vm0, s31, v1;
	[sflag:s20] =	ssyncadd.s32 s30  }
0x113: {  	v1 =	vsel vm15, s24, v1;
	[sflag:s20] =	ssyncpa.u1 $0x1  }
0x114: {  	[tilespmem:$0xC808] =	vst v1  }
.LBB3_33:
0x115: {  	s0 =	sadd.s32 $0x30, s22  }
0x116: {  	s2 =	smov.u32 s11;
	p2 =	slt.s32 s0, s8  }
0x117: {  	s2 =	smov.u32 @p2 s0;
	p2 =	sne.s32 s23, s17  }
.Ltmp11:
0x118: {  	_ = 	snop;
	(pc) =	sbr.rel @!p2 .LBB3_34-.Ltmp11, $4  }
0x119: {  	_ = 	snop  }
0x11a: {  	s24 =	smov.u32 s21  }
0x11b: {  	s31 =	sadd.s32 $0x1, s23;
	s21 =	smov.u32 s22;
	p0 =	por !p0, !p0  }
0x11c: {  	p1 =	por !p1, !p1;
	s23 =	smov.u32 s31;
	s22 =	smov.u32 s2  }
.LBB3_3:
0x11d: {  	p2 =	sge.u32 s23, s13  }
0x11e: {  	s0 =	smulhi.u32 @!p2 $0xAAAAAAAB, s23  }
0x11f: {  	s2 =	smov.u32 s22;
	p3 =	sgt.s32 @!p2 s22, $0x18670  }
0x120: {  	s3 =	sshra.s32 @!p2 s22, $0x1F;
	p3 =	por !p3, p2;
	s0 =	sshrl.u32 @!p2 s0, $0x1  }
0x121: {  	s3 =	sand.u32 @!p2 s3, s22;
	s2 =	simm.s32 @p3 $0x18670;
	s0 =	smul.u32 @!p2 $0x3, s0  }
0x122: {  	s2 =	ssub.s32 @!p2 s2, s3  }
0x123: {  	s2 =	sadd.s32 @!p2 $0xFFFE7990, s2;
	s0 =	ssub.s32 @!p2 s23, s0  }
0x124: {  	s3 =	sshll.u32 @!p2 s2, $0x2;
	p3 =	sgt.s32 @!p2 s2, $0x2F;
	s0 =	smul.u32 @!p2 $0xC0, s0  }
0x125: {  	s4 =	sand.u32 @!p2 $0x7, s22;
	s2 =	ssub.s32 @!p2 $0xC0, s3;
	p3 =	por !p3, p2  }
0x126: {  	s3 =	sshrl.u32 @!p2 s22, $0x3;
	s2 =	sshrl.u32 @!p2 s2, $0x2;
	s0 =	sshrl.u32 @!p2 s0, $0x2  }
0x127: {  	s3 =	sadd.s32 @!p2 s3, s14;
	s2 =	simm.s32 @!p3 $0x0;
	s0 =	sadd.s32 @!p2 $0x10848, s0  }
0x128: {  	[tilespmem:s0], [sflag:$0xA] =	stream.linear.gather @!p2 [hbm4b:s3+s4], s2, $0x38;
	[tilespmem:$0x1C938] =	vst v63  }
0x129: {  	s2 =	sadd.s32 $0xFFFFFFFF, s23  }
0x12a: {  	p2 =	sge.u32 s2, s13  }
0x12b: {  	p3 =	sgt.s32 @!p2 s21, $0x18670  }
0x12c: {  	s0 =	smov.u32 s21;
	s3 =	sshra.s32 @!p2 s21, $0x1F;
	p3 =	por !p3, p2  }
0x12d: {  	s3 =	sand.u32 @!p2 s3, s21;
	s0 =	simm.s32 @p3 $0x18670  }
0x12e: {  	s0 =	ssub.s32 @!p2 s0, s3  }
0x12f: {  	s0 =	sadd.s32 @!p2 $0xFFFE7990, s0  }
0x130: {  	s3 =	sshll.u32 @!p2 s0, $0x2  }
0x131: {  	p3 =	sgt.s32 @!p2 s0, $0x2F;
	s0 =	ssub.s32 @!p2 $0xC0, s3  }
0x132: {  	p3 =	por !p3, p2;
	s0 =	sshrl.u32 @!p2 s0, $0x2  }
0x133: {  	s4 =	simm.s32 @!p2 $0xA;
	s3 =	sand.u32 @!p2 $0x1, s2;
	s0 =	simm.s32 @!p3 $0x0  }
0x134: {  	s3 =	smul.u32 @!p2 $0xC0, s3;
	_ =	swait.ge @!p2 [sflag:s4], s0  }
0x135: {  	s5 =	ssub.s32 @!p2 $0x0, s0;
	[sflag:s4] =	ssyncset.done @!p2 $0x0  }
0x136: {  	s3 =	sshrl.u32 @!p2 s3, $0x2;
	[sflag:s4] =	ssyncadd.s32 @!p2 s5;
	s4 =	sshrl.u32 @!p2 s21, $0x3  }
0x137: {  	s3 =	sadd.s32 @!p2 $0x108D8, s3;
	s5 =	sand.u32 @!p2 $0x7, s21;
	s4 =	sadd.s32 @!p2 s4, s15  }
0x138: {  	[tilespmem:s3], [sflag:$0xB] =	stream.linear.gather @!p2 [hbm4b:s4+s5], s0, $0x38;
	[tilespmem:$0x1C938] =	vst v63  }
0x139: {  	s0 =	ssub.s32 @!p2 $0x186A0, s21  }
0x13a: {  	p3 =	slt.s32 @!p2 s0, $0x1  }
0x13b: {  	p3 =	por p2, p3  }
.Ltmp12:
0x13c: {  	_ = 	snop;
	(pc) =	sbr.rel @p3 .LBB3_9-.Ltmp12, $1  }
0x13d: {  	_ =	sdelay $0x3  }
0x13e: {  	s3 =	smulhi.u32 $0xAAAAAAAB, s2;
	_ =	sdelay $0x1  }
0x13f: {  	s3 =	sshrl.u32 s3, $0x1  }
0x140: {  	s3 =	smul.u32 $0x3, s3;
	_ =	sdelay $0x1  }
0x141: {  	s29 =	ssub.s32 s2, s3  }
0x142: {  	s4 =	simm.s32 $0x1;
	s2 =	smul.u32 $0xC0, s29  }
.Ltmp13:
0x143: {  	s4 =	simm.s32 @!p0 $0x0;
	(pc) =	sbr.rel .LBB3_6-.Ltmp13, $4  }
0x144: {  	s30 =	smul.u32 $0x18000, s4  }
0x145: {  	p3 =	slt.s32 @!p2 s0, $0x30;
	s2 =	sshrl.u32 s2, $0x2  }
0x146: {  	p2 =	por !p3, p2;
	s3 =	sshrl.u32 s30, $0x2;
	s31 =	sadd.s32 $0x10848, s2  }
0x147: {  	s0 =	simm.s32 @p2 $0x30;
	s2 =	sor.u32 $0x10938, s3;
	s3 =	simm.s32 $0x0;
	v1 =	vmov s31  }
.LBB3_5:
0x148: {  	p2 =	sge.s32 s3, s0  }
.Ltmp14:
0x149: {  	_ = 	snop;
	(pc) =	sbr.rel @p2 .LBB3_9-.Ltmp14, $2  }
0x14a: {  	_ =	sdelay $0x2  }
0x14b: {  	s2 =	sadd.s32 $0x2000, s2  }
.LBB3_6:
0x14c: {  	p2 =	sle.s32 s0, s3  }
.Ltmp15:
0x14d: {  	_ = 	snop;
	(pc) =	sbr.rel @p2 .LBB3_5-.Ltmp15, $2  }
0x14e: {  	_ =	sdelay $0x2  }
0x14f: {  	s4 =	smov.u32 s3;
	s3 =	sadd.s32 $0x10, s3  }
0x150: {  	s5 =	ssub.s32 s0, s4  }
0x151: {  	p2 =	slt.s32 s5, $0x10  }
0x152: {  	s5 =	simm.s32 @!p2 $0x10  }
0x153: {  	v2 =	vmov s5  }
0x154: {  	vm0 =	vgt.s32 v2, v0;
	_ =	sdelay $0x5  }
0x155: {  	v2 =	vld.idx.msk [tilespmem:v1+s4+$0x0 ss:$0x1], vm0;
	_ =	sdelay $0x2  }
0x156: {  	p2 =	slt.s32 s3, s0;
	s5 =	smov.u32 s0  }
0x157: {  	s9 =	smov.u32 s2;
	s25 =	simm.s32 $0x0;
	s5 =	smov.u32 @p2 s3  }
.LBB3_8:
0x158: {  	(v2sf) =	vpush v2, s25;
	_ =	sdelay $0xe  }
0x159: {  	s25 =	sadd.s32 $0x1, s25;
	s10 =	spop (v2sf)  }
0x15a: {  	s31 =	sadd.s32 s25, s4;
	s26 =	sshll.u32 s10, $0x9;
	s10 =	sshll.u32 s10, $0x7  }
0x15b: {  	p2 =	slt.s32 s31, s5;
	s26 =	sand.u32 $0xFFFFF000, s26;
	s10 =	sand.u32 $0x380, s10  }
.Ltmp16:
0x15c: {  	s10 =	sor.u32 s10, s26;
	(pc) =	sbr.rel @p2 .LBB3_8-.Ltmp16, $4  }
0x15d: {  	s10 =	sshrl.u32 s10, $0x3  }
0x15e: {  	s10 =	sadd.s32 s6, s10  }
0x15f: {  	[tilespmem:s9], [sflag:$0x9] =	stream.strided.gather [hbm4b:s10+s18], $0x200, s19, s18, $0x38;
	[tilespmem:$0x1C938] =	vst v63  }
0x160: {  	s9 =	sadd.s32 $0x200, s9  }
.Ltmp17:
0x161: {  	_ = 	snop;
	(pc) =	sbr.rel .LBB3_5-.Ltmp17, $1  }
0x162: {  	_ =	sdelay $0x3  }
.LBB3_9:
0x163: {  	p2 =	slt.u32 s23, $0x2  }
.Ltmp18:
0x164: {  	_ = 	snop;
	(pc) =	sbr.rel @p2 .LBB3_33-.Ltmp18, $1  }
0x165: {  	_ =	sdelay $0x3  }
0x166: {  	p2 =	sgt.s32 s24, $0x18670  }
0x167: {  	s0 =	smov.u32 s24;
	s2 =	sshra.s32 s24, $0x1F;
	s3 =	ssub.s32 $0x186A0, s24  }
0x168: {  	s0 =	simm.s32 @!p2 $0x18670;
	s2 =	sand.u32 s2, s24;
	p2 =	slt.s32 s3, $0x30  }
0x169: {  	s0 =	ssub.s32 s0, s2;
	s3 =	simm.s32 @!p2 $0x30  }
0x16a: {  	s0 =	sadd.s32 $0xFFFE7990, s0;
	s25 =	sshll.u32 s3, $0x9  }
0x16b: {  	s29 =	simm.s32 $0x9;
	s26 =	sshll.u32 s0, $0x2;
	s2 =	sand.u32 $0x3FFFFE00, s25  }
0x16c: {  	p2 =	sgt.s32 s0, $0x2F;
	s28 =	ssub.s32 $0xC0, s26;
	_ =	swait.ge [sflag:s29], s2  }
0x16d: {  	s2 =	ssub.s32 $0x0, s2;
	[sflag:s29] =	ssyncset.done $0x0;
	s0 =	sshrl.u32 s28, $0x2  }
0x16e: {  	s30 =	simm.s32 $0xB;
	[sflag:s29] =	ssyncadd.s32 s2;
	s0 =	simm.s32 @p2 $0x0  }
0x16f: {  	_ =	swait.ge [sflag:s30], s0  }
0x170: {  	s0 =	ssub.s32 $0x0, s0;
	[sflag:s30] =	ssyncset.done $0x0  }
0x171: {  	[sflag:s30] =	ssyncadd.s32 s0  }
0x172: {  	v1 =	vld [tilespmem:$0xC808];
	_ =	sdelay $0x4  }
0x173: {  	(v2sf) =	vpush v1, $0x0  }
0x174: {  	(v2sf) =	vpush v1, $0x1  }
0x175: {  	(v2sf) =	vpush v1, $0x2;
	_ =	sdelay $0x3  }
0x176: {  	s2 =	sadd.s32 $0x30, s24  }
0x177: {  	s3 =	ssub.s32 $0x30D40, s24;
	p2 =	slt.s32 s8, s2  }
0x178: {  	s2 =	smov.u32 @p2 s8;
	p2 =	sgt.s32 s3, $0x0  }
0x179: {  	s25 =	ssub.s32 s2, s24;
	s3 =	simm.s32 @!p2 $0x0  }
0x17a: {  	p2 =	slt.s32 s3, s25  }
0x17b: {  	s25 =	smov.u32 @p2 s3  }
0x17c: {  	s0 =	simm.s32 $0x1;
	p2 =	slt.s32 s25, $0x1  }
.Ltmp19:
0x17d: {  	s0 =	simm.s32 @!p1 $0x0;
	(pc) =	sbr.rel @p2 .LBB3_14-.Ltmp19, $4  }
0x17e: {  	s4 =	smul.u32 $0xC0, s0  }
0x17f: {  	s2 =	spop (v2sf)  }
0x180: {  	s31 =	sshrl.u32 s4, $0x2;
	s5 =	spop (v2sf)  }
0x181: {  	s4 =	sadd.s32 $0x108D8, s31;
	s24 =	spop (v2sf)  }
0x182: {  	s3 =	smin.u32 s25, $0x10  }
0x183: {  	v1 =	vmov s3  }
0x184: {  	vm1 =	vgt.u32 v1, v0  }
0x185: {  	p3 =	sgt.s32 s25, $0x10  }
.Ltmp20:
0x186: {  	_ = 	snop;
	(pc) =	sbr.rel @!p3 .LBB3_13-.Ltmp20, $2  }
0x187: {  	_ =	sdelay $0x2  }
0x188: {  	s9 =	simm.s32 $0x10;
	s26 =	sadd.s32 $0xFFFFFFF0, s25;
	s3 =	smov.u32 s4;
	vm0 =	vmmov vm1;
	v1 =	vld.msk [tilespmem:s4+$0x0 ss:$0x1], vm1  }
.LBB3_12:
0x189: {  	s10 =	smin.u32 s26, $0x10;
	s9 =	sadd.s32 $0x10, s9  }
0x18a: {  	v2 =	vmov s10;
	p3 =	slt.s32 s9, s25  }
0x18b: {  	vm1 =	vgt.u32 v2, v0;
	_ =	sdelay $0x1  }
0x18c: {  	v2 =	vshll.u32 v1, $0x6;
	v1 =	vshll.u32 v1, $0x4  }
.Ltmp21:
0x18d: {  	v2 =	vand.u32 $0xFFFFFE00, v2;
	v1 =	vand.u32 $0x70, v1;
	(pc) =	sbr.rel @p3 .LBB3_12-.Ltmp21, $4  }
0x18e: {  	v1 =	vor.u32 v1, v2  }
0x18f: {  	[tilespmem:s3+$0x0] =	vst.msk vm0, v1;
	s3 =	sadd.s32 $0x10, s3;
	vm0 =	vmmov vm1  }
0x190: {  	v1 =	vld.msk [tilespmem:s3+$0x0 ss:$0x1], vm1  }
0x191: {  	s26 =	sadd.s32 $0xFFFFFFF0, s26  }
.LBB3_13:
0x192: {  	_ =	sdelay $0x3  }
0x193: {  	v2 =	vshll.u32 v1, $0x6;
	v1 =	vshll.u32 v1, $0x4  }
0x194: {  	v2 =	vand.u32 $0xFFFFFE00, v2;
	v1 =	vand.u32 $0x70, v1  }
0x195: {  	v1 =	vor.u32 v1, v2  }
0x196: {  	[tilespmem:s3+$0x0] =	vst.msk vm0, v1  }
.LBB3_14:
0x197: {  	s3 =	sand.u32 $0x1, s23  }
0x198: {  	s3 =	smul.u32 $0x30, s3  }
0x199: {  	p3 =	sne.s32 s5, $0xFFFFFFFF  }
0x19a: {  	v1 =	vld.msk @!p3 [tilespmem:s3+$0x108D8], $0x1;
	_ =	sdelay $0x4  }
0x19b: {  	(v2sf) =	vpush @!p3 v1, $0x0;
	_ =	sdelay $0xc  }
.Ltmp22:
0x19c: {  	_ = 	snop;
	(pc) =	sbr.rel @p2 .LBB3_31-.Ltmp22, $4  }
0x19d: {  	_ = 	snop  }
0x19e: {  	s30 =	spop @!p3 (v2sf)  }
0x19f: {  	s24 =	simm.s32 @!p3 $0x0;
	s26 =	smov.u32 s30  }
0x1a0: {  	[sflag:s20] =	ssyncpa.u1 $0x0;
	s30 =	smov.u32 @p3 s2;
	s26 =	smov.u32 @p3 s5  }
0x1a1: {  	v1 =	vld.msk [tilespmem:s4+$0x0], $0x1;
	_ =	sdelay $0x4  }
0x1a2: {  	(v2sf) =	vpush v1, $0x0;
	_ =	sdelay $0xd  }
0x1a3: {  	s0 =	smul.u32 $0x18000, s0  }
0x1a4: {  	s13 =	smov.u32 s8;
	s8 =	smov.u32 s11;
	s5 =	spop (v2sf)  }
0x1a5: {  	s2 =	ssub.s32 $0x0, s25;
	s0 =	sshrl.u32 s0, $0x2;
	p2 =	seq.s32 s30, s5  }
0x1a6: {  	s29 =	simm.s32 $0x0;
	s28 =	sor.u32 $0x10938, s0;
	p3 =	sgt.s32 @!p2 s30, $0x0  }
0x1a7: {  	s0 =	sadd.s32 $0x108D8, s3;
	s3 =	smov.u32 s30;
	p3 =	por !p3, p2  }
0x1a8: {  	s4 =	sadd.s32 $0x1, s4;
	s31 =	sadd.s32 $0x1, s2;
	s3 =	simm.s32 @p3 $0x0  }
0x1a9: {  	s2 =	simm.s32 @!p2 $0x1;
	s9 =	simm.s32 @!p2 $0x6608;
	s10 =	smin.u32 @!p2 s3, $0xC3470  }
0x1aa: {  	p3 =	seq.s32 s31, $0x0;
	s3 =	sand.u32 @!p2 $0xFFFF8, s10;
	s11 =	sadd.s32 @!p2 $0x80, s10  }
0x1ab: {  	s14 =	sadd.s32 @!p2 $0x100, s10;
	s15 =	sadd.s32 @!p2 s1, s3;
	s3 =	sand.u32 @!p2 $0x7, s10  }
0x1ac: {  	s11 =	sand.u32 @!p2 $0x1FFFF8, s11;
	s14 =	sand.u32 @!p2 $0x1FFFF8, s14;
	s10 =	sadd.s32 @!p2 $0x180, s10  }
0x1ad: {  	[tilespmem:s9], [sflag:$0x2] =	stream.linear.gather @!p2 [hbm4b:s15+s3], $0x80, $0x38;
	[tilespmem:$0x1C938] =	vst v63  }
.Ltmp23:
0x1ae: {  	s9 =	simm.s32 @!p2 $0x6688;
	s11 =	sadd.s32 @!p2 s1, s11;
	(pc) =	sbr.rel @p3 .LBB3_17-.Ltmp23, $4  }
0x1af: {  	[tilespmem:s9], [sflag:$0x2] =	stream.linear.gather @!p2 [hbm4b:s11+s3], $0x80, $0x38;
	[tilespmem:$0x1C938] =	vst v63  }
0x1b0: {  	s10 =	sand.u32 @!p2 $0x1FFFF8, s10;
	s9 =	simm.s32 @!p2 $0x6708;
	s11 =	sadd.s32 @!p2 s1, s14  }
0x1b1: {  	[tilespmem:s9], [sflag:$0x2] =	stream.linear.gather @!p2 [hbm4b:s11+s3], $0x80, $0x38;
	[tilespmem:$0x1C938] =	vst v63  }
0x1b2: {  	s2 =	smov.u32 @p2 s29;
	s10 =	sadd.s32 @!p2 s1, s10;
	s9 =	simm.s32 @!p2 $0x6788  }
.LBB3_16:
0x1b3: {  	s11 =	smov.u32 s2  }
0x1b4: {  	[tilespmem:s9], [sflag:$0x2] =	stream.linear.gather @!p2 [hbm4b:s10+s3], $0x80, $0x38;
	[tilespmem:$0x1C938] =	vst v63  }
0x1b5: {  	s31 =	sadd.s32 $0x1, s31;
	s3 =	smov.u32 s5  }
0x1b6: {  	p3 =	seq.s32 s31, $0x0;
	v1 =	vld.msk [tilespmem:s4+$0x0], $0x1;
	_ =	sdelay $0x4  }
0x1b7: {  	(v2sf) =	vpush v1, $0x0;
	_ =	sdelay $0xe  }
0x1b8: {  	s5 =	spop (v2sf)  }
0x1b9: {  	p2 =	seq.s32 s3, s5  }
0x1ba: {  	p4 =	sgt.s32 @!p2 s3, $0x0  }
0x1bb: {  	s9 =	sshll.u32 @!p2 s2, $0xB;
	s2 =	sadd.s32 @!p2 $0x1, s2;
	p4 =	por !p4, p2  }
0x1bc: {  	s9 =	sshra.s32 @!p2 s9, $0x2;
	s2 =	smov.u32 @p2 s11;
	s3 =	simm.s32 @p4 $0x0  }
0x1bd: {  	s10 =	sadd.s32 @!p2 $0x6608, s9;
	s11 =	sadd.s32 @!p2 $0x6688, s9;
	s14 =	smin.u32 @!p2 s3, $0xC3470  }
0x1be: {  	s15 =	sadd.s32 @!p2 $0x6708, s9;
	s9 =	sadd.s32 @!p2 $0x6788, s9;
	s3 =	sand.u32 @!p2 $0xFFFF8, s14  }
0x1bf: {  	s17 =	sadd.s32 @!p2 $0x80, s14;
	s7 =	sadd.s32 @!p2 $0x100, s14;
	s20 =	sadd.s32 @!p2 s1, s3  }
0x1c0: {  	s3 =	sand.u32 @!p2 $0x7, s14;
	s17 =	sand.u32 @!p2 $0x1FFFF8, s17;
	s7 =	sand.u32 @!p2 $0x1FFFF8, s7  }
0x1c1: {  	[tilespmem:s10], [sflag:$0x2] =	stream.linear.gather @!p2 [hbm4b:s20+s3], $0x80, $0x38;
	[tilespmem:$0x1C938] =	vst v63  }
.Ltmp24:
0x1c2: {  	s14 =	sadd.s32 @!p2 $0x180, s14;
	s10 =	sadd.s32 @!p2 s1, s17;
	(pc) =	sbr.rel @!p3 .LBB3_16-.Ltmp24, $4  }
0x1c3: {  	[tilespmem:s11], [sflag:$0x2] =	stream.linear.gather @!p2 [hbm4b:s10+s3], $0x80, $0x38;
	[tilespmem:$0x1C938] =	vst v63  }
0x1c4: {  	s7 =	sadd.s32 @!p2 s1, s7;
	s10 =	sand.u32 @!p2 $0x1FFFF8, s14  }
0x1c5: {  	[tilespmem:s15], [sflag:$0x2] =	stream.linear.gather @!p2 [hbm4b:s7+s3], $0x80, $0x38;
	[tilespmem:$0x1C938] =	vst v63  }
0x1c6: {  	s4 =	sadd.s32 $0x1, s4;
	s10 =	sadd.s32 @!p2 s1, s10  }
.LBB3_17:
0x1c7: {  	[tilespmem:s9], [sflag:$0x2] =	stream.linear.gather @!p2 [hbm4b:s10+s3], $0x80, $0x38;
	[tilespmem:$0x1C938] =	vst v63  }
0x1c8: {  	s2 =	sshll.u32 s2, $0x9  }
0x1c9: {  	s31 =	simm.s32 $0x2;
	s2 =	sand.u32 $0x3FFFFE00, s2  }
.Ltmp25:
0x1ca: {  	_ =	swait.ge [sflag:s31], s2;
	(pc) =	sbr.rel .LBB3_18-.Ltmp25, $4  }
0x1cb: {  	s11 =	smov.u32 s8;
	s8 =	smov.u32 s13;
	s13 =	rddreg [dreg:$0x5]  }
0x1cc: {  	v1 =	vmov s0;
	s0 =	simm.s32 $0x0;
	s4 =	simm.s32 $0x0;
	s14 =	rddreg [dreg:$0x6]  }
0x1cd: {  	s2 =	ssub.s32 $0x0, s2;
	[sflag:s31] =	ssyncset.done $0x0;
	s15 =	rddreg [dreg:$0x7]  }
0x1ce: {  	s20 =	simm.s32 $0xC;
	s17 =	rddreg [dreg:$0x8];
	[sflag:s31] =	ssyncadd.s32 s2  }
.LBB3_28:
0x1cf: {  	[tilespmem:s2+$0x0] =	vst v2;
	s29 =	sadd.s32 $0x1, s29  }
.LBB3_29:
0x1d0: {  	s4 =	sadd.s32 $0x1, s4  }
0x1d1: {  	p2 =	sne.s32 s4, s25  }
.Ltmp26:
0x1d2: {  	_ = 	snop;
	(pc) =	sbr.rel @!p2 .LBB3_30-.Ltmp26, $2  }
0x1d3: {  	_ =	sdelay $0x2  }
0x1d4: {  	s28 =	sadd.s32 $0x200, s28;
	s30 =	smov.u32 s31  }
.LBB3_18:
0x1d5: {  	_ =	sdelay $0x3  }
0x1d6: {  	v2 =	vld.idx.msk [tilespmem:v1+s4+$0x0 ss:$0x1], $0x1;
	_ =	sdelay $0x4  }
0x1d7: {  	(v2sf) =	vpush v2, $0x0;
	_ =	sdelay $0xe  }
0x1d8: {  	s31 =	spop (v2sf)  }
0x1d9: {  	p2 =	sne.s32 s30, s31  }
.Ltmp27:
0x1da: {  	_ = 	snop;
	(pc) =	sbr.rel @p2 .LBB3_22-.Ltmp27, $3  }
0x1db: {  	_ =	sdelay $0x1  }
0x1dc: {  	s2 =	sshll.u32 s24, $0xB  }
0x1dd: {  	s2 =	sshra.s32 s2, $0x2  }
0x1de: {  	s2 =	sadd.s32 $0x408, s2;
	s3 =	simm.s32 $0x0;
	v2 =	vld [tilespmem:s28+$0x0];
	s5 =	smov.u32 s28  }
.LBB3_20:
0x1df: {  	s3 =	sadd.s32 $0x10, s3  }
0x1e0: {  	p2 =	slt.u32 s3, $0x1F0  }
.Ltmp28:
0x1e1: {  	_ = 	snop;
	(pc) =	sbr.rel @p2 .LBB3_20-.Ltmp28, $3  }
0x1e2: {  	_ =	sdelay $0x1  }
0x1e3: {  	s5 =	sadd.s32 $0x10, s5;
	[tilespmem:s2+$0x0] =	vst.add.f32.msk $0xffff, v2;
	s2 =	sadd.s32 $0x10, s2  }
0x1e4: {  	v2 =	vld [tilespmem:s5+$0x0]  }
.Ltmp29:
0x1e5: {  	_ = 	snop;
	(pc) =	sbr.rel .LBB3_29-.Ltmp29, $2  }
0x1e6: {  	_ =	sdelay $0x2  }
0x1e7: {  	[tilespmem:s2+$0x0] =	vst.add.f32.msk $0xffff, v2  }
.LBB3_22:
0x1e8: {  	p2 =	seq.s32 s30, s26  }
.Ltmp30:
0x1e9: {  	_ = 	snop;
	(pc) =	sbr.rel @!p2 .LBB3_23-.Ltmp30, $1  }
0x1ea: {  	_ =	sdelay $0x3  }
.Ltmp31:
0x1eb: {  	s2 =	sadd.s32 $0x408, s2;
	(pc) =	sbr.rel .LBB3_26-.Ltmp31, $4  }
0x1ec: {  	[spmem:s16] =	stream.linear.scatter [tilespmem:s2], [sflag:$0x1], $0x200, $0x38;
	[tilespmem:$0x1C938] =	vst v63  }
0x1ed: {  	_ =	swait.ge [sflag:s12], $0x200  }
0x1ee: {  	[sflag:s12] =	ssyncset.done $0x0  }
0x1ef: {  	[sflag:s12] =	ssyncadd.s32 $0xFFFFFE00  }
.LBB3_23:
0x1f0: {  	s3 =	sshll.u32 s29, $0xB  }
0x1f1: {  	s3 =	sshra.s32 s3, $0x2  }
0x1f2: {  	s5 =	sadd.s32 $0x6608, s3;
	s3 =	sadd.s32 $0x408, s2  }
0x1f3: {  	s10 =	simm.s32 $0x0;
	v2 =	vld [tilespmem:s5+$0x0];
	s9 =	smov.u32 s3  }
.LBB3_24:
0x1f4: {  	s10 =	sadd.s32 $0x10, s10  }
0x1f5: {  	p2 =	slt.u32 s10, $0x1F0  }
.Ltmp32:
0x1f6: {  	_ = 	snop;
	(pc) =	sbr.rel @p2 .LBB3_24-.Ltmp32, $3  }
0x1f7: {  	_ =	sdelay $0x1  }
0x1f8: {  	s5 =	sadd.s32 $0x10, s5;
	[tilespmem:s9+$0x0] =	vst.add.f32.msk $0xffff, v2;
	s9 =	sadd.s32 $0x10, s9  }
0x1f9: {  	v2 =	vld [tilespmem:s5+$0x0]  }
0x1fa: {  	_ =	sdelay $0x1  }
0x1fb: {  	p2 =	sgt.u32 s30, $0xC3470  }
0x1fc: {  	s5 =	sand.u32 @!p2 $0xFFFF8, s30  }
0x1fd: {  	s7 =	sand.u32 @!p2 $0x7, s30;
	s5 =	sadd.s32 @!p2 s1, s5;
	[tilespmem:s9+$0x0] =	vst.add.f32.msk $0xffff, v2  }
0x1fe: {  	[hbm4b:s5+s7] =	stream.linear.scatter @!p2 [tilespmem:s3], [sflag:$0xC], $0x80, $0x38;
	[tilespmem:$0x1C938] =	vst v63  }
0x1ff: {  	s3 =	sadd.s32 @!p2 $0x80, s30  }
0x200: {  	s3 =	sand.u32 @!p2 $0x1FFFF8, s3  }
0x201: {  	s5 =	sadd.s32 @!p2 $0x488, s2;
	s3 =	sadd.s32 @!p2 s1, s3  }
0x202: {  	[hbm4b:s3+s7] =	stream.linear.scatter @!p2 [tilespmem:s5], [sflag:$0xC], $0x80, $0x38;
	[tilespmem:$0x1C938] =	vst v63  }
0x203: {  	s3 =	sadd.s32 @!p2 $0x100, s30  }
0x204: {  	s3 =	sand.u32 @!p2 $0x1FFFF8, s3  }
0x205: {  	s5 =	sadd.s32 @!p2 $0x508, s2;
	s3 =	sadd.s32 @!p2 s1, s3  }
0x206: {  	[hbm4b:s3+s7] =	stream.linear.scatter @!p2 [tilespmem:s5], [sflag:$0xC], $0x80, $0x38;
	[tilespmem:$0x1C938] =	vst v63  }
0x207: {  	s3 =	sadd.s32 @!p2 $0x180, s30;
	s5 =	simm.s32 $0x0  }
0x208: {  	s3 =	sand.u32 @!p2 $0x1FFFF8, s3;
	s5 =	simm.s32 @!p2 $0x800  }
0x209: {  	s2 =	sadd.s32 @!p2 $0x588, s2;
	s3 =	sadd.s32 @!p2 s1, s3;
	s0 =	sadd.s32 s5, s0  }
0x20a: {  	[hbm4b:s3+s7] =	stream.linear.scatter @!p2 [tilespmem:s2], [sflag:$0xC], $0x80, $0x38;
	[tilespmem:$0x1C938] =	vst v63  }
.LBB3_26:
0x20b: {  	s2 =	sadd.s32 $0x1, s24  }
0x20c: {  	s3 =	smulhi.u32 $0xAAAAAAAB, s2;
	_ =	sdelay $0x1  }
0x20d: {  	s3 =	sshrl.u32 s3, $0x5  }
0x20e: {  	s3 =	smul.u32 $0x30, s3;
	_ =	sdelay $0x1  }
0x20f: {  	s24 =	ssub.s32 s2, s3  }
0x210: {  	s2 =	sshll.u32 s24, $0x9  }
0x211: {  	v2 =	vld [tilespmem:s28+$0x0];
	s5 =	smov.u32 s28;
	s3 =	simm.s32 $0x0;
	s2 =	sadd.s32 $0x408, s2  }
.LBB3_27:
0x212: {  	s3 =	sadd.s32 $0x10, s3  }
0x213: {  	p2 =	slt.u32 s3, $0x1F0  }
.Ltmp33:
0x214: {  	_ = 	snop;
	(pc) =	sbr.rel @p2 .LBB3_27-.Ltmp33, $3  }
0x215: {  	_ =	sdelay $0x1  }
0x216: {  	[tilespmem:s2+$0x0] =	vst v2;
	s2 =	sadd.s32 $0x10, s2;
	s5 =	sadd.s32 $0x10, s5  }
0x217: {  	v2 =	vld [tilespmem:s5+$0x0]  }
.Ltmp34:
0x218: {  	_ = 	snop;
	(pc) =	sbr.rel .LBB3_28-.Ltmp34, $1  }
0x219: {  	_ =	sdelay $0x3  }
.LBB3_31:
.Ltmp35:
0x21a: {  	(pc) =	sbr.rel .LBB3_32-.Ltmp35, $4  }
0x21b: {  	_ = 	snop  }
0x21c: {  	s0 =	simm.s32 $0x2  }
0x21d: {  	_ =	swait.ge [sflag:s0], $0x0  }
0x21e: {  	s31 =	smov.u32 s30;
	[sflag:s0] =	ssyncset.done $0x0;
	s0 =	simm.s32 $0x0  }
.LBB3_34:
0x21f: {  	_ =	sfence.sel $0x180000  }
0x220: {  	s0 =	simm.s32 $0x9;
	[bflag:$0x0] =	sbarrier.arrive $0xFFFF  }
0x221: {  	s24 =	simm.s32 $0xA;
	[sflag:s0] =	ssyncpa.u1 $0x1  }
0x222: {  	s25 =	simm.s32 $0xB;
	[sflag:s24] =	ssyncpa.u1 $0x1  }
0x223: {  	s26 =	simm.s32 $0x2;
	[sflag:s25] =	ssyncpa.u1 $0x1  }
0x224: {  	[sflag:s26] =	ssyncpa.u1 $0x1  }
0x225: {  	v0 =	vld [tilespmem:$0xC808];
	_ =	sdelay $0x4  }
0x226: {  	(v2sf) =	vpush v0, $0x0  }
0x227: {  	(v2sf) =	vpush v0, $0x1;
	_ =	sdelay $0x1  }
0x228: {  	(v2sf) =	vpush v0, $0x2;
	_ =	sdelay $0xb  }
0x229: {  	s0 =	spop (v2sf)  }
0x22a: {  	s2 =	spop (v2sf)  }
0x22b: {  	s3 =	smov.u32 s0;
	p0 =	sne.s32 s0, s2  }
0x22c: {  	s4 =	spop (v2sf);
	s3 =	simm.s32 @!p0 $0xFFFFFFFF  }
0x22d: {  	v2 =	vimm.s32 $0x1;
	v3 =	vlaneseq.u32;
	p0 =	seq.s32 s4, $0xFFFFFFFF;
	v1 =	vmov s3  }
0x22e: {  	s17 =	stileid.u32;
	v0 =	vperm.xlane v0, v2;
	p1 =	sne.s32 @!p0 s0, s2;
	v1 =	vperm.xlane v1, v3  }
0x22f: {  	vm0 =	vcmask $0x3F04;
	s6 =	simm.s32 $0xC808;
	s0 =	simm.s32 @!p0 $0x1;
	p1 =	por !p1, p0  }
0x230: {  	s3 =	sshll.u32 s17, $0x1;
	s2 =	sshll.u32 @!p0 s4, $0xB;
	s0 =	simm.s32 @p1 $0x0;
	v0 =	vsel vm0, v1, v0  }
0x231: {  	s5 =	sor.u32 $0x4000, s3;
	s2 =	sshra.s32 @!p0 s2, $0x2;
	s0 =	sor.u32 @!p0 s0, s3;
	[tilespmem:$0xC808] =	vst v0  }
0x232: {  	[spmem:s5] =	stream.linear.scatter [tilespmem:s6], [sflag:$0x1], $0x2, $0x38;
	[tilespmem:$0x1C938] =	vst v63  }
0x233: {  	s2 =	sadd.s32 @!p0 $0x408, s2;
	s0 =	sshll.u32 @!p0 s0, $0x9  }
0x234: {  	[spmem:s0] =	stream.linear.scatter @!p0 [tilespmem:s2], [sflag:$0x1], $0x200, $0x38;
	[tilespmem:$0x1C938] =	vst v63  }
0x235: {  	s0 =	simm.s32 @!p0 $0x202  }
0x236: {  	s28 =	simm.s32 $0x1;
	s0 =	simm.s32 @p0 $0x2  }
0x237: {  	_ =	swait.ge [sflag:s28], s0  }
0x238: {  	s0 =	ssub.s32 $0x0, s0;
	[sflag:s28] =	ssyncset.done $0x0  }
0x239: {  	p0 =	sne.s32 s17, $0x0;
	[sflag:s28] =	ssyncadd.s32 s0  }
.Ltmp36:
0x23a: {  	_ =	sfence.stream.spmem;
	(pc) =	sbr.rel @p0 .LBB3_59-.Ltmp36, $4  }
0x23b: {  	s29 =	simm.s32 $0x3;
	[bflag:$0x0] =	sbarrier.arrive $0xFFFF  }
0x23c: {  	s30 =	simm.s32 $0x4;
	[sflag:s29] =	ssyncpa.u1 $0x1  }
0x23d: {  	s31 =	simm.s32 $0x3C;
	[sflag:s30] =	ssyncpa.u1 $0x1  }
0x23e: {  	s16 =	rddreg [dreg:$0x4];
	[sflag:s31] =	ssyncpa.u1 $0x1  }
0x23f: {  	_ =	sfence.stream.spmem;
	s0 =	simm.s32 $0x5  }
0x240: {  	s2 =	simm.s32 $0x4000;
	s3 =	simm.s32 $0xC818;
	[sflag:s0] =	ssyncpa.u1 $0x0  }
0x241: {  	[tilespmem:s3], [sflag:$0x5] =	stream.linear.gather [spmem:s2], $0x20, $0x38;
	[tilespmem:$0x1C938] =	vst v63  }
0x242: {  	s26 =	simm.s32 $0x0;
	s28 =	simm.s32 $0xC838  }
0x243: {  	[tilespmem:s28], [sflag:$0x5] =	stream.linear.gather [spmem:s26], $0x4000, $0x38;
	[tilespmem:$0x1C938] =	vst v63  }
0x244: {  	_ =	swait.ge [sflag:s0], $0x4020  }
0x245: {  	[sflag:s0] =	ssyncset.done $0x0  }
0x246: {  	s29 =	simm.s32 $0x0;
	[sflag:s0] =	ssyncadd.s32 $0xFFFFBFE0  }
0x247: {  	v0 =	vld.msk [tilespmem:s29+$0xC818], $0x1;
	_ =	sdelay $0x1  }
0x248: {  	s30 =	simm.s32 $0x1  }
0x249: {  	v1 =	vld.msk [tilespmem:s30+$0xC818], $0x1;
	_ =	sdelay $0x1  }
0x24a: {  	(v2sf) =	vpush v0, $0x0;
	_ =	sdelay $0x2  }
0x24b: {  	(v2sf) =	vpush v1, $0x0;
	_ =	sdelay $0x2  }
0x24c: {  	s31 =	simm.s32 $0x2  }
0x24d: {  	v0 =	vld.msk [tilespmem:s31+$0xC818], $0x1;
	_ =	sdelay $0x2  }
0x24e: {  	s2 =	simm.s32 $0xFFFFFFFF;
	s3 =	simm.s32 $0xFFFFFFFF;
	s0 =	simm.s32 $0xC  }
.LBB3_36:
0x24f: {  	s4 =	smov.u32 s3;
	s5 =	smov.u32 s2  }
0x250: {  	s2 =	sshra.s32 s0, $0x2;
	p1 =	sne.s32 s0, $0x7C;
	s0 =	sadd.s32 $0x4, s0;
	(v2sf) =	vpush v0, $0x0  }
0x251: {  	v0 =	vld.msk [tilespmem:s2+$0xC818], $0x1  }
.Ltmp37:
0x252: {  	(pc) =	sbr.rel @p1 .LBB3_36-.Ltmp37, $4  }
0x253: {  	s3 =	spop (v2sf)  }
0x254: {  	p2 =	sne.s32 s5, $0xFFFFFFFF;
	s2 =	smov.u32 s3  }
0x255: {  	p3 =	seq.s32 s3, $0xFFFFFFFF;
	s2 =	smov.u32 @p2 s5  }
0x256: {  	s3 =	smov.u32 @p3 s4;
	s2 =	smov.u32 @p3 s5  }
0x257: {  	(v2sf) =	vpush v0, $0x0;
	_ =	sdelay $0x8  }
0x258: {  	s0 =	spop (v2sf);
	p1 =	sne.s32 s2, $0xFFFFFFFF;
	s9 =	simm.s32 $0x6  }
0x259: {  	s6 =	simm.s32 $0x0;
	s10 =	simm.s32 $0xC838;
	s4 =	smov.u32 s0  }
0x25a: {  	s11 =	simm.s32 $0xC688;
	p2 =	seq.s32 s0, $0xFFFFFFFF;
	s4 =	smov.u32 @p1 s2  }
0x25b: {  	s12 =	simm.s32 $0xC708;
	s4 =	smov.u32 @p2 s2;
	s2 =	spop (v2sf)  }
0x25c: {  	s0 =	smov.u32 @p2 s3;
	p1 =	sne.s32 s4, $0xFFFFFFFF;
	s5 =	smov.u32 s2  }
.Ltmp38:
0x25d: {  	p2 =	seq.s32 s2, $0xFFFFFFFF;
	s5 =	smov.u32 @p1 s4;
	(pc) =	sbr.rel .LBB3_38-.Ltmp38, $4  }
0x25e: {  	s13 =	simm.s32 $0xC788;
	s5 =	smov.u32 @p2 s4;
	s7 =	spop (v2sf)  }
0x25f: {  	s14 =	simm.s32 $0x0;
	p1 =	sne.s32 s5, $0xFFFFFFFF;
	s8 =	smov.u32 s7  }
0x260: {  	s2 =	smov.u32 @p2 s0;
	p2 =	seq.s32 s7, $0xFFFFFFFF;
	s8 =	smov.u32 @p1 s5  }
0x261: {  	[sflag:s9] =	ssyncpa.u1 $0x0;
	s7 =	smov.u32 @p2 s2;
	s8 =	smov.u32 @p2 s5  }
.LBB3_53:
0x262: {  	s14 =	sadd.s32 $0x1, s14  }
0x263: {  	p1 =	sne.s32 s14, $0x20  }
.Ltmp39:
0x264: {  	_ = 	snop;
	(pc) =	sbr.rel @!p1 .LBB3_54-.Ltmp39, $2  }
0x265: {  	_ =	sdelay $0x2  }
0x266: {  	s10 =	sadd.s32 $0x200, s10  }
.LBB3_38:
0x267: {  	v0 =	vld.msk [tilespmem:s14+$0xC818], $0x1;
	_ =	sdelay $0x4  }
0x268: {  	(v2sf) =	vpush v0, $0x0;
	_ =	sdelay $0xe  }
0x269: {  	s0 =	spop (v2sf)  }
0x26a: {  	p1 =	seq.s32 s0, $0xFFFFFFFF  }
.Ltmp40:
0x26b: {  	_ = 	snop;
	(pc) =	sbr.rel @p1 .LBB3_53-.Ltmp40, $1  }
0x26c: {  	_ =	sdelay $0x3  }
0x26d: {  	p1 =	slt.s32 s6, $0x1  }
.Ltmp41:
0x26e: {  	_ = 	snop;
	(pc) =	sbr.rel @p1 .LBB3_46-.Ltmp41, $1  }
0x26f: {  	_ =	sdelay $0x3  }
0x270: {  	s2 =	simm.s32 $0xC818;
	p1 =	por $0x0, $0x0  }
0x271: {  	v1 =	vld.msk @!p1 [tilespmem:s2+$0x0], $0x1;
	_ =	sdelay $0x4  }
0x272: {  	(v2sf) =	vpush @!p1 v1, $0x0;
	_ =	sdelay $0xd  }
0x273: {  	p3 =	sne.s32 s6, $0x1  }
.Ltmp42:
0x274: {  	s3 =	spop @!p1 (v2sf);
	(pc) =	sbr.rel @!p3 .LBB3_42-.Ltmp42, $4  }
0x275: {  	p2 =	seq.s32 @!p1 s0, s3  }
0x276: {  	s4 =	simm.s32 $0x0;
	p2 =	por !p2, p1  }
0x277: {  	s3 =	simm.s32 $0xFFFFFFFF;
	s4 =	simm.s32 @p2 $0xFFFFFFFF  }
0x278: {  	s5 =	simm.s32 $0x1;
	s4 =	smov.u32 @p1 s3  }
.LBB3_41:
0x279: {  	s3 =	smov.u32 s4;
	p1 =	sne.s32 s4, $0xFFFFFFFF  }
0x27a: {  	s2 =	sadd.s32 $0x1, s2;
	s4 =	smov.u32 s5;
	s5 =	sadd.s32 $0x1, s5  }
0x27b: {  	p2 =	sne.s32 s6, s5;
	v1 =	vld.msk @!p1 [tilespmem:s2+$0x0], $0x1;
	_ =	sdelay $0x4  }
0x27c: {  	(v2sf) =	vpush @!p1 v1, $0x0;
	_ =	sdelay $0xe  }
.Ltmp43:
0x27d: {  	s15 =	spop @!p1 (v2sf);
	(pc) =	sbr.rel @p2 .LBB3_41-.Ltmp43, $4  }
0x27e: {  	p3 =	seq.s32 @!p1 s0, s15  }
0x27f: {  	p3 =	por !p3, p1  }
0x280: {  	s4 =	simm.s32 @p3 $0xFFFFFFFF  }
0x281: {  	s4 =	smov.u32 @p1 s3  }
.LBB3_42:
0x282: {  	p1 =	seq.s32 s4, $0xFFFFFFFF  }
.Ltmp44:
0x283: {  	_ = 	snop;
	(pc) =	sbr.rel @p1 .LBB3_46-.Ltmp44, $1  }
0x284: {  	_ =	sdelay $0x3  }
0x285: {  	s0 =	sshll.u32 s4, $0xB  }
0x286: {  	s0 =	sshra.s32 s0, $0x2  }
0x287: {  	s2 =	simm.s32 $0x0;
	v0 =	vld [tilespmem:s10+$0x0];
	s3 =	smov.u32 s10;
	s0 =	sadd.s32 $0xC838, s0  }
.LBB3_44:
0x288: {  	s2 =	sadd.s32 $0x10, s2  }
0x289: {  	p1 =	slt.u32 s2, $0x1F0  }
.Ltmp45:
0x28a: {  	_ = 	snop;
	(pc) =	sbr.rel @p1 .LBB3_44-.Ltmp45, $3  }
0x28b: {  	_ =	sdelay $0x1  }
0x28c: {  	s3 =	sadd.s32 $0x10, s3;
	[tilespmem:s0+$0x0] =	vst.add.f32.msk $0xffff, v0;
	s0 =	sadd.s32 $0x10, s0  }
0x28d: {  	v0 =	vld [tilespmem:s3+$0x0]  }
.Ltmp46:
0x28e: {  	_ = 	snop;
	(pc) =	sbr.rel .LBB3_53-.Ltmp46, $2  }
0x28f: {  	_ =	sdelay $0x2  }
0x290: {  	[tilespmem:s0+$0x0] =	vst.add.f32.msk $0xffff, v0  }
.LBB3_46:
0x291: {  	p1 =	sgt.u32 s0, $0xC3470  }
0x292: {  	p2 =	seq.s32 @!p1 s0, s8  }
0x293: {  	p1 =	por p1, p2  }
0x294: {  	p2 =	seq.s32 @!p1 s0, s7  }
0x295: {  	p1 =	por p1, p2  }
.Ltmp47:
0x296: {  	_ = 	snop;
	(pc) =	sbr.rel @p1 .LBB3_50-.Ltmp47, $1  }
0x297: {  	_ =	sdelay $0x3  }
0x298: {  	s2 =	sand.u32 $0xFFFF8, s0;
	s4 =	sand.u32 $0x7, s0  }
0x299: {  	s29 =	sadd.s32 $0x80, s0;
	s3 =	sadd.s32 s1, s2;
	s2 =	simm.s32 $0xC608  }
0x29a: {  	[tilespmem:s2], [sflag:$0x6] =	stream.linear.gather [hbm4b:s3+s4], $0x80, $0x38;
	[tilespmem:$0x1C938] =	vst v63  }
0x29b: {  	s3 =	sand.u32 $0x1FFFF8, s29  }
0x29c: {  	s30 =	sadd.s32 $0x100, s0;
	s3 =	sadd.s32 s1, s3  }
0x29d: {  	[tilespmem:s11], [sflag:$0x6] =	stream.linear.gather [hbm4b:s3+s4], $0x80, $0x38;
	[tilespmem:$0x1C938] =	vst v63  }
0x29e: {  	s31 =	sadd.s32 $0x180, s0;
	s3 =	sand.u32 $0x1FFFF8, s30  }
0x29f: {  	s0 =	sand.u32 $0x1FFFF8, s31;
	s3 =	sadd.s32 s1, s3  }
0x2a0: {  	[tilespmem:s12], [sflag:$0x6] =	stream.linear.gather [hbm4b:s3+s4], $0x80, $0x38;
	[tilespmem:$0x1C938] =	vst v63  }
0x2a1: {  	s0 =	sadd.s32 s1, s0  }
0x2a2: {  	[tilespmem:s13], [sflag:$0x6] =	stream.linear.gather [hbm4b:s0+s4], $0x80, $0x38;
	[tilespmem:$0x1C938] =	vst v63  }
0x2a3: {  	_ =	swait.ge [sflag:s9], $0x200  }
0x2a4: {  	[sflag:s9] =	ssyncset.done $0x0  }
0x2a5: {  	[sflag:s9] =	ssyncadd.s32 $0xFFFFFE00  }
0x2a6: {  	s3 =	smov.u32 s10;
	s0 =	simm.s32 $0x0;
	v1 =	vld [tilespmem:s2+$0x0]  }
.LBB3_48:
0x2a7: {  	s0 =	sadd.s32 $0x10, s0  }
0x2a8: {  	p1 =	slt.u32 s0, $0x1F0  }
.Ltmp48:
0x2a9: {  	_ = 	snop;
	(pc) =	sbr.rel @p1 .LBB3_48-.Ltmp48, $3  }
0x2aa: {  	_ =	sdelay $0x1  }
0x2ab: {  	s2 =	sadd.s32 $0x10, s2;
	[tilespmem:s3+$0x0] =	vst.add.f32.msk $0xffff, v1;
	s3 =	sadd.s32 $0x10, s3  }
0x2ac: {  	v1 =	vld [tilespmem:s2+$0x0]  }
0x2ad: {  	_ =	sdelay $0x3  }
0x2ae: {  	[tilespmem:s3+$0x0] =	vst.add.f32.msk $0xffff, v1  }
.LBB3_50:
0x2af: {  	s0 =	sshll.u32 s6, $0xB  }
0x2b0: {  	[tilespmem:s6+$0xC818] =	vst.msk $0x1, v0;
	s0 =	sshra.s32 s0, $0x2  }
0x2b1: {  	s2 =	simm.s32 $0x0;
	s3 =	smov.u32 s10;
	v0 =	vld [tilespmem:s10+$0x0];
	s0 =	sadd.s32 $0xC838, s0  }
.LBB3_51:
0x2b2: {  	s2 =	sadd.s32 $0x10, s2  }
0x2b3: {  	p1 =	slt.u32 s2, $0x1F0  }
.Ltmp49:
0x2b4: {  	_ = 	snop;
	(pc) =	sbr.rel @p1 .LBB3_51-.Ltmp49, $3  }
0x2b5: {  	_ =	sdelay $0x1  }
0x2b6: {  	s3 =	sadd.s32 $0x10, s3;
	[tilespmem:s0+$0x0] =	vst v0;
	s0 =	sadd.s32 $0x10, s0  }
0x2b7: {  	v0 =	vld [tilespmem:s3+$0x0]  }
.Ltmp50:
0x2b8: {  	_ = 	snop;
	(pc) =	sbr.rel .LBB3_53-.Ltmp50, $2  }
0x2b9: {  	_ =	sdelay $0x2  }
0x2ba: {  	s6 =	sadd.s32 $0x1, s6;
	[tilespmem:s0+$0x0] =	vst v0  }
.LBB3_54:
0x2bb: {  	s0 =	simm.s32 $0x6;
	p1 =	seq.s32 s6, $0x0  }
0x2bc: {  	[sflag:s0] =	ssyncpa.u1 $0x1;
	v0 =	vimm.s32 @p1 $0xFFFFFFFF  }
0x2bd: {  	s0 =	sadd.s32 $0xFFFFFFFF, s6;
	[tilespmem:$0x10838] =	vst @p1 v0  }
0x2be: {  	v0 =	vld.msk @!p1 [tilespmem:s0+$0xC818], $0x1;
	_ =	sdelay $0x1  }
0x2bf: {  	v1 =	vld.msk @!p1 [tilespmem:$0xC818], $0x1;
	_ =	sdelay $0x2  }
0x2c0: {  	p2 =	seq.s32 @!p1 s0, $0x0;
	v0 =	vbroadcast @!p1 v0, $0x0  }
0x2c1: {  	vm0 =	vmmov @!p1 $0x1;
	p2 =	por !p2, p1  }
0x2c2: {  	v1 =	vnsel @!p1 vm0, $0xFFFFFFFF, v1;
	vm0 =	vcmask @!p1 $0x308;
	v0 =	vpsel !p2, $0xFFFFFFFF, v0  }
0x2c3: {  	p2 =	sne.s32 @!p1 s8, s7;
	v0 =	vsel @!p1 vm0, v1, v0  }
0x2c4: {  	s2 =	simm.s32 @!p1 $0xC838;
	s3 =	simm.s32 @!p1 $0x0;
	p3 =	por !p2, p1;
	[tilespmem:$0x10838] =	vst @!p1 v0  }
0x2c5: {  	[spmem:s3] =	stream.linear.scatter @!p1 [tilespmem:s2], [sflag:$0x1], $0x200, $0x38;
	[tilespmem:$0x1C938] =	vst v63  }
0x2c6: {  	s2 =	sshll.u32 @!p3 s0, $0xB  }
0x2c7: {  	s2 =	sshra.s32 @!p3 s2, $0x2  }
0x2c8: {  	s3 =	simm.s32 @!p3 $0x200;
	s2 =	sadd.s32 @!p3 $0xC838, s2  }
0x2c9: {  	[spmem:s3] =	stream.linear.scatter @!p3 [tilespmem:s2], [sflag:$0x1], $0x200, $0x38;
	[tilespmem:$0x1C938] =	vst v63  }
0x2ca: {  	s2 =	simm.s32 @!p3 $0x1  }
0x2cb: {  	_ =	swait.ge @!p3 [sflag:s2], $0x400  }
0x2cc: {  	p1 =	por p2, p1;
	[sflag:s2] =	ssyncset.done @!p3 $0x0  }
0x2cd: {  	[sflag:s2] =	ssyncadd.s32 @!p3 $0xFFFFFC00;
	s2 =	simm.s32 @!p1 $0x1  }
0x2ce: {  	_ =	swait.ge @!p1 [sflag:s2], $0x200  }
0x2cf: {  	s29 =	simm.s32 $0x10838;
	[sflag:s2] =	ssyncset.done @!p1 $0x0  }
0x2d0: {  	s30 =	simm.s32 $0x4000;
	s31 =	simm.s32 $0x1;
	[sflag:s2] =	ssyncadd.s32 @!p1 $0xFFFFFE00  }
0x2d1: {  	[spmem:s30] =	stream.linear.scatter [tilespmem:s29], [sflag:$0x1], $0x10, $0x38;
	[tilespmem:$0x1C938] =	vst v63  }
0x2d2: {  	_ =	swait.ge [sflag:s31], $0x10  }
0x2d3: {  	[sflag:s31] =	ssyncset.done $0x0  }
0x2d4: {  	p1 =	seq.s32 s16, $0x0;
	s9 =	rddreg [dreg:$0x1];
	[sflag:s31] =	ssyncadd.s32 $0xFFFFFFF0  }
0x2d5: {  	s3 =	sshll.u32 @p1 s9, $0xE;
	s8 =	rddreg [dreg:$0x2]  }
0x2d6: {  	s2 =	sadd.s32 @p1 $0x15C3C, s3;
	s3 =	sshll.u32 @p1 s8, $0x11  }
0x2d7: {  	_ =	sfence.stream.spmem;
	s2 =	sor.u32 @p1 s3, s2  }
0x2d8: {  	[sflag:s2] =	ssyncadd.remote.s32 @p1 $0x1;
	s2 =	simm.s32 @p1 $0x4  }
0x2d9: {  	s4 =	simm.s32 @!p1 $0x3C;
	s3 =	sand.u32 $0xFFFFFFFE, s9;
	_ =	swait.ge @p1 [sflag:s2], $0x82  }
0x2da: {  	s5 =	simm.s32 @!p1 $0x0;
	s3 =	sadd.s32 @!p1 $0x4, s3;
	[sflag:s2] =	ssyncset.done @p1 $0x0  }
0x2db: {  	s7 =	simm.s32 @!p1 $0x400;
	[sflag:s2] =	ssyncadd.s32 @p1 $0xFFFFFF7E;
	s2 =	sshll.u32 @!p1 s3, $0x1A  }
0x2dc: {  	s3 =	sshll.u32 @!p1 s3, $0xD;
	s2 =	sor.u32 @!p1 s2, s8;
	_ =	swait.eq @!p1 [sflag:s4], $0x1  }
0x2dd: {  	s3 =	sor.u32 @!p1 $0x1C04, s3;
	s4 =	simm.s32 @!p1 $0x1C03;
	s2 =	sor.u32 @!p1 $0x80004000, s2  }
0x2de: {  	[spmem:s7], [sflag:s3] =	dma.general @!p1 [spmem:s5], [sflag:s4], length:$0x80, [dreg:$0x0], stride_count:$0x0, ici_dest:s2, dma_misc:DstOpCode:WRITE  }
0x2df: {  	p2 =	slt.s32 s0, $0x2;
	s5 =	simm.s32 @!p1 $0x800;
	s7 =	simm.s32 @!p1 $0x802  }
0x2e0: {  	[spmem:s7], [sflag:s3] =	dma.general @!p1 [spmem:s5], [sflag:s4], length:$0x2, [dreg:$0x0], stride_count:$0x0, ici_dest:s2, dma_misc:DstOpCode:WRITE  }
.Ltmp51:
0x2e1: {  	s2 =	simm.s32 @!p1 $0x3;
	(pc) =	sbr.rel @p2 .LBB3_58-.Ltmp51, $4  }
0x2e2: {  	s3 =	sshll.u32 @!p1 s9, $0xE;
	_ =	swait.ge @!p1 [sflag:s2], $0x82  }
0x2e3: {  	s4 =	sshll.u32 @!p1 s8, $0x11;
	s3 =	sadd.s32 @!p1 $0x11C3C, s3;
	[sflag:s2] =	ssyncset.done @!p1 $0x0  }
0x2e4: {  	[sflag:s2] =	ssyncadd.s32 @!p1 $0xFFFFFF7E;
	s2 =	sor.u32 @!p1 s4, s3  }
0x2e5: {  	s0 =	simm.s32 $0x0;
	[sflag:s2] =	ssyncadd.remote.s32 @!p1 $0xFFFFFFFF  }
0x2e6: {  	s0 =	simm.s32 $0xC819  }
0x2e7: {  	v0 =	vld.msk [tilespmem:s0+$0x0], $0x1;
	_ =	sdelay $0x4  }
0x2e8: {  	(v2sf) =	vpush v0, $0x0;
	_ =	sdelay $0xe  }
0x2e9: {  	s2 =	sadd.s32 $0xFFFFFFFE, s6;
	s3 =	spop (v2sf)  }
0x2ea: {  	s5 =	simm.s32 $0xCA38;
	s4 =	sadd.s32 $0xFFFFFFFF, s2;
	p1 =	sgt.u32 s3, $0xC3470  }
0x2eb: {  	s0 =	simm.s32 $0x0;
	p2 =	sne.s32 s4, $0x0;
	s2 =	sand.u32 @!p1 $0xFFFF8, s3  }
0x2ec: {  	s6 =	sadd.s32 @!p1 $0x80, s3;
	s7 =	sadd.s32 @!p1 $0x100, s3;
	s8 =	sadd.s32 @!p1 s1, s2  }
0x2ed: {  	s2 =	sand.u32 @!p1 $0x7, s3;
	s6 =	sand.u32 @!p1 $0x1FFFF8, s6;
	s7 =	sand.u32 @!p1 $0x1FFFF8, s7  }
0x2ee: {  	[hbm4b:s8+s2] =	stream.linear.scatter @!p1 [tilespmem:s5], [sflag:$0x5], $0x80, $0x38;
	[tilespmem:$0x1C938] =	vst v63  }
0x2ef: {  	s5 =	simm.s32 @!p1 $0xCAB8;
	s6 =	sadd.s32 @!p1 s1, s6;
	s7 =	sadd.s32 @!p1 s1, s7  }
.Ltmp52:
0x2f0: {  	s8 =	sadd.s32 @!p1 $0x180, s3;
	s3 =	simm.s32 $0x0;
	(pc) =	sbr.rel @!p2 .LBB3_57-.Ltmp52, $4  }
0x2f1: {  	[hbm4b:s6+s2] =	stream.linear.scatter @!p1 [tilespmem:s5], [sflag:$0x5], $0x80, $0x38;
	[tilespmem:$0x1C938] =	vst v63  }
0x2f2: {  	s3 =	simm.s32 @!p1 $0x800;
	s8 =	sand.u32 @!p1 $0x1FFFF8, s8;
	s6 =	simm.s32 @!p1 $0xCB38  }
0x2f3: {  	[hbm4b:s7+s2] =	stream.linear.scatter @!p1 [tilespmem:s6], [sflag:$0x5], $0x80, $0x38;
	[tilespmem:$0x1C938] =	vst v63  }
0x2f4: {  	s5 =	simm.s32 $0xC81A;
	s6 =	simm.s32 $0xCC38;
	s7 =	simm.s32 @!p1 $0xCBB8  }
.LBB3_56:
0x2f5: {  	s4 =	sadd.s32 $0xFFFFFFFF, s4;
	s8 =	sadd.s32 @!p1 s1, s8;
	s0 =	sadd.s32 s0, s3  }
0x2f6: {  	[hbm4b:s8+s2] =	stream.linear.scatter @!p1 [tilespmem:s7], [sflag:$0x5], $0x80, $0x38;
	[tilespmem:$0x1C938] =	vst v63  }
0x2f7: {  	p2 =	sne.s32 s4, $0x0;
	s7 =	smov.u32 s6;
	v0 =	vld.msk [tilespmem:s5+$0x0], $0x1;
	_ =	sdelay $0x4  }
0x2f8: {  	(v2sf) =	vpush v0, $0x0;
	_ =	sdelay $0xe  }
0x2f9: {  	s3 =	spop (v2sf)  }
0x2fa: {  	s6 =	sadd.s32 $0x200, s6;
	s5 =	sadd.s32 $0x1, s5;
	p1 =	sgt.u32 s3, $0xC3470  }
0x2fb: {  	s2 =	sand.u32 @!p1 $0xFFFF8, s3;
	s8 =	sadd.s32 @!p1 $0x80, s3;
	s9 =	sadd.s32 @!p1 $0x100, s3  }
0x2fc: {  	s10 =	sadd.s32 @!p1 s1, s2;
	s2 =	sand.u32 @!p1 $0x7, s3;
	s8 =	sand.u32 @!p1 $0x1FFFF8, s8  }
0x2fd: {  	[hbm4b:s10+s2] =	stream.linear.scatter @!p1 [tilespmem:s7], [sflag:$0x5], $0x80, $0x38;
	[tilespmem:$0x1C938] =	vst v63  }
0x2fe: {  	s9 =	sand.u32 @!p1 $0x1FFFF8, s9;
	s10 =	sadd.s32 @!p1 $0x80, s7  }
.Ltmp53:
0x2ff: {  	s8 =	sadd.s32 @!p1 s1, s8;
	s9 =	sadd.s32 @!p1 s1, s9;
	(pc) =	sbr.rel @p2 .LBB3_56-.Ltmp53, $4  }
0x300: {  	[hbm4b:s8+s2] =	stream.linear.scatter @!p1 [tilespmem:s10], [sflag:$0x5], $0x80, $0x38;
	[tilespmem:$0x1C938] =	vst v63  }
0x301: {  	s8 =	sadd.s32 @!p1 $0x100, s7;
	s10 =	sadd.s32 @!p1 $0x180, s3;
	s3 =	simm.s32 $0x0  }
0x302: {  	[hbm4b:s9+s2] =	stream.linear.scatter @!p1 [tilespmem:s8], [sflag:$0x5], $0x80, $0x38;
	[tilespmem:$0x1C938] =	vst v63  }
0x303: {  	s7 =	sadd.s32 @!p1 $0x180, s7;
	s3 =	simm.s32 @!p1 $0x800;
	s8 =	sand.u32 @!p1 $0x1FFFF8, s10  }
.LBB3_57:
0x304: {  	s4 =	sadd.s32 @!p1 s1, s8;
	s0 =	sadd.s32 s0, s3  }
0x305: {  	[hbm4b:s4+s2] =	stream.linear.scatter @!p1 [tilespmem:s7], [sflag:$0x5], $0x80, $0x38;
	[tilespmem:$0x1C938] =	vst v63  }
0x306: {  	s0 =	sshrl.u32 s0, $0x2  }
.LBB3_58:
0x307: {  	s2 =	simm.s32 $0x5  }
0x308: {  	_ =	swait.ge [sflag:s2], s0  }
0x309: {  	s31 =	ssub.s32 $0x0, s0;
	[sflag:s2] =	ssyncset.done $0x0  }
0x30a: {  	[sflag:s2] =	ssyncadd.s32 s31  }
0x30b: {  	[sflag:s2] =	ssyncpa.u1 $0x1  }
.LBB3_59:
0x30c: {  	s0 =	sor.u32 s16, s17  }
0x30d: {  	p1 =	sne.s32 s0, $0x0  }
.Ltmp54:
0x30e: {  	_ = 	snop;
	(pc) =	sbr.rel @p1 .LBB3_82-.Ltmp54, $3  }
0x30f: {  	_ =	sdelay $0x1  }
0x310: {  	[bflag:$0x0] =	sbarrier.arrive $0xFFFF  }
0x311: {  	_ =	sfence  }
0x312: {  	s0 =	simm.s32 $0x7  }
0x313: {  	s2 =	simm.s32 $0x4000;
	s3 =	simm.s32 $0xC818;
	[sflag:s0] =	ssyncpa.u1 $0x0  }
0x314: {  	[tilespmem:s3], [sflag:$0x7] =	stream.linear.gather [spmem:s2], $0x20, $0x38;
	[tilespmem:$0x1C938] =	vst v63  }
0x315: {  	s2 =	simm.s32 $0x0;
	s3 =	simm.s32 $0xC838  }
0x316: {  	[tilespmem:s3], [sflag:$0x7] =	stream.linear.gather [spmem:s2], $0x4000, $0x38;
	[tilespmem:$0x1C938] =	vst v63  }
.Ltmp55:
0x317: {  	_ = 	snop;
	(pc) =	sbr.rel .LBB3_61-.Ltmp55, $4  }
0x318: {  	_ =	swait.ge [sflag:s0], $0x4020  }
0x319: {  	s4 =	simm.s32 $0x8;
	[sflag:s0] =	ssyncset.done $0x0  }
0x31a: {  	s5 =	simm.s32 $0xC688;
	s6 =	simm.s32 $0xC708;
	[sflag:s0] =	ssyncadd.s32 $0xFFFFBFE0  }
0x31b: {  	s7 =	simm.s32 $0xC788;
	s8 =	simm.s32 $0x0;
	[sflag:s4] =	ssyncpa.u1 $0x0  }
.LBB3_76:
0x31c: {  	s8 =	sadd.s32 $0x1, s8  }
0x31d: {  	p1 =	sne.s32 s8, $0x20  }
.Ltmp56:
0x31e: {  	_ = 	snop;
	(pc) =	sbr.rel @!p1 .LBB3_77-.Ltmp56, $2  }
0x31f: {  	_ =	sdelay $0x2  }
0x320: {  	s3 =	sadd.s32 $0x200, s3  }
.LBB3_61:
0x321: {  	v0 =	vld.msk [tilespmem:s8+$0xC818], $0x1;
	_ =	sdelay $0x4  }
0x322: {  	(v2sf) =	vpush v0, $0x0;
	_ =	sdelay $0xe  }
0x323: {  	s0 =	spop (v2sf)  }
0x324: {  	p1 =	seq.s32 s0, $0xFFFFFFFF  }
.Ltmp57:
0x325: {  	_ = 	snop;
	(pc) =	sbr.rel @p1 .LBB3_76-.Ltmp57, $1  }
0x326: {  	_ =	sdelay $0x3  }
0x327: {  	p1 =	slt.s32 s2, $0x1  }
.Ltmp58:
0x328: {  	_ = 	snop;
	(pc) =	sbr.rel @p1 .LBB3_69-.Ltmp58, $1  }
0x329: {  	_ =	sdelay $0x3  }
0x32a: {  	s9 =	simm.s32 $0xC818;
	p1 =	por $0x0, $0x0  }
0x32b: {  	v1 =	vld.msk @!p1 [tilespmem:s9+$0x0], $0x1;
	_ =	sdelay $0x4  }
0x32c: {  	(v2sf) =	vpush @!p1 v1, $0x0;
	_ =	sdelay $0xd  }
0x32d: {  	p3 =	sne.s32 s2, $0x1  }
.Ltmp59:
0x32e: {  	s10 =	spop @!p1 (v2sf);
	(pc) =	sbr.rel @!p3 .LBB3_65-.Ltmp59, $4  }
0x32f: {  	p2 =	seq.s32 @!p1 s0, s10  }
0x330: {  	s10 =	simm.s32 $0x0;
	p2 =	por !p2, p1  }
0x331: {  	s12 =	simm.s32 $0xFFFFFFFF;
	s10 =	simm.s32 @p2 $0xFFFFFFFF  }
0x332: {  	s11 =	simm.s32 $0x1;
	s10 =	smov.u32 @p1 s12  }
.LBB3_64:
0x333: {  	s12 =	smov.u32 s10;
	p1 =	sne.s32 s10, $0xFFFFFFFF  }
0x334: {  	s9 =	sadd.s32 $0x1, s9;
	s10 =	smov.u32 s11;
	s11 =	sadd.s32 $0x1, s11  }
0x335: {  	p2 =	sne.s32 s2, s11;
	v1 =	vld.msk @!p1 [tilespmem:s9+$0x0], $0x1;
	_ =	sdelay $0x4  }
0x336: {  	(v2sf) =	vpush @!p1 v1, $0x0;
	_ =	sdelay $0xe  }
.Ltmp60:
0x337: {  	s13 =	spop @!p1 (v2sf);
	(pc) =	sbr.rel @p2 .LBB3_64-.Ltmp60, $4  }
0x338: {  	p3 =	seq.s32 @!p1 s0, s13  }
0x339: {  	p3 =	por !p3, p1  }
0x33a: {  	s10 =	simm.s32 @p3 $0xFFFFFFFF  }
0x33b: {  	s10 =	smov.u32 @p1 s12  }
.LBB3_65:
0x33c: {  	p1 =	seq.s32 s10, $0xFFFFFFFF  }
.Ltmp61:
0x33d: {  	_ = 	snop;
	(pc) =	sbr.rel @p1 .LBB3_69-.Ltmp61, $1  }
0x33e: {  	_ =	sdelay $0x3  }
0x33f: {  	s0 =	sshll.u32 s10, $0xB  }
0x340: {  	s0 =	sshra.s32 s0, $0x2  }
0x341: {  	s9 =	simm.s32 $0x0;
	v0 =	vld [tilespmem:s3+$0x0];
	s10 =	smov.u32 s3;
	s0 =	sadd.s32 $0xC838, s0  }
.LBB3_67:
0x342: {  	s9 =	sadd.s32 $0x10, s9  }
0x343: {  	p1 =	slt.u32 s9, $0x1F0  }
.Ltmp62:
0x344: {  	_ = 	snop;
	(pc) =	sbr.rel @p1 .LBB3_67-.Ltmp62, $3  }
0x345: {  	_ =	sdelay $0x1  }
0x346: {  	s10 =	sadd.s32 $0x10, s10;
	[tilespmem:s0+$0x0] =	vst.add.f32.msk $0xffff, v0;
	s0 =	sadd.s32 $0x10, s0  }
0x347: {  	v0 =	vld [tilespmem:s10+$0x0]  }
.Ltmp63:
0x348: {  	_ = 	snop;
	(pc) =	sbr.rel .LBB3_76-.Ltmp63, $2  }
0x349: {  	_ =	sdelay $0x2  }
0x34a: {  	[tilespmem:s0+$0x0] =	vst.add.f32.msk $0xffff, v0  }
.LBB3_69:
0x34b: {  	p1 =	sgt.u32 s0, $0xC3470  }
.Ltmp64:
0x34c: {  	_ = 	snop;
	(pc) =	sbr.rel @p1 .LBB3_73-.Ltmp64, $1  }
0x34d: {  	_ =	sdelay $0x3  }
0x34e: {  	s9 =	sand.u32 $0xFFFF8, s0;
	s11 =	sand.u32 $0x7, s0  }
0x34f: {  	s29 =	sadd.s32 $0x80, s0;
	s10 =	sadd.s32 s1, s9;
	s9 =	simm.s32 $0xC608  }
0x350: {  	[tilespmem:s9], [sflag:$0x8] =	stream.linear.gather [hbm4b:s10+s11], $0x80, $0x38;
	[tilespmem:$0x1C938] =	vst v63  }
0x351: {  	s10 =	sand.u32 $0x1FFFF8, s29  }
0x352: {  	s30 =	sadd.s32 $0x100, s0;
	s10 =	sadd.s32 s1, s10  }
0x353: {  	[tilespmem:s5], [sflag:$0x8] =	stream.linear.gather [hbm4b:s10+s11], $0x80, $0x38;
	[tilespmem:$0x1C938] =	vst v63  }
0x354: {  	s31 =	sadd.s32 $0x180, s0;
	s10 =	sand.u32 $0x1FFFF8, s30  }
0x355: {  	s0 =	sand.u32 $0x1FFFF8, s31;
	s10 =	sadd.s32 s1, s10  }
0x356: {  	[tilespmem:s6], [sflag:$0x8] =	stream.linear.gather [hbm4b:s10+s11], $0x80, $0x38;
	[tilespmem:$0x1C938] =	vst v63  }
0x357: {  	s0 =	sadd.s32 s1, s0  }
0x358: {  	[tilespmem:s7], [sflag:$0x8] =	stream.linear.gather [hbm4b:s0+s11], $0x80, $0x38;
	[tilespmem:$0x1C938] =	vst v63  }
0x359: {  	_ =	swait.ge [sflag:s4], $0x200  }
0x35a: {  	[sflag:s4] =	ssyncset.done $0x0  }
0x35b: {  	[sflag:s4] =	ssyncadd.s32 $0xFFFFFE00  }
0x35c: {  	s10 =	smov.u32 s3;
	s0 =	simm.s32 $0x0;
	v1 =	vld [tilespmem:s9+$0x0]  }
.LBB3_71:
0x35d: {  	s0 =	sadd.s32 $0x10, s0  }
0x35e: {  	p1 =	slt.u32 s0, $0x1F0  }
.Ltmp65:
0x35f: {  	_ = 	snop;
	(pc) =	sbr.rel @p1 .LBB3_71-.Ltmp65, $3  }
0x360: {  	_ =	sdelay $0x1  }
0x361: {  	s9 =	sadd.s32 $0x10, s9;
	[tilespmem:s10+$0x0] =	vst.add.f32.msk $0xffff, v1;
	s10 =	sadd.s32 $0x10, s10  }
0x362: {  	v1 =	vld [tilespmem:s9+$0x0]  }
0x363: {  	_ =	sdelay $0x3  }
0x364: {  	[tilespmem:s10+$0x0] =	vst.add.f32.msk $0xffff, v1  }
.LBB3_73:
0x365: {  	s0 =	sshll.u32 s2, $0xB  }
0x366: {  	[tilespmem:s2+$0xC818] =	vst.msk $0x1, v0;
	s0 =	sshra.s32 s0, $0x2  }
0x367: {  	s9 =	simm.s32 $0x0;
	s10 =	smov.u32 s3;
	v0 =	vld [tilespmem:s3+$0x0];
	s0 =	sadd.s32 $0xC838, s0  }
.LBB3_74:
0x368: {  	s9 =	sadd.s32 $0x10, s9  }
0x369: {  	p1 =	slt.u32 s9, $0x1F0  }
.Ltmp66:
0x36a: {  	_ = 	snop;
	(pc) =	sbr.rel @p1 .LBB3_74-.Ltmp66, $3  }
0x36b: {  	_ =	sdelay $0x1  }
0x36c: {  	s10 =	sadd.s32 $0x10, s10;
	[tilespmem:s0+$0x0] =	vst v0;
	s0 =	sadd.s32 $0x10, s0  }
0x36d: {  	v0 =	vld [tilespmem:s10+$0x0]  }
.Ltmp67:
0x36e: {  	_ = 	snop;
	(pc) =	sbr.rel .LBB3_76-.Ltmp67, $2  }
0x36f: {  	_ =	sdelay $0x2  }
0x370: {  	s2 =	sadd.s32 $0x1, s2;
	[tilespmem:s0+$0x0] =	vst v0  }
.LBB3_77:
0x371: {  	p1 =	slt.s32 s2, $0x1  }
.Ltmp68:
0x372: {  	_ = 	snop;
	(pc) =	sbr.rel @p1 .LBB3_81-.Ltmp68, $3  }
0x373: {  	_ =	sdelay $0x1  }
0x374: {  	s0 =	simm.s32 $0x8  }
0x375: {  	[sflag:s0] =	ssyncpa.u1 $0x1;
	s0 =	simm.s32 $0x0  }
0x376: {  	s3 =	simm.s32 $0xC818  }
0x377: {  	v0 =	vld.msk [tilespmem:s3+$0x0], $0x1;
	_ =	sdelay $0x4  }
0x378: {  	(v2sf) =	vpush v0, $0x0;
	_ =	sdelay $0xe  }
0x379: {  	s7 =	spop (v2sf)  }
0x37a: {  	s2 =	sadd.s32 $0xFFFFFFFF, s2;
	p1 =	sgt.u32 s7, $0xC3470  }
0x37b: {  	s3 =	simm.s32 $0xC838;
	s4 =	sand.u32 @!p1 $0xFFFF8, s7;
	s8 =	sadd.s32 @!p1 $0x80, s7  }
0x37c: {  	s5 =	sand.u32 @!p1 $0x7, s7;
	s4 =	sadd.s32 @!p1 s1, s4;
	s8 =	sand.u32 @!p1 $0x1FFFF8, s8  }
0x37d: {  	[hbm4b:s4+s5] =	stream.linear.scatter @!p1 [tilespmem:s3], [sflag:$0x7], $0x80, $0x38;
	[tilespmem:$0x1C938] =	vst v63  }
0x37e: {  	p2 =	sne.s32 s2, $0x0;
	s3 =	simm.s32 @!p1 $0xC8B8;
	s4 =	sadd.s32 @!p1 s1, s8  }
0x37f: {  	[hbm4b:s4+s5] =	stream.linear.scatter @!p1 [tilespmem:s3], [sflag:$0x7], $0x80, $0x38;
	[tilespmem:$0x1C938] =	vst v63  }
.Ltmp69:
0x380: {  	s6 =	simm.s32 $0x0;
	s9 =	sadd.s32 @!p1 $0x100, s7;
	(pc) =	sbr.rel @!p2 .LBB3_80-.Ltmp69, $4  }
0x381: {  	s6 =	simm.s32 @!p1 $0x800;
	s8 =	sand.u32 @!p1 $0x1FFFF8, s9;
	s3 =	simm.s32 @!p1 $0xC938  }
0x382: {  	s4 =	sadd.s32 @!p1 s1, s8;
	s8 =	sadd.s32 @!p1 $0x180, s7;
	s7 =	simm.s32 @!p1 $0xC9B8  }
0x383: {  	[hbm4b:s4+s5] =	stream.linear.scatter @!p1 [tilespmem:s3], [sflag:$0x7], $0x80, $0x38;
	[tilespmem:$0x1C938] =	vst v63  }
0x384: {  	s8 =	sand.u32 @!p1 $0x1FFFF8, s8;
	s3 =	simm.s32 $0xC819;
	s4 =	simm.s32 $0xCA38  }
.LBB3_79:
0x385: {  	s2 =	sadd.s32 $0xFFFFFFFF, s2;
	s8 =	sadd.s32 @!p1 s1, s8;
	s0 =	sadd.s32 s0, s6  }
0x386: {  	[hbm4b:s8+s5] =	stream.linear.scatter @!p1 [tilespmem:s7], [sflag:$0x7], $0x80, $0x38;
	[tilespmem:$0x1C938] =	vst v63  }
0x387: {  	p2 =	sne.s32 s2, $0x0;
	s7 =	smov.u32 s4;
	v0 =	vld.msk [tilespmem:s3+$0x0], $0x1;
	_ =	sdelay $0x4  }
0x388: {  	(v2sf) =	vpush v0, $0x0;
	_ =	sdelay $0xe  }
0x389: {  	s6 =	spop (v2sf)  }
0x38a: {  	s4 =	sadd.s32 $0x200, s4;
	s3 =	sadd.s32 $0x1, s3;
	p1 =	sgt.u32 s6, $0xC3470  }
0x38b: {  	s5 =	sand.u32 @!p1 $0xFFFF8, s6;
	s8 =	sadd.s32 @!p1 $0x80, s6;
	s9 =	sadd.s32 @!p1 $0x100, s6  }
0x38c: {  	s10 =	sadd.s32 @!p1 s1, s5;
	s5 =	sand.u32 @!p1 $0x7, s6;
	s8 =	sand.u32 @!p1 $0x1FFFF8, s8  }
0x38d: {  	[hbm4b:s10+s5] =	stream.linear.scatter @!p1 [tilespmem:s7], [sflag:$0x7], $0x80, $0x38;
	[tilespmem:$0x1C938] =	vst v63  }
0x38e: {  	s9 =	sand.u32 @!p1 $0x1FFFF8, s9;
	s10 =	sadd.s32 @!p1 $0x80, s7  }
.Ltmp70:
0x38f: {  	s8 =	sadd.s32 @!p1 s1, s8;
	s9 =	sadd.s32 @!p1 s1, s9;
	(pc) =	sbr.rel @p2 .LBB3_79-.Ltmp70, $4  }
0x390: {  	[hbm4b:s8+s5] =	stream.linear.scatter @!p1 [tilespmem:s10], [sflag:$0x7], $0x80, $0x38;
	[tilespmem:$0x1C938] =	vst v63  }
0x391: {  	s8 =	sadd.s32 @!p1 $0x100, s7;
	s10 =	sadd.s32 @!p1 $0x180, s6;
	s6 =	simm.s32 $0x0  }
0x392: {  	[hbm4b:s9+s5] =	stream.linear.scatter @!p1 [tilespmem:s8], [sflag:$0x7], $0x80, $0x38;
	[tilespmem:$0x1C938] =	vst v63  }
0x393: {  	s7 =	sadd.s32 @!p1 $0x180, s7;
	s6 =	simm.s32 @!p1 $0x800;
	s8 =	sand.u32 @!p1 $0x1FFFF8, s10  }
.LBB3_80:
0x394: {  	s1 =	sadd.s32 @!p1 s1, s8;
	s0 =	sadd.s32 s0, s6  }
0x395: {  	[hbm4b:s1+s5] =	stream.linear.scatter @!p1 [tilespmem:s7], [sflag:$0x7], $0x80, $0x38;
	[tilespmem:$0x1C938] =	vst v63  }
0x396: {  	s0 =	sshrl.u32 s0, $0x2  }
.LBB3_81:
0x397: {  	s1 =	simm.s32 $0x7  }
0x398: {  	_ =	swait.ge [sflag:s1], s0  }
0x399: {  	s31 =	ssub.s32 $0x0, s0;
	[sflag:s1] =	ssyncset.done $0x0  }
0x39a: {  	[sflag:s1] =	ssyncadd.s32 s31  }
0x39b: {  	[sflag:s1] =	ssyncpa.u1 $0x1  }
.LBB3_82:
0x39c: {  	_ =	sfence;
	s0 =	simm.s32 $0x1  }
0x39d: {  	[sflag:s0] =	ssyncpa.u1 $0x1  }
0x39e: {  	_ =	strace $0x90000056  }
0x39f: {  	[bflag:$0x2] =	sbarrier.arrive $0xFFFF  }
0x3a0: {  	s0 =	rddreg [dreg:$0x3]  }
0x3a1: {  	s0 =	sadd.s32 @!p0 $0x100000, s0  }
0x3a2: {  	[sflag:s0] =	ssyncadd.tile.s32 @!p0 $0x1;
	_ =	shalt  }
.Lfunc_end3:
_tile_overlayer_lowered:
.L_overlay_start_3:
0x3a3: {  	(tag) =	ssettag $0x3  }
0x3a4: {  	s0 =	rddreg [dreg:$0x0];
	s2 =	stileid.u32  }
0x3a5: {  	s1 =	rddreg [dreg:$0x1];
	p0 =	sne.s32 s2, $0x0  }
0x3a6: {  	s3 =	rddreg [dreg:$0x2];
	[bflag:$0x3] =	sbarrier.arrive $0xFFFF;
	s2 =	simm.s32 @!p0 $0x1C01  }
0x3a7: {  	[timem:s3], [sflag:s2] =	dma.local @!p0 [hbm:s0], s1  }
0x3a8: {  	s0 =	simm.s32 @!p0 $0x1  }
0x3a9: {  	_ =	swait.ge @!p0 [sflag:s0], s1  }
0x3aa: {  	s1 =	ssub.s32 @!p0 $0x0, s1;
	[sflag:s0] =	ssyncset.done @!p0 $0x0  }
0x3ab: {  	[sflag:s0] =	ssyncadd.s32 @!p0 s1  }
0x3ac: {  	[bflag:$0x3] =	sbarrier.arrive $0xFFFF  }
0x3ad: {  	_ =	shalt  }

</sc_bundles>
